<compile_context>
chip_gen: v7x
topology: tpu7x:2x2x1
jax: 0.10.2.dev20260603
libtpu: 0.0.44.dev20260713+nightly
codegen_flags: <defaults>
</compile_context>

<pallas_src>
import functools

import numpy as np

import jax
import jax.numpy as jnp
from jax import lax
from jax.experimental import pallas as pl
from jax.experimental.pallas import tpu as pltpu
from jax.experimental.pallas import tpu_sc as plsc

NC, NS, LANES = 2, 16, 16
NW = NC * NS
ROW = 128
KB = 40

_I = jnp.int32


def _sc_mesh():
  return plsc.VectorSubcoreMesh(core_axis_name="c", subcore_axis_name="s")


def _zero_fill(ref, nelem):
  z16 = jnp.zeros((LANES,), jnp.float32)

  def zf(zi, carry):
    ref[pl.ds(zi * _I(LANES), LANES)] = z16
    return carry

  lax.fori_loop(_I(0), _I(nelem // LANES), zf, _I(0))


def _make_deg_kernel(n, n_pad, e_rows):
  rows_per_tile = e_rows // NW
  chunks = rows_per_tile // KB

  @functools.partial(
      pl.kernel,
      out_type=jax.ShapeDtypeStruct((NW * n_pad,), jnp.float32),
      mesh=_sc_mesh(),
      compiler_params=pltpu.CompilerParams(
          use_tc_tiling_on_sc=False, needs_layout_passes=False),
      scratch_types=[
          pltpu.VMEM((n_pad,), jnp.float32),
          pltpu.VMEM((2, KB, ROW), jnp.int32),
          pltpu.SemaphoreType.DMA((2,)),
      ],
  )
  def deg_kernel(ei_hbm, out_hbm, acc_v, idx_d, sems):
    cid = lax.axis_index("c")
    sid = lax.axis_index("s")
    tile = cid * _I(NS) + sid
    ones16 = jnp.ones((LANES,), jnp.float32)
    _zero_fill(acc_v, n_pad)
    base = tile * _I(rows_per_tile)

    def issue(ci, p):
      pltpu.async_copy(ei_hbm.at[pl.ds(base + ci * _I(KB), KB)],
                       idx_d.at[p], sems.at[p])

    issue(_I(0), _I(0))

    def chunk(ci, carry):
      p = lax.rem(ci, _I(2))

      @pl.when(ci + _I(1) < _I(chunks))
      def _():
        issue(ci + _I(1), _I(1) - p)

      pltpu.make_async_copy(
          ei_hbm.at[pl.ds(base, KB)], idx_d.at[p], sems.at[p]).wait()

      @plsc.parallel_loop(_I(0), _I(KB), _I(1), unroll=8)
      def row(j):
        for k in range(ROW // LANES):
          v16 = idx_d[p, j, pl.ds(k * LANES, LANES)]
          d16 = lax.shift_right_logical(v16, _I(16))
          plsc.addupdate_scatter(acc_v, [d16], ones16)

      return carry

    lax.fori_loop(_I(0), _I(chunks), chunk, _I(0))
    pltpu.sync_copy(acc_v, out_hbm.at[pl.ds(tile * _I(n_pad), n_pad)])

  return deg_kernel


def _make_agg1_kernel(n, n_pad, e_rows):
  rows_per_tile = e_rows // NW
  chunks = rows_per_tile // KB

  @functools.partial(
      pl.kernel,
      out_type=jax.ShapeDtypeStruct((NW * n_pad,), jnp.float32),
      mesh=_sc_mesh(),
      compiler_params=pltpu.CompilerParams(
          use_tc_tiling_on_sc=False, needs_layout_passes=False),
      scratch_types=[
          pltpu.VMEM((n_pad,), jnp.float32),
          pltpu.VMEM((n_pad,), jnp.float32),
          pltpu.VMEM((2, KB, ROW), jnp.int32),
          pltpu.SemaphoreType.DMA((2,)),
      ],
  )
  def agg1_kernel(u_hbm, ei_hbm, out_hbm,
                  acc_v, u_v, idx_c, sems):
    cid = lax.axis_index("c")
    sid = lax.axis_index("s")
    tile = cid * _I(NS) + sid
    _zero_fill(acc_v, n_pad)
    pltpu.sync_copy(u_hbm, u_v.at[pl.ds(_I(0), n)])
    base = tile * _I(rows_per_tile)

    def issue(ci, p):
      r0 = base + ci * _I(KB)
      pltpu.async_copy(ei_hbm.at[pl.ds(r0, KB)], idx_c.at[p], sems.at[p])

    issue(_I(0), _I(0))

    def chunk(ci, carry):
      p = lax.rem(ci, _I(2))

      @pl.when(ci + _I(1) < _I(chunks))
      def _():
        issue(ci + _I(1), _I(1) - p)

      pltpu.make_async_copy(
          ei_hbm.at[pl.ds(base, KB)], idx_c.at[p], sems.at[p]).wait()

      @plsc.parallel_loop(_I(0), _I(KB), _I(1), unroll=8)
      def row(j):
        for k in range(ROW // LANES):
          v16 = idx_c[p, j, pl.ds(k * LANES, LANES)]
          s16 = lax.bitwise_and(v16, _I(0xFFFF))
          d16 = lax.shift_right_logical(v16, _I(16))
          vals = plsc.load_gather(u_v, [s16])
          plsc.addupdate_scatter(acc_v, [d16], vals)

      return carry

    lax.fori_loop(_I(0), _I(chunks), chunk, _I(0))
    pltpu.sync_copy(acc_v, out_hbm.at[pl.ds(tile * _I(n_pad), n_pad)])

  return agg1_kernel


def _make_aggcol_kernel(n, n_pad, e_rows, w):
  assert w in (4, 28)

  @functools.partial(
      pl.kernel,
      out_type=jax.ShapeDtypeStruct((NW * n_pad,), jnp.float32),
      mesh=_sc_mesh(),
      compiler_params=pltpu.CompilerParams(
          use_tc_tiling_on_sc=False, needs_layout_passes=False),
      scratch_types=[
          pltpu.VMEM((n_pad,), jnp.float32),
          pltpu.VMEM((n_pad,), jnp.float32),
          pltpu.VMEM((2, KB, ROW), jnp.int32),
          pltpu.SemaphoreType.DMA((2,)),
      ],
  )
  def aggcol_kernel(ut_hbm, ei_hbm, out_hbm,
                    acc_v, u_v, idx_c, sems):
    cid = lax.axis_index("c")
    sid = lax.axis_index("s")
    tile = cid * _I(NS) + sid
    if w == 4:
      col = tile // _I(8)
      part = tile - col * _I(8)
      seg = e_rows // 8
      lo = part * _I(seg)
      hi = lo + _I(seg)
    else:
      extra = (tile >= _I(28)).astype(jnp.int32)
      col = tile - _I(28) * extra
      half = e_rows // 2
      dup = jnp.logical_or(extra == 1, col < _I(4)).astype(jnp.int32)
      lo = extra * _I(half)
      hi = jnp.where(dup == 1, lo + _I(half), _I(e_rows))
    _zero_fill(acc_v, n_pad)
    pltpu.sync_copy(ut_hbm.at[col], u_v.at[pl.ds(_I(0), n)])
    nchunks = (hi - lo) // _I(KB)

    def issue(ci, p):
      r0 = lo + ci * _I(KB)
      pltpu.async_copy(ei_hbm.at[pl.ds(r0, KB)], idx_c.at[p], sems.at[p])

    issue(_I(0), _I(0))

    def chunk(ci, carry):
      p = lax.rem(ci, _I(2))

      @pl.when(ci + _I(1) < nchunks)
      def _():
        issue(ci + _I(1), _I(1) - p)

      pltpu.make_async_copy(
          ei_hbm.at[pl.ds(lo, KB)], idx_c.at[p], sems.at[p]).wait()

      @plsc.parallel_loop(_I(0), _I(KB), _I(1), unroll=8)
      def row(j):
        for k in range(ROW // LANES):
          v16 = idx_c[p, j, pl.ds(k * LANES, LANES)]
          s16 = lax.bitwise_and(v16, _I(0xFFFF))
          d16 = lax.shift_right_logical(v16, _I(16))
          vals = plsc.load_gather(u_v, [s16])
          plsc.addupdate_scatter(acc_v, [d16], vals)

      return carry

    lax.fori_loop(_I(0), nchunks, chunk, _I(0))
    pltpu.sync_copy(acc_v, out_hbm.at[pl.ds(tile * _I(n_pad), n_pad)])

  return aggcol_kernel



_RBL = 2048
_Z = np.int32(0)


def _tc1_body(degs, xt, dis_o, u0t_o):
  deg = jnp.sum(degs[...], axis=0) + 1.0
  dis = lax.rsqrt(deg)
  dis_o[...] = dis
  u0t_o[...] = xt[...] * dis[None, :]


def _tc2_body(p4, u0t, dis, w1t, b1c, st_o, u1t_o):
  psum = jnp.sum(p4[...].reshape(4, 8, p4.shape[-1]), axis=1)
  st = dis[...] * (psum + u0t[...])
  h1t = jnp.maximum(
      jnp.dot(w1t[...], st, preferred_element_type=jnp.float32) + b1c[...],
      0.0)
  st_o[...] = st
  u1t_o[...] = dis[...] * h1t


def _tc3_body(p28, u1t, dis, st, xt, w2at, w2bt, b2c, w3at, w3bt, u2_o):
  p = p28[...]
  tt = dis[...] * (jnp.concatenate([p[0:4] + p[28:32], p[4:28]], axis=0)
                   + u1t[...])
  a2 = (jnp.dot(w2at[...], tt, preferred_element_type=jnp.float32)
        + jnp.dot(w2bt[...], st[...], preferred_element_type=jnp.float32)
        + b2c[...])
  h2t = jnp.maximum(a2, 0.0)
  z = (jnp.dot(w3at[...], h2t, preferred_element_type=jnp.float32)
       + jnp.dot(w3bt[...], xt[...], preferred_element_type=jnp.float32))
  u2_o[...] = dis[...] * z


def _tc4_body(accs, u2, dis, b3, out_o):
  out_o[...] = dis[...] * (jnp.sum(accs[...], axis=0) + u2[...]) + b3[0]


def _lane_spec(rows):
  return pl.BlockSpec((rows, _RBL), lambda i: (_Z, i))


def _fix_spec(r, c):
  return pl.BlockSpec((r, c), lambda i: (_Z, _Z))


def kernel(x, edge_index, W1, b1, W2, b2, W3, b3):
  n = x.shape[0]
  e = edge_index.shape[1]
  f = x.shape[1]
  h = W1.shape[1]

  src = edge_index[0].astype(jnp.int32)
  dst = edge_index[1].astype(jnp.int32)
  step = NW * ROW * KB
  e_pad = ((e + step - 1) // step) * step
  e_rows = e_pad // ROW
  src = jnp.concatenate([src, jnp.zeros((e_pad - e,), jnp.int32)])
  dst = jnp.concatenate([dst, jnp.full((e_pad - e,), n, jnp.int32)])
  assert n < (1 << 16) and n % 8 == 0
  comb = jax.lax.bitcast_convert_type(
      (dst.astype(jnp.uint32) << 16) | src.astype(jnp.uint32), jnp.int32)
  ei2d = comb.reshape(e_rows, ROW)
  n_pad = ((n + 1 + NS * LANES - 1) // (NS * LANES)) * (NS * LANES)
  xt = x.T
  w1t = W1.T
  w2t = W2.T
  w3t = W3.T

  deg_k = _make_deg_kernel(n, n_pad, e_rows)
  agg_f = _make_aggcol_kernel(n, n_pad, e_rows, f)
  agg_h = _make_aggcol_kernel(n, n_pad, e_rows, h)
  agg_1 = _make_agg1_kernel(n, n_pad, e_rows)

  gridl = ((n + _RBL - 1) // _RBL,)

  degs = deg_k(ei2d).reshape(NW, n_pad)
  dis_flat, u0t = pl.pallas_call(
      _tc1_body,
      grid=gridl,
      in_specs=[_lane_spec(NW), _lane_spec(f)],
      out_specs=[pl.BlockSpec((_RBL,), lambda i: (i,)), _lane_spec(f)],
      out_shape=[jax.ShapeDtypeStruct((n,), jnp.float32),
                 jax.ShapeDtypeStruct((f, n), jnp.float32)],
  )(degs, xt)
  dis2 = dis_flat.reshape(1, n)

  p4 = agg_f(u0t, ei2d).reshape(NW, n_pad)
  st, u1t = pl.pallas_call(
      _tc2_body,
      grid=gridl,
      in_specs=[_lane_spec(NW), _lane_spec(f), _lane_spec(1),
                _fix_spec(h, f), _fix_spec(h, 1)],
      out_specs=[_lane_spec(f), _lane_spec(h)],
      out_shape=[jax.ShapeDtypeStruct((f, n), jnp.float32),
                 jax.ShapeDtypeStruct((h, n), jnp.float32)],
  )(p4, u0t, dis2, w1t, b1.reshape(h, 1))

  p28 = agg_h(u1t, ei2d).reshape(NW, n_pad)
  u2 = pl.pallas_call(
      _tc3_body,
      grid=gridl,
      in_specs=[_lane_spec(NW), _lane_spec(h), _lane_spec(1),
                _lane_spec(f), _lane_spec(f),
                _fix_spec(h, h), _fix_spec(h, f), _fix_spec(h, 1),
                _fix_spec(1, h), _fix_spec(1, f)],
      out_specs=_lane_spec(1),
      out_shape=jax.ShapeDtypeStruct((1, n), jnp.float32),
  )(p28, u1t, dis2, st, xt, w2t[:, :h], w2t[:, h:], b2.reshape(h, 1),
    w3t[:, :h], w3t[:, h:])

  acc2 = agg_1(u2.reshape(-1), ei2d).reshape(NW, n_pad)
  out_flat = pl.pallas_call(
      _tc4_body,
      grid=gridl,
      in_specs=[_lane_spec(NW),
                pl.BlockSpec((_RBL,), lambda i: (i,)),
                pl.BlockSpec((_RBL,), lambda i: (i,)),
                pl.BlockSpec((1,), lambda i: (_Z,))],
      out_specs=pl.BlockSpec((_RBL,), lambda i: (i,)),
      out_shape=jax.ShapeDtypeStruct((n,), jnp.float32),
  )(acc2, u2.reshape(-1), dis_flat, b3)
  return out_flat.reshape(n, 1)

# --- scband reference (transcript-rebuilt; emitter-appended) ---
"""Pipeline reference for scband-net-skip-46849503265416 (READ-ONLY COPY).

The authoritative reference and input builder live on the scoring server;
editing this copy changes nothing except your own understanding.
"""

import jax, jax.numpy as jnp
import numpy as np
jax.config.update("jax_enable_x64", True)


def gcn_conv(x, edge_index, W, b):
    # Faithful GCNConv: add self-loops, symmetric deg^-1/2 normalization,
    # linear transform, scatter-add aggregation to dst nodes, bias.
    n = x.shape[0]
    loop = jnp.arange(n, dtype=edge_index.dtype)
    src = jnp.concatenate([edge_index[0], loop])
    dst = jnp.concatenate([edge_index[1], loop])
    deg = jnp.zeros((n,), dtype=x.dtype).at[dst].add(jnp.ones((src.shape[0],), dtype=x.dtype))
    dis = jnp.where(deg > 0, jax.lax.rsqrt(jnp.where(deg > 0, deg, 1.0)), 0.0)
    norm = dis[src] * dis[dst]
    xw = x @ W
    msgs = jnp.take(xw, src, axis=0) * norm[:, None]
    out = jnp.zeros((n, W.shape[1]), dtype=x.dtype).at[dst].add(msgs)
    return out + b


def setup_inputs(seed: int = 0) -> dict:
    key = jax.random.key(seed)
    ks = jax.random.split(key, 10)
    n_nodes, n_edges, feats = 50000, 3200000, 4
    x = jax.random.normal(ks[0], (n_nodes, feats), dtype=jnp.float32)
    edge_index = jax.random.randint(ks[1], (2, n_edges), 0, n_nodes, dtype=jnp.int64)

    def glorot(k, fan_in, fan_out):
        lim = np.sqrt(6.0 / (fan_in + fan_out))
        return jax.random.uniform(k, (fan_in, fan_out), dtype=jnp.float32, minval=-lim, maxval=lim)

    W1 = glorot(ks[2], feats, 32 - feats)
    b1 = jnp.zeros((32 - feats,), dtype=jnp.float32)
    W2 = glorot(ks[3], 32, 32 - feats)
    b2 = jnp.zeros((32 - feats,), dtype=jnp.float32)
    W3 = glorot(ks[4], 32, 1)
    b3 = jnp.zeros((1,), dtype=jnp.float32)
    return {"x": x, "edge_index": edge_index, "W1": W1, "b1": b1, "W2": W2, "b2": b2, "W3": W3, "b3": b3}


def reference(x, edge_index, W1, b1, W2, b2, W3, b3):
    h = jax.nn.relu(gcn_conv(x, edge_index, W1, b1))
    h = jnp.concatenate([h, x], axis=1)
    h = jax.nn.relu(gcn_conv(h, edge_index, W2, b2))
    h = jnp.concatenate([h, x], axis=1)
    out = gcn_conv(h, edge_index, W3, b3)
    return out

if __name__ == "__main__":
    import jax
    _d = setup_inputs()
    print(jax.jit(kernel)(*tuple(_d.values())))

</pallas_src>

<mosaic_0001>
#map = affine_map<(d0, d1) -> (0, 0)>
#map1 = affine_map<(d0, d1) -> (0)>
module attributes {stable_mosaic.version = 14 : i64} {
  func.func @aggcol_kernel(%arg0: i32, %arg1: i32, %arg2: memref<28x50000xf32, #tpu.memory_space<hbm>>, %arg3: memref<25600x128xi32, #tpu.memory_space<hbm>>, %arg4: memref<1605632xf32, #tpu.memory_space<hbm>>, %arg5: memref<50176xf32, #tpu.memory_space<vmem>>, %arg6: memref<50176xf32, #tpu.memory_space<vmem>>, %arg7: memref<2x40x128xi32, #tpu.memory_space<vmem>>, %arg8: memref<2x!tpu.dma_semaphore, #tpu.memory_space<semaphore_mem>>) attributes {dimension_semantics = [#tpu.dimension_semantics<core_parallel>, #tpu.dimension_semantics<subcore_parallel>], iteration_bounds = array<i64: 2, 16>, scalar_prefetch = 0 : i64, scratch_operands = 4 : i64, tpu.core_type = #tpu.core_type<sc_vector_subcore>, window_params = [{transform_indices = #map}, {transform_indices = #map}, {transform_indices = #map1}]} {
    %mul3A = arith.constant 16 : i32
    %mul3A_0 = arith.muli %arg0, %mul3A : i32
    %add3A = arith.addi %mul3A_0, %arg1 : i32
    %ge3A = arith.constant 28 : i32
    %ge3A_1 = arith.cmpi sge, %add3A, %ge3A : i32
    %convert_element_type3A = arith.extui %ge3A_1 : i1 to i32
    %mul3A_2 = arith.constant 28 : i32
    %mul3A_3 = arith.muli %mul3A_2, %convert_element_type3A : i32
    %sub3A = arith.subi %add3A, %mul3A_3 : i32
    %eq3A = arith.constant 1 : i32
    %eq3A_4 = arith.cmpi eq, %convert_element_type3A, %eq3A : i32
    %lt3A = arith.constant 4 : i32
    %lt3A_5 = arith.cmpi slt, %sub3A, %lt3A : i32
    %or3A = arith.ori %eq3A_4, %lt3A_5 : i1
    %convert_element_type3A_6 = arith.extui %or3A : i1 to i32
    %mul3A_7 = arith.constant 12800 : i32
    %mul3A_8 = arith.muli %convert_element_type3A, %mul3A_7 : i32
    %eq3A_9 = arith.constant 1 : i32
    %eq3A_10 = arith.cmpi eq, %convert_element_type3A_6, %eq3A_9 : i32
    %add3A_11 = arith.constant 12800 : i32
    %add3A_12 = arith.addi %mul3A_8, %add3A_11 : i32
    %jit3A = arith.constant 25600 : i32
    %select_n3A = arith.select %eq3A_10, %add3A_12, %jit3A : i32
    %broadcast_in_dim3A = arith.constant 0.000000e+00 : f32
    %broadcast_in_dim3A_13 = vector.broadcast %broadcast_in_dim3A : f32 to vector<16xf32>
    %while3A = arith.constant 0 : i32
    %while3A_14 = arith.constant 0 : i32
    %while3A_15 = arith.constant 3136 : i32
    %while3A_16 = arith.subi %while3A_15, %while3A_14 : i32
    %while3A_17 = arith.addi %while3A_14, %while3A_16 : i32
    %while3A_18 = arith.constant 1 : i32
    %while3A_19 = arith.divsi %while3A_16, %while3A_18 : i32
    %while3A_20 = arith.muli %while3A_19, %while3A_18 : i32
    %while3A_21 = arith.addi %while3A_14, %while3A_20 : i32
    %while3A_22 = arith.constant 1 : i32
    scf.for %while3A_75 = %while3A_14 to %while3A_21 step %while3A_22  : i32 {
      %mul3A_76 = arith.constant 16 : i32
      %mul3A_77 = arith.muli %while3A_75, %mul3A_76 : i32
      %swap3A = arith.index_cast %mul3A_77 : i32 to index
      %swap3A_78 = tpu.vector_load %arg5[%swap3A] {strides = array<i32>} : memref<50176xf32, #tpu.memory_space<vmem>>, vector<16xf32>,
      tpu.vector_store %arg5[%swap3A], %broadcast_in_dim3A_13 {strides = array<i32>} : memref<50176xf32, #tpu.memory_space<vmem>>, vector<16xf32>,
    }
    %while3A_23 = arith.constant 1 : i32
    scf.for %while3A_75 = %while3A_21 to %while3A_17 step %while3A_23  : i32 {
      %mul3A_76 = arith.constant 16 : i32
      %mul3A_77 = arith.muli %while3A_75, %mul3A_76 : i32
      %swap3A = arith.index_cast %mul3A_77 : i32 to index
      %swap3A_78 = tpu.vector_load %arg5[%swap3A] {strides = array<i32>} : memref<50176xf32, #tpu.memory_space<vmem>>, vector<16xf32>,
      tpu.vector_store %arg5[%swap3A], %broadcast_in_dim3A_13 {strides = array<i32>} : memref<50176xf32, #tpu.memory_space<vmem>>, vector<16xf32>,
    }
    %run_scoped3A = arith.constant 0 : i32
    "tpu.region"() ({
      %run_scoped3A_75 = tpu.sem_alloc : memref<!tpu.dma_semaphore, #tpu.memory_space<semaphore_mem>>
      %dma_start3A_76 = tpu.memref_slice %arg6[%run_scoped3A] : memref<50176xf32, #tpu.memory_space<vmem>> -> memref<50000xf32, #tpu.memory_space<vmem>>
      %dma_start3A_77 = arith.constant 0 : i32
      %dma_start3A_78 = tpu.memref_slice %arg2[%sub3A, %dma_start3A_77] : memref<28x50000xf32, #tpu.memory_space<hbm>> -> memref<1x50000xf32, #tpu.memory_space<hbm>>
      %dma_start3A_79 = tpu.memref_squeeze %dma_start3A_78 : memref<1x50000xf32, #tpu.memory_space<hbm>> -> memref<50000xf32, #tpu.memory_space<hbm>>
      %dma_start3A_80 = tpu.memref_slice %arg6[%run_scoped3A] : memref<50176xf32, #tpu.memory_space<vmem>> -> memref<50000xf32, #tpu.memory_space<vmem>>
      %dma_start3A_81 = arith.constant 0 : i32
      %dma_start3A_82 = tpu.memref_slice %arg2[%sub3A, %dma_start3A_81] : memref<28x50000xf32, #tpu.memory_space<hbm>> -> memref<1x50000xf32, #tpu.memory_space<hbm>>
      %dma_start3A_83 = tpu.memref_squeeze %dma_start3A_82 : memref<1x50000xf32, #tpu.memory_space<hbm>> -> memref<50000xf32, #tpu.memory_space<hbm>>
      tpu.enqueue_dma source(%dma_start3A_83 : memref<50000xf32, #tpu.memory_space<hbm>>) target(%dma_start3A_80 : memref<50000xf32, #tpu.memory_space<vmem>>) target_semaphore(%run_scoped3A_75 : memref<!tpu.dma_semaphore, #tpu.memory_space<semaphore_mem>>)
      %dma_wait3A = tpu.memref_slice %arg6[%run_scoped3A] : memref<50176xf32, #tpu.memory_space<vmem>> -> memref<50000xf32, #tpu.memory_space<vmem>>
      %dma_wait3A_84 = arith.constant 0 : i32
      %dma_wait3A_85 = tpu.memref_slice %arg2[%sub3A, %dma_wait3A_84] : memref<28x50000xf32, #tpu.memory_space<hbm>> -> memref<1x50000xf32, #tpu.memory_space<hbm>>
      %dma_wait3A_86 = tpu.memref_squeeze %dma_wait3A_85 : memref<1x50000xf32, #tpu.memory_space<hbm>> -> memref<50000xf32, #tpu.memory_space<hbm>>
      %dma_wait3A_87 = tpu.memref_slice %arg6[%run_scoped3A] : memref<50176xf32, #tpu.memory_space<vmem>> -> memref<50000xf32, #tpu.memory_space<vmem>>
      %dma_wait3A_88 = arith.constant 0 : i32
      %dma_wait3A_89 = tpu.memref_slice %arg2[%sub3A, %dma_wait3A_88] : memref<28x50000xf32, #tpu.memory_space<hbm>> -> memref<1x50000xf32, #tpu.memory_space<hbm>>
      %dma_wait3A_90 = tpu.memref_squeeze %dma_wait3A_89 : memref<1x50000xf32, #tpu.memory_space<hbm>> -> memref<50000xf32, #tpu.memory_space<hbm>>
      tpu.wait_dma2 semaphore(%run_scoped3A_75 : memref<!tpu.dma_semaphore, #tpu.memory_space<semaphore_mem>>) src(%dma_wait3A_90 : memref<50000xf32, #tpu.memory_space<hbm>>) dst(%dma_wait3A_87 : memref<50000xf32, #tpu.memory_space<vmem>>)
      tpu.yield
    }) : () -> ()
    %sub3A_24 = arith.subi %select_n3A, %mul3A_8 : i32
    %jit3A_25 = arith.constant 40 : i32
    %div3A = arith.divsi %sub3A_24, %jit3A_25 : i32
    %sign3A = arith.constant 0 : i32
    %sign3A_26 = arith.cmpi sgt, %sub3A_24, %sign3A : i32
    %sign3A_27 = arith.extui %sign3A_26 : i1 to i32
    %sign3A_28 = arith.constant 0 : i32
    %sign3A_29 = arith.cmpi slt, %sub3A_24, %sign3A_28 : i32
    %sign3A_30 = arith.extui %sign3A_29 : i1 to i32
    %sign3A_31 = arith.subi %sign3A_27, %sign3A_30 : i32
    %sign3A_32 = arith.constant 0 : i32
    %sign3A_33 = arith.cmpi sgt, %jit3A_25, %sign3A_32 : i32
    %sign3A_34 = arith.extui %sign3A_33 : i1 to i32
    %sign3A_35 = arith.constant 0 : i32
    %sign3A_36 = arith.cmpi slt, %jit3A_25, %sign3A_35 : i32
    %sign3A_37 = arith.extui %sign3A_36 : i1 to i32
    %sign3A_38 = arith.subi %sign3A_34, %sign3A_37 : i32
    %ne3A = arith.cmpi ne, %sign3A_31, %sign3A_38 : i32
    %rem3A = arith.remsi %sub3A_24, %jit3A_25 : i32
    %ne3A_39 = arith.constant 0 : i32
    %ne3A_40 = arith.cmpi ne, %rem3A, %ne3A_39 : i32
    %and3A = arith.andi %ne3A, %ne3A_40 : i1
    %sub3A_41 = arith.constant 1 : i32
    %sub3A_42 = arith.subi %div3A, %sub3A_41 : i32
    %select_n3A_43 = arith.select %and3A, %sub3A_42, %div3A : i32
    %mul3A_44 = arith.constant 0 : i32
    %mul3A_45 = arith.constant 40 : i32
    %mul3A_46 = arith.muli %mul3A_44, %mul3A_45 : i32
    %add3A_47 = arith.addi %mul3A_8, %mul3A_46 : i32
    %dma_start3A = arith.constant 0 : i32
    %dma_start3A_48 = arith.constant 0 : i32
    %dma_start3A_49 = arith.constant 0 : i32
    %dma_start3A_50 = arith.constant 0 : i32
    %dma_start3A_51 = tpu.memref_slice %arg7[%dma_start3A, %dma_start3A_49, %dma_start3A_50] : memref<2x40x128xi32, #tpu.memory_space<vmem>> -> memref<1x40x128xi32, #tpu.memory_space<vmem>>
    %dma_start3A_52 = tpu.memref_squeeze %dma_start3A_51 : memref<1x40x128xi32, #tpu.memory_space<vmem>> -> memref<40x128xi32, #tpu.memory_space<vmem>>
    %dma_start3A_53 = arith.constant 0 : i32
    %dma_start3A_54 = tpu.memref_slice %arg3[%add3A_47, %dma_start3A_53] : memref<25600x128xi32, #tpu.memory_space<hbm>> -> memref<40x128xi32, #tpu.memory_space<hbm>>
    %dma_start3A_55 = tpu.memref_slice %arg8[%dma_start3A_48] : memref<2x!tpu.dma_semaphore, #tpu.memory_space<semaphore_mem>> -> memref<1x!tpu.dma_semaphore, #tpu.memory_space<semaphore_mem>>
    %dma_start3A_56 = tpu.memref_squeeze %dma_start3A_55 : memref<1x!tpu.dma_semaphore, #tpu.memory_space<semaphore_mem>> -> memref<!tpu.dma_semaphore, #tpu.memory_space<semaphore_mem>>
    %dma_start3A_57 = arith.constant 0 : i32
    %dma_start3A_58 = arith.constant 0 : i32
    %dma_start3A_59 = tpu.memref_slice %arg7[%dma_start3A, %dma_start3A_57, %dma_start3A_58] : memref<2x40x128xi32, #tpu.memory_space<vmem>> -> memref<1x40x128xi32, #tpu.memory_space<vmem>>
    %dma_start3A_60 = tpu.memref_squeeze %dma_start3A_59 : memref<1x40x128xi32, #tpu.memory_space<vmem>> -> memref<40x128xi32, #tpu.memory_space<vmem>>
    %dma_start3A_61 = arith.constant 0 : i32
    %dma_start3A_62 = tpu.memref_slice %arg3[%add3A_47, %dma_start3A_61] : memref<25600x128xi32, #tpu.memory_space<hbm>> -> memref<40x128xi32, #tpu.memory_space<hbm>>
    tpu.enqueue_dma source(%dma_start3A_62 : memref<40x128xi32, #tpu.memory_space<hbm>>) target(%dma_start3A_60 : memref<40x128xi32, #tpu.memory_space<vmem>>) target_semaphore(%dma_start3A_56 : memref<!tpu.dma_semaphore, #tpu.memory_space<semaphore_mem>>)
    %while3A_63 = arith.constant 0 : i32
    %while3A_64 = arith.constant 0 : i32
    %while3A_65 = arith.subi %select_n3A_43, %while3A_64 : i32
    %while3A_66 = arith.addi %while3A_64, %while3A_65 : i32
    %while3A_67 = arith.constant 1 : i32
    %while3A_68 = arith.divsi %while3A_65, %while3A_67 : i32
    %while3A_69 = arith.muli %while3A_68, %while3A_67 : i32
    %while3A_70 = arith.addi %while3A_64, %while3A_69 : i32
    %while3A_71 = arith.constant 1 : i32
    scf.for %while3A_75 = %while3A_64 to %while3A_70 step %while3A_71  : i32 {
      %rem3A_76 = arith.constant 2 : i32
      %rem3A_77 = arith.remsi %while3A_75, %rem3A_76 : i32
      %add3A_78 = arith.constant 1 : i32
      %add3A_79 = arith.addi %while3A_75, %add3A_78 : i32
      %lt3A_80 = arith.cmpi slt, %add3A_79, %select_n3A_43 : i32
      %convert_element_type3A_81 = arith.extui %lt3A_80 : i1 to i32
      %cond3A = arith.constant 0 : i32
      %cond3A_82 = arith.cmpi ne, %convert_element_type3A_81, %cond3A : i32
      scf.if %cond3A_82 {
        %add3A_98 = arith.constant 1 : i32
        %add3A_99 = arith.addi %while3A_75, %add3A_98 : i32
        %sub3A_100 = arith.constant 1 : i32
        %sub3A_101 = arith.subi %sub3A_100, %rem3A_77 : i32
        %mul3A_102 = arith.constant 40 : i32
        %mul3A_103 = arith.muli %add3A_99, %mul3A_102 : i32
        %add3A_104 = arith.addi %mul3A_8, %mul3A_103 : i32
        %dma_start3A_105 = arith.constant 0 : i32
        %dma_start3A_106 = arith.constant 0 : i32
        %dma_start3A_107 = tpu.memref_slice %arg7[%sub3A_101, %dma_start3A_105, %dma_start3A_106] : memref<2x40x128xi32, #tpu.memory_space<vmem>> -> memref<1x40x128xi32, #tpu.memory_space<vmem>>
        %dma_start3A_108 = tpu.memref_squeeze %dma_start3A_107 : memref<1x40x128xi32, #tpu.memory_space<vmem>> -> memref<40x128xi32, #tpu.memory_space<vmem>>
        %dma_start3A_109 = arith.constant 0 : i32
        %dma_start3A_110 = tpu.memref_slice %arg3[%add3A_104, %dma_start3A_109] : memref<25600x128xi32, #tpu.memory_space<hbm>> -> memref<40x128xi32, #tpu.memory_space<hbm>>
        %dma_start3A_111 = tpu.memref_slice %arg8[%sub3A_101] : memref<2x!tpu.dma_semaphore, #tpu.memory_space<semaphore_mem>> -> memref<1x!tpu.dma_semaphore, #tpu.memory_space<semaphore_mem>>
        %dma_start3A_112 = tpu.memref_squeeze %dma_start3A_111 : memref<1x!tpu.dma_semaphore, #tpu.memory_space<semaphore_mem>> -> memref<!tpu.dma_semaphore, #tpu.memory_space<semaphore_mem>>
        %dma_start3A_113 = arith.constant 0 : i32
        %dma_start3A_114 = arith.constant 0 : i32
        %dma_start3A_115 = tpu.memref_slice %arg7[%sub3A_101, %dma_start3A_113, %dma_start3A_114] : memref<2x40x128xi32, #tpu.memory_space<vmem>> -> memref<1x40x128xi32, #tpu.memory_space<vmem>>
        %dma_start3A_116 = tpu.memref_squeeze %dma_start3A_115 : memref<1x40x128xi32, #tpu.memory_space<vmem>> -> memref<40x128xi32, #tpu.memory_space<vmem>>
        %dma_start3A_117 = arith.constant 0 : i32
        %dma_start3A_118 = tpu.memref_slice %arg3[%add3A_104, %dma_start3A_117] : memref<25600x128xi32, #tpu.memory_space<hbm>> -> memref<40x128xi32, #tpu.memory_space<hbm>>
        tpu.enqueue_dma source(%dma_start3A_118 : memref<40x128xi32, #tpu.memory_space<hbm>>) target(%dma_start3A_116 : memref<40x128xi32, #tpu.memory_space<vmem>>) target_semaphore(%dma_start3A_112 : memref<!tpu.dma_semaphore, #tpu.memory_space<semaphore_mem>>)
      } else {
      }
      %dma_wait3A = arith.constant 0 : i32
      %dma_wait3A_83 = arith.constant 0 : i32
      %dma_wait3A_84 = tpu.memref_slice %arg7[%rem3A_77, %dma_wait3A, %dma_wait3A_83] : memref<2x40x128xi32, #tpu.memory_space<vmem>> -> memref<1x40x128xi32, #tpu.memory_space<vmem>>
      %dma_wait3A_85 = tpu.memref_squeeze %dma_wait3A_84 : memref<1x40x128xi32, #tpu.memory_space<vmem>> -> memref<40x128xi32, #tpu.memory_space<vmem>>
      %dma_wait3A_86 = arith.constant 0 : i32
      %dma_wait3A_87 = tpu.memref_slice %arg3[%mul3A_8, %dma_wait3A_86] : memref<25600x128xi32, #tpu.memory_space<hbm>> -> memref<40x128xi32, #tpu.memory_space<hbm>>
      %dma_wait3A_88 = tpu.memref_slice %arg8[%rem3A_77] : memref<2x!tpu.dma_semaphore, #tpu.memory_space<semaphore_mem>> -> memref<1x!tpu.dma_semaphore, #tpu.memory_space<semaphore_mem>>
      %dma_wait3A_89 = tpu.memref_squeeze %dma_wait3A_88 : memref<1x!tpu.dma_semaphore, #tpu.memory_space<semaphore_mem>> -> memref<!tpu.dma_semaphore, #tpu.memory_space<semaphore_mem>>
      %dma_wait3A_90 = arith.constant 0 : i32
      %dma_wait3A_91 = arith.constant 0 : i32
      %dma_wait3A_92 = tpu.memref_slice %arg7[%rem3A_77, %dma_wait3A_90, %dma_wait3A_91] : memref<2x40x128xi32, #tpu.memory_space<vmem>> -> memref<1x40x128xi32, #tpu.memory_space<vmem>>
      %dma_wait3A_93 = tpu.memref_squeeze %dma_wait3A_92 : memref<1x40x128xi32, #tpu.memory_space<vmem>> -> memref<40x128xi32, #tpu.memory_space<vmem>>
      %dma_wait3A_94 = arith.constant 0 : i32
      %dma_wait3A_95 = tpu.memref_slice %arg3[%mul3A_8, %dma_wait3A_94] : memref<25600x128xi32, #tpu.memory_space<hbm>> -> memref<40x128xi32, #tpu.memory_space<hbm>>
      tpu.wait_dma2 semaphore(%dma_wait3A_89 : memref<!tpu.dma_semaphore, #tpu.memory_space<semaphore_mem>>) src(%dma_wait3A_95 : memref<40x128xi32, #tpu.memory_space<hbm>>) dst(%dma_wait3A_93 : memref<40x128xi32, #tpu.memory_space<vmem>>)
      %parallel_loop3A = arith.constant 0 : i32
      %parallel_loop3A_96 = arith.constant 40 : i32
      %parallel_loop3A_97 = arith.constant 1 : i32
      scf.for %parallel_loop3A_98 = %parallel_loop3A to %parallel_loop3A_96 step %parallel_loop3A_97  : i32 {
        %parallel_loop3A_99 = arith.index_cast %rem3A_77 : i32 to index
        %parallel_loop3A_100 = arith.index_cast %parallel_loop3A_98 : i32 to index
        %parallel_loop3A_101 = arith.constant 0 : index
        %parallel_loop3A_102 = tpu.vector_load %arg7[%parallel_loop3A_99, %parallel_loop3A_100, %parallel_loop3A_101] {strides = array<i32>} : memref<2x40x128xi32, #tpu.memory_space<vmem>>, vector<16xi32>,
        %parallel_loop3A_103 = arith.constant 65535 : i32
        %parallel_loop3A_104 = vector.broadcast %parallel_loop3A_103 : i32 to vector<16xi32>
        %parallel_loop3A_105 = arith.andi %parallel_loop3A_102, %parallel_loop3A_104 : vector<16xi32>
        %parallel_loop3A_106 = arith.constant 16 : i32
        %parallel_loop3A_107 = vector.broadcast %parallel_loop3A_106 : i32 to vector<16xi32>
        %parallel_loop3A_108 = arith.shrui %parallel_loop3A_102, %parallel_loop3A_107 : vector<16xi32>
        %parallel_loop3A_109 = tpu.vector_load_idx %arg6[%parallel_loop3A_105] : memref<50176xf32, #tpu.memory_space<vmem>>[vector<16xi32>], vector<16xf32>,
        tpu.vector_store_idx %arg5[%parallel_loop3A_108], %parallel_loop3A_109 {add = true} : memref<50176xf32, #tpu.memory_space<vmem>>[vector<16xi32>], vector<16xf32>,
        %parallel_loop3A_110 = arith.index_cast %rem3A_77 : i32 to index
        %parallel_loop3A_111 = arith.index_cast %parallel_loop3A_98 : i32 to index
        %parallel_loop3A_112 = arith.constant 16 : index
        %parallel_loop3A_113 = tpu.vector_load %arg7[%parallel_loop3A_110, %parallel_loop3A_111, %parallel_loop3A_112] {strides = array<i32>} : memref<2x40x128xi32, #tpu.memory_space<vmem>>, vector<16xi32>,
        %parallel_loop3A_114 = arith.constant 65535 : i32
        %parallel_loop3A_115 = vector.broadcast %parallel_loop3A_114 : i32 to vector<16xi32>
        %parallel_loop3A_116 = arith.andi %parallel_loop3A_113, %parallel_loop3A_115 : vector<16xi32>
        %parallel_loop3A_117 = arith.constant 16 : i32
        %parallel_loop3A_118 = vector.broadcast %parallel_loop3A_117 : i32 to vector<16xi32>
        %parallel_loop3A_119 = arith.shrui %parallel_loop3A_113, %parallel_loop3A_118 : vector<16xi32>
        %parallel_loop3A_120 = tpu.vector_load_idx %arg6[%parallel_loop3A_116] : memref<50176xf32, #tpu.memory_space<vmem>>[vector<16xi32>], vector<16xf32>,
        tpu.vector_store_idx %arg5[%parallel_loop3A_119], %parallel_loop3A_120 {add = true} : memref<50176xf32, #tpu.memory_space<vmem>>[vector<16xi32>], vector<16xf32>,
        %parallel_loop3A_121 = arith.index_cast %rem3A_77 : i32 to index
        %parallel_loop3A_122 = arith.index_cast %parallel_loop3A_98 : i32 to index
        %parallel_loop3A_123 = arith.constant 32 : index
        %parallel_loop3A_124 = tpu.vector_load %arg7[%parallel_loop3A_121, %parallel_loop3A_122, %parallel_loop3A_123] {strides = array<i32>} : memref<2x40x128xi32, #tpu.memory_space<vmem>>, vector<16xi32>,
        %parallel_loop3A_125 = arith.constant 65535 : i32
        %parallel_loop3A_126 = vector.broadcast %parallel_loop3A_125 : i32 to vector<16xi32>
        %parallel_loop3A_127 = arith.andi %parallel_loop3A_124, %parallel_loop3A_126 : vector<16xi32>
        %parallel_loop3A_128 = arith.constant 16 : i32
        %parallel_loop3A_129 = vector.broadcast %parallel_loop3A_128 : i32 to vector<16xi32>
        %parallel_loop3A_130 = arith.shrui %parallel_loop3A_124, %parallel_loop3A_129 : vector<16xi32>
        %parallel_loop3A_131 = tpu.vector_load_idx %arg6[%parallel_loop3A_127] : memref<50176xf32, #tpu.memory_space<vmem>>[vector<16xi32>], vector<16xf32>,
        tpu.vector_store_idx %arg5[%parallel_loop3A_130], %parallel_loop3A_131 {add = true} : memref<50176xf32, #tpu.memory_space<vmem>>[vector<16xi32>], vector<16xf32>,
        %parallel_loop3A_132 = arith.index_cast %rem3A_77 : i32 to index
        %parallel_loop3A_133 = arith.index_cast %parallel_loop3A_98 : i32 to index
        %parallel_loop3A_134 = arith.constant 48 : index
        %parallel_loop3A_135 = tpu.vector_load %arg7[%parallel_loop3A_132, %parallel_loop3A_133, %parallel_loop3A_134] {strides = array<i32>} : memref<2x40x128xi32, #tpu.memory_space<vmem>>, vector<16xi32>,
        %parallel_loop3A_136 = arith.constant 65535 : i32
        %parallel_loop3A_137 = vector.broadcast %parallel_loop3A_136 : i32 to vector<16xi32>
        %parallel_loop3A_138 = arith.andi %parallel_loop3A_135, %parallel_loop3A_137 : vector<16xi32>
        %parallel_loop3A_139 = arith.constant 16 : i32
        %parallel_loop3A_140 = vector.broadcast %parallel_loop3A_139 : i32 to vector<16xi32>
        %parallel_loop3A_141 = arith.shrui %parallel_loop3A_135, %parallel_loop3A_140 : vector<16xi32>
        %parallel_loop3A_142 = tpu.vector_load_idx %arg6[%parallel_loop3A_138] : memref<50176xf32, #tpu.memory_space<vmem>>[vector<16xi32>], vector<16xf32>,
        tpu.vector_store_idx %arg5[%parallel_loop3A_141], %parallel_loop3A_142 {add = true} : memref<50176xf32, #tpu.memory_space<vmem>>[vector<16xi32>], vector<16xf32>,
        %parallel_loop3A_143 = arith.index_cast %rem3A_77 : i32 to index
        %parallel_loop3A_144 = arith.index_cast %parallel_loop3A_98 : i32 to index
        %parallel_loop3A_145 = arith.constant 64 : index
        %parallel_loop3A_146 = tpu.vector_load %arg7[%parallel_loop3A_143, %parallel_loop3A_144, %parallel_loop3A_145] {strides = array<i32>} : memref<2x40x128xi32, #tpu.memory_space<vmem>>, vector<16xi32>,
        %parallel_loop3A_147 = arith.constant 65535 : i32
        %parallel_loop3A_148 = vector.broadcast %parallel_loop3A_147 : i32 to vector<16xi32>
        %parallel_loop3A_149 = arith.andi %parallel_loop3A_146, %parallel_loop3A_148 : vector<16xi32>
        %parallel_loop3A_150 = arith.constant 16 : i32
        %parallel_loop3A_151 = vector.broadcast %parallel_loop3A_150 : i32 to vector<16xi32>
        %parallel_loop3A_152 = arith.shrui %parallel_loop3A_146, %parallel_loop3A_151 : vector<16xi32>
        %parallel_loop3A_153 = tpu.vector_load_idx %arg6[%parallel_loop3A_149] : memref<50176xf32, #tpu.memory_space<vmem>>[vector<16xi32>], vector<16xf32>,
        tpu.vector_store_idx %arg5[%parallel_loop3A_152], %parallel_loop3A_153 {add = true} : memref<50176xf32, #tpu.memory_space<vmem>>[vector<16xi32>], vector<16xf32>,
        %parallel_loop3A_154 = arith.index_cast %rem3A_77 : i32 to index
        %parallel_loop3A_155 = arith.index_cast %parallel_loop3A_98 : i32 to index
        %parallel_loop3A_156 = arith.constant 80 : index
        %parallel_loop3A_157 = tpu.vector_load %arg7[%parallel_loop3A_154, %parallel_loop3A_155, %parallel_loop3A_156] {strides = array<i32>} : memref<2x40x128xi32, #tpu.memory_space<vmem>>, vector<16xi32>,
        %parallel_loop3A_158 = arith.constant 65535 : i32
        %parallel_loop3A_159 = vector.broadcast %parallel_loop3A_158 : i32 to vector<16xi32>
        %parallel_loop3A_160 = arith.andi %parallel_loop3A_157, %parallel_loop3A_159 : vector<16xi32>
        %parallel_loop3A_161 = arith.constant 16 : i32
        %parallel_loop3A_162 = vector.broadcast %parallel_loop3A_161 : i32 to vector<16xi32>
        %parallel_loop3A_163 = arith.shrui %parallel_loop3A_157, %parallel_loop3A_162 : vector<16xi32>
        %parallel_loop3A_164 = tpu.vector_load_idx %arg6[%parallel_loop3A_160] : memref<50176xf32, #tpu.memory_space<vmem>>[vector<16xi32>], vector<16xf32>,
        tpu.vector_store_idx %arg5[%parallel_loop3A_163], %parallel_loop3A_164 {add = true} : memref<50176xf32, #tpu.memory_space<vmem>>[vector<16xi32>], vector<16xf32>,
        %parallel_loop3A_165 = arith.index_cast %rem3A_77 : i32 to index
        %parallel_loop3A_166 = arith.index_cast %parallel_loop3A_98 : i32 to index
        %parallel_loop3A_167 = arith.constant 96 : index
        %parallel_loop3A_168 = tpu.vector_load %arg7[%parallel_loop3A_165, %parallel_loop3A_166, %parallel_loop3A_167] {strides = array<i32>} : memref<2x40x128xi32, #tpu.memory_space<vmem>>, vector<16xi32>,
        %parallel_loop3A_169 = arith.constant 65535 : i32
        %parallel_loop3A_170 = vector.broadcast %parallel_loop3A_169 : i32 to vector<16xi32>
        %parallel_loop3A_171 = arith.andi %parallel_loop3A_168, %parallel_loop3A_170 : vector<16xi32>
        %parallel_loop3A_172 = arith.constant 16 : i32
        %parallel_loop3A_173 = vector.broadcast %parallel_loop3A_172 : i32 to vector<16xi32>
        %parallel_loop3A_174 = arith.shrui %parallel_loop3A_168, %parallel_loop3A_173 : vector<16xi32>
        %parallel_loop3A_175 = tpu.vector_load_idx %arg6[%parallel_loop3A_171] : memref<50176xf32, #tpu.memory_space<vmem>>[vector<16xi32>], vector<16xf32>,
        tpu.vector_store_idx %arg5[%parallel_loop3A_174], %parallel_loop3A_175 {add = true} : memref<50176xf32, #tpu.memory_space<vmem>>[vector<16xi32>], vector<16xf32>,
        %parallel_loop3A_176 = arith.index_cast %rem3A_77 : i32 to index
        %parallel_loop3A_177 = arith.index_cast %parallel_loop3A_98 : i32 to index
        %parallel_loop3A_178 = arith.constant 112 : index
        %parallel_loop3A_179 = tpu.vector_load %arg7[%parallel_loop3A_176, %parallel_loop3A_177, %parallel_loop3A_178] {strides = array<i32>} : memref<2x40x128xi32, #tpu.memory_space<vmem>>, vector<16xi32>,
        %parallel_loop3A_180 = arith.constant 65535 : i32
        %parallel_loop3A_181 = vector.broadcast %parallel_loop3A_180 : i32 to vector<16xi32>
        %parallel_loop3A_182 = arith.andi %parallel_loop3A_179, %parallel_loop3A_181 : vector<16xi32>
        %parallel_loop3A_183 = arith.constant 16 : i32
        %parallel_loop3A_184 = vector.broadcast %parallel_loop3A_183 : i32 to vector<16xi32>
        %parallel_loop3A_185 = arith.shrui %parallel_loop3A_179, %parallel_loop3A_184 : vector<16xi32>
        %parallel_loop3A_186 = tpu.vector_load_idx %arg6[%parallel_loop3A_182] : memref<50176xf32, #tpu.memory_space<vmem>>[vector<16xi32>], vector<16xf32>,
        tpu.vector_store_idx %arg5[%parallel_loop3A_185], %parallel_loop3A_186 {add = true} : memref<50176xf32, #tpu.memory_space<vmem>>[vector<16xi32>], vector<16xf32>,
      } {sc.loop_unroll_factor = 8 : i64, sc.parallel_access}
    }
    %while3A_72 = arith.constant 1 : i32
    scf.for %while3A_75 = %while3A_70 to %while3A_66 step %while3A_72  : i32 {
      %rem3A_76 = arith.constant 2 : i32
      %rem3A_77 = arith.remsi %while3A_75, %rem3A_76 : i32
      %add3A_78 = arith.constant 1 : i32
      %add3A_79 = arith.addi %while3A_75, %add3A_78 : i32
      %lt3A_80 = arith.cmpi slt, %add3A_79, %select_n3A_43 : i32
      %convert_element_type3A_81 = arith.extui %lt3A_80 : i1 to i32
      %cond3A = arith.constant 0 : i32
      %cond3A_82 = arith.cmpi ne, %convert_element_type3A_81, %cond3A : i32
      scf.if %cond3A_82 {
        %add3A_98 = arith.constant 1 : i32
        %add3A_99 = arith.addi %while3A_75, %add3A_98 : i32
        %sub3A_100 = arith.constant 1 : i32
        %sub3A_101 = arith.subi %sub3A_100, %rem3A_77 : i32
        %mul3A_102 = arith.constant 40 : i32
        %mul3A_103 = arith.muli %add3A_99, %mul3A_102 : i32
        %add3A_104 = arith.addi %mul3A_8, %mul3A_103 : i32
        %dma_start3A_105 = arith.constant 0 : i32
        %dma_start3A_106 = arith.constant 0 : i32
        %dma_start3A_107 = tpu.memref_slice %arg7[%sub3A_101, %dma_start3A_105, %dma_start3A_106] : memref<2x40x128xi32, #tpu.memory_space<vmem>> -> memref<1x40x128xi32, #tpu.memory_space<vmem>>
        %dma_start3A_108 = tpu.memref_squeeze %dma_start3A_107 : memref<1x40x128xi32, #tpu.memory_space<vmem>> -> memref<40x128xi32, #tpu.memory_space<vmem>>
        %dma_start3A_109 = arith.constant 0 : i32
        %dma_start3A_110 = tpu.memref_slice %arg3[%add3A_104, %dma_start3A_109] : memref<25600x128xi32, #tpu.memory_space<hbm>> -> memref<40x128xi32, #tpu.memory_space<hbm>>
        %dma_start3A_111 = tpu.memref_slice %arg8[%sub3A_101] : memref<2x!tpu.dma_semaphore, #tpu.memory_space<semaphore_mem>> -> memref<1x!tpu.dma_semaphore, #tpu.memory_space<semaphore_mem>>
        %dma_start3A_112 = tpu.memref_squeeze %dma_start3A_111 : memref<1x!tpu.dma_semaphore, #tpu.memory_space<semaphore_mem>> -> memref<!tpu.dma_semaphore, #tpu.memory_space<semaphore_mem>>
        %dma_start3A_113 = arith.constant 0 : i32
        %dma_start3A_114 = arith.constant 0 : i32
        %dma_start3A_115 = tpu.memref_slice %arg7[%sub3A_101, %dma_start3A_113, %dma_start3A_114] : memref<2x40x128xi32, #tpu.memory_space<vmem>> -> memref<1x40x128xi32, #tpu.memory_space<vmem>>
        %dma_start3A_116 = tpu.memref_squeeze %dma_start3A_115 : memref<1x40x128xi32, #tpu.memory_space<vmem>> -> memref<40x128xi32, #tpu.memory_space<vmem>>
        %dma_start3A_117 = arith.constant 0 : i32
        %dma_start3A_118 = tpu.memref_slice %arg3[%add3A_104, %dma_start3A_117] : memref<25600x128xi32, #tpu.memory_space<hbm>> -> memref<40x128xi32, #tpu.memory_space<hbm>>
        tpu.enqueue_dma source(%dma_start3A_118 : memref<40x128xi32, #tpu.memory_space<hbm>>) target(%dma_start3A_116 : memref<40x128xi32, #tpu.memory_space<vmem>>) target_semaphore(%dma_start3A_112 : memref<!tpu.dma_semaphore, #tpu.memory_space<semaphore_mem>>)
      } else {
      }
      %dma_wait3A = arith.constant 0 : i32
      %dma_wait3A_83 = arith.constant 0 : i32
      %dma_wait3A_84 = tpu.memref_slice %arg7[%rem3A_77, %dma_wait3A, %dma_wait3A_83] : memref<2x40x128xi32, #tpu.memory_space<vmem>> -> memref<1x40x128xi32, #tpu.memory_space<vmem>>
      %dma_wait3A_85 = tpu.memref_squeeze %dma_wait3A_84 : memref<1x40x128xi32, #tpu.memory_space<vmem>> -> memref<40x128xi32, #tpu.memory_space<vmem>>
      %dma_wait3A_86 = arith.constant 0 : i32
      %dma_wait3A_87 = tpu.memref_slice %arg3[%mul3A_8, %dma_wait3A_86] : memref<25600x128xi32, #tpu.memory_space<hbm>> -> memref<40x128xi32, #tpu.memory_space<hbm>>
      %dma_wait3A_88 = tpu.memref_slice %arg8[%rem3A_77] : memref<2x!tpu.dma_semaphore, #tpu.memory_space<semaphore_mem>> -> memref<1x!tpu.dma_semaphore, #tpu.memory_space<semaphore_mem>>
      %dma_wait3A_89 = tpu.memref_squeeze %dma_wait3A_88 : memref<1x!tpu.dma_semaphore, #tpu.memory_space<semaphore_mem>> -> memref<!tpu.dma_semaphore, #tpu.memory_space<semaphore_mem>>
      %dma_wait3A_90 = arith.constant 0 : i32
      %dma_wait3A_91 = arith.constant 0 : i32
      %dma_wait3A_92 = tpu.memref_slice %arg7[%rem3A_77, %dma_wait3A_90, %dma_wait3A_91] : memref<2x40x128xi32, #tpu.memory_space<vmem>> -> memref<1x40x128xi32, #tpu.memory_space<vmem>>
      %dma_wait3A_93 = tpu.memref_squeeze %dma_wait3A_92 : memref<1x40x128xi32, #tpu.memory_space<vmem>> -> memref<40x128xi32, #tpu.memory_space<vmem>>
      %dma_wait3A_94 = arith.constant 0 : i32
      %dma_wait3A_95 = tpu.memref_slice %arg3[%mul3A_8, %dma_wait3A_94] : memref<25600x128xi32, #tpu.memory_space<hbm>> -> memref<40x128xi32, #tpu.memory_space<hbm>>
      tpu.wait_dma2 semaphore(%dma_wait3A_89 : memref<!tpu.dma_semaphore, #tpu.memory_space<semaphore_mem>>) src(%dma_wait3A_95 : memref<40x128xi32, #tpu.memory_space<hbm>>) dst(%dma_wait3A_93 : memref<40x128xi32, #tpu.memory_space<vmem>>)
      %parallel_loop3A = arith.constant 0 : i32
      %parallel_loop3A_96 = arith.constant 40 : i32
      %parallel_loop3A_97 = arith.constant 1 : i32
      scf.for %parallel_loop3A_98 = %parallel_loop3A to %parallel_loop3A_96 step %parallel_loop3A_97  : i32 {
        %parallel_loop3A_99 = arith.index_cast %rem3A_77 : i32 to index
        %parallel_loop3A_100 = arith.index_cast %parallel_loop3A_98 : i32 to index
        %parallel_loop3A_101 = arith.constant 0 : index
        %parallel_loop3A_102 = tpu.vector_load %arg7[%parallel_loop3A_99, %parallel_loop3A_100, %parallel_loop3A_101] {strides = array<i32>} : memref<2x40x128xi32, #tpu.memory_space<vmem>>, vector<16xi32>,
        %parallel_loop3A_103 = arith.constant 65535 : i32
        %parallel_loop3A_104 = vector.broadcast %parallel_loop3A_103 : i32 to vector<16xi32>
        %parallel_loop3A_105 = arith.andi %parallel_loop3A_102, %parallel_loop3A_104 : vector<16xi32>
        %parallel_loop3A_106 = arith.constant 16 : i32
        %parallel_loop3A_107 = vector.broadcast %parallel_loop3A_106 : i32 to vector<16xi32>
        %parallel_loop3A_108 = arith.shrui %parallel_loop3A_102, %parallel_loop3A_107 : vector<16xi32>
        %parallel_loop3A_109 = tpu.vector_load_idx %arg6[%parallel_loop3A_105] : memref<50176xf32, #tpu.memory_space<vmem>>[vector<16xi32>], vector<16xf32>,
        tpu.vector_store_idx %arg5[%parallel_loop3A_108], %parallel_loop3A_109 {add = true} : memref<50176xf32, #tpu.memory_space<vmem>>[vector<16xi32>], vector<16xf32>,
        %parallel_loop3A_110 = arith.index_cast %rem3A_77 : i32 to index
        %parallel_loop3A_111 = arith.index_cast %parallel_loop3A_98 : i32 to index
        %parallel_loop3A_112 = arith.constant 16 : index
        %parallel_loop3A_113 = tpu.vector_load %arg7[%parallel_loop3A_110, %parallel_loop3A_111, %parallel_loop3A_112] {strides = array<i32>} : memref<2x40x128xi32, #tpu.memory_space<vmem>>, vector<16xi32>,
        %parallel_loop3A_114 = arith.constant 65535 : i32
        %parallel_loop3A_115 = vector.broadcast %parallel_loop3A_114 : i32 to vector<16xi32>
        %parallel_loop3A_116 = arith.andi %parallel_loop3A_113, %parallel_loop3A_115 : vector<16xi32>
        %parallel_loop3A_117 = arith.constant 16 : i32
        %parallel_loop3A_118 = vector.broadcast %parallel_loop3A_117 : i32 to vector<16xi32>
        %parallel_loop3A_119 = arith.shrui %parallel_loop3A_113, %parallel_loop3A_118 : vector<16xi32>
        %parallel_loop3A_120 = tpu.vector_load_idx %arg6[%parallel_loop3A_116] : memref<50176xf32, #tpu.memory_space<vmem>>[vector<16xi32>], vector<16xf32>,
        tpu.vector_store_idx %arg5[%parallel_loop3A_119], %parallel_loop3A_120 {add = true} : memref<50176xf32, #tpu.memory_space<vmem>>[vector<16xi32>], vector<16xf32>,
        %parallel_loop3A_121 = arith.index_cast %rem3A_77 : i32 to index
        %parallel_loop3A_122 = arith.index_cast %parallel_loop3A_98 : i32 to index
        %parallel_loop3A_123 = arith.constant 32 : index
        %parallel_loop3A_124 = tpu.vector_load %arg7[%parallel_loop3A_121, %parallel_loop3A_122, %parallel_loop3A_123] {strides = array<i32>} : memref<2x40x128xi32, #tpu.memory_space<vmem>>, vector<16xi32>,
        %parallel_loop3A_125 = arith.constant 65535 : i32
        %parallel_loop3A_126 = vector.broadcast %parallel_loop3A_125 : i32 to vector<16xi32>
        %parallel_loop3A_127 = arith.andi %parallel_loop3A_124, %parallel_loop3A_126 : vector<16xi32>
        %parallel_loop3A_128 = arith.constant 16 : i32
        %parallel_loop3A_129 = vector.broadcast %parallel_loop3A_128 : i32 to vector<16xi32>
        %parallel_loop3A_130 = arith.shrui %parallel_loop3A_124, %parallel_loop3A_129 : vector<16xi32>
        %parallel_loop3A_131 = tpu.vector_load_idx %arg6[%parallel_loop3A_127] : memref<50176xf32, #tpu.memory_space<vmem>>[vector<16xi32>], vector<16xf32>,
        tpu.vector_store_idx %arg5[%parallel_loop3A_130], %parallel_loop3A_131 {add = true} : memref<50176xf32, #tpu.memory_space<vmem>>[vector<16xi32>], vector<16xf32>,
        %parallel_loop3A_132 = arith.index_cast %rem3A_77 : i32 to index
        %parallel_loop3A_133 = arith.index_cast %parallel_loop3A_98 : i32 to index
        %parallel_loop3A_134 = arith.constant 48 : index
        %parallel_loop3A_135 = tpu.vector_load %arg7[%parallel_loop3A_132, %parallel_loop3A_133, %parallel_loop3A_134] {strides = array<i32>} : memref<2x40x128xi32, #tpu.memory_space<vmem>>, vector<16xi32>,
        %parallel_loop3A_136 = arith.constant 65535 : i32
        %parallel_loop3A_137 = vector.broadcast %parallel_loop3A_136 : i32 to vector<16xi32>
        %parallel_loop3A_138 = arith.andi %parallel_loop3A_135, %parallel_loop3A_137 : vector<16xi32>
        %parallel_loop3A_139 = arith.constant 16 : i32
        %parallel_loop3A_140 = vector.broadcast %parallel_loop3A_139 : i32 to vector<16xi32>
        %parallel_loop3A_141 = arith.shrui %parallel_loop3A_135, %parallel_loop3A_140 : vector<16xi32>
        %parallel_loop3A_142 = tpu.vector_load_idx %arg6[%parallel_loop3A_138] : memref<50176xf32, #tpu.memory_space<vmem>>[vector<16xi32>], vector<16xf32>,
        tpu.vector_store_idx %arg5[%parallel_loop3A_141], %parallel_loop3A_142 {add = true} : memref<50176xf32, #tpu.memory_space<vmem>>[vector<16xi32>], vector<16xf32>,
        %parallel_loop3A_143 = arith.index_cast %rem3A_77 : i32 to index
        %parallel_loop3A_144 = arith.index_cast %parallel_loop3A_98 : i32 to index
        %parallel_loop3A_145 = arith.constant 64 : index
        %parallel_loop3A_146 = tpu.vector_load %arg7[%parallel_loop3A_143, %parallel_loop3A_144, %parallel_loop3A_145] {strides = array<i32>} : memref<2x40x128xi32, #tpu.memory_space<vmem>>, vector<16xi32>,
        %parallel_loop3A_147 = arith.constant 65535 : i32
        %parallel_loop3A_148 = vector.broadcast %parallel_loop3A_147 : i32 to vector<16xi32>
        %parallel_loop3A_149 = arith.andi %parallel_loop3A_146, %parallel_loop3A_148 : vector<16xi32>
        %parallel_loop3A_150 = arith.constant 16 : i32
        %parallel_loop3A_151 = vector.broadcast %parallel_loop3A_150 : i32 to vector<16xi32>
        %parallel_loop3A_152 = arith.shrui %parallel_loop3A_146, %parallel_loop3A_151 : vector<16xi32>
        %parallel_loop3A_153 = tpu.vector_load_idx %arg6[%parallel_loop3A_149] : memref<50176xf32, #tpu.memory_space<vmem>>[vector<16xi32>], vector<16xf32>,
        tpu.vector_store_idx %arg5[%parallel_loop3A_152], %parallel_loop3A_153 {add = true} : memref<50176xf32, #tpu.memory_space<vmem>>[vector<16xi32>], vector<16xf32>,
        %parallel_loop3A_154 = arith.index_cast %rem3A_77 : i32 to index
        %parallel_loop3A_155 = arith.index_cast %parallel_loop3A_98 : i32 to index
        %parallel_loop3A_156 = arith.constant 80 : index
        %parallel_loop3A_157 = tpu.vector_load %arg7[%parallel_loop3A_154, %parallel_loop3A_155, %parallel_loop3A_156] {strides = array<i32>} : memref<2x40x128xi32, #tpu.memory_space<vmem>>, vector<16xi32>,
        %parallel_loop3A_158 = arith.constant 65535 : i32
        %parallel_loop3A_159 = vector.broadcast %parallel_loop3A_158 : i32 to vector<16xi32>
        %parallel_loop3A_160 = arith.andi %parallel_loop3A_157, %parallel_loop3A_159 : vector<16xi32>
        %parallel_loop3A_161 = arith.constant 16 : i32
        %parallel_loop3A_162 = vector.broadcast %parallel_loop3A_161 : i32 to vector<16xi32>
        %parallel_loop3A_163 = arith.shrui %parallel_loop3A_157, %parallel_loop3A_162 : vector<16xi32>
        %parallel_loop3A_164 = tpu.vector_load_idx %arg6[%parallel_loop3A_160] : memref<50176xf32, #tpu.memory_space<vmem>>[vector<16xi32>], vector<16xf32>,
        tpu.vector_store_idx %arg5[%parallel_loop3A_163], %parallel_loop3A_164 {add = true} : memref<50176xf32, #tpu.memory_space<vmem>>[vector<16xi32>], vector<16xf32>,
        %parallel_loop3A_165 = arith.index_cast %rem3A_77 : i32 to index
        %parallel_loop3A_166 = arith.index_cast %parallel_loop3A_98 : i32 to index
        %parallel_loop3A_167 = arith.constant 96 : index
        %parallel_loop3A_168 = tpu.vector_load %arg7[%parallel_loop3A_165, %parallel_loop3A_166, %parallel_loop3A_167] {strides = array<i32>} : memref<2x40x128xi32, #tpu.memory_space<vmem>>, vector<16xi32>,
        %parallel_loop3A_169 = arith.constant 65535 : i32
        %parallel_loop3A_170 = vector.broadcast %parallel_loop3A_169 : i32 to vector<16xi32>
        %parallel_loop3A_171 = arith.andi %parallel_loop3A_168, %parallel_loop3A_170 : vector<16xi32>
        %parallel_loop3A_172 = arith.constant 16 : i32
        %parallel_loop3A_173 = vector.broadcast %parallel_loop3A_172 : i32 to vector<16xi32>
        %parallel_loop3A_174 = arith.shrui %parallel_loop3A_168, %parallel_loop3A_173 : vector<16xi32>
        %parallel_loop3A_175 = tpu.vector_load_idx %arg6[%parallel_loop3A_171] : memref<50176xf32, #tpu.memory_space<vmem>>[vector<16xi32>], vector<16xf32>,
        tpu.vector_store_idx %arg5[%parallel_loop3A_174], %parallel_loop3A_175 {add = true} : memref<50176xf32, #tpu.memory_space<vmem>>[vector<16xi32>], vector<16xf32>,
        %parallel_loop3A_176 = arith.index_cast %rem3A_77 : i32 to index
        %parallel_loop3A_177 = arith.index_cast %parallel_loop3A_98 : i32 to index
        %parallel_loop3A_178 = arith.constant 112 : index
        %parallel_loop3A_179 = tpu.vector_load %arg7[%parallel_loop3A_176, %parallel_loop3A_177, %parallel_loop3A_178] {strides = array<i32>} : memref<2x40x128xi32, #tpu.memory_space<vmem>>, vector<16xi32>,
        %parallel_loop3A_180 = arith.constant 65535 : i32
        %parallel_loop3A_181 = vector.broadcast %parallel_loop3A_180 : i32 to vector<16xi32>
        %parallel_loop3A_182 = arith.andi %parallel_loop3A_179, %parallel_loop3A_181 : vector<16xi32>
        %parallel_loop3A_183 = arith.constant 16 : i32
        %parallel_loop3A_184 = vector.broadcast %parallel_loop3A_183 : i32 to vector<16xi32>
        %parallel_loop3A_185 = arith.shrui %parallel_loop3A_179, %parallel_loop3A_184 : vector<16xi32>
        %parallel_loop3A_186 = tpu.vector_load_idx %arg6[%parallel_loop3A_182] : memref<50176xf32, #tpu.memory_space<vmem>>[vector<16xi32>], vector<16xf32>,
        tpu.vector_store_idx %arg5[%parallel_loop3A_185], %parallel_loop3A_186 {add = true} : memref<50176xf32, #tpu.memory_space<vmem>>[vector<16xi32>], vector<16xf32>,
      } {sc.loop_unroll_factor = 8 : i64, sc.parallel_access}
    }
    %mul3A_73 = arith.constant 50176 : i32
    %mul3A_74 = arith.muli %add3A, %mul3A_73 : i32
    "tpu.region"() ({
      %run_scoped3A_75 = tpu.sem_alloc : memref<!tpu.dma_semaphore, #tpu.memory_space<semaphore_mem>>
      %dma_start3A_76 = tpu.memref_slice %arg4[%mul3A_74] : memref<1605632xf32, #tpu.memory_space<hbm>> -> memref<50176xf32, #tpu.memory_space<hbm>>
      %dma_start3A_77 = tpu.memref_slice %arg4[%mul3A_74] : memref<1605632xf32, #tpu.memory_space<hbm>> -> memref<50176xf32, #tpu.memory_space<hbm>>
      tpu.enqueue_dma source(%arg5 : memref<50176xf32, #tpu.memory_space<vmem>>) target(%dma_start3A_77 : memref<50176xf32, #tpu.memory_space<hbm>>) target_semaphore(%run_scoped3A_75 : memref<!tpu.dma_semaphore, #tpu.memory_space<semaphore_mem>>)
      %dma_wait3A = tpu.memref_slice %arg4[%mul3A_74] : memref<1605632xf32, #tpu.memory_space<hbm>> -> memref<50176xf32, #tpu.memory_space<hbm>>
      %dma_wait3A_78 = tpu.memref_slice %arg4[%mul3A_74] : memref<1605632xf32, #tpu.memory_space<hbm>> -> memref<50176xf32, #tpu.memory_space<hbm>>
      tpu.wait_dma2 semaphore(%run_scoped3A_75 : memref<!tpu.dma_semaphore, #tpu.memory_space<semaphore_mem>>) src(%arg5 : memref<50176xf32, #tpu.memory_space<vmem>>) dst(%dma_wait3A_78 : memref<50176xf32, #tpu.memory_space<hbm>>)
      tpu.yield
    }) : () -> ()
    return
  }
}

#map = affine_map<(d0, d1) -> (0, 0)>
#map1 = affine_map<(d0, d1) -> (0)>
module attributes {stable_mosaic.version = 14 : i64} {
  func.func @aggcol_kernel(%arg0: i32, %arg1: i32, %arg2: memref<4x50000xf32, #tpu.memory_space<hbm>>, %arg3: memref<25600x128xi32, #tpu.memory_space<hbm>>, %arg4: memref<1605632xf32, #tpu.memory_space<hbm>>, %arg5: memref<50176xf32, #tpu.memory_space<vmem>>, %arg6: memref<50176xf32, #tpu.memory_space<vmem>>, %arg7: memref<2x40x128xi32, #tpu.memory_space<vmem>>, %arg8: memref<2x!tpu.dma_semaphore, #tpu.memory_space<semaphore_mem>>) attributes {dimension_semantics = [#tpu.dimension_semantics<core_parallel>, #tpu.dimension_semantics<subcore_parallel>], iteration_bounds = array<i64: 2, 16>, scalar_prefetch = 0 : i64, scratch_operands = 4 : i64, tpu.core_type = #tpu.core_type<sc_vector_subcore>, window_params = [{transform_indices = #map}, {transform_indices = #map}, {transform_indices = #map1}]} {
    %mul3A = arith.constant 16 : i32
    %mul3A_0 = arith.muli %arg0, %mul3A : i32
    %add3A = arith.addi %mul3A_0, %arg1 : i32
    %jit3A = arith.constant 8 : i32
    %div3A = arith.divsi %add3A, %jit3A : i32
    %sign3A = arith.constant 0 : i32
    %sign3A_1 = arith.cmpi sgt, %add3A, %sign3A : i32
    %sign3A_2 = arith.extui %sign3A_1 : i1 to i32
    %sign3A_3 = arith.constant 0 : i32
    %sign3A_4 = arith.cmpi slt, %add3A, %sign3A_3 : i32
    %sign3A_5 = arith.extui %sign3A_4 : i1 to i32
    %sign3A_6 = arith.subi %sign3A_2, %sign3A_5 : i32
    %sign3A_7 = arith.constant 0 : i32
    %sign3A_8 = arith.cmpi sgt, %jit3A, %sign3A_7 : i32
    %sign3A_9 = arith.extui %sign3A_8 : i1 to i32
    %sign3A_10 = arith.constant 0 : i32
    %sign3A_11 = arith.cmpi slt, %jit3A, %sign3A_10 : i32
    %sign3A_12 = arith.extui %sign3A_11 : i1 to i32
    %sign3A_13 = arith.subi %sign3A_9, %sign3A_12 : i32
    %ne3A = arith.cmpi ne, %sign3A_6, %sign3A_13 : i32
    %rem3A = arith.remsi %add3A, %jit3A : i32
    %ne3A_14 = arith.constant 0 : i32
    %ne3A_15 = arith.cmpi ne, %rem3A, %ne3A_14 : i32
    %and3A = arith.andi %ne3A, %ne3A_15 : i1
    %sub3A = arith.constant 1 : i32
    %sub3A_16 = arith.subi %div3A, %sub3A : i32
    %select_n3A = arith.select %and3A, %sub3A_16, %div3A : i32
    %mul3A_17 = arith.constant 8 : i32
    %mul3A_18 = arith.muli %select_n3A, %mul3A_17 : i32
    %sub3A_19 = arith.subi %add3A, %mul3A_18 : i32
    %mul3A_20 = arith.constant 3200 : i32
    %mul3A_21 = arith.muli %sub3A_19, %mul3A_20 : i32
    %add3A_22 = arith.constant 3200 : i32
    %add3A_23 = arith.addi %mul3A_21, %add3A_22 : i32
    %broadcast_in_dim3A = arith.constant 0.000000e+00 : f32
    %broadcast_in_dim3A_24 = vector.broadcast %broadcast_in_dim3A : f32 to vector<16xf32>
    %while3A = arith.constant 0 : i32
    %while3A_25 = arith.constant 0 : i32
    %while3A_26 = arith.constant 3136 : i32
    %while3A_27 = arith.subi %while3A_26, %while3A_25 : i32
    %while3A_28 = arith.addi %while3A_25, %while3A_27 : i32
    %while3A_29 = arith.constant 1 : i32
    %while3A_30 = arith.divsi %while3A_27, %while3A_29 : i32
    %while3A_31 = arith.muli %while3A_30, %while3A_29 : i32
    %while3A_32 = arith.addi %while3A_25, %while3A_31 : i32
    %while3A_33 = arith.constant 1 : i32
    scf.for %while3A_91 = %while3A_25 to %while3A_32 step %while3A_33  : i32 {
      %mul3A_92 = arith.constant 16 : i32
      %mul3A_93 = arith.muli %while3A_91, %mul3A_92 : i32
      %swap3A = arith.index_cast %mul3A_93 : i32 to index
      %swap3A_94 = tpu.vector_load %arg5[%swap3A] {strides = array<i32>} : memref<50176xf32, #tpu.memory_space<vmem>>, vector<16xf32>,
      tpu.vector_store %arg5[%swap3A], %broadcast_in_dim3A_24 {strides = array<i32>} : memref<50176xf32, #tpu.memory_space<vmem>>, vector<16xf32>,
    }
    %while3A_34 = arith.constant 1 : i32
    scf.for %while3A_91 = %while3A_32 to %while3A_28 step %while3A_34  : i32 {
      %mul3A_92 = arith.constant 16 : i32
      %mul3A_93 = arith.muli %while3A_91, %mul3A_92 : i32
      %swap3A = arith.index_cast %mul3A_93 : i32 to index
      %swap3A_94 = tpu.vector_load %arg5[%swap3A] {strides = array<i32>} : memref<50176xf32, #tpu.memory_space<vmem>>, vector<16xf32>,
      tpu.vector_store %arg5[%swap3A], %broadcast_in_dim3A_24 {strides = array<i32>} : memref<50176xf32, #tpu.memory_space<vmem>>, vector<16xf32>,
    }
    %run_scoped3A = arith.constant 0 : i32
    "tpu.region"() ({
      %run_scoped3A_91 = tpu.sem_alloc : memref<!tpu.dma_semaphore, #tpu.memory_space<semaphore_mem>>
      %dma_start3A_92 = tpu.memref_slice %arg6[%run_scoped3A] : memref<50176xf32, #tpu.memory_space<vmem>> -> memref<50000xf32, #tpu.memory_space<vmem>>
      %dma_start3A_93 = arith.constant 0 : i32
      %dma_start3A_94 = tpu.memref_slice %arg2[%select_n3A, %dma_start3A_93] : memref<4x50000xf32, #tpu.memory_space<hbm>> -> memref<1x50000xf32, #tpu.memory_space<hbm>>
      %dma_start3A_95 = tpu.memref_squeeze %dma_start3A_94 : memref<1x50000xf32, #tpu.memory_space<hbm>> -> memref<50000xf32, #tpu.memory_space<hbm>>
      %dma_start3A_96 = tpu.memref_slice %arg6[%run_scoped3A] : memref<50176xf32, #tpu.memory_space<vmem>> -> memref<50000xf32, #tpu.memory_space<vmem>>
      %dma_start3A_97 = arith.constant 0 : i32
      %dma_start3A_98 = tpu.memref_slice %arg2[%select_n3A, %dma_start3A_97] : memref<4x50000xf32, #tpu.memory_space<hbm>> -> memref<1x50000xf32, #tpu.memory_space<hbm>>
      %dma_start3A_99 = tpu.memref_squeeze %dma_start3A_98 : memref<1x50000xf32, #tpu.memory_space<hbm>> -> memref<50000xf32, #tpu.memory_space<hbm>>
      tpu.enqueue_dma source(%dma_start3A_99 : memref<50000xf32, #tpu.memory_space<hbm>>) target(%dma_start3A_96 : memref<50000xf32, #tpu.memory_space<vmem>>) target_semaphore(%run_scoped3A_91 : memref<!tpu.dma_semaphore, #tpu.memory_space<semaphore_mem>>)
      %dma_wait3A = tpu.memref_slice %arg6[%run_scoped3A] : memref<50176xf32, #tpu.memory_space<vmem>> -> memref<50000xf32, #tpu.memory_space<vmem>>
      %dma_wait3A_100 = arith.constant 0 : i32
      %dma_wait3A_101 = tpu.memref_slice %arg2[%select_n3A, %dma_wait3A_100] : memref<4x50000xf32, #tpu.memory_space<hbm>> -> memref<1x50000xf32, #tpu.memory_space<hbm>>
      %dma_wait3A_102 = tpu.memref_squeeze %dma_wait3A_101 : memref<1x50000xf32, #tpu.memory_space<hbm>> -> memref<50000xf32, #tpu.memory_space<hbm>>
      %dma_wait3A_103 = tpu.memref_slice %arg6[%run_scoped3A] : memref<50176xf32, #tpu.memory_space<vmem>> -> memref<50000xf32, #tpu.memory_space<vmem>>
      %dma_wait3A_104 = arith.constant 0 : i32
      %dma_wait3A_105 = tpu.memref_slice %arg2[%select_n3A, %dma_wait3A_104] : memref<4x50000xf32, #tpu.memory_space<hbm>> -> memref<1x50000xf32, #tpu.memory_space<hbm>>
      %dma_wait3A_106 = tpu.memref_squeeze %dma_wait3A_105 : memref<1x50000xf32, #tpu.memory_space<hbm>> -> memref<50000xf32, #tpu.memory_space<hbm>>
      tpu.wait_dma2 semaphore(%run_scoped3A_91 : memref<!tpu.dma_semaphore, #tpu.memory_space<semaphore_mem>>) src(%dma_wait3A_106 : memref<50000xf32, #tpu.memory_space<hbm>>) dst(%dma_wait3A_103 : memref<50000xf32, #tpu.memory_space<vmem>>)
      tpu.yield
    }) : () -> ()
    %sub3A_35 = arith.subi %add3A_23, %mul3A_21 : i32
    %jit3A_36 = arith.constant 40 : i32
    %div3A_37 = arith.divsi %sub3A_35, %jit3A_36 : i32
    %sign3A_38 = arith.constant 0 : i32
    %sign3A_39 = arith.cmpi sgt, %sub3A_35, %sign3A_38 : i32
    %sign3A_40 = arith.extui %sign3A_39 : i1 to i32
    %sign3A_41 = arith.constant 0 : i32
    %sign3A_42 = arith.cmpi slt, %sub3A_35, %sign3A_41 : i32
    %sign3A_43 = arith.extui %sign3A_42 : i1 to i32
    %sign3A_44 = arith.subi %sign3A_40, %sign3A_43 : i32
    %sign3A_45 = arith.constant 0 : i32
    %sign3A_46 = arith.cmpi sgt, %jit3A_36, %sign3A_45 : i32
    %sign3A_47 = arith.extui %sign3A_46 : i1 to i32
    %sign3A_48 = arith.constant 0 : i32
    %sign3A_49 = arith.cmpi slt, %jit3A_36, %sign3A_48 : i32
    %sign3A_50 = arith.extui %sign3A_49 : i1 to i32
    %sign3A_51 = arith.subi %sign3A_47, %sign3A_50 : i32
    %ne3A_52 = arith.cmpi ne, %sign3A_44, %sign3A_51 : i32
    %rem3A_53 = arith.remsi %sub3A_35, %jit3A_36 : i32
    %ne3A_54 = arith.constant 0 : i32
    %ne3A_55 = arith.cmpi ne, %rem3A_53, %ne3A_54 : i32
    %and3A_56 = arith.andi %ne3A_52, %ne3A_55 : i1
    %sub3A_57 = arith.constant 1 : i32
    %sub3A_58 = arith.subi %div3A_37, %sub3A_57 : i32
    %select_n3A_59 = arith.select %and3A_56, %sub3A_58, %div3A_37 : i32
    %mul3A_60 = arith.constant 0 : i32
    %mul3A_61 = arith.constant 40 : i32
    %mul3A_62 = arith.muli %mul3A_60, %mul3A_61 : i32
    %add3A_63 = arith.addi %mul3A_21, %mul3A_62 : i32
    %dma_start3A = arith.constant 0 : i32
    %dma_start3A_64 = arith.constant 0 : i32
    %dma_start3A_65 = arith.constant 0 : i32
    %dma_start3A_66 = arith.constant 0 : i32
    %dma_start3A_67 = tpu.memref_slice %arg7[%dma_start3A, %dma_start3A_65, %dma_start3A_66] : memref<2x40x128xi32, #tpu.memory_space<vmem>> -> memref<1x40x128xi32, #tpu.memory_space<vmem>>
    %dma_start3A_68 = tpu.memref_squeeze %dma_start3A_67 : memref<1x40x128xi32, #tpu.memory_space<vmem>> -> memref<40x128xi32, #tpu.memory_space<vmem>>
    %dma_start3A_69 = arith.constant 0 : i32
    %dma_start3A_70 = tpu.memref_slice %arg3[%add3A_63, %dma_start3A_69] : memref<25600x128xi32, #tpu.memory_space<hbm>> -> memref<40x128xi32, #tpu.memory_space<hbm>>
    %dma_start3A_71 = tpu.memref_slice %arg8[%dma_start3A_64] : memref<2x!tpu.dma_semaphore, #tpu.memory_space<semaphore_mem>> -> memref<1x!tpu.dma_semaphore, #tpu.memory_space<semaphore_mem>>
    %dma_start3A_72 = tpu.memref_squeeze %dma_start3A_71 : memref<1x!tpu.dma_semaphore, #tpu.memory_space<semaphore_mem>> -> memref<!tpu.dma_semaphore, #tpu.memory_space<semaphore_mem>>
    %dma_start3A_73 = arith.constant 0 : i32
    %dma_start3A_74 = arith.constant 0 : i32
    %dma_start3A_75 = tpu.memref_slice %arg7[%dma_start3A, %dma_start3A_73, %dma_start3A_74] : memref<2x40x128xi32, #tpu.memory_space<vmem>> -> memref<1x40x128xi32, #tpu.memory_space<vmem>>
    %dma_start3A_76 = tpu.memref_squeeze %dma_start3A_75 : memref<1x40x128xi32, #tpu.memory_space<vmem>> -> memref<40x128xi32, #tpu.memory_space<vmem>>
    %dma_start3A_77 = arith.constant 0 : i32
    %dma_start3A_78 = tpu.memref_slice %arg3[%add3A_63, %dma_start3A_77] : memref<25600x128xi32, #tpu.memory_space<hbm>> -> memref<40x128xi32, #tpu.memory_space<hbm>>
    tpu.enqueue_dma source(%dma_start3A_78 : memref<40x128xi32, #tpu.memory_space<hbm>>) target(%dma_start3A_76 : memref<40x128xi32, #tpu.memory_space<vmem>>) target_semaphore(%dma_start3A_72 : memref<!tpu.dma_semaphore, #tpu.memory_space<semaphore_mem>>)
    %while3A_79 = arith.constant 0 : i32
    %while3A_80 = arith.constant 0 : i32
    %while3A_81 = arith.subi %select_n3A_59, %while3A_80 : i32
    %while3A_82 = arith.addi %while3A_80, %while3A_81 : i32
    %while3A_83 = arith.constant 1 : i32
    %while3A_84 = arith.divsi %while3A_81, %while3A_83 : i32
    %while3A_85 = arith.muli %while3A_84, %while3A_83 : i32
    %while3A_86 = arith.addi %while3A_80, %while3A_85 : i32
    %while3A_87 = arith.constant 1 : i32
    scf.for %while3A_91 = %while3A_80 to %while3A_86 step %while3A_87  : i32 {
      %rem3A_92 = arith.constant 2 : i32
      %rem3A_93 = arith.remsi %while3A_91, %rem3A_92 : i32
      %add3A_94 = arith.constant 1 : i32
      %add3A_95 = arith.addi %while3A_91, %add3A_94 : i32
      %lt3A = arith.cmpi slt, %add3A_95, %select_n3A_59 : i32
      %convert_element_type3A = arith.extui %lt3A : i1 to i32
      %cond3A = arith.constant 0 : i32
      %cond3A_96 = arith.cmpi ne, %convert_element_type3A, %cond3A : i32
      scf.if %cond3A_96 {
        %add3A_112 = arith.constant 1 : i32
        %add3A_113 = arith.addi %while3A_91, %add3A_112 : i32
        %sub3A_114 = arith.constant 1 : i32
        %sub3A_115 = arith.subi %sub3A_114, %rem3A_93 : i32
        %mul3A_116 = arith.constant 40 : i32
        %mul3A_117 = arith.muli %add3A_113, %mul3A_116 : i32
        %add3A_118 = arith.addi %mul3A_21, %mul3A_117 : i32
        %dma_start3A_119 = arith.constant 0 : i32
        %dma_start3A_120 = arith.constant 0 : i32
        %dma_start3A_121 = tpu.memref_slice %arg7[%sub3A_115, %dma_start3A_119, %dma_start3A_120] : memref<2x40x128xi32, #tpu.memory_space<vmem>> -> memref<1x40x128xi32, #tpu.memory_space<vmem>>
        %dma_start3A_122 = tpu.memref_squeeze %dma_start3A_121 : memref<1x40x128xi32, #tpu.memory_space<vmem>> -> memref<40x128xi32, #tpu.memory_space<vmem>>
        %dma_start3A_123 = arith.constant 0 : i32
        %dma_start3A_124 = tpu.memref_slice %arg3[%add3A_118, %dma_start3A_123] : memref<25600x128xi32, #tpu.memory_space<hbm>> -> memref<40x128xi32, #tpu.memory_space<hbm>>
        %dma_start3A_125 = tpu.memref_slice %arg8[%sub3A_115] : memref<2x!tpu.dma_semaphore, #tpu.memory_space<semaphore_mem>> -> memref<1x!tpu.dma_semaphore, #tpu.memory_space<semaphore_mem>>
        %dma_start3A_126 = tpu.memref_squeeze %dma_start3A_125 : memref<1x!tpu.dma_semaphore, #tpu.memory_space<semaphore_mem>> -> memref<!tpu.dma_semaphore, #tpu.memory_space<semaphore_mem>>
        %dma_start3A_127 = arith.constant 0 : i32
        %dma_start3A_128 = arith.constant 0 : i32
        %dma_start3A_129 = tpu.memref_slice %arg7[%sub3A_115, %dma_start3A_127, %dma_start3A_128] : memref<2x40x128xi32, #tpu.memory_space<vmem>> -> memref<1x40x128xi32, #tpu.memory_space<vmem>>
        %dma_start3A_130 = tpu.memref_squeeze %dma_start3A_129 : memref<1x40x128xi32, #tpu.memory_space<vmem>> -> memref<40x128xi32, #tpu.memory_space<vmem>>
        %dma_start3A_131 = arith.constant 0 : i32
        %dma_start3A_132 = tpu.memref_slice %arg3[%add3A_118, %dma_start3A_131] : memref<25600x128xi32, #tpu.memory_space<hbm>> -> memref<40x128xi32, #tpu.memory_space<hbm>>
        tpu.enqueue_dma source(%dma_start3A_132 : memref<40x128xi32, #tpu.memory_space<hbm>>) target(%dma_start3A_130 : memref<40x128xi32, #tpu.memory_space<vmem>>) target_semaphore(%dma_start3A_126 : memref<!tpu.dma_semaphore, #tpu.memory_space<semaphore_mem>>)
      } else {
      }
      %dma_wait3A = arith.constant 0 : i32
      %dma_wait3A_97 = arith.constant 0 : i32
      %dma_wait3A_98 = tpu.memref_slice %arg7[%rem3A_93, %dma_wait3A, %dma_wait3A_97] : memref<2x40x128xi32, #tpu.memory_space<vmem>> -> memref<1x40x128xi32, #tpu.memory_space<vmem>>
      %dma_wait3A_99 = tpu.memref_squeeze %dma_wait3A_98 : memref<1x40x128xi32, #tpu.memory_space<vmem>> -> memref<40x128xi32, #tpu.memory_space<vmem>>
      %dma_wait3A_100 = arith.constant 0 : i32
      %dma_wait3A_101 = tpu.memref_slice %arg3[%mul3A_21, %dma_wait3A_100] : memref<25600x128xi32, #tpu.memory_space<hbm>> -> memref<40x128xi32, #tpu.memory_space<hbm>>
      %dma_wait3A_102 = tpu.memref_slice %arg8[%rem3A_93] : memref<2x!tpu.dma_semaphore, #tpu.memory_space<semaphore_mem>> -> memref<1x!tpu.dma_semaphore, #tpu.memory_space<semaphore_mem>>
      %dma_wait3A_103 = tpu.memref_squeeze %dma_wait3A_102 : memref<1x!tpu.dma_semaphore, #tpu.memory_space<semaphore_mem>> -> memref<!tpu.dma_semaphore, #tpu.memory_space<semaphore_mem>>
      %dma_wait3A_104 = arith.constant 0 : i32
      %dma_wait3A_105 = arith.constant 0 : i32
      %dma_wait3A_106 = tpu.memref_slice %arg7[%rem3A_93, %dma_wait3A_104, %dma_wait3A_105] : memref<2x40x128xi32, #tpu.memory_space<vmem>> -> memref<1x40x128xi32, #tpu.memory_space<vmem>>
      %dma_wait3A_107 = tpu.memref_squeeze %dma_wait3A_106 : memref<1x40x128xi32, #tpu.memory_space<vmem>> -> memref<40x128xi32, #tpu.memory_space<vmem>>
      %dma_wait3A_108 = arith.constant 0 : i32
      %dma_wait3A_109 = tpu.memref_slice %arg3[%mul3A_21, %dma_wait3A_108] : memref<25600x128xi32, #tpu.memory_space<hbm>> -> memref<40x128xi32, #tpu.memory_space<hbm>>
      tpu.wait_dma2 semaphore(%dma_wait3A_103 : memref<!tpu.dma_semaphore, #tpu.memory_space<semaphore_mem>>) src(%dma_wait3A_109 : memref<40x128xi32, #tpu.memory_space<hbm>>) dst(%dma_wait3A_107 : memref<40x128xi32, #tpu.memory_space<vmem>>)
      %parallel_loop3A = arith.constant 0 : i32
      %parallel_loop3A_110 = arith.constant 40 : i32
      %parallel_loop3A_111 = arith.constant 1 : i32
      scf.for %parallel_loop3A_112 = %parallel_loop3A to %parallel_loop3A_110 step %parallel_loop3A_111  : i32 {
        %parallel_loop3A_113 = arith.index_cast %rem3A_93 : i32 to index
        %parallel_loop3A_114 = arith.index_cast %parallel_loop3A_112 : i32 to index
        %parallel_loop3A_115 = arith.constant 0 : index
        %parallel_loop3A_116 = tpu.vector_load %arg7[%parallel_loop3A_113, %parallel_loop3A_114, %parallel_loop3A_115] {strides = array<i32>} : memref<2x40x128xi32, #tpu.memory_space<vmem>>, vector<16xi32>,
        %parallel_loop3A_117 = arith.constant 65535 : i32
        %parallel_loop3A_118 = vector.broadcast %parallel_loop3A_117 : i32 to vector<16xi32>
        %parallel_loop3A_119 = arith.andi %parallel_loop3A_116, %parallel_loop3A_118 : vector<16xi32>
        %parallel_loop3A_120 = arith.constant 16 : i32
        %parallel_loop3A_121 = vector.broadcast %parallel_loop3A_120 : i32 to vector<16xi32>
        %parallel_loop3A_122 = arith.shrui %parallel_loop3A_116, %parallel_loop3A_121 : vector<16xi32>
        %parallel_loop3A_123 = tpu.vector_load_idx %arg6[%parallel_loop3A_119] : memref<50176xf32, #tpu.memory_space<vmem>>[vector<16xi32>], vector<16xf32>,
        tpu.vector_store_idx %arg5[%parallel_loop3A_122], %parallel_loop3A_123 {add = true} : memref<50176xf32, #tpu.memory_space<vmem>>[vector<16xi32>], vector<16xf32>,
        %parallel_loop3A_124 = arith.index_cast %rem3A_93 : i32 to index
        %parallel_loop3A_125 = arith.index_cast %parallel_loop3A_112 : i32 to index
        %parallel_loop3A_126 = arith.constant 16 : index
        %parallel_loop3A_127 = tpu.vector_load %arg7[%parallel_loop3A_124, %parallel_loop3A_125, %parallel_loop3A_126] {strides = array<i32>} : memref<2x40x128xi32, #tpu.memory_space<vmem>>, vector<16xi32>,
        %parallel_loop3A_128 = arith.constant 65535 : i32
        %parallel_loop3A_129 = vector.broadcast %parallel_loop3A_128 : i32 to vector<16xi32>
        %parallel_loop3A_130 = arith.andi %parallel_loop3A_127, %parallel_loop3A_129 : vector<16xi32>
        %parallel_loop3A_131 = arith.constant 16 : i32
        %parallel_loop3A_132 = vector.broadcast %parallel_loop3A_131 : i32 to vector<16xi32>
        %parallel_loop3A_133 = arith.shrui %parallel_loop3A_127, %parallel_loop3A_132 : vector<16xi32>
        %parallel_loop3A_134 = tpu.vector_load_idx %arg6[%parallel_loop3A_130] : memref<50176xf32, #tpu.memory_space<vmem>>[vector<16xi32>], vector<16xf32>,
        tpu.vector_store_idx %arg5[%parallel_loop3A_133], %parallel_loop3A_134 {add = true} : memref<50176xf32, #tpu.memory_space<vmem>>[vector<16xi32>], vector<16xf32>,
        %parallel_loop3A_135 = arith.index_cast %rem3A_93 : i32 to index
        %parallel_loop3A_136 = arith.index_cast %parallel_loop3A_112 : i32 to index
        %parallel_loop3A_137 = arith.constant 32 : index
        %parallel_loop3A_138 = tpu.vector_load %arg7[%parallel_loop3A_135, %parallel_loop3A_136, %parallel_loop3A_137] {strides = array<i32>} : memref<2x40x128xi32, #tpu.memory_space<vmem>>, vector<16xi32>,
        %parallel_loop3A_139 = arith.constant 65535 : i32
        %parallel_loop3A_140 = vector.broadcast %parallel_loop3A_139 : i32 to vector<16xi32>
        %parallel_loop3A_141 = arith.andi %parallel_loop3A_138, %parallel_loop3A_140 : vector<16xi32>
        %parallel_loop3A_142 = arith.constant 16 : i32
        %parallel_loop3A_143 = vector.broadcast %parallel_loop3A_142 : i32 to vector<16xi32>
        %parallel_loop3A_144 = arith.shrui %parallel_loop3A_138, %parallel_loop3A_143 : vector<16xi32>
        %parallel_loop3A_145 = tpu.vector_load_idx %arg6[%parallel_loop3A_141] : memref<50176xf32, #tpu.memory_space<vmem>>[vector<16xi32>], vector<16xf32>,
        tpu.vector_store_idx %arg5[%parallel_loop3A_144], %parallel_loop3A_145 {add = true} : memref<50176xf32, #tpu.memory_space<vmem>>[vector<16xi32>], vector<16xf32>,
        %parallel_loop3A_146 = arith.index_cast %rem3A_93 : i32 to index
        %parallel_loop3A_147 = arith.index_cast %parallel_loop3A_112 : i32 to index
        %parallel_loop3A_148 = arith.constant 48 : index
        %parallel_loop3A_149 = tpu.vector_load %arg7[%parallel_loop3A_146, %parallel_loop3A_147, %parallel_loop3A_148] {strides = array<i32>} : memref<2x40x128xi32, #tpu.memory_space<vmem>>, vector<16xi32>,
        %parallel_loop3A_150 = arith.constant 65535 : i32
        %parallel_loop3A_151 = vector.broadcast %parallel_loop3A_150 : i32 to vector<16xi32>
        %parallel_loop3A_152 = arith.andi %parallel_loop3A_149, %parallel_loop3A_151 : vector<16xi32>
        %parallel_loop3A_153 = arith.constant 16 : i32
        %parallel_loop3A_154 = vector.broadcast %parallel_loop3A_153 : i32 to vector<16xi32>
        %parallel_loop3A_155 = arith.shrui %parallel_loop3A_149, %parallel_loop3A_154 : vector<16xi32>
        %parallel_loop3A_156 = tpu.vector_load_idx %arg6[%parallel_loop3A_152] : memref<50176xf32, #tpu.memory_space<vmem>>[vector<16xi32>], vector<16xf32>,
        tpu.vector_store_idx %arg5[%parallel_loop3A_155], %parallel_loop3A_156 {add = true} : memref<50176xf32, #tpu.memory_space<vmem>>[vector<16xi32>], vector<16xf32>,
        %parallel_loop3A_157 = arith.index_cast %rem3A_93 : i32 to index
        %parallel_loop3A_158 = arith.index_cast %parallel_loop3A_112 : i32 to index
        %parallel_loop3A_159 = arith.constant 64 : index
        %parallel_loop3A_160 = tpu.vector_load %arg7[%parallel_loop3A_157, %parallel_loop3A_158, %parallel_loop3A_159] {strides = array<i32>} : memref<2x40x128xi32, #tpu.memory_space<vmem>>, vector<16xi32>,
        %parallel_loop3A_161 = arith.constant 65535 : i32
        %parallel_loop3A_162 = vector.broadcast %parallel_loop3A_161 : i32 to vector<16xi32>
        %parallel_loop3A_163 = arith.andi %parallel_loop3A_160, %parallel_loop3A_162 : vector<16xi32>
        %parallel_loop3A_164 = arith.constant 16 : i32
        %parallel_loop3A_165 = vector.broadcast %parallel_loop3A_164 : i32 to vector<16xi32>
        %parallel_loop3A_166 = arith.shrui %parallel_loop3A_160, %parallel_loop3A_165 : vector<16xi32>
        %parallel_loop3A_167 = tpu.vector_load_idx %arg6[%parallel_loop3A_163] : memref<50176xf32, #tpu.memory_space<vmem>>[vector<16xi32>], vector<16xf32>,
        tpu.vector_store_idx %arg5[%parallel_loop3A_166], %parallel_loop3A_167 {add = true} : memref<50176xf32, #tpu.memory_space<vmem>>[vector<16xi32>], vector<16xf32>,
        %parallel_loop3A_168 = arith.index_cast %rem3A_93 : i32 to index
        %parallel_loop3A_169 = arith.index_cast %parallel_loop3A_112 : i32 to index
        %parallel_loop3A_170 = arith.constant 80 : index
        %parallel_loop3A_171 = tpu.vector_load %arg7[%parallel_loop3A_168, %parallel_loop3A_169, %parallel_loop3A_170] {strides = array<i32>} : memref<2x40x128xi32, #tpu.memory_space<vmem>>, vector<16xi32>,
        %parallel_loop3A_172 = arith.constant 65535 : i32
        %parallel_loop3A_173 = vector.broadcast %parallel_loop3A_172 : i32 to vector<16xi32>
        %parallel_loop3A_174 = arith.andi %parallel_loop3A_171, %parallel_loop3A_173 : vector<16xi32>
        %parallel_loop3A_175 = arith.constant 16 : i32
        %parallel_loop3A_176 = vector.broadcast %parallel_loop3A_175 : i32 to vector<16xi32>
        %parallel_loop3A_177 = arith.shrui %parallel_loop3A_171, %parallel_loop3A_176 : vector<16xi32>
        %parallel_loop3A_178 = tpu.vector_load_idx %arg6[%parallel_loop3A_174] : memref<50176xf32, #tpu.memory_space<vmem>>[vector<16xi32>], vector<16xf32>,
        tpu.vector_store_idx %arg5[%parallel_loop3A_177], %parallel_loop3A_178 {add = true} : memref<50176xf32, #tpu.memory_space<vmem>>[vector<16xi32>], vector<16xf32>,
        %parallel_loop3A_179 = arith.index_cast %rem3A_93 : i32 to index
        %parallel_loop3A_180 = arith.index_cast %parallel_loop3A_112 : i32 to index
        %parallel_loop3A_181 = arith.constant 96 : index
        %parallel_loop3A_182 = tpu.vector_load %arg7[%parallel_loop3A_179, %parallel_loop3A_180, %parallel_loop3A_181] {strides = array<i32>} : memref<2x40x128xi32, #tpu.memory_space<vmem>>, vector<16xi32>,
        %parallel_loop3A_183 = arith.constant 65535 : i32
        %parallel_loop3A_184 = vector.broadcast %parallel_loop3A_183 : i32 to vector<16xi32>
        %parallel_loop3A_185 = arith.andi %parallel_loop3A_182, %parallel_loop3A_184 : vector<16xi32>
        %parallel_loop3A_186 = arith.constant 16 : i32
        %parallel_loop3A_187 = vector.broadcast %parallel_loop3A_186 : i32 to vector<16xi32>
        %parallel_loop3A_188 = arith.shrui %parallel_loop3A_182, %parallel_loop3A_187 : vector<16xi32>
        %parallel_loop3A_189 = tpu.vector_load_idx %arg6[%parallel_loop3A_185] : memref<50176xf32, #tpu.memory_space<vmem>>[vector<16xi32>], vector<16xf32>,
        tpu.vector_store_idx %arg5[%parallel_loop3A_188], %parallel_loop3A_189 {add = true} : memref<50176xf32, #tpu.memory_space<vmem>>[vector<16xi32>], vector<16xf32>,
        %parallel_loop3A_190 = arith.index_cast %rem3A_93 : i32 to index
        %parallel_loop3A_191 = arith.index_cast %parallel_loop3A_112 : i32 to index
        %parallel_loop3A_192 = arith.constant 112 : index
        %parallel_loop3A_193 = tpu.vector_load %arg7[%parallel_loop3A_190, %parallel_loop3A_191, %parallel_loop3A_192] {strides = array<i32>} : memref<2x40x128xi32, #tpu.memory_space<vmem>>, vector<16xi32>,
        %parallel_loop3A_194 = arith.constant 65535 : i32
        %parallel_loop3A_195 = vector.broadcast %parallel_loop3A_194 : i32 to vector<16xi32>
        %parallel_loop3A_196 = arith.andi %parallel_loop3A_193, %parallel_loop3A_195 : vector<16xi32>
        %parallel_loop3A_197 = arith.constant 16 : i32
        %parallel_loop3A_198 = vector.broadcast %parallel_loop3A_197 : i32 to vector<16xi32>
        %parallel_loop3A_199 = arith.shrui %parallel_loop3A_193, %parallel_loop3A_198 : vector<16xi32>
        %parallel_loop3A_200 = tpu.vector_load_idx %arg6[%parallel_loop3A_196] : memref<50176xf32, #tpu.memory_space<vmem>>[vector<16xi32>], vector<16xf32>,
        tpu.vector_store_idx %arg5[%parallel_loop3A_199], %parallel_loop3A_200 {add = true} : memref<50176xf32, #tpu.memory_space<vmem>>[vector<16xi32>], vector<16xf32>,
      } {sc.loop_unroll_factor = 8 : i64, sc.parallel_access}
    }
    %while3A_88 = arith.constant 1 : i32
    scf.for %while3A_91 = %while3A_86 to %while3A_82 step %while3A_88  : i32 {
      %rem3A_92 = arith.constant 2 : i32
      %rem3A_93 = arith.remsi %while3A_91, %rem3A_92 : i32
      %add3A_94 = arith.constant 1 : i32
      %add3A_95 = arith.addi %while3A_91, %add3A_94 : i32
      %lt3A = arith.cmpi slt, %add3A_95, %select_n3A_59 : i32
      %convert_element_type3A = arith.extui %lt3A : i1 to i32
      %cond3A = arith.constant 0 : i32
      %cond3A_96 = arith.cmpi ne, %convert_element_type3A, %cond3A : i32
      scf.if %cond3A_96 {
        %add3A_112 = arith.constant 1 : i32
        %add3A_113 = arith.addi %while3A_91, %add3A_112 : i32
        %sub3A_114 = arith.constant 1 : i32
        %sub3A_115 = arith.subi %sub3A_114, %rem3A_93 : i32
        %mul3A_116 = arith.constant 40 : i32
        %mul3A_117 = arith.muli %add3A_113, %mul3A_116 : i32
        %add3A_118 = arith.addi %mul3A_21, %mul3A_117 : i32
        %dma_start3A_119 = arith.constant 0 : i32
        %dma_start3A_120 = arith.constant 0 : i32
        %dma_start3A_121 = tpu.memref_slice %arg7[%sub3A_115, %dma_start3A_119, %dma_start3A_120] : memref<2x40x128xi32, #tpu.memory_space<vmem>> -> memref<1x40x128xi32, #tpu.memory_space<vmem>>
        %dma_start3A_122 = tpu.memref_squeeze %dma_start3A_121 : memref<1x40x128xi32, #tpu.memory_space<vmem>> -> memref<40x128xi32, #tpu.memory_space<vmem>>
        %dma_start3A_123 = arith.constant 0 : i32
        %dma_start3A_124 = tpu.memref_slice %arg3[%add3A_118, %dma_start3A_123] : memref<25600x128xi32, #tpu.memory_space<hbm>> -> memref<40x128xi32, #tpu.memory_space<hbm>>
        %dma_start3A_125 = tpu.memref_slice %arg8[%sub3A_115] : memref<2x!tpu.dma_semaphore, #tpu.memory_space<semaphore_mem>> -> memref<1x!tpu.dma_semaphore, #tpu.memory_space<semaphore_mem>>
        %dma_start3A_126 = tpu.memref_squeeze %dma_start3A_125 : memref<1x!tpu.dma_semaphore, #tpu.memory_space<semaphore_mem>> -> memref<!tpu.dma_semaphore, #tpu.memory_space<semaphore_mem>>
        %dma_start3A_127 = arith.constant 0 : i32
        %dma_start3A_128 = arith.constant 0 : i32
        %dma_start3A_129 = tpu.memref_slice %arg7[%sub3A_115, %dma_start3A_127, %dma_start3A_128] : memref<2x40x128xi32, #tpu.memory_space<vmem>> -> memref<1x40x128xi32, #tpu.memory_space<vmem>>
        %dma_start3A_130 = tpu.memref_squeeze %dma_start3A_129 : memref<1x40x128xi32, #tpu.memory_space<vmem>> -> memref<40x128xi32, #tpu.memory_space<vmem>>
        %dma_start3A_131 = arith.constant 0 : i32
        %dma_start3A_132 = tpu.memref_slice %arg3[%add3A_118, %dma_start3A_131] : memref<25600x128xi32, #tpu.memory_space<hbm>> -> memref<40x128xi32, #tpu.memory_space<hbm>>
        tpu.enqueue_dma source(%dma_start3A_132 : memref<40x128xi32, #tpu.memory_space<hbm>>) target(%dma_start3A_130 : memref<40x128xi32, #tpu.memory_space<vmem>>) target_semaphore(%dma_start3A_126 : memref<!tpu.dma_semaphore, #tpu.memory_space<semaphore_mem>>)
      } else {
      }
      %dma_wait3A = arith.constant 0 : i32
      %dma_wait3A_97 = arith.constant 0 : i32
      %dma_wait3A_98 = tpu.memref_slice %arg7[%rem3A_93, %dma_wait3A, %dma_wait3A_97] : memref<2x40x128xi32, #tpu.memory_space<vmem>> -> memref<1x40x128xi32, #tpu.memory_space<vmem>>
      %dma_wait3A_99 = tpu.memref_squeeze %dma_wait3A_98 : memref<1x40x128xi32, #tpu.memory_space<vmem>> -> memref<40x128xi32, #tpu.memory_space<vmem>>
      %dma_wait3A_100 = arith.constant 0 : i32
      %dma_wait3A_101 = tpu.memref_slice %arg3[%mul3A_21, %dma_wait3A_100] : memref<25600x128xi32, #tpu.memory_space<hbm>> -> memref<40x128xi32, #tpu.memory_space<hbm>>
      %dma_wait3A_102 = tpu.memref_slice %arg8[%rem3A_93] : memref<2x!tpu.dma_semaphore, #tpu.memory_space<semaphore_mem>> -> memref<1x!tpu.dma_semaphore, #tpu.memory_space<semaphore_mem>>
      %dma_wait3A_103 = tpu.memref_squeeze %dma_wait3A_102 : memref<1x!tpu.dma_semaphore, #tpu.memory_space<semaphore_mem>> -> memref<!tpu.dma_semaphore, #tpu.memory_space<semaphore_mem>>
      %dma_wait3A_104 = arith.constant 0 : i32
      %dma_wait3A_105 = arith.constant 0 : i32
      %dma_wait3A_106 = tpu.memref_slice %arg7[%rem3A_93, %dma_wait3A_104, %dma_wait3A_105] : memref<2x40x128xi32, #tpu.memory_space<vmem>> -> memref<1x40x128xi32, #tpu.memory_space<vmem>>
      %dma_wait3A_107 = tpu.memref_squeeze %dma_wait3A_106 : memref<1x40x128xi32, #tpu.memory_space<vmem>> -> memref<40x128xi32, #tpu.memory_space<vmem>>
      %dma_wait3A_108 = arith.constant 0 : i32
      %dma_wait3A_109 = tpu.memref_slice %arg3[%mul3A_21, %dma_wait3A_108] : memref<25600x128xi32, #tpu.memory_space<hbm>> -> memref<40x128xi32, #tpu.memory_space<hbm>>
      tpu.wait_dma2 semaphore(%dma_wait3A_103 : memref<!tpu.dma_semaphore, #tpu.memory_space<semaphore_mem>>) src(%dma_wait3A_109 : memref<40x128xi32, #tpu.memory_space<hbm>>) dst(%dma_wait3A_107 : memref<40x128xi32, #tpu.memory_space<vmem>>)
      %parallel_loop3A = arith.constant 0 : i32
      %parallel_loop3A_110 = arith.constant 40 : i32
      %parallel_loop3A_111 = arith.constant 1 : i32
      scf.for %parallel_loop3A_112 = %parallel_loop3A to %parallel_loop3A_110 step %parallel_loop3A_111  : i32 {
        %parallel_loop3A_113 = arith.index_cast %rem3A_93 : i32 to index
        %parallel_loop3A_114 = arith.index_cast %parallel_loop3A_112 : i32 to index
        %parallel_loop3A_115 = arith.constant 0 : index
        %parallel_loop3A_116 = tpu.vector_load %arg7[%parallel_loop3A_113, %parallel_loop3A_114, %parallel_loop3A_115] {strides = array<i32>} : memref<2x40x128xi32, #tpu.memory_space<vmem>>, vector<16xi32>,
        %parallel_loop3A_117 = arith.constant 65535 : i32
        %parallel_loop3A_118 = vector.broadcast %parallel_loop3A_117 : i32 to vector<16xi32>
        %parallel_loop3A_119 = arith.andi %parallel_loop3A_116, %parallel_loop3A_118 : vector<16xi32>
        %parallel_loop3A_120 = arith.constant 16 : i32
        %parallel_loop3A_121 = vector.broadcast %parallel_loop3A_120 : i32 to vector<16xi32>
        %parallel_loop3A_122 = arith.shrui %parallel_loop3A_116, %parallel_loop3A_121 : vector<16xi32>
        %parallel_loop3A_123 = tpu.vector_load_idx %arg6[%parallel_loop3A_119] : memref<50176xf32, #tpu.memory_space<vmem>>[vector<16xi32>], vector<16xf32>,
        tpu.vector_store_idx %arg5[%parallel_loop3A_122], %parallel_loop3A_123 {add = true} : memref<50176xf32, #tpu.memory_space<vmem>>[vector<16xi32>], vector<16xf32>,
        %parallel_loop3A_124 = arith.index_cast %rem3A_93 : i32 to index
        %parallel_loop3A_125 = arith.index_cast %parallel_loop3A_112 : i32 to index
        %parallel_loop3A_126 = arith.constant 16 : index
        %parallel_loop3A_127 = tpu.vector_load %arg7[%parallel_loop3A_124, %parallel_loop3A_125, %parallel_loop3A_126] {strides = array<i32>} : memref<2x40x128xi32, #tpu.memory_space<vmem>>, vector<16xi32>,
        %parallel_loop3A_128 = arith.constant 65535 : i32
        %parallel_loop3A_129 = vector.broadcast %parallel_loop3A_128 : i32 to vector<16xi32>
        %parallel_loop3A_130 = arith.andi %parallel_loop3A_127, %parallel_loop3A_129 : vector<16xi32>
        %parallel_loop3A_131 = arith.constant 16 : i32
        %parallel_loop3A_132 = vector.broadcast %parallel_loop3A_131 : i32 to vector<16xi32>
        %parallel_loop3A_133 = arith.shrui %parallel_loop3A_127, %parallel_loop3A_132 : vector<16xi32>
        %parallel_loop3A_134 = tpu.vector_load_idx %arg6[%parallel_loop3A_130] : memref<50176xf32, #tpu.memory_space<vmem>>[vector<16xi32>], vector<16xf32>,
        tpu.vector_store_idx %arg5[%parallel_loop3A_133], %parallel_loop3A_134 {add = true} : memref<50176xf32, #tpu.memory_space<vmem>>[vector<16xi32>], vector<16xf32>,
        %parallel_loop3A_135 = arith.index_cast %rem3A_93 : i32 to index
        %parallel_loop3A_136 = arith.index_cast %parallel_loop3A_112 : i32 to index
        %parallel_loop3A_137 = arith.constant 32 : index
        %parallel_loop3A_138 = tpu.vector_load %arg7[%parallel_loop3A_135, %parallel_loop3A_136, %parallel_loop3A_137] {strides = array<i32>} : memref<2x40x128xi32, #tpu.memory_space<vmem>>, vector<16xi32>,
        %parallel_loop3A_139 = arith.constant 65535 : i32
        %parallel_loop3A_140 = vector.broadcast %parallel_loop3A_139 : i32 to vector<16xi32>
        %parallel_loop3A_141 = arith.andi %parallel_loop3A_138, %parallel_loop3A_140 : vector<16xi32>
        %parallel_loop3A_142 = arith.constant 16 : i32
        %parallel_loop3A_143 = vector.broadcast %parallel_loop3A_142 : i32 to vector<16xi32>
        %parallel_loop3A_144 = arith.shrui %parallel_loop3A_138, %parallel_loop3A_143 : vector<16xi32>
        %parallel_loop3A_145 = tpu.vector_load_idx %arg6[%parallel_loop3A_141] : memref<50176xf32, #tpu.memory_space<vmem>>[vector<16xi32>], vector<16xf32>,
        tpu.vector_store_idx %arg5[%parallel_loop3A_144], %parallel_loop3A_145 {add = true} : memref<50176xf32, #tpu.memory_space<vmem>>[vector<16xi32>], vector<16xf32>,
        %parallel_loop3A_146 = arith.index_cast %rem3A_93 : i32 to index
        %parallel_loop3A_147 = arith.index_cast %parallel_loop3A_112 : i32 to index
        %parallel_loop3A_148 = arith.constant 48 : index
        %parallel_loop3A_149 = tpu.vector_load %arg7[%parallel_loop3A_146, %parallel_loop3A_147, %parallel_loop3A_148] {strides = array<i32>} : memref<2x40x128xi32, #tpu.memory_space<vmem>>, vector<16xi32>,
        %parallel_loop3A_150 = arith.constant 65535 : i32
        %parallel_loop3A_151 = vector.broadcast %parallel_loop3A_150 : i32 to vector<16xi32>
        %parallel_loop3A_152 = arith.andi %parallel_loop3A_149, %parallel_loop3A_151 : vector<16xi32>
        %parallel_loop3A_153 = arith.constant 16 : i32
        %parallel_loop3A_154 = vector.broadcast %parallel_loop3A_153 : i32 to vector<16xi32>
        %parallel_loop3A_155 = arith.shrui %parallel_loop3A_149, %parallel_loop3A_154 : vector<16xi32>
        %parallel_loop3A_156 = tpu.vector_load_idx %arg6[%parallel_loop3A_152] : memref<50176xf32, #tpu.memory_space<vmem>>[vector<16xi32>], vector<16xf32>,
        tpu.vector_store_idx %arg5[%parallel_loop3A_155], %parallel_loop3A_156 {add = true} : memref<50176xf32, #tpu.memory_space<vmem>>[vector<16xi32>], vector<16xf32>,
        %parallel_loop3A_157 = arith.index_cast %rem3A_93 : i32 to index
        %parallel_loop3A_158 = arith.index_cast %parallel_loop3A_112 : i32 to index
        %parallel_loop3A_159 = arith.constant 64 : index
        %parallel_loop3A_160 = tpu.vector_load %arg7[%parallel_loop3A_157, %parallel_loop3A_158, %parallel_loop3A_159] {strides = array<i32>} : memref<2x40x128xi32, #tpu.memory_space<vmem>>, vector<16xi32>,
        %parallel_loop3A_161 = arith.constant 65535 : i32
        %parallel_loop3A_162 = vector.broadcast %parallel_loop3A_161 : i32 to vector<16xi32>
        %parallel_loop3A_163 = arith.andi %parallel_loop3A_160, %parallel_loop3A_162 : vector<16xi32>
        %parallel_loop3A_164 = arith.constant 16 : i32
        %parallel_loop3A_165 = vector.broadcast %parallel_loop3A_164 : i32 to vector<16xi32>
        %parallel_loop3A_166 = arith.shrui %parallel_loop3A_160, %parallel_loop3A_165 : vector<16xi32>
        %parallel_loop3A_167 = tpu.vector_load_idx %arg6[%parallel_loop3A_163] : memref<50176xf32, #tpu.memory_space<vmem>>[vector<16xi32>], vector<16xf32>,
        tpu.vector_store_idx %arg5[%parallel_loop3A_166], %parallel_loop3A_167 {add = true} : memref<50176xf32, #tpu.memory_space<vmem>>[vector<16xi32>], vector<16xf32>,
        %parallel_loop3A_168 = arith.index_cast %rem3A_93 : i32 to index
        %parallel_loop3A_169 = arith.index_cast %parallel_loop3A_112 : i32 to index
        %parallel_loop3A_170 = arith.constant 80 : index
        %parallel_loop3A_171 = tpu.vector_load %arg7[%parallel_loop3A_168, %parallel_loop3A_169, %parallel_loop3A_170] {strides = array<i32>} : memref<2x40x128xi32, #tpu.memory_space<vmem>>, vector<16xi32>,
        %parallel_loop3A_172 = arith.constant 65535 : i32
        %parallel_loop3A_173 = vector.broadcast %parallel_loop3A_172 : i32 to vector<16xi32>
        %parallel_loop3A_174 = arith.andi %parallel_loop3A_171, %parallel_loop3A_173 : vector<16xi32>
        %parallel_loop3A_175 = arith.constant 16 : i32
        %parallel_loop3A_176 = vector.broadcast %parallel_loop3A_175 : i32 to vector<16xi32>
        %parallel_loop3A_177 = arith.shrui %parallel_loop3A_171, %parallel_loop3A_176 : vector<16xi32>
        %parallel_loop3A_178 = tpu.vector_load_idx %arg6[%parallel_loop3A_174] : memref<50176xf32, #tpu.memory_space<vmem>>[vector<16xi32>], vector<16xf32>,
        tpu.vector_store_idx %arg5[%parallel_loop3A_177], %parallel_loop3A_178 {add = true} : memref<50176xf32, #tpu.memory_space<vmem>>[vector<16xi32>], vector<16xf32>,
        %parallel_loop3A_179 = arith.index_cast %rem3A_93 : i32 to index
        %parallel_loop3A_180 = arith.index_cast %parallel_loop3A_112 : i32 to index
        %parallel_loop3A_181 = arith.constant 96 : index
        %parallel_loop3A_182 = tpu.vector_load %arg7[%parallel_loop3A_179, %parallel_loop3A_180, %parallel_loop3A_181] {strides = array<i32>} : memref<2x40x128xi32, #tpu.memory_space<vmem>>, vector<16xi32>,
        %parallel_loop3A_183 = arith.constant 65535 : i32
        %parallel_loop3A_184 = vector.broadcast %parallel_loop3A_183 : i32 to vector<16xi32>
        %parallel_loop3A_185 = arith.andi %parallel_loop3A_182, %parallel_loop3A_184 : vector<16xi32>
        %parallel_loop3A_186 = arith.constant 16 : i32
        %parallel_loop3A_187 = vector.broadcast %parallel_loop3A_186 : i32 to vector<16xi32>
        %parallel_loop3A_188 = arith.shrui %parallel_loop3A_182, %parallel_loop3A_187 : vector<16xi32>
        %parallel_loop3A_189 = tpu.vector_load_idx %arg6[%parallel_loop3A_185] : memref<50176xf32, #tpu.memory_space<vmem>>[vector<16xi32>], vector<16xf32>,
        tpu.vector_store_idx %arg5[%parallel_loop3A_188], %parallel_loop3A_189 {add = true} : memref<50176xf32, #tpu.memory_space<vmem>>[vector<16xi32>], vector<16xf32>,
        %parallel_loop3A_190 = arith.index_cast %rem3A_93 : i32 to index
        %parallel_loop3A_191 = arith.index_cast %parallel_loop3A_112 : i32 to index
        %parallel_loop3A_192 = arith.constant 112 : index
        %parallel_loop3A_193 = tpu.vector_load %arg7[%parallel_loop3A_190, %parallel_loop3A_191, %parallel_loop3A_192] {strides = array<i32>} : memref<2x40x128xi32, #tpu.memory_space<vmem>>, vector<16xi32>,
        %parallel_loop3A_194 = arith.constant 65535 : i32
        %parallel_loop3A_195 = vector.broadcast %parallel_loop3A_194 : i32 to vector<16xi32>
        %parallel_loop3A_196 = arith.andi %parallel_loop3A_193, %parallel_loop3A_195 : vector<16xi32>
        %parallel_loop3A_197 = arith.constant 16 : i32
        %parallel_loop3A_198 = vector.broadcast %parallel_loop3A_197 : i32 to vector<16xi32>
        %parallel_loop3A_199 = arith.shrui %parallel_loop3A_193, %parallel_loop3A_198 : vector<16xi32>
        %parallel_loop3A_200 = tpu.vector_load_idx %arg6[%parallel_loop3A_196] : memref<50176xf32, #tpu.memory_space<vmem>>[vector<16xi32>], vector<16xf32>,
        tpu.vector_store_idx %arg5[%parallel_loop3A_199], %parallel_loop3A_200 {add = true} : memref<50176xf32, #tpu.memory_space<vmem>>[vector<16xi32>], vector<16xf32>,
      } {sc.loop_unroll_factor = 8 : i64, sc.parallel_access}
    }
    %mul3A_89 = arith.constant 50176 : i32
    %mul3A_90 = arith.muli %add3A, %mul3A_89 : i32
    "tpu.region"() ({
      %run_scoped3A_91 = tpu.sem_alloc : memref<!tpu.dma_semaphore, #tpu.memory_space<semaphore_mem>>
      %dma_start3A_92 = tpu.memref_slice %arg4[%mul3A_90] : memref<1605632xf32, #tpu.memory_space<hbm>> -> memref<50176xf32, #tpu.memory_space<hbm>>
      %dma_start3A_93 = tpu.memref_slice %arg4[%mul3A_90] : memref<1605632xf32, #tpu.memory_space<hbm>> -> memref<50176xf32, #tpu.memory_space<hbm>>
      tpu.enqueue_dma source(%arg5 : memref<50176xf32, #tpu.memory_space<vmem>>) target(%dma_start3A_93 : memref<50176xf32, #tpu.memory_space<hbm>>) target_semaphore(%run_scoped3A_91 : memref<!tpu.dma_semaphore, #tpu.memory_space<semaphore_mem>>)
      %dma_wait3A = tpu.memref_slice %arg4[%mul3A_90] : memref<1605632xf32, #tpu.memory_space<hbm>> -> memref<50176xf32, #tpu.memory_space<hbm>>
      %dma_wait3A_94 = tpu.memref_slice %arg4[%mul3A_90] : memref<1605632xf32, #tpu.memory_space<hbm>> -> memref<50176xf32, #tpu.memory_space<hbm>>
      tpu.wait_dma2 semaphore(%run_scoped3A_91 : memref<!tpu.dma_semaphore, #tpu.memory_space<semaphore_mem>>) src(%arg5 : memref<50176xf32, #tpu.memory_space<vmem>>) dst(%dma_wait3A_94 : memref<50176xf32, #tpu.memory_space<hbm>>)
      tpu.yield
    }) : () -> ()
    return
  }
}

#map = affine_map<(d0, d1) -> (0, 0)>
#map1 = affine_map<(d0, d1) -> (0)>
module attributes {stable_mosaic.version = 14 : i64} {
  func.func @deg_kernel(%arg0: i32, %arg1: i32, %arg2: memref<25600x128xi32, #tpu.memory_space<hbm>>, %arg3: memref<1605632xf32, #tpu.memory_space<hbm>>, %arg4: memref<50176xf32, #tpu.memory_space<vmem>>, %arg5: memref<2x40x128xi32, #tpu.memory_space<vmem>>, %arg6: memref<2x!tpu.dma_semaphore, #tpu.memory_space<semaphore_mem>>) attributes {dimension_semantics = [#tpu.dimension_semantics<core_parallel>, #tpu.dimension_semantics<subcore_parallel>], iteration_bounds = array<i64: 2, 16>, scalar_prefetch = 0 : i64, scratch_operands = 3 : i64, tpu.core_type = #tpu.core_type<sc_vector_subcore>, window_params = [{transform_indices = #map}, {transform_indices = #map1}]} {
    %mul3A = arith.constant 16 : i32
    %mul3A_0 = arith.muli %arg0, %mul3A : i32
    %add3A = arith.addi %mul3A_0, %arg1 : i32
    %broadcast_in_dim3A = arith.constant 1.000000e+00 : f32
    %broadcast_in_dim3A_1 = vector.broadcast %broadcast_in_dim3A : f32 to vector<16xf32>
    %broadcast_in_dim3A_2 = arith.constant 0.000000e+00 : f32
    %broadcast_in_dim3A_3 = vector.broadcast %broadcast_in_dim3A_2 : f32 to vector<16xf32>
    %while3A = arith.constant 0 : i32
    %while3A_4 = arith.constant 0 : i32
    %while3A_5 = arith.constant 3136 : i32
    %while3A_6 = arith.subi %while3A_5, %while3A_4 : i32
    %while3A_7 = arith.addi %while3A_4, %while3A_6 : i32
    %while3A_8 = arith.constant 1 : i32
    %while3A_9 = arith.divsi %while3A_6, %while3A_8 : i32
    %while3A_10 = arith.muli %while3A_9, %while3A_8 : i32
    %while3A_11 = arith.addi %while3A_4, %while3A_10 : i32
    %while3A_12 = arith.constant 1 : i32
    scf.for %while3A_48 = %while3A_4 to %while3A_11 step %while3A_12  : i32 {
      %mul3A_49 = arith.constant 16 : i32
      %mul3A_50 = arith.muli %while3A_48, %mul3A_49 : i32
      %swap3A = arith.index_cast %mul3A_50 : i32 to index
      %swap3A_51 = tpu.vector_load %arg4[%swap3A] {strides = array<i32>} : memref<50176xf32, #tpu.memory_space<vmem>>, vector<16xf32>,
      tpu.vector_store %arg4[%swap3A], %broadcast_in_dim3A_3 {strides = array<i32>} : memref<50176xf32, #tpu.memory_space<vmem>>, vector<16xf32>,
    }
    %while3A_13 = arith.constant 1 : i32
    scf.for %while3A_48 = %while3A_11 to %while3A_7 step %while3A_13  : i32 {
      %mul3A_49 = arith.constant 16 : i32
      %mul3A_50 = arith.muli %while3A_48, %mul3A_49 : i32
      %swap3A = arith.index_cast %mul3A_50 : i32 to index
      %swap3A_51 = tpu.vector_load %arg4[%swap3A] {strides = array<i32>} : memref<50176xf32, #tpu.memory_space<vmem>>, vector<16xf32>,
      tpu.vector_store %arg4[%swap3A], %broadcast_in_dim3A_3 {strides = array<i32>} : memref<50176xf32, #tpu.memory_space<vmem>>, vector<16xf32>,
    }
    %mul3A_14 = arith.constant 800 : i32
    %mul3A_15 = arith.muli %add3A, %mul3A_14 : i32
    %mul3A_16 = arith.constant 0 : i32
    %mul3A_17 = arith.constant 40 : i32
    %mul3A_18 = arith.muli %mul3A_16, %mul3A_17 : i32
    %add3A_19 = arith.addi %mul3A_15, %mul3A_18 : i32
    %dma_start3A = arith.constant 0 : i32
    %dma_start3A_20 = arith.constant 0 : i32
    %dma_start3A_21 = arith.constant 0 : i32
    %dma_start3A_22 = arith.constant 0 : i32
    %dma_start3A_23 = tpu.memref_slice %arg5[%dma_start3A, %dma_start3A_21, %dma_start3A_22] : memref<2x40x128xi32, #tpu.memory_space<vmem>> -> memref<1x40x128xi32, #tpu.memory_space<vmem>>
    %dma_start3A_24 = tpu.memref_squeeze %dma_start3A_23 : memref<1x40x128xi32, #tpu.memory_space<vmem>> -> memref<40x128xi32, #tpu.memory_space<vmem>>
    %dma_start3A_25 = arith.constant 0 : i32
    %dma_start3A_26 = tpu.memref_slice %arg2[%add3A_19, %dma_start3A_25] : memref<25600x128xi32, #tpu.memory_space<hbm>> -> memref<40x128xi32, #tpu.memory_space<hbm>>
    %dma_start3A_27 = tpu.memref_slice %arg6[%dma_start3A_20] : memref<2x!tpu.dma_semaphore, #tpu.memory_space<semaphore_mem>> -> memref<1x!tpu.dma_semaphore, #tpu.memory_space<semaphore_mem>>
    %dma_start3A_28 = tpu.memref_squeeze %dma_start3A_27 : memref<1x!tpu.dma_semaphore, #tpu.memory_space<semaphore_mem>> -> memref<!tpu.dma_semaphore, #tpu.memory_space<semaphore_mem>>
    %dma_start3A_29 = arith.constant 0 : i32
    %dma_start3A_30 = arith.constant 0 : i32
    %dma_start3A_31 = tpu.memref_slice %arg5[%dma_start3A, %dma_start3A_29, %dma_start3A_30] : memref<2x40x128xi32, #tpu.memory_space<vmem>> -> memref<1x40x128xi32, #tpu.memory_space<vmem>>
    %dma_start3A_32 = tpu.memref_squeeze %dma_start3A_31 : memref<1x40x128xi32, #tpu.memory_space<vmem>> -> memref<40x128xi32, #tpu.memory_space<vmem>>
    %dma_start3A_33 = arith.constant 0 : i32
    %dma_start3A_34 = tpu.memref_slice %arg2[%add3A_19, %dma_start3A_33] : memref<25600x128xi32, #tpu.memory_space<hbm>> -> memref<40x128xi32, #tpu.memory_space<hbm>>
    tpu.enqueue_dma source(%dma_start3A_34 : memref<40x128xi32, #tpu.memory_space<hbm>>) target(%dma_start3A_32 : memref<40x128xi32, #tpu.memory_space<vmem>>) target_semaphore(%dma_start3A_28 : memref<!tpu.dma_semaphore, #tpu.memory_space<semaphore_mem>>)
    %while3A_35 = arith.constant 0 : i32
    %while3A_36 = arith.constant 0 : i32
    %while3A_37 = arith.constant 20 : i32
    %while3A_38 = arith.subi %while3A_37, %while3A_36 : i32
    %while3A_39 = arith.addi %while3A_36, %while3A_38 : i32
    %while3A_40 = arith.constant 1 : i32
    %while3A_41 = arith.divsi %while3A_38, %while3A_40 : i32
    %while3A_42 = arith.muli %while3A_41, %while3A_40 : i32
    %while3A_43 = arith.addi %while3A_36, %while3A_42 : i32
    %while3A_44 = arith.constant 1 : i32
    scf.for %while3A_48 = %while3A_36 to %while3A_43 step %while3A_44  : i32 {
      %rem3A = arith.constant 2 : i32
      %rem3A_49 = arith.remsi %while3A_48, %rem3A : i32
      %add3A_50 = arith.constant 1 : i32
      %add3A_51 = arith.addi %while3A_48, %add3A_50 : i32
      %lt3A = arith.constant 20 : i32
      %lt3A_52 = arith.cmpi slt, %add3A_51, %lt3A : i32
      %convert_element_type3A = arith.extui %lt3A_52 : i1 to i32
      %cond3A = arith.constant 0 : i32
      %cond3A_53 = arith.cmpi ne, %convert_element_type3A, %cond3A : i32
      scf.if %cond3A_53 {
        %add3A_69 = arith.constant 1 : i32
        %add3A_70 = arith.addi %while3A_48, %add3A_69 : i32
        %sub3A = arith.constant 1 : i32
        %sub3A_71 = arith.subi %sub3A, %rem3A_49 : i32
        %mul3A_72 = arith.constant 40 : i32
        %mul3A_73 = arith.muli %add3A_70, %mul3A_72 : i32
        %add3A_74 = arith.addi %mul3A_15, %mul3A_73 : i32
        %dma_start3A_75 = arith.constant 0 : i32
        %dma_start3A_76 = arith.constant 0 : i32
        %dma_start3A_77 = tpu.memref_slice %arg5[%sub3A_71, %dma_start3A_75, %dma_start3A_76] : memref<2x40x128xi32, #tpu.memory_space<vmem>> -> memref<1x40x128xi32, #tpu.memory_space<vmem>>
        %dma_start3A_78 = tpu.memref_squeeze %dma_start3A_77 : memref<1x40x128xi32, #tpu.memory_space<vmem>> -> memref<40x128xi32, #tpu.memory_space<vmem>>
        %dma_start3A_79 = arith.constant 0 : i32
        %dma_start3A_80 = tpu.memref_slice %arg2[%add3A_74, %dma_start3A_79] : memref<25600x128xi32, #tpu.memory_space<hbm>> -> memref<40x128xi32, #tpu.memory_space<hbm>>
        %dma_start3A_81 = tpu.memref_slice %arg6[%sub3A_71] : memref<2x!tpu.dma_semaphore, #tpu.memory_space<semaphore_mem>> -> memref<1x!tpu.dma_semaphore, #tpu.memory_space<semaphore_mem>>
        %dma_start3A_82 = tpu.memref_squeeze %dma_start3A_81 : memref<1x!tpu.dma_semaphore, #tpu.memory_space<semaphore_mem>> -> memref<!tpu.dma_semaphore, #tpu.memory_space<semaphore_mem>>
        %dma_start3A_83 = arith.constant 0 : i32
        %dma_start3A_84 = arith.constant 0 : i32
        %dma_start3A_85 = tpu.memref_slice %arg5[%sub3A_71, %dma_start3A_83, %dma_start3A_84] : memref<2x40x128xi32, #tpu.memory_space<vmem>> -> memref<1x40x128xi32, #tpu.memory_space<vmem>>
        %dma_start3A_86 = tpu.memref_squeeze %dma_start3A_85 : memref<1x40x128xi32, #tpu.memory_space<vmem>> -> memref<40x128xi32, #tpu.memory_space<vmem>>
        %dma_start3A_87 = arith.constant 0 : i32
        %dma_start3A_88 = tpu.memref_slice %arg2[%add3A_74, %dma_start3A_87] : memref<25600x128xi32, #tpu.memory_space<hbm>> -> memref<40x128xi32, #tpu.memory_space<hbm>>
        tpu.enqueue_dma source(%dma_start3A_88 : memref<40x128xi32, #tpu.memory_space<hbm>>) target(%dma_start3A_86 : memref<40x128xi32, #tpu.memory_space<vmem>>) target_semaphore(%dma_start3A_82 : memref<!tpu.dma_semaphore, #tpu.memory_space<semaphore_mem>>)
      } else {
      }
      %dma_wait3A = arith.constant 0 : i32
      %dma_wait3A_54 = arith.constant 0 : i32
      %dma_wait3A_55 = tpu.memref_slice %arg5[%rem3A_49, %dma_wait3A, %dma_wait3A_54] : memref<2x40x128xi32, #tpu.memory_space<vmem>> -> memref<1x40x128xi32, #tpu.memory_space<vmem>>
      %dma_wait3A_56 = tpu.memref_squeeze %dma_wait3A_55 : memref<1x40x128xi32, #tpu.memory_space<vmem>> -> memref<40x128xi32, #tpu.memory_space<vmem>>
      %dma_wait3A_57 = arith.constant 0 : i32
      %dma_wait3A_58 = tpu.memref_slice %arg2[%mul3A_15, %dma_wait3A_57] : memref<25600x128xi32, #tpu.memory_space<hbm>> -> memref<40x128xi32, #tpu.memory_space<hbm>>
      %dma_wait3A_59 = tpu.memref_slice %arg6[%rem3A_49] : memref<2x!tpu.dma_semaphore, #tpu.memory_space<semaphore_mem>> -> memref<1x!tpu.dma_semaphore, #tpu.memory_space<semaphore_mem>>
      %dma_wait3A_60 = tpu.memref_squeeze %dma_wait3A_59 : memref<1x!tpu.dma_semaphore, #tpu.memory_space<semaphore_mem>> -> memref<!tpu.dma_semaphore, #tpu.memory_space<semaphore_mem>>
      %dma_wait3A_61 = arith.constant 0 : i32
      %dma_wait3A_62 = arith.constant 0 : i32
      %dma_wait3A_63 = tpu.memref_slice %arg5[%rem3A_49, %dma_wait3A_61, %dma_wait3A_62] : memref<2x40x128xi32, #tpu.memory_space<vmem>> -> memref<1x40x128xi32, #tpu.memory_space<vmem>>
      %dma_wait3A_64 = tpu.memref_squeeze %dma_wait3A_63 : memref<1x40x128xi32, #tpu.memory_space<vmem>> -> memref<40x128xi32, #tpu.memory_space<vmem>>
      %dma_wait3A_65 = arith.constant 0 : i32
      %dma_wait3A_66 = tpu.memref_slice %arg2[%mul3A_15, %dma_wait3A_65] : memref<25600x128xi32, #tpu.memory_space<hbm>> -> memref<40x128xi32, #tpu.memory_space<hbm>>
      tpu.wait_dma2 semaphore(%dma_wait3A_60 : memref<!tpu.dma_semaphore, #tpu.memory_space<semaphore_mem>>) src(%dma_wait3A_66 : memref<40x128xi32, #tpu.memory_space<hbm>>) dst(%dma_wait3A_64 : memref<40x128xi32, #tpu.memory_space<vmem>>)
      %parallel_loop3A = arith.constant 0 : i32
      %parallel_loop3A_67 = arith.constant 40 : i32
      %parallel_loop3A_68 = arith.constant 1 : i32
      scf.for %parallel_loop3A_69 = %parallel_loop3A to %parallel_loop3A_67 step %parallel_loop3A_68  : i32 {
        %parallel_loop3A_70 = arith.index_cast %rem3A_49 : i32 to index
        %parallel_loop3A_71 = arith.index_cast %parallel_loop3A_69 : i32 to index
        %parallel_loop3A_72 = arith.constant 0 : index
        %parallel_loop3A_73 = tpu.vector_load %arg5[%parallel_loop3A_70, %parallel_loop3A_71, %parallel_loop3A_72] {strides = array<i32>} : memref<2x40x128xi32, #tpu.memory_space<vmem>>, vector<16xi32>,
        %parallel_loop3A_74 = arith.constant 16 : i32
        %parallel_loop3A_75 = vector.broadcast %parallel_loop3A_74 : i32 to vector<16xi32>
        %parallel_loop3A_76 = arith.shrui %parallel_loop3A_73, %parallel_loop3A_75 : vector<16xi32>
        tpu.vector_store_idx %arg4[%parallel_loop3A_76], %broadcast_in_dim3A_1 {add = true} : memref<50176xf32, #tpu.memory_space<vmem>>[vector<16xi32>], vector<16xf32>,
        %parallel_loop3A_77 = arith.index_cast %rem3A_49 : i32 to index
        %parallel_loop3A_78 = arith.index_cast %parallel_loop3A_69 : i32 to index
        %parallel_loop3A_79 = arith.constant 16 : index
        %parallel_loop3A_80 = tpu.vector_load %arg5[%parallel_loop3A_77, %parallel_loop3A_78, %parallel_loop3A_79] {strides = array<i32>} : memref<2x40x128xi32, #tpu.memory_space<vmem>>, vector<16xi32>,
        %parallel_loop3A_81 = arith.constant 16 : i32
        %parallel_loop3A_82 = vector.broadcast %parallel_loop3A_81 : i32 to vector<16xi32>
        %parallel_loop3A_83 = arith.shrui %parallel_loop3A_80, %parallel_loop3A_82 : vector<16xi32>
        tpu.vector_store_idx %arg4[%parallel_loop3A_83], %broadcast_in_dim3A_1 {add = true} : memref<50176xf32, #tpu.memory_space<vmem>>[vector<16xi32>], vector<16xf32>,
        %parallel_loop3A_84 = arith.index_cast %rem3A_49 : i32 to index
        %parallel_loop3A_85 = arith.index_cast %parallel_loop3A_69 : i32 to index
        %parallel_loop3A_86 = arith.constant 32 : index
        %parallel_loop3A_87 = tpu.vector_load %arg5[%parallel_loop3A_84, %parallel_loop3A_85, %parallel_loop3A_86] {strides = array<i32>} : memref<2x40x128xi32, #tpu.memory_space<vmem>>, vector<16xi32>,
        %parallel_loop3A_88 = arith.constant 16 : i32
        %parallel_loop3A_89 = vector.broadcast %parallel_loop3A_88 : i32 to vector<16xi32>
        %parallel_loop3A_90 = arith.shrui %parallel_loop3A_87, %parallel_loop3A_89 : vector<16xi32>
        tpu.vector_store_idx %arg4[%parallel_loop3A_90], %broadcast_in_dim3A_1 {add = true} : memref<50176xf32, #tpu.memory_space<vmem>>[vector<16xi32>], vector<16xf32>,
        %parallel_loop3A_91 = arith.index_cast %rem3A_49 : i32 to index
        %parallel_loop3A_92 = arith.index_cast %parallel_loop3A_69 : i32 to index
        %parallel_loop3A_93 = arith.constant 48 : index
        %parallel_loop3A_94 = tpu.vector_load %arg5[%parallel_loop3A_91, %parallel_loop3A_92, %parallel_loop3A_93] {strides = array<i32>} : memref<2x40x128xi32, #tpu.memory_space<vmem>>, vector<16xi32>,
        %parallel_loop3A_95 = arith.constant 16 : i32
        %parallel_loop3A_96 = vector.broadcast %parallel_loop3A_95 : i32 to vector<16xi32>
        %parallel_loop3A_97 = arith.shrui %parallel_loop3A_94, %parallel_loop3A_96 : vector<16xi32>
        tpu.vector_store_idx %arg4[%parallel_loop3A_97], %broadcast_in_dim3A_1 {add = true} : memref<50176xf32, #tpu.memory_space<vmem>>[vector<16xi32>], vector<16xf32>,
        %parallel_loop3A_98 = arith.index_cast %rem3A_49 : i32 to index
        %parallel_loop3A_99 = arith.index_cast %parallel_loop3A_69 : i32 to index
        %parallel_loop3A_100 = arith.constant 64 : index
        %parallel_loop3A_101 = tpu.vector_load %arg5[%parallel_loop3A_98, %parallel_loop3A_99, %parallel_loop3A_100] {strides = array<i32>} : memref<2x40x128xi32, #tpu.memory_space<vmem>>, vector<16xi32>,
        %parallel_loop3A_102 = arith.constant 16 : i32
        %parallel_loop3A_103 = vector.broadcast %parallel_loop3A_102 : i32 to vector<16xi32>
        %parallel_loop3A_104 = arith.shrui %parallel_loop3A_101, %parallel_loop3A_103 : vector<16xi32>
        tpu.vector_store_idx %arg4[%parallel_loop3A_104], %broadcast_in_dim3A_1 {add = true} : memref<50176xf32, #tpu.memory_space<vmem>>[vector<16xi32>], vector<16xf32>,
        %parallel_loop3A_105 = arith.index_cast %rem3A_49 : i32 to index
        %parallel_loop3A_106 = arith.index_cast %parallel_loop3A_69 : i32 to index
        %parallel_loop3A_107 = arith.constant 80 : index
        %parallel_loop3A_108 = tpu.vector_load %arg5[%parallel_loop3A_105, %parallel_loop3A_106, %parallel_loop3A_107] {strides = array<i32>} : memref<2x40x128xi32, #tpu.memory_space<vmem>>, vector<16xi32>,
        %parallel_loop3A_109 = arith.constant 16 : i32
        %parallel_loop3A_110 = vector.broadcast %parallel_loop3A_109 : i32 to vector<16xi32>
        %parallel_loop3A_111 = arith.shrui %parallel_loop3A_108, %parallel_loop3A_110 : vector<16xi32>
        tpu.vector_store_idx %arg4[%parallel_loop3A_111], %broadcast_in_dim3A_1 {add = true} : memref<50176xf32, #tpu.memory_space<vmem>>[vector<16xi32>], vector<16xf32>,
        %parallel_loop3A_112 = arith.index_cast %rem3A_49 : i32 to index
        %parallel_loop3A_113 = arith.index_cast %parallel_loop3A_69 : i32 to index
        %parallel_loop3A_114 = arith.constant 96 : index
        %parallel_loop3A_115 = tpu.vector_load %arg5[%parallel_loop3A_112, %parallel_loop3A_113, %parallel_loop3A_114] {strides = array<i32>} : memref<2x40x128xi32, #tpu.memory_space<vmem>>, vector<16xi32>,
        %parallel_loop3A_116 = arith.constant 16 : i32
        %parallel_loop3A_117 = vector.broadcast %parallel_loop3A_116 : i32 to vector<16xi32>
        %parallel_loop3A_118 = arith.shrui %parallel_loop3A_115, %parallel_loop3A_117 : vector<16xi32>
        tpu.vector_store_idx %arg4[%parallel_loop3A_118], %broadcast_in_dim3A_1 {add = true} : memref<50176xf32, #tpu.memory_space<vmem>>[vector<16xi32>], vector<16xf32>,
        %parallel_loop3A_119 = arith.index_cast %rem3A_49 : i32 to index
        %parallel_loop3A_120 = arith.index_cast %parallel_loop3A_69 : i32 to index
        %parallel_loop3A_121 = arith.constant 112 : index
        %parallel_loop3A_122 = tpu.vector_load %arg5[%parallel_loop3A_119, %parallel_loop3A_120, %parallel_loop3A_121] {strides = array<i32>} : memref<2x40x128xi32, #tpu.memory_space<vmem>>, vector<16xi32>,
        %parallel_loop3A_123 = arith.constant 16 : i32
        %parallel_loop3A_124 = vector.broadcast %parallel_loop3A_123 : i32 to vector<16xi32>
        %parallel_loop3A_125 = arith.shrui %parallel_loop3A_122, %parallel_loop3A_124 : vector<16xi32>
        tpu.vector_store_idx %arg4[%parallel_loop3A_125], %broadcast_in_dim3A_1 {add = true} : memref<50176xf32, #tpu.memory_space<vmem>>[vector<16xi32>], vector<16xf32>,
      } {sc.loop_unroll_factor = 8 : i64, sc.parallel_access}
    }
    %while3A_45 = arith.constant 1 : i32
    scf.for %while3A_48 = %while3A_43 to %while3A_39 step %while3A_45  : i32 {
      %rem3A = arith.constant 2 : i32
      %rem3A_49 = arith.remsi %while3A_48, %rem3A : i32
      %add3A_50 = arith.constant 1 : i32
      %add3A_51 = arith.addi %while3A_48, %add3A_50 : i32
      %lt3A = arith.constant 20 : i32
      %lt3A_52 = arith.cmpi slt, %add3A_51, %lt3A : i32
      %convert_element_type3A = arith.extui %lt3A_52 : i1 to i32
      %cond3A = arith.constant 0 : i32
      %cond3A_53 = arith.cmpi ne, %convert_element_type3A, %cond3A : i32
      scf.if %cond3A_53 {
        %add3A_69 = arith.constant 1 : i32
        %add3A_70 = arith.addi %while3A_48, %add3A_69 : i32
        %sub3A = arith.constant 1 : i32
        %sub3A_71 = arith.subi %sub3A, %rem3A_49 : i32
        %mul3A_72 = arith.constant 40 : i32
        %mul3A_73 = arith.muli %add3A_70, %mul3A_72 : i32
        %add3A_74 = arith.addi %mul3A_15, %mul3A_73 : i32
        %dma_start3A_75 = arith.constant 0 : i32
        %dma_start3A_76 = arith.constant 0 : i32
        %dma_start3A_77 = tpu.memref_slice %arg5[%sub3A_71, %dma_start3A_75, %dma_start3A_76] : memref<2x40x128xi32, #tpu.memory_space<vmem>> -> memref<1x40x128xi32, #tpu.memory_space<vmem>>
        %dma_start3A_78 = tpu.memref_squeeze %dma_start3A_77 : memref<1x40x128xi32, #tpu.memory_space<vmem>> -> memref<40x128xi32, #tpu.memory_space<vmem>>
        %dma_start3A_79 = arith.constant 0 : i32
        %dma_start3A_80 = tpu.memref_slice %arg2[%add3A_74, %dma_start3A_79] : memref<25600x128xi32, #tpu.memory_space<hbm>> -> memref<40x128xi32, #tpu.memory_space<hbm>>
        %dma_start3A_81 = tpu.memref_slice %arg6[%sub3A_71] : memref<2x!tpu.dma_semaphore, #tpu.memory_space<semaphore_mem>> -> memref<1x!tpu.dma_semaphore, #tpu.memory_space<semaphore_mem>>
        %dma_start3A_82 = tpu.memref_squeeze %dma_start3A_81 : memref<1x!tpu.dma_semaphore, #tpu.memory_space<semaphore_mem>> -> memref<!tpu.dma_semaphore, #tpu.memory_space<semaphore_mem>>
        %dma_start3A_83 = arith.constant 0 : i32
        %dma_start3A_84 = arith.constant 0 : i32
        %dma_start3A_85 = tpu.memref_slice %arg5[%sub3A_71, %dma_start3A_83, %dma_start3A_84] : memref<2x40x128xi32, #tpu.memory_space<vmem>> -> memref<1x40x128xi32, #tpu.memory_space<vmem>>
        %dma_start3A_86 = tpu.memref_squeeze %dma_start3A_85 : memref<1x40x128xi32, #tpu.memory_space<vmem>> -> memref<40x128xi32, #tpu.memory_space<vmem>>
        %dma_start3A_87 = arith.constant 0 : i32
        %dma_start3A_88 = tpu.memref_slice %arg2[%add3A_74, %dma_start3A_87] : memref<25600x128xi32, #tpu.memory_space<hbm>> -> memref<40x128xi32, #tpu.memory_space<hbm>>
        tpu.enqueue_dma source(%dma_start3A_88 : memref<40x128xi32, #tpu.memory_space<hbm>>) target(%dma_start3A_86 : memref<40x128xi32, #tpu.memory_space<vmem>>) target_semaphore(%dma_start3A_82 : memref<!tpu.dma_semaphore, #tpu.memory_space<semaphore_mem>>)
      } else {
      }
      %dma_wait3A = arith.constant 0 : i32
      %dma_wait3A_54 = arith.constant 0 : i32
      %dma_wait3A_55 = tpu.memref_slice %arg5[%rem3A_49, %dma_wait3A, %dma_wait3A_54] : memref<2x40x128xi32, #tpu.memory_space<vmem>> -> memref<1x40x128xi32, #tpu.memory_space<vmem>>
      %dma_wait3A_56 = tpu.memref_squeeze %dma_wait3A_55 : memref<1x40x128xi32, #tpu.memory_space<vmem>> -> memref<40x128xi32, #tpu.memory_space<vmem>>
      %dma_wait3A_57 = arith.constant 0 : i32
      %dma_wait3A_58 = tpu.memref_slice %arg2[%mul3A_15, %dma_wait3A_57] : memref<25600x128xi32, #tpu.memory_space<hbm>> -> memref<40x128xi32, #tpu.memory_space<hbm>>
      %dma_wait3A_59 = tpu.memref_slice %arg6[%rem3A_49] : memref<2x!tpu.dma_semaphore, #tpu.memory_space<semaphore_mem>> -> memref<1x!tpu.dma_semaphore, #tpu.memory_space<semaphore_mem>>
      %dma_wait3A_60 = tpu.memref_squeeze %dma_wait3A_59 : memref<1x!tpu.dma_semaphore, #tpu.memory_space<semaphore_mem>> -> memref<!tpu.dma_semaphore, #tpu.memory_space<semaphore_mem>>
      %dma_wait3A_61 = arith.constant 0 : i32
      %dma_wait3A_62 = arith.constant 0 : i32
      %dma_wait3A_63 = tpu.memref_slice %arg5[%rem3A_49, %dma_wait3A_61, %dma_wait3A_62] : memref<2x40x128xi32, #tpu.memory_space<vmem>> -> memref<1x40x128xi32, #tpu.memory_space<vmem>>
      %dma_wait3A_64 = tpu.memref_squeeze %dma_wait3A_63 : memref<1x40x128xi32, #tpu.memory_space<vmem>> -> memref<40x128xi32, #tpu.memory_space<vmem>>
      %dma_wait3A_65 = arith.constant 0 : i32
      %dma_wait3A_66 = tpu.memref_slice %arg2[%mul3A_15, %dma_wait3A_65] : memref<25600x128xi32, #tpu.memory_space<hbm>> -> memref<40x128xi32, #tpu.memory_space<hbm>>
      tpu.wait_dma2 semaphore(%dma_wait3A_60 : memref<!tpu.dma_semaphore, #tpu.memory_space<semaphore_mem>>) src(%dma_wait3A_66 : memref<40x128xi32, #tpu.memory_space<hbm>>) dst(%dma_wait3A_64 : memref<40x128xi32, #tpu.memory_space<vmem>>)
      %parallel_loop3A = arith.constant 0 : i32
      %parallel_loop3A_67 = arith.constant 40 : i32
      %parallel_loop3A_68 = arith.constant 1 : i32
      scf.for %parallel_loop3A_69 = %parallel_loop3A to %parallel_loop3A_67 step %parallel_loop3A_68  : i32 {
        %parallel_loop3A_70 = arith.index_cast %rem3A_49 : i32 to index
        %parallel_loop3A_71 = arith.index_cast %parallel_loop3A_69 : i32 to index
        %parallel_loop3A_72 = arith.constant 0 : index
        %parallel_loop3A_73 = tpu.vector_load %arg5[%parallel_loop3A_70, %parallel_loop3A_71, %parallel_loop3A_72] {strides = array<i32>} : memref<2x40x128xi32, #tpu.memory_space<vmem>>, vector<16xi32>,
        %parallel_loop3A_74 = arith.constant 16 : i32
        %parallel_loop3A_75 = vector.broadcast %parallel_loop3A_74 : i32 to vector<16xi32>
        %parallel_loop3A_76 = arith.shrui %parallel_loop3A_73, %parallel_loop3A_75 : vector<16xi32>
        tpu.vector_store_idx %arg4[%parallel_loop3A_76], %broadcast_in_dim3A_1 {add = true} : memref<50176xf32, #tpu.memory_space<vmem>>[vector<16xi32>], vector<16xf32>,
        %parallel_loop3A_77 = arith.index_cast %rem3A_49 : i32 to index
        %parallel_loop3A_78 = arith.index_cast %parallel_loop3A_69 : i32 to index
        %parallel_loop3A_79 = arith.constant 16 : index
        %parallel_loop3A_80 = tpu.vector_load %arg5[%parallel_loop3A_77, %parallel_loop3A_78, %parallel_loop3A_79] {strides = array<i32>} : memref<2x40x128xi32, #tpu.memory_space<vmem>>, vector<16xi32>,
        %parallel_loop3A_81 = arith.constant 16 : i32
        %parallel_loop3A_82 = vector.broadcast %parallel_loop3A_81 : i32 to vector<16xi32>
        %parallel_loop3A_83 = arith.shrui %parallel_loop3A_80, %parallel_loop3A_82 : vector<16xi32>
        tpu.vector_store_idx %arg4[%parallel_loop3A_83], %broadcast_in_dim3A_1 {add = true} : memref<50176xf32, #tpu.memory_space<vmem>>[vector<16xi32>], vector<16xf32>,
        %parallel_loop3A_84 = arith.index_cast %rem3A_49 : i32 to index
        %parallel_loop3A_85 = arith.index_cast %parallel_loop3A_69 : i32 to index
        %parallel_loop3A_86 = arith.constant 32 : index
        %parallel_loop3A_87 = tpu.vector_load %arg5[%parallel_loop3A_84, %parallel_loop3A_85, %parallel_loop3A_86] {strides = array<i32>} : memref<2x40x128xi32, #tpu.memory_space<vmem>>, vector<16xi32>,
        %parallel_loop3A_88 = arith.constant 16 : i32
        %parallel_loop3A_89 = vector.broadcast %parallel_loop3A_88 : i32 to vector<16xi32>
        %parallel_loop3A_90 = arith.shrui %parallel_loop3A_87, %parallel_loop3A_89 : vector<16xi32>
        tpu.vector_store_idx %arg4[%parallel_loop3A_90], %broadcast_in_dim3A_1 {add = true} : memref<50176xf32, #tpu.memory_space<vmem>>[vector<16xi32>], vector<16xf32>,
        %parallel_loop3A_91 = arith.index_cast %rem3A_49 : i32 to index
        %parallel_loop3A_92 = arith.index_cast %parallel_loop3A_69 : i32 to index
        %parallel_loop3A_93 = arith.constant 48 : index
        %parallel_loop3A_94 = tpu.vector_load %arg5[%parallel_loop3A_91, %parallel_loop3A_92, %parallel_loop3A_93] {strides = array<i32>} : memref<2x40x128xi32, #tpu.memory_space<vmem>>, vector<16xi32>,
        %parallel_loop3A_95 = arith.constant 16 : i32
        %parallel_loop3A_96 = vector.broadcast %parallel_loop3A_95 : i32 to vector<16xi32>
        %parallel_loop3A_97 = arith.shrui %parallel_loop3A_94, %parallel_loop3A_96 : vector<16xi32>
        tpu.vector_store_idx %arg4[%parallel_loop3A_97], %broadcast_in_dim3A_1 {add = true} : memref<50176xf32, #tpu.memory_space<vmem>>[vector<16xi32>], vector<16xf32>,
        %parallel_loop3A_98 = arith.index_cast %rem3A_49 : i32 to index
        %parallel_loop3A_99 = arith.index_cast %parallel_loop3A_69 : i32 to index
        %parallel_loop3A_100 = arith.constant 64 : index
        %parallel_loop3A_101 = tpu.vector_load %arg5[%parallel_loop3A_98, %parallel_loop3A_99, %parallel_loop3A_100] {strides = array<i32>} : memref<2x40x128xi32, #tpu.memory_space<vmem>>, vector<16xi32>,
        %parallel_loop3A_102 = arith.constant 16 : i32
        %parallel_loop3A_103 = vector.broadcast %parallel_loop3A_102 : i32 to vector<16xi32>
        %parallel_loop3A_104 = arith.shrui %parallel_loop3A_101, %parallel_loop3A_103 : vector<16xi32>
        tpu.vector_store_idx %arg4[%parallel_loop3A_104], %broadcast_in_dim3A_1 {add = true} : memref<50176xf32, #tpu.memory_space<vmem>>[vector<16xi32>], vector<16xf32>,
        %parallel_loop3A_105 = arith.index_cast %rem3A_49 : i32 to index
        %parallel_loop3A_106 = arith.index_cast %parallel_loop3A_69 : i32 to index
        %parallel_loop3A_107 = arith.constant 80 : index
        %parallel_loop3A_108 = tpu.vector_load %arg5[%parallel_loop3A_105, %parallel_loop3A_106, %parallel_loop3A_107] {strides = array<i32>} : memref<2x40x128xi32, #tpu.memory_space<vmem>>, vector<16xi32>,
        %parallel_loop3A_109 = arith.constant 16 : i32
        %parallel_loop3A_110 = vector.broadcast %parallel_loop3A_109 : i32 to vector<16xi32>
        %parallel_loop3A_111 = arith.shrui %parallel_loop3A_108, %parallel_loop3A_110 : vector<16xi32>
        tpu.vector_store_idx %arg4[%parallel_loop3A_111], %broadcast_in_dim3A_1 {add = true} : memref<50176xf32, #tpu.memory_space<vmem>>[vector<16xi32>], vector<16xf32>,
        %parallel_loop3A_112 = arith.index_cast %rem3A_49 : i32 to index
        %parallel_loop3A_113 = arith.index_cast %parallel_loop3A_69 : i32 to index
        %parallel_loop3A_114 = arith.constant 96 : index
        %parallel_loop3A_115 = tpu.vector_load %arg5[%parallel_loop3A_112, %parallel_loop3A_113, %parallel_loop3A_114] {strides = array<i32>} : memref<2x40x128xi32, #tpu.memory_space<vmem>>, vector<16xi32>,
        %parallel_loop3A_116 = arith.constant 16 : i32
        %parallel_loop3A_117 = vector.broadcast %parallel_loop3A_116 : i32 to vector<16xi32>
        %parallel_loop3A_118 = arith.shrui %parallel_loop3A_115, %parallel_loop3A_117 : vector<16xi32>
        tpu.vector_store_idx %arg4[%parallel_loop3A_118], %broadcast_in_dim3A_1 {add = true} : memref<50176xf32, #tpu.memory_space<vmem>>[vector<16xi32>], vector<16xf32>,
        %parallel_loop3A_119 = arith.index_cast %rem3A_49 : i32 to index
        %parallel_loop3A_120 = arith.index_cast %parallel_loop3A_69 : i32 to index
        %parallel_loop3A_121 = arith.constant 112 : index
        %parallel_loop3A_122 = tpu.vector_load %arg5[%parallel_loop3A_119, %parallel_loop3A_120, %parallel_loop3A_121] {strides = array<i32>} : memref<2x40x128xi32, #tpu.memory_space<vmem>>, vector<16xi32>,
        %parallel_loop3A_123 = arith.constant 16 : i32
        %parallel_loop3A_124 = vector.broadcast %parallel_loop3A_123 : i32 to vector<16xi32>
        %parallel_loop3A_125 = arith.shrui %parallel_loop3A_122, %parallel_loop3A_124 : vector<16xi32>
        tpu.vector_store_idx %arg4[%parallel_loop3A_125], %broadcast_in_dim3A_1 {add = true} : memref<50176xf32, #tpu.memory_space<vmem>>[vector<16xi32>], vector<16xf32>,
      } {sc.loop_unroll_factor = 8 : i64, sc.parallel_access}
    }
    %mul3A_46 = arith.constant 50176 : i32
    %mul3A_47 = arith.muli %add3A, %mul3A_46 : i32
    "tpu.region"() ({
      %run_scoped3A = tpu.sem_alloc : memref<!tpu.dma_semaphore, #tpu.memory_space<semaphore_mem>>
      %dma_start3A_48 = tpu.memref_slice %arg3[%mul3A_47] : memref<1605632xf32, #tpu.memory_space<hbm>> -> memref<50176xf32, #tpu.memory_space<hbm>>
      %dma_start3A_49 = tpu.memref_slice %arg3[%mul3A_47] : memref<1605632xf32, #tpu.memory_space<hbm>> -> memref<50176xf32, #tpu.memory_space<hbm>>
      tpu.enqueue_dma source(%arg4 : memref<50176xf32, #tpu.memory_space<vmem>>) target(%dma_start3A_49 : memref<50176xf32, #tpu.memory_space<hbm>>) target_semaphore(%run_scoped3A : memref<!tpu.dma_semaphore, #tpu.memory_space<semaphore_mem>>)
      %dma_wait3A = tpu.memref_slice %arg3[%mul3A_47] : memref<1605632xf32, #tpu.memory_space<hbm>> -> memref<50176xf32, #tpu.memory_space<hbm>>
      %dma_wait3A_50 = tpu.memref_slice %arg3[%mul3A_47] : memref<1605632xf32, #tpu.memory_space<hbm>> -> memref<50176xf32, #tpu.memory_space<hbm>>
      tpu.wait_dma2 semaphore(%run_scoped3A : memref<!tpu.dma_semaphore, #tpu.memory_space<semaphore_mem>>) src(%arg4 : memref<50176xf32, #tpu.memory_space<vmem>>) dst(%dma_wait3A_50 : memref<50176xf32, #tpu.memory_space<hbm>>)
      tpu.yield
    }) : () -> ()
    return
  }
}

#map = affine_map<(d0, d1) -> (0)>
#map1 = affine_map<(d0, d1) -> (0, 0)>
module attributes {stable_mosaic.version = 14 : i64} {
  func.func @agg1_kernel(%arg0: i32, %arg1: i32, %arg2: memref<50000xf32, #tpu.memory_space<hbm>>, %arg3: memref<25600x128xi32, #tpu.memory_space<hbm>>, %arg4: memref<1605632xf32, #tpu.memory_space<hbm>>, %arg5: memref<50176xf32, #tpu.memory_space<vmem>>, %arg6: memref<50176xf32, #tpu.memory_space<vmem>>, %arg7: memref<2x40x128xi32, #tpu.memory_space<vmem>>, %arg8: memref<2x!tpu.dma_semaphore, #tpu.memory_space<semaphore_mem>>) attributes {dimension_semantics = [#tpu.dimension_semantics<core_parallel>, #tpu.dimension_semantics<subcore_parallel>], iteration_bounds = array<i64: 2, 16>, scalar_prefetch = 0 : i64, scratch_operands = 4 : i64, tpu.core_type = #tpu.core_type<sc_vector_subcore>, window_params = [{transform_indices = #map}, {transform_indices = #map1}, {transform_indices = #map}]} {
    %mul3A = arith.constant 16 : i32
    %mul3A_0 = arith.muli %arg0, %mul3A : i32
    %add3A = arith.addi %mul3A_0, %arg1 : i32
    %broadcast_in_dim3A = arith.constant 0.000000e+00 : f32
    %broadcast_in_dim3A_1 = vector.broadcast %broadcast_in_dim3A : f32 to vector<16xf32>
    %while3A = arith.constant 0 : i32
    %while3A_2 = arith.constant 0 : i32
    %while3A_3 = arith.constant 3136 : i32
    %while3A_4 = arith.subi %while3A_3, %while3A_2 : i32
    %while3A_5 = arith.addi %while3A_2, %while3A_4 : i32
    %while3A_6 = arith.constant 1 : i32
    %while3A_7 = arith.divsi %while3A_4, %while3A_6 : i32
    %while3A_8 = arith.muli %while3A_7, %while3A_6 : i32
    %while3A_9 = arith.addi %while3A_2, %while3A_8 : i32
    %while3A_10 = arith.constant 1 : i32
    scf.for %while3A_46 = %while3A_2 to %while3A_9 step %while3A_10  : i32 {
      %mul3A_47 = arith.constant 16 : i32
      %mul3A_48 = arith.muli %while3A_46, %mul3A_47 : i32
      %swap3A = arith.index_cast %mul3A_48 : i32 to index
      %swap3A_49 = tpu.vector_load %arg5[%swap3A] {strides = array<i32>} : memref<50176xf32, #tpu.memory_space<vmem>>, vector<16xf32>,
      tpu.vector_store %arg5[%swap3A], %broadcast_in_dim3A_1 {strides = array<i32>} : memref<50176xf32, #tpu.memory_space<vmem>>, vector<16xf32>,
    }
    %while3A_11 = arith.constant 1 : i32
    scf.for %while3A_46 = %while3A_9 to %while3A_5 step %while3A_11  : i32 {
      %mul3A_47 = arith.constant 16 : i32
      %mul3A_48 = arith.muli %while3A_46, %mul3A_47 : i32
      %swap3A = arith.index_cast %mul3A_48 : i32 to index
      %swap3A_49 = tpu.vector_load %arg5[%swap3A] {strides = array<i32>} : memref<50176xf32, #tpu.memory_space<vmem>>, vector<16xf32>,
      tpu.vector_store %arg5[%swap3A], %broadcast_in_dim3A_1 {strides = array<i32>} : memref<50176xf32, #tpu.memory_space<vmem>>, vector<16xf32>,
    }
    %run_scoped3A = arith.constant 0 : i32
    "tpu.region"() ({
      %run_scoped3A_46 = tpu.sem_alloc : memref<!tpu.dma_semaphore, #tpu.memory_space<semaphore_mem>>
      %dma_start3A_47 = tpu.memref_slice %arg6[%run_scoped3A] : memref<50176xf32, #tpu.memory_space<vmem>> -> memref<50000xf32, #tpu.memory_space<vmem>>
      %dma_start3A_48 = tpu.memref_slice %arg6[%run_scoped3A] : memref<50176xf32, #tpu.memory_space<vmem>> -> memref<50000xf32, #tpu.memory_space<vmem>>
      tpu.enqueue_dma source(%arg2 : memref<50000xf32, #tpu.memory_space<hbm>>) target(%dma_start3A_48 : memref<50000xf32, #tpu.memory_space<vmem>>) target_semaphore(%run_scoped3A_46 : memref<!tpu.dma_semaphore, #tpu.memory_space<semaphore_mem>>)
      %dma_wait3A = tpu.memref_slice %arg6[%run_scoped3A] : memref<50176xf32, #tpu.memory_space<vmem>> -> memref<50000xf32, #tpu.memory_space<vmem>>
      %dma_wait3A_49 = tpu.memref_slice %arg6[%run_scoped3A] : memref<50176xf32, #tpu.memory_space<vmem>> -> memref<50000xf32, #tpu.memory_space<vmem>>
      tpu.wait_dma2 semaphore(%run_scoped3A_46 : memref<!tpu.dma_semaphore, #tpu.memory_space<semaphore_mem>>) src(%arg2 : memref<50000xf32, #tpu.memory_space<hbm>>) dst(%dma_wait3A_49 : memref<50000xf32, #tpu.memory_space<vmem>>)
      tpu.yield
    }) : () -> ()
    %mul3A_12 = arith.constant 800 : i32
    %mul3A_13 = arith.muli %add3A, %mul3A_12 : i32
    %mul3A_14 = arith.constant 0 : i32
    %mul3A_15 = arith.constant 40 : i32
    %mul3A_16 = arith.muli %mul3A_14, %mul3A_15 : i32
    %add3A_17 = arith.addi %mul3A_13, %mul3A_16 : i32
    %dma_start3A = arith.constant 0 : i32
    %dma_start3A_18 = arith.constant 0 : i32
    %dma_start3A_19 = arith.constant 0 : i32
    %dma_start3A_20 = arith.constant 0 : i32
    %dma_start3A_21 = tpu.memref_slice %arg7[%dma_start3A, %dma_start3A_19, %dma_start3A_20] : memref<2x40x128xi32, #tpu.memory_space<vmem>> -> memref<1x40x128xi32, #tpu.memory_space<vmem>>
    %dma_start3A_22 = tpu.memref_squeeze %dma_start3A_21 : memref<1x40x128xi32, #tpu.memory_space<vmem>> -> memref<40x128xi32, #tpu.memory_space<vmem>>
    %dma_start3A_23 = arith.constant 0 : i32
    %dma_start3A_24 = tpu.memref_slice %arg3[%add3A_17, %dma_start3A_23] : memref<25600x128xi32, #tpu.memory_space<hbm>> -> memref<40x128xi32, #tpu.memory_space<hbm>>
    %dma_start3A_25 = tpu.memref_slice %arg8[%dma_start3A_18] : memref<2x!tpu.dma_semaphore, #tpu.memory_space<semaphore_mem>> -> memref<1x!tpu.dma_semaphore, #tpu.memory_space<semaphore_mem>>
    %dma_start3A_26 = tpu.memref_squeeze %dma_start3A_25 : memref<1x!tpu.dma_semaphore, #tpu.memory_space<semaphore_mem>> -> memref<!tpu.dma_semaphore, #tpu.memory_space<semaphore_mem>>
    %dma_start3A_27 = arith.constant 0 : i32
    %dma_start3A_28 = arith.constant 0 : i32
    %dma_start3A_29 = tpu.memref_slice %arg7[%dma_start3A, %dma_start3A_27, %dma_start3A_28] : memref<2x40x128xi32, #tpu.memory_space<vmem>> -> memref<1x40x128xi32, #tpu.memory_space<vmem>>
    %dma_start3A_30 = tpu.memref_squeeze %dma_start3A_29 : memref<1x40x128xi32, #tpu.memory_space<vmem>> -> memref<40x128xi32, #tpu.memory_space<vmem>>
    %dma_start3A_31 = arith.constant 0 : i32
    %dma_start3A_32 = tpu.memref_slice %arg3[%add3A_17, %dma_start3A_31] : memref<25600x128xi32, #tpu.memory_space<hbm>> -> memref<40x128xi32, #tpu.memory_space<hbm>>
    tpu.enqueue_dma source(%dma_start3A_32 : memref<40x128xi32, #tpu.memory_space<hbm>>) target(%dma_start3A_30 : memref<40x128xi32, #tpu.memory_space<vmem>>) target_semaphore(%dma_start3A_26 : memref<!tpu.dma_semaphore, #tpu.memory_space<semaphore_mem>>)
    %while3A_33 = arith.constant 0 : i32
    %while3A_34 = arith.constant 0 : i32
    %while3A_35 = arith.constant 20 : i32
    %while3A_36 = arith.subi %while3A_35, %while3A_34 : i32
    %while3A_37 = arith.addi %while3A_34, %while3A_36 : i32
    %while3A_38 = arith.constant 1 : i32
    %while3A_39 = arith.divsi %while3A_36, %while3A_38 : i32
    %while3A_40 = arith.muli %while3A_39, %while3A_38 : i32
    %while3A_41 = arith.addi %while3A_34, %while3A_40 : i32
    %while3A_42 = arith.constant 1 : i32
    scf.for %while3A_46 = %while3A_34 to %while3A_41 step %while3A_42  : i32 {
      %rem3A = arith.constant 2 : i32
      %rem3A_47 = arith.remsi %while3A_46, %rem3A : i32
      %add3A_48 = arith.constant 1 : i32
      %add3A_49 = arith.addi %while3A_46, %add3A_48 : i32
      %lt3A = arith.constant 20 : i32
      %lt3A_50 = arith.cmpi slt, %add3A_49, %lt3A : i32
      %convert_element_type3A = arith.extui %lt3A_50 : i1 to i32
      %cond3A = arith.constant 0 : i32
      %cond3A_51 = arith.cmpi ne, %convert_element_type3A, %cond3A : i32
      scf.if %cond3A_51 {
        %add3A_67 = arith.constant 1 : i32
        %add3A_68 = arith.addi %while3A_46, %add3A_67 : i32
        %sub3A = arith.constant 1 : i32
        %sub3A_69 = arith.subi %sub3A, %rem3A_47 : i32
        %mul3A_70 = arith.constant 40 : i32
        %mul3A_71 = arith.muli %add3A_68, %mul3A_70 : i32
        %add3A_72 = arith.addi %mul3A_13, %mul3A_71 : i32
        %dma_start3A_73 = arith.constant 0 : i32
        %dma_start3A_74 = arith.constant 0 : i32
        %dma_start3A_75 = tpu.memref_slice %arg7[%sub3A_69, %dma_start3A_73, %dma_start3A_74] : memref<2x40x128xi32, #tpu.memory_space<vmem>> -> memref<1x40x128xi32, #tpu.memory_space<vmem>>
        %dma_start3A_76 = tpu.memref_squeeze %dma_start3A_75 : memref<1x40x128xi32, #tpu.memory_space<vmem>> -> memref<40x128xi32, #tpu.memory_space<vmem>>
        %dma_start3A_77 = arith.constant 0 : i32
        %dma_start3A_78 = tpu.memref_slice %arg3[%add3A_72, %dma_start3A_77] : memref<25600x128xi32, #tpu.memory_space<hbm>> -> memref<40x128xi32, #tpu.memory_space<hbm>>
        %dma_start3A_79 = tpu.memref_slice %arg8[%sub3A_69] : memref<2x!tpu.dma_semaphore, #tpu.memory_space<semaphore_mem>> -> memref<1x!tpu.dma_semaphore, #tpu.memory_space<semaphore_mem>>
        %dma_start3A_80 = tpu.memref_squeeze %dma_start3A_79 : memref<1x!tpu.dma_semaphore, #tpu.memory_space<semaphore_mem>> -> memref<!tpu.dma_semaphore, #tpu.memory_space<semaphore_mem>>
        %dma_start3A_81 = arith.constant 0 : i32
        %dma_start3A_82 = arith.constant 0 : i32
        %dma_start3A_83 = tpu.memref_slice %arg7[%sub3A_69, %dma_start3A_81, %dma_start3A_82] : memref<2x40x128xi32, #tpu.memory_space<vmem>> -> memref<1x40x128xi32, #tpu.memory_space<vmem>>
        %dma_start3A_84 = tpu.memref_squeeze %dma_start3A_83 : memref<1x40x128xi32, #tpu.memory_space<vmem>> -> memref<40x128xi32, #tpu.memory_space<vmem>>
        %dma_start3A_85 = arith.constant 0 : i32
        %dma_start3A_86 = tpu.memref_slice %arg3[%add3A_72, %dma_start3A_85] : memref<25600x128xi32, #tpu.memory_space<hbm>> -> memref<40x128xi32, #tpu.memory_space<hbm>>
        tpu.enqueue_dma source(%dma_start3A_86 : memref<40x128xi32, #tpu.memory_space<hbm>>) target(%dma_start3A_84 : memref<40x128xi32, #tpu.memory_space<vmem>>) target_semaphore(%dma_start3A_80 : memref<!tpu.dma_semaphore, #tpu.memory_space<semaphore_mem>>)
      } else {
      }
      %dma_wait3A = arith.constant 0 : i32
      %dma_wait3A_52 = arith.constant 0 : i32
      %dma_wait3A_53 = tpu.memref_slice %arg7[%rem3A_47, %dma_wait3A, %dma_wait3A_52] : memref<2x40x128xi32, #tpu.memory_space<vmem>> -> memref<1x40x128xi32, #tpu.memory_space<vmem>>
      %dma_wait3A_54 = tpu.memref_squeeze %dma_wait3A_53 : memref<1x40x128xi32, #tpu.memory_space<vmem>> -> memref<40x128xi32, #tpu.memory_space<vmem>>
      %dma_wait3A_55 = arith.constant 0 : i32
      %dma_wait3A_56 = tpu.memref_slice %arg3[%mul3A_13, %dma_wait3A_55] : memref<25600x128xi32, #tpu.memory_space<hbm>> -> memref<40x128xi32, #tpu.memory_space<hbm>>
      %dma_wait3A_57 = tpu.memref_slice %arg8[%rem3A_47] : memref<2x!tpu.dma_semaphore, #tpu.memory_space<semaphore_mem>> -> memref<1x!tpu.dma_semaphore, #tpu.memory_space<semaphore_mem>>
      %dma_wait3A_58 = tpu.memref_squeeze %dma_wait3A_57 : memref<1x!tpu.dma_semaphore, #tpu.memory_space<semaphore_mem>> -> memref<!tpu.dma_semaphore, #tpu.memory_space<semaphore_mem>>
      %dma_wait3A_59 = arith.constant 0 : i32
      %dma_wait3A_60 = arith.constant 0 : i32
      %dma_wait3A_61 = tpu.memref_slice %arg7[%rem3A_47, %dma_wait3A_59, %dma_wait3A_60] : memref<2x40x128xi32, #tpu.memory_space<vmem>> -> memref<1x40x128xi32, #tpu.memory_space<vmem>>
      %dma_wait3A_62 = tpu.memref_squeeze %dma_wait3A_61 : memref<1x40x128xi32, #tpu.memory_space<vmem>> -> memref<40x128xi32, #tpu.memory_space<vmem>>
      %dma_wait3A_63 = arith.constant 0 : i32
      %dma_wait3A_64 = tpu.memref_slice %arg3[%mul3A_13, %dma_wait3A_63] : memref<25600x128xi32, #tpu.memory_space<hbm>> -> memref<40x128xi32, #tpu.memory_space<hbm>>
      tpu.wait_dma2 semaphore(%dma_wait3A_58 : memref<!tpu.dma_semaphore, #tpu.memory_space<semaphore_mem>>) src(%dma_wait3A_64 : memref<40x128xi32, #tpu.memory_space<hbm>>) dst(%dma_wait3A_62 : memref<40x128xi32, #tpu.memory_space<vmem>>)
      %parallel_loop3A = arith.constant 0 : i32
      %parallel_loop3A_65 = arith.constant 40 : i32
      %parallel_loop3A_66 = arith.constant 1 : i32
      scf.for %parallel_loop3A_67 = %parallel_loop3A to %parallel_loop3A_65 step %parallel_loop3A_66  : i32 {
        %parallel_loop3A_68 = arith.index_cast %rem3A_47 : i32 to index
        %parallel_loop3A_69 = arith.index_cast %parallel_loop3A_67 : i32 to index
        %parallel_loop3A_70 = arith.constant 0 : index
        %parallel_loop3A_71 = tpu.vector_load %arg7[%parallel_loop3A_68, %parallel_loop3A_69, %parallel_loop3A_70] {strides = array<i32>} : memref<2x40x128xi32, #tpu.memory_space<vmem>>, vector<16xi32>,
        %parallel_loop3A_72 = arith.constant 65535 : i32
        %parallel_loop3A_73 = vector.broadcast %parallel_loop3A_72 : i32 to vector<16xi32>
        %parallel_loop3A_74 = arith.andi %parallel_loop3A_71, %parallel_loop3A_73 : vector<16xi32>
        %parallel_loop3A_75 = arith.constant 16 : i32
        %parallel_loop3A_76 = vector.broadcast %parallel_loop3A_75 : i32 to vector<16xi32>
        %parallel_loop3A_77 = arith.shrui %parallel_loop3A_71, %parallel_loop3A_76 : vector<16xi32>
        %parallel_loop3A_78 = tpu.vector_load_idx %arg6[%parallel_loop3A_74] : memref<50176xf32, #tpu.memory_space<vmem>>[vector<16xi32>], vector<16xf32>,
        tpu.vector_store_idx %arg5[%parallel_loop3A_77], %parallel_loop3A_78 {add = true} : memref<50176xf32, #tpu.memory_space<vmem>>[vector<16xi32>], vector<16xf32>,
        %parallel_loop3A_79 = arith.index_cast %rem3A_47 : i32 to index
        %parallel_loop3A_80 = arith.index_cast %parallel_loop3A_67 : i32 to index
        %parallel_loop3A_81 = arith.constant 16 : index
        %parallel_loop3A_82 = tpu.vector_load %arg7[%parallel_loop3A_79, %parallel_loop3A_80, %parallel_loop3A_81] {strides = array<i32>} : memref<2x40x128xi32, #tpu.memory_space<vmem>>, vector<16xi32>,
        %parallel_loop3A_83 = arith.constant 65535 : i32
        %parallel_loop3A_84 = vector.broadcast %parallel_loop3A_83 : i32 to vector<16xi32>
        %parallel_loop3A_85 = arith.andi %parallel_loop3A_82, %parallel_loop3A_84 : vector<16xi32>
        %parallel_loop3A_86 = arith.constant 16 : i32
        %parallel_loop3A_87 = vector.broadcast %parallel_loop3A_86 : i32 to vector<16xi32>
        %parallel_loop3A_88 = arith.shrui %parallel_loop3A_82, %parallel_loop3A_87 : vector<16xi32>
        %parallel_loop3A_89 = tpu.vector_load_idx %arg6[%parallel_loop3A_85] : memref<50176xf32, #tpu.memory_space<vmem>>[vector<16xi32>], vector<16xf32>,
        tpu.vector_store_idx %arg5[%parallel_loop3A_88], %parallel_loop3A_89 {add = true} : memref<50176xf32, #tpu.memory_space<vmem>>[vector<16xi32>], vector<16xf32>,
        %parallel_loop3A_90 = arith.index_cast %rem3A_47 : i32 to index
        %parallel_loop3A_91 = arith.index_cast %parallel_loop3A_67 : i32 to index
        %parallel_loop3A_92 = arith.constant 32 : index
        %parallel_loop3A_93 = tpu.vector_load %arg7[%parallel_loop3A_90, %parallel_loop3A_91, %parallel_loop3A_92] {strides = array<i32>} : memref<2x40x128xi32, #tpu.memory_space<vmem>>, vector<16xi32>,
        %parallel_loop3A_94 = arith.constant 65535 : i32
        %parallel_loop3A_95 = vector.broadcast %parallel_loop3A_94 : i32 to vector<16xi32>
        %parallel_loop3A_96 = arith.andi %parallel_loop3A_93, %parallel_loop3A_95 : vector<16xi32>
        %parallel_loop3A_97 = arith.constant 16 : i32
        %parallel_loop3A_98 = vector.broadcast %parallel_loop3A_97 : i32 to vector<16xi32>
        %parallel_loop3A_99 = arith.shrui %parallel_loop3A_93, %parallel_loop3A_98 : vector<16xi32>
        %parallel_loop3A_100 = tpu.vector_load_idx %arg6[%parallel_loop3A_96] : memref<50176xf32, #tpu.memory_space<vmem>>[vector<16xi32>], vector<16xf32>,
        tpu.vector_store_idx %arg5[%parallel_loop3A_99], %parallel_loop3A_100 {add = true} : memref<50176xf32, #tpu.memory_space<vmem>>[vector<16xi32>], vector<16xf32>,
        %parallel_loop3A_101 = arith.index_cast %rem3A_47 : i32 to index
        %parallel_loop3A_102 = arith.index_cast %parallel_loop3A_67 : i32 to index
        %parallel_loop3A_103 = arith.constant 48 : index
        %parallel_loop3A_104 = tpu.vector_load %arg7[%parallel_loop3A_101, %parallel_loop3A_102, %parallel_loop3A_103] {strides = array<i32>} : memref<2x40x128xi32, #tpu.memory_space<vmem>>, vector<16xi32>,
        %parallel_loop3A_105 = arith.constant 65535 : i32
        %parallel_loop3A_106 = vector.broadcast %parallel_loop3A_105 : i32 to vector<16xi32>
        %parallel_loop3A_107 = arith.andi %parallel_loop3A_104, %parallel_loop3A_106 : vector<16xi32>
        %parallel_loop3A_108 = arith.constant 16 : i32
        %parallel_loop3A_109 = vector.broadcast %parallel_loop3A_108 : i32 to vector<16xi32>
        %parallel_loop3A_110 = arith.shrui %parallel_loop3A_104, %parallel_loop3A_109 : vector<16xi32>
        %parallel_loop3A_111 = tpu.vector_load_idx %arg6[%parallel_loop3A_107] : memref<50176xf32, #tpu.memory_space<vmem>>[vector<16xi32>], vector<16xf32>,
        tpu.vector_store_idx %arg5[%parallel_loop3A_110], %parallel_loop3A_111 {add = true} : memref<50176xf32, #tpu.memory_space<vmem>>[vector<16xi32>], vector<16xf32>,
        %parallel_loop3A_112 = arith.index_cast %rem3A_47 : i32 to index
        %parallel_loop3A_113 = arith.index_cast %parallel_loop3A_67 : i32 to index
        %parallel_loop3A_114 = arith.constant 64 : index
        %parallel_loop3A_115 = tpu.vector_load %arg7[%parallel_loop3A_112, %parallel_loop3A_113, %parallel_loop3A_114] {strides = array<i32>} : memref<2x40x128xi32, #tpu.memory_space<vmem>>, vector<16xi32>,
        %parallel_loop3A_116 = arith.constant 65535 : i32
        %parallel_loop3A_117 = vector.broadcast %parallel_loop3A_116 : i32 to vector<16xi32>
        %parallel_loop3A_118 = arith.andi %parallel_loop3A_115, %parallel_loop3A_117 : vector<16xi32>
        %parallel_loop3A_119 = arith.constant 16 : i32
        %parallel_loop3A_120 = vector.broadcast %parallel_loop3A_119 : i32 to vector<16xi32>
        %parallel_loop3A_121 = arith.shrui %parallel_loop3A_115, %parallel_loop3A_120 : vector<16xi32>
        %parallel_loop3A_122 = tpu.vector_load_idx %arg6[%parallel_loop3A_118] : memref<50176xf32, #tpu.memory_space<vmem>>[vector<16xi32>], vector<16xf32>,
        tpu.vector_store_idx %arg5[%parallel_loop3A_121], %parallel_loop3A_122 {add = true} : memref<50176xf32, #tpu.memory_space<vmem>>[vector<16xi32>], vector<16xf32>,
        %parallel_loop3A_123 = arith.index_cast %rem3A_47 : i32 to index
        %parallel_loop3A_124 = arith.index_cast %parallel_loop3A_67 : i32 to index
        %parallel_loop3A_125 = arith.constant 80 : index
        %parallel_loop3A_126 = tpu.vector_load %arg7[%parallel_loop3A_123, %parallel_loop3A_124, %parallel_loop3A_125] {strides = array<i32>} : memref<2x40x128xi32, #tpu.memory_space<vmem>>, vector<16xi32>,
        %parallel_loop3A_127 = arith.constant 65535 : i32
        %parallel_loop3A_128 = vector.broadcast %parallel_loop3A_127 : i32 to vector<16xi32>
        %parallel_loop3A_129 = arith.andi %parallel_loop3A_126, %parallel_loop3A_128 : vector<16xi32>
        %parallel_loop3A_130 = arith.constant 16 : i32
        %parallel_loop3A_131 = vector.broadcast %parallel_loop3A_130 : i32 to vector<16xi32>
        %parallel_loop3A_132 = arith.shrui %parallel_loop3A_126, %parallel_loop3A_131 : vector<16xi32>
        %parallel_loop3A_133 = tpu.vector_load_idx %arg6[%parallel_loop3A_129] : memref<50176xf32, #tpu.memory_space<vmem>>[vector<16xi32>], vector<16xf32>,
        tpu.vector_store_idx %arg5[%parallel_loop3A_132], %parallel_loop3A_133 {add = true} : memref<50176xf32, #tpu.memory_space<vmem>>[vector<16xi32>], vector<16xf32>,
        %parallel_loop3A_134 = arith.index_cast %rem3A_47 : i32 to index
        %parallel_loop3A_135 = arith.index_cast %parallel_loop3A_67 : i32 to index
        %parallel_loop3A_136 = arith.constant 96 : index
        %parallel_loop3A_137 = tpu.vector_load %arg7[%parallel_loop3A_134, %parallel_loop3A_135, %parallel_loop3A_136] {strides = array<i32>} : memref<2x40x128xi32, #tpu.memory_space<vmem>>, vector<16xi32>,
        %parallel_loop3A_138 = arith.constant 65535 : i32
        %parallel_loop3A_139 = vector.broadcast %parallel_loop3A_138 : i32 to vector<16xi32>
        %parallel_loop3A_140 = arith.andi %parallel_loop3A_137, %parallel_loop3A_139 : vector<16xi32>
        %parallel_loop3A_141 = arith.constant 16 : i32
        %parallel_loop3A_142 = vector.broadcast %parallel_loop3A_141 : i32 to vector<16xi32>
        %parallel_loop3A_143 = arith.shrui %parallel_loop3A_137, %parallel_loop3A_142 : vector<16xi32>
        %parallel_loop3A_144 = tpu.vector_load_idx %arg6[%parallel_loop3A_140] : memref<50176xf32, #tpu.memory_space<vmem>>[vector<16xi32>], vector<16xf32>,
        tpu.vector_store_idx %arg5[%parallel_loop3A_143], %parallel_loop3A_144 {add = true} : memref<50176xf32, #tpu.memory_space<vmem>>[vector<16xi32>], vector<16xf32>,
        %parallel_loop3A_145 = arith.index_cast %rem3A_47 : i32 to index
        %parallel_loop3A_146 = arith.index_cast %parallel_loop3A_67 : i32 to index
        %parallel_loop3A_147 = arith.constant 112 : index
        %parallel_loop3A_148 = tpu.vector_load %arg7[%parallel_loop3A_145, %parallel_loop3A_146, %parallel_loop3A_147] {strides = array<i32>} : memref<2x40x128xi32, #tpu.memory_space<vmem>>, vector<16xi32>,
        %parallel_loop3A_149 = arith.constant 65535 : i32
        %parallel_loop3A_150 = vector.broadcast %parallel_loop3A_149 : i32 to vector<16xi32>
        %parallel_loop3A_151 = arith.andi %parallel_loop3A_148, %parallel_loop3A_150 : vector<16xi32>
        %parallel_loop3A_152 = arith.constant 16 : i32
        %parallel_loop3A_153 = vector.broadcast %parallel_loop3A_152 : i32 to vector<16xi32>
        %parallel_loop3A_154 = arith.shrui %parallel_loop3A_148, %parallel_loop3A_153 : vector<16xi32>
        %parallel_loop3A_155 = tpu.vector_load_idx %arg6[%parallel_loop3A_151] : memref<50176xf32, #tpu.memory_space<vmem>>[vector<16xi32>], vector<16xf32>,
        tpu.vector_store_idx %arg5[%parallel_loop3A_154], %parallel_loop3A_155 {add = true} : memref<50176xf32, #tpu.memory_space<vmem>>[vector<16xi32>], vector<16xf32>,
      } {sc.loop_unroll_factor = 8 : i64, sc.parallel_access}
    }
    %while3A_43 = arith.constant 1 : i32
    scf.for %while3A_46 = %while3A_41 to %while3A_37 step %while3A_43  : i32 {
      %rem3A = arith.constant 2 : i32
      %rem3A_47 = arith.remsi %while3A_46, %rem3A : i32
      %add3A_48 = arith.constant 1 : i32
      %add3A_49 = arith.addi %while3A_46, %add3A_48 : i32
      %lt3A = arith.constant 20 : i32
      %lt3A_50 = arith.cmpi slt, %add3A_49, %lt3A : i32
      %convert_element_type3A = arith.extui %lt3A_50 : i1 to i32
      %cond3A = arith.constant 0 : i32
      %cond3A_51 = arith.cmpi ne, %convert_element_type3A, %cond3A : i32
      scf.if %cond3A_51 {
        %add3A_67 = arith.constant 1 : i32
        %add3A_68 = arith.addi %while3A_46, %add3A_67 : i32
        %sub3A = arith.constant 1 : i32
        %sub3A_69 = arith.subi %sub3A, %rem3A_47 : i32
        %mul3A_70 = arith.constant 40 : i32
        %mul3A_71 = arith.muli %add3A_68, %mul3A_70 : i32
        %add3A_72 = arith.addi %mul3A_13, %mul3A_71 : i32
        %dma_start3A_73 = arith.constant 0 : i32
        %dma_start3A_74 = arith.constant 0 : i32
        %dma_start3A_75 = tpu.memref_slice %arg7[%sub3A_69, %dma_start3A_73, %dma_start3A_74] : memref<2x40x128xi32, #tpu.memory_space<vmem>> -> memref<1x40x128xi32, #tpu.memory_space<vmem>>
        %dma_start3A_76 = tpu.memref_squeeze %dma_start3A_75 : memref<1x40x128xi32, #tpu.memory_space<vmem>> -> memref<40x128xi32, #tpu.memory_space<vmem>>
        %dma_start3A_77 = arith.constant 0 : i32
        %dma_start3A_78 = tpu.memref_slice %arg3[%add3A_72, %dma_start3A_77] : memref<25600x128xi32, #tpu.memory_space<hbm>> -> memref<40x128xi32, #tpu.memory_space<hbm>>
        %dma_start3A_79 = tpu.memref_slice %arg8[%sub3A_69] : memref<2x!tpu.dma_semaphore, #tpu.memory_space<semaphore_mem>> -> memref<1x!tpu.dma_semaphore, #tpu.memory_space<semaphore_mem>>
        %dma_start3A_80 = tpu.memref_squeeze %dma_start3A_79 : memref<1x!tpu.dma_semaphore, #tpu.memory_space<semaphore_mem>> -> memref<!tpu.dma_semaphore, #tpu.memory_space<semaphore_mem>>
        %dma_start3A_81 = arith.constant 0 : i32
        %dma_start3A_82 = arith.constant 0 : i32
        %dma_start3A_83 = tpu.memref_slice %arg7[%sub3A_69, %dma_start3A_81, %dma_start3A_82] : memref<2x40x128xi32, #tpu.memory_space<vmem>> -> memref<1x40x128xi32, #tpu.memory_space<vmem>>
        %dma_start3A_84 = tpu.memref_squeeze %dma_start3A_83 : memref<1x40x128xi32, #tpu.memory_space<vmem>> -> memref<40x128xi32, #tpu.memory_space<vmem>>
        %dma_start3A_85 = arith.constant 0 : i32
        %dma_start3A_86 = tpu.memref_slice %arg3[%add3A_72, %dma_start3A_85] : memref<25600x128xi32, #tpu.memory_space<hbm>> -> memref<40x128xi32, #tpu.memory_space<hbm>>
        tpu.enqueue_dma source(%dma_start3A_86 : memref<40x128xi32, #tpu.memory_space<hbm>>) target(%dma_start3A_84 : memref<40x128xi32, #tpu.memory_space<vmem>>) target_semaphore(%dma_start3A_80 : memref<!tpu.dma_semaphore, #tpu.memory_space<semaphore_mem>>)
      } else {
      }
      %dma_wait3A = arith.constant 0 : i32
      %dma_wait3A_52 = arith.constant 0 : i32
      %dma_wait3A_53 = tpu.memref_slice %arg7[%rem3A_47, %dma_wait3A, %dma_wait3A_52] : memref<2x40x128xi32, #tpu.memory_space<vmem>> -> memref<1x40x128xi32, #tpu.memory_space<vmem>>
      %dma_wait3A_54 = tpu.memref_squeeze %dma_wait3A_53 : memref<1x40x128xi32, #tpu.memory_space<vmem>> -> memref<40x128xi32, #tpu.memory_space<vmem>>
      %dma_wait3A_55 = arith.constant 0 : i32
      %dma_wait3A_56 = tpu.memref_slice %arg3[%mul3A_13, %dma_wait3A_55] : memref<25600x128xi32, #tpu.memory_space<hbm>> -> memref<40x128xi32, #tpu.memory_space<hbm>>
      %dma_wait3A_57 = tpu.memref_slice %arg8[%rem3A_47] : memref<2x!tpu.dma_semaphore, #tpu.memory_space<semaphore_mem>> -> memref<1x!tpu.dma_semaphore, #tpu.memory_space<semaphore_mem>>
      %dma_wait3A_58 = tpu.memref_squeeze %dma_wait3A_57 : memref<1x!tpu.dma_semaphore, #tpu.memory_space<semaphore_mem>> -> memref<!tpu.dma_semaphore, #tpu.memory_space<semaphore_mem>>
      %dma_wait3A_59 = arith.constant 0 : i32
      %dma_wait3A_60 = arith.constant 0 : i32
      %dma_wait3A_61 = tpu.memref_slice %arg7[%rem3A_47, %dma_wait3A_59, %dma_wait3A_60] : memref<2x40x128xi32, #tpu.memory_space<vmem>> -> memref<1x40x128xi32, #tpu.memory_space<vmem>>
      %dma_wait3A_62 = tpu.memref_squeeze %dma_wait3A_61 : memref<1x40x128xi32, #tpu.memory_space<vmem>> -> memref<40x128xi32, #tpu.memory_space<vmem>>
      %dma_wait3A_63 = arith.constant 0 : i32
      %dma_wait3A_64 = tpu.memref_slice %arg3[%mul3A_13, %dma_wait3A_63] : memref<25600x128xi32, #tpu.memory_space<hbm>> -> memref<40x128xi32, #tpu.memory_space<hbm>>
      tpu.wait_dma2 semaphore(%dma_wait3A_58 : memref<!tpu.dma_semaphore, #tpu.memory_space<semaphore_mem>>) src(%dma_wait3A_64 : memref<40x128xi32, #tpu.memory_space<hbm>>) dst(%dma_wait3A_62 : memref<40x128xi32, #tpu.memory_space<vmem>>)
      %parallel_loop3A = arith.constant 0 : i32
      %parallel_loop3A_65 = arith.constant 40 : i32
      %parallel_loop3A_66 = arith.constant 1 : i32
      scf.for %parallel_loop3A_67 = %parallel_loop3A to %parallel_loop3A_65 step %parallel_loop3A_66  : i32 {
        %parallel_loop3A_68 = arith.index_cast %rem3A_47 : i32 to index
        %parallel_loop3A_69 = arith.index_cast %parallel_loop3A_67 : i32 to index
        %parallel_loop3A_70 = arith.constant 0 : index
        %parallel_loop3A_71 = tpu.vector_load %arg7[%parallel_loop3A_68, %parallel_loop3A_69, %parallel_loop3A_70] {strides = array<i32>} : memref<2x40x128xi32, #tpu.memory_space<vmem>>, vector<16xi32>,
        %parallel_loop3A_72 = arith.constant 65535 : i32
        %parallel_loop3A_73 = vector.broadcast %parallel_loop3A_72 : i32 to vector<16xi32>
        %parallel_loop3A_74 = arith.andi %parallel_loop3A_71, %parallel_loop3A_73 : vector<16xi32>
        %parallel_loop3A_75 = arith.constant 16 : i32
        %parallel_loop3A_76 = vector.broadcast %parallel_loop3A_75 : i32 to vector<16xi32>
        %parallel_loop3A_77 = arith.shrui %parallel_loop3A_71, %parallel_loop3A_76 : vector<16xi32>
        %parallel_loop3A_78 = tpu.vector_load_idx %arg6[%parallel_loop3A_74] : memref<50176xf32, #tpu.memory_space<vmem>>[vector<16xi32>], vector<16xf32>,
        tpu.vector_store_idx %arg5[%parallel_loop3A_77], %parallel_loop3A_78 {add = true} : memref<50176xf32, #tpu.memory_space<vmem>>[vector<16xi32>], vector<16xf32>,
        %parallel_loop3A_79 = arith.index_cast %rem3A_47 : i32 to index
        %parallel_loop3A_80 = arith.index_cast %parallel_loop3A_67 : i32 to index
        %parallel_loop3A_81 = arith.constant 16 : index
        %parallel_loop3A_82 = tpu.vector_load %arg7[%parallel_loop3A_79, %parallel_loop3A_80, %parallel_loop3A_81] {strides = array<i32>} : memref<2x40x128xi32, #tpu.memory_space<vmem>>, vector<16xi32>,
        %parallel_loop3A_83 = arith.constant 65535 : i32
        %parallel_loop3A_84 = vector.broadcast %parallel_loop3A_83 : i32 to vector<16xi32>
        %parallel_loop3A_85 = arith.andi %parallel_loop3A_82, %parallel_loop3A_84 : vector<16xi32>
        %parallel_loop3A_86 = arith.constant 16 : i32
        %parallel_loop3A_87 = vector.broadcast %parallel_loop3A_86 : i32 to vector<16xi32>
        %parallel_loop3A_88 = arith.shrui %parallel_loop3A_82, %parallel_loop3A_87 : vector<16xi32>
        %parallel_loop3A_89 = tpu.vector_load_idx %arg6[%parallel_loop3A_85] : memref<50176xf32, #tpu.memory_space<vmem>>[vector<16xi32>], vector<16xf32>,
        tpu.vector_store_idx %arg5[%parallel_loop3A_88], %parallel_loop3A_89 {add = true} : memref<50176xf32, #tpu.memory_space<vmem>>[vector<16xi32>], vector<16xf32>,
        %parallel_loop3A_90 = arith.index_cast %rem3A_47 : i32 to index
        %parallel_loop3A_91 = arith.index_cast %parallel_loop3A_67 : i32 to index
        %parallel_loop3A_92 = arith.constant 32 : index
        %parallel_loop3A_93 = tpu.vector_load %arg7[%parallel_loop3A_90, %parallel_loop3A_91, %parallel_loop3A_92] {strides = array<i32>} : memref<2x40x128xi32, #tpu.memory_space<vmem>>, vector<16xi32>,
        %parallel_loop3A_94 = arith.constant 65535 : i32
        %parallel_loop3A_95 = vector.broadcast %parallel_loop3A_94 : i32 to vector<16xi32>
        %parallel_loop3A_96 = arith.andi %parallel_loop3A_93, %parallel_loop3A_95 : vector<16xi32>
        %parallel_loop3A_97 = arith.constant 16 : i32
        %parallel_loop3A_98 = vector.broadcast %parallel_loop3A_97 : i32 to vector<16xi32>
        %parallel_loop3A_99 = arith.shrui %parallel_loop3A_93, %parallel_loop3A_98 : vector<16xi32>
        %parallel_loop3A_100 = tpu.vector_load_idx %arg6[%parallel_loop3A_96] : memref<50176xf32, #tpu.memory_space<vmem>>[vector<16xi32>], vector<16xf32>,
        tpu.vector_store_idx %arg5[%parallel_loop3A_99], %parallel_loop3A_100 {add = true} : memref<50176xf32, #tpu.memory_space<vmem>>[vector<16xi32>], vector<16xf32>,
        %parallel_loop3A_101 = arith.index_cast %rem3A_47 : i32 to index
        %parallel_loop3A_102 = arith.index_cast %parallel_loop3A_67 : i32 to index
        %parallel_loop3A_103 = arith.constant 48 : index
        %parallel_loop3A_104 = tpu.vector_load %arg7[%parallel_loop3A_101, %parallel_loop3A_102, %parallel_loop3A_103] {strides = array<i32>} : memref<2x40x128xi32, #tpu.memory_space<vmem>>, vector<16xi32>,
        %parallel_loop3A_105 = arith.constant 65535 : i32
        %parallel_loop3A_106 = vector.broadcast %parallel_loop3A_105 : i32 to vector<16xi32>
        %parallel_loop3A_107 = arith.andi %parallel_loop3A_104, %parallel_loop3A_106 : vector<16xi32>
        %parallel_loop3A_108 = arith.constant 16 : i32
        %parallel_loop3A_109 = vector.broadcast %parallel_loop3A_108 : i32 to vector<16xi32>
        %parallel_loop3A_110 = arith.shrui %parallel_loop3A_104, %parallel_loop3A_109 : vector<16xi32>
        %parallel_loop3A_111 = tpu.vector_load_idx %arg6[%parallel_loop3A_107] : memref<50176xf32, #tpu.memory_space<vmem>>[vector<16xi32>], vector<16xf32>,
        tpu.vector_store_idx %arg5[%parallel_loop3A_110], %parallel_loop3A_111 {add = true} : memref<50176xf32, #tpu.memory_space<vmem>>[vector<16xi32>], vector<16xf32>,
        %parallel_loop3A_112 = arith.index_cast %rem3A_47 : i32 to index
        %parallel_loop3A_113 = arith.index_cast %parallel_loop3A_67 : i32 to index
        %parallel_loop3A_114 = arith.constant 64 : index
        %parallel_loop3A_115 = tpu.vector_load %arg7[%parallel_loop3A_112, %parallel_loop3A_113, %parallel_loop3A_114] {strides = array<i32>} : memref<2x40x128xi32, #tpu.memory_space<vmem>>, vector<16xi32>,
        %parallel_loop3A_116 = arith.constant 65535 : i32
        %parallel_loop3A_117 = vector.broadcast %parallel_loop3A_116 : i32 to vector<16xi32>
        %parallel_loop3A_118 = arith.andi %parallel_loop3A_115, %parallel_loop3A_117 : vector<16xi32>
        %parallel_loop3A_119 = arith.constant 16 : i32
        %parallel_loop3A_120 = vector.broadcast %parallel_loop3A_119 : i32 to vector<16xi32>
        %parallel_loop3A_121 = arith.shrui %parallel_loop3A_115, %parallel_loop3A_120 : vector<16xi32>
        %parallel_loop3A_122 = tpu.vector_load_idx %arg6[%parallel_loop3A_118] : memref<50176xf32, #tpu.memory_space<vmem>>[vector<16xi32>], vector<16xf32>,
        tpu.vector_store_idx %arg5[%parallel_loop3A_121], %parallel_loop3A_122 {add = true} : memref<50176xf32, #tpu.memory_space<vmem>>[vector<16xi32>], vector<16xf32>,
        %parallel_loop3A_123 = arith.index_cast %rem3A_47 : i32 to index
        %parallel_loop3A_124 = arith.index_cast %parallel_loop3A_67 : i32 to index
        %parallel_loop3A_125 = arith.constant 80 : index
        %parallel_loop3A_126 = tpu.vector_load %arg7[%parallel_loop3A_123, %parallel_loop3A_124, %parallel_loop3A_125] {strides = array<i32>} : memref<2x40x128xi32, #tpu.memory_space<vmem>>, vector<16xi32>,
        %parallel_loop3A_127 = arith.constant 65535 : i32
        %parallel_loop3A_128 = vector.broadcast %parallel_loop3A_127 : i32 to vector<16xi32>
        %parallel_loop3A_129 = arith.andi %parallel_loop3A_126, %parallel_loop3A_128 : vector<16xi32>
        %parallel_loop3A_130 = arith.constant 16 : i32
        %parallel_loop3A_131 = vector.broadcast %parallel_loop3A_130 : i32 to vector<16xi32>
        %parallel_loop3A_132 = arith.shrui %parallel_loop3A_126, %parallel_loop3A_131 : vector<16xi32>
        %parallel_loop3A_133 = tpu.vector_load_idx %arg6[%parallel_loop3A_129] : memref<50176xf32, #tpu.memory_space<vmem>>[vector<16xi32>], vector<16xf32>,
        tpu.vector_store_idx %arg5[%parallel_loop3A_132], %parallel_loop3A_133 {add = true} : memref<50176xf32, #tpu.memory_space<vmem>>[vector<16xi32>], vector<16xf32>,
        %parallel_loop3A_134 = arith.index_cast %rem3A_47 : i32 to index
        %parallel_loop3A_135 = arith.index_cast %parallel_loop3A_67 : i32 to index
        %parallel_loop3A_136 = arith.constant 96 : index
        %parallel_loop3A_137 = tpu.vector_load %arg7[%parallel_loop3A_134, %parallel_loop3A_135, %parallel_loop3A_136] {strides = array<i32>} : memref<2x40x128xi32, #tpu.memory_space<vmem>>, vector<16xi32>,
        %parallel_loop3A_138 = arith.constant 65535 : i32
        %parallel_loop3A_139 = vector.broadcast %parallel_loop3A_138 : i32 to vector<16xi32>
        %parallel_loop3A_140 = arith.andi %parallel_loop3A_137, %parallel_loop3A_139 : vector<16xi32>
        %parallel_loop3A_141 = arith.constant 16 : i32
        %parallel_loop3A_142 = vector.broadcast %parallel_loop3A_141 : i32 to vector<16xi32>
        %parallel_loop3A_143 = arith.shrui %parallel_loop3A_137, %parallel_loop3A_142 : vector<16xi32>
        %parallel_loop3A_144 = tpu.vector_load_idx %arg6[%parallel_loop3A_140] : memref<50176xf32, #tpu.memory_space<vmem>>[vector<16xi32>], vector<16xf32>,
        tpu.vector_store_idx %arg5[%parallel_loop3A_143], %parallel_loop3A_144 {add = true} : memref<50176xf32, #tpu.memory_space<vmem>>[vector<16xi32>], vector<16xf32>,
        %parallel_loop3A_145 = arith.index_cast %rem3A_47 : i32 to index
        %parallel_loop3A_146 = arith.index_cast %parallel_loop3A_67 : i32 to index
        %parallel_loop3A_147 = arith.constant 112 : index
        %parallel_loop3A_148 = tpu.vector_load %arg7[%parallel_loop3A_145, %parallel_loop3A_146, %parallel_loop3A_147] {strides = array<i32>} : memref<2x40x128xi32, #tpu.memory_space<vmem>>, vector<16xi32>,
        %parallel_loop3A_149 = arith.constant 65535 : i32
        %parallel_loop3A_150 = vector.broadcast %parallel_loop3A_149 : i32 to vector<16xi32>
        %parallel_loop3A_151 = arith.andi %parallel_loop3A_148, %parallel_loop3A_150 : vector<16xi32>
        %parallel_loop3A_152 = arith.constant 16 : i32
        %parallel_loop3A_153 = vector.broadcast %parallel_loop3A_152 : i32 to vector<16xi32>
        %parallel_loop3A_154 = arith.shrui %parallel_loop3A_148, %parallel_loop3A_153 : vector<16xi32>
        %parallel_loop3A_155 = tpu.vector_load_idx %arg6[%parallel_loop3A_151] : memref<50176xf32, #tpu.memory_space<vmem>>[vector<16xi32>], vector<16xf32>,
        tpu.vector_store_idx %arg5[%parallel_loop3A_154], %parallel_loop3A_155 {add = true} : memref<50176xf32, #tpu.memory_space<vmem>>[vector<16xi32>], vector<16xf32>,
      } {sc.loop_unroll_factor = 8 : i64, sc.parallel_access}
    }
    %mul3A_44 = arith.constant 50176 : i32
    %mul3A_45 = arith.muli %add3A, %mul3A_44 : i32
    "tpu.region"() ({
      %run_scoped3A_46 = tpu.sem_alloc : memref<!tpu.dma_semaphore, #tpu.memory_space<semaphore_mem>>
      %dma_start3A_47 = tpu.memref_slice %arg4[%mul3A_45] : memref<1605632xf32, #tpu.memory_space<hbm>> -> memref<50176xf32, #tpu.memory_space<hbm>>
      %dma_start3A_48 = tpu.memref_slice %arg4[%mul3A_45] : memref<1605632xf32, #tpu.memory_space<hbm>> -> memref<50176xf32, #tpu.memory_space<hbm>>
      tpu.enqueue_dma source(%arg5 : memref<50176xf32, #tpu.memory_space<vmem>>) target(%dma_start3A_48 : memref<50176xf32, #tpu.memory_space<hbm>>) target_semaphore(%run_scoped3A_46 : memref<!tpu.dma_semaphore, #tpu.memory_space<semaphore_mem>>)
      %dma_wait3A = tpu.memref_slice %arg4[%mul3A_45] : memref<1605632xf32, #tpu.memory_space<hbm>> -> memref<50176xf32, #tpu.memory_space<hbm>>
      %dma_wait3A_49 = tpu.memref_slice %arg4[%mul3A_45] : memref<1605632xf32, #tpu.memory_space<hbm>> -> memref<50176xf32, #tpu.memory_space<hbm>>
      tpu.wait_dma2 semaphore(%run_scoped3A_46 : memref<!tpu.dma_semaphore, #tpu.memory_space<semaphore_mem>>) src(%arg5 : memref<50176xf32, #tpu.memory_space<vmem>>) dst(%dma_wait3A_49 : memref<50176xf32, #tpu.memory_space<hbm>>)
      tpu.yield
    }) : () -> ()
    return
  }
}

module attributes {stable_mosaic.version = 14 : i64} {
  func.func @_tc1_body(%arg0: i32, %arg1: memref<32x2048xf32, #tpu.memory_space<vmem>>, %arg2: memref<4x2048xf32, #tpu.memory_space<vmem>>, %arg3: memref<2048xf32, #tpu.memory_space<vmem>>, %arg4: memref<4x2048xf32, #tpu.memory_space<vmem>>) attributes {dimension_semantics = [#tpu.dimension_semantics<arbitrary>], iteration_bounds = array<i64: 25>, scalar_prefetch = 0 : i64, scratch_operands = 0 : i64, tpu.core_type = #tpu.core_type<tc>, window_params = [{transform_indices = @transform_0, window_bounds = array<i64: 32, 2048>}, {transform_indices = @transform_1, window_bounds = array<i64: 4, 2048>}, {transform_indices = @transform_2, window_bounds = array<i64: 2048>}, {transform_indices = @transform_3, window_bounds = array<i64: 4, 2048>}]} {
    %get3A = arith.constant 0 : index
    %get3A_0 = arith.constant 0 : index
    %get3A_1 = vector.load %arg1[%get3A, %get3A_0] : memref<32x2048xf32, #tpu.memory_space<vmem>>, vector<32x2048xf32>
    %reduce_sum3A = arith.constant dense<0.000000e+00> : vector<2048xf32>
    %reduce_sum3A_2 = vector.multi_reduction <add>, %get3A_1, %reduce_sum3A [0] : vector<32x2048xf32> to vector<2048xf32>
    %add3A = arith.constant 1.000000e+00 : f32
    %add3A_3 = vector.broadcast %add3A : f32 to vector<2048xf32>
    %add3A_4 = arith.addf %reduce_sum3A_2, %add3A_3 : vector<2048xf32>
    %rsqrt3A = math.rsqrt %add3A_4 : vector<2048xf32>
    %swap3A = arith.constant 0 : index
    %swap3A_5 = vector.load %arg3[%swap3A] : memref<2048xf32, #tpu.memory_space<vmem>>, vector<2048xf32>
    tpu.vector_store %arg3[%swap3A], %rsqrt3A {strides = array<i32>} : memref<2048xf32, #tpu.memory_space<vmem>>, vector<2048xf32>,
    %get3A_6 = arith.constant 0 : index
    %get3A_7 = arith.constant 0 : index
    %get3A_8 = vector.load %arg2[%get3A_6, %get3A_7] : memref<4x2048xf32, #tpu.memory_space<vmem>>, vector<4x2048xf32>
    %broadcast_in_dim3A = vector.shape_cast %rsqrt3A : vector<2048xf32> to vector<1x2048xf32>
    %mul3A = vector.broadcast %broadcast_in_dim3A : vector<1x2048xf32> to vector<4x2048xf32>
    %mul3A_9 = arith.mulf %get3A_8, %mul3A : vector<4x2048xf32>
    %swap3A_10 = arith.constant 0 : index
    %swap3A_11 = arith.constant 0 : index
    %swap3A_12 = vector.load %arg4[%swap3A_10, %swap3A_11] : memref<4x2048xf32, #tpu.memory_space<vmem>>, vector<4x2048xf32>
    tpu.vector_store %arg4[%swap3A_10, %swap3A_11], %mul3A_9 {strides = array<i32>} : memref<4x2048xf32, #tpu.memory_space<vmem>>, vector<4x2048xf32>,
    return
  }
  func.func @transform_0(%arg0: i32) -> (i32, i32) {
    %c0_i32 = arith.constant 0 : i32
    %c0_i32_0 = arith.constant 0 : i32
    return %c0_i32, %arg0 : i32, i32
  }
  func.func @transform_1(%arg0: i32) -> (i32, i32) {
    %c0_i32 = arith.constant 0 : i32
    %c0_i32_0 = arith.constant 0 : i32
    return %c0_i32, %arg0 : i32, i32
  }
  func.func @transform_2(%arg0: i32) -> i32 {
    %c0_i32 = arith.constant 0 : i32
    return %arg0 : i32
  }
  func.func @transform_3(%arg0: i32) -> (i32, i32) {
    %c0_i32 = arith.constant 0 : i32
    %c0_i32_0 = arith.constant 0 : i32
    return %c0_i32, %arg0 : i32, i32
  }
}

module attributes {stable_mosaic.version = 14 : i64} {
  func.func @_tc2_body(%arg0: i32, %arg1: memref<32x2048xf32, #tpu.memory_space<vmem>>, %arg2: memref<4x2048xf32, #tpu.memory_space<vmem>>, %arg3: memref<1x2048xf32, #tpu.memory_space<vmem>>, %arg4: memref<28x4xf32, #tpu.memory_space<vmem>>, %arg5: memref<28x1xf32, #tpu.memory_space<vmem>>, %arg6: memref<4x2048xf32, #tpu.memory_space<vmem>>, %arg7: memref<28x2048xf32, #tpu.memory_space<vmem>>) attributes {dimension_semantics = [#tpu.dimension_semantics<arbitrary>], iteration_bounds = array<i64: 25>, scalar_prefetch = 0 : i64, scratch_operands = 0 : i64, tpu.core_type = #tpu.core_type<tc>, window_params = [{transform_indices = @transform_0, window_bounds = array<i64: 32, 2048>}, {transform_indices = @transform_1, window_bounds = array<i64: 4, 2048>}, {transform_indices = @transform_2, window_bounds = array<i64: 1, 2048>}, {pipeline_mode = #tpu.pipeline_mode<synchronous>, transform_indices = @transform_3, window_bounds = array<i64: 28, 4>}, {pipeline_mode = #tpu.pipeline_mode<synchronous>, transform_indices = @transform_4, window_bounds = array<i64: 28, 1>}, {transform_indices = @transform_5, window_bounds = array<i64: 4, 2048>}, {transform_indices = @transform_6, window_bounds = array<i64: 28, 2048>}]} {
    %get3A = arith.constant 0 : index
    %get3A_0 = arith.constant 0 : index
    %get3A_1 = vector.load %arg1[%get3A, %get3A_0] : memref<32x2048xf32, #tpu.memory_space<vmem>>, vector<32x2048xf32>
    %reshape3A = vector.shape_cast %get3A_1 : vector<32x2048xf32> to vector<4x8x2048xf32>
    %reduce_sum3A = arith.constant dense<0.000000e+00> : vector<4x2048xf32>
    %reduce_sum3A_2 = vector.multi_reduction <add>, %reshape3A, %reduce_sum3A [1] : vector<4x8x2048xf32> to vector<4x2048xf32>
    %get3A_3 = arith.constant 0 : index
    %get3A_4 = arith.constant 0 : index
    %get3A_5 = vector.load %arg3[%get3A_3, %get3A_4] : memref<1x2048xf32, #tpu.memory_space<vmem>>, vector<1x2048xf32>
    %get3A_6 = arith.constant 0 : index
    %get3A_7 = arith.constant 0 : index
    %get3A_8 = vector.load %arg2[%get3A_6, %get3A_7] : memref<4x2048xf32, #tpu.memory_space<vmem>>, vector<4x2048xf32>
    %add3A = arith.addf %reduce_sum3A_2, %get3A_8 : vector<4x2048xf32>
    %mul3A = vector.broadcast %get3A_5 : vector<1x2048xf32> to vector<4x2048xf32>
    %mul3A_9 = arith.mulf %mul3A, %add3A : vector<4x2048xf32>
    %get3A_10 = arith.constant 0 : index
    %get3A_11 = arith.constant 0 : index
    %get3A_12 = vector.load %arg4[%get3A_10, %get3A_11] : memref<28x4xf32, #tpu.memory_space<vmem>>, vector<28x4xf32>
    %dot_general3A = arith.constant dense<0.000000e+00> : vector<28x2048xf32>
    %dot_general3A_13 = tpu.matmul %get3A_12, %mul3A_9, %dot_general3A {dimension_numbers = #tpu.dot_dimension_numbers<[1], [0], [0], [1], [0, 0, 1, 1], [], []>, transpose_lhs_hint = false} : vector<28x4xf32>, vector<4x2048xf32>, vector<28x2048xf32> -> vector<28x2048xf32>
    %get3A_14 = arith.constant 0 : index
    %get3A_15 = arith.constant 0 : index
    %get3A_16 = vector.load %arg5[%get3A_14, %get3A_15] : memref<28x1xf32, #tpu.memory_space<vmem>>, vector<28x1xf32>
    %add3A_17 = vector.broadcast %get3A_16 : vector<28x1xf32> to vector<28x2048xf32>
    %add3A_18 = arith.addf %dot_general3A_13, %add3A_17 : vector<28x2048xf32>
    %max3A = arith.constant 0.000000e+00 : f32
    %max3A_19 = vector.broadcast %max3A : f32 to vector<28x2048xf32>
    %max3A_20 = arith.maximumf %add3A_18, %max3A_19 : vector<28x2048xf32>
    %swap3A = arith.constant 0 : index
    %swap3A_21 = arith.constant 0 : index
    %swap3A_22 = vector.load %arg6[%swap3A, %swap3A_21] : memref<4x2048xf32, #tpu.memory_space<vmem>>, vector<4x2048xf32>
    tpu.vector_store %arg6[%swap3A, %swap3A_21], %mul3A_9 {strides = array<i32>} : memref<4x2048xf32, #tpu.memory_space<vmem>>, vector<4x2048xf32>,
    %get3A_23 = arith.constant 0 : index
    %get3A_24 = arith.constant 0 : index
    %get3A_25 = vector.load %arg3[%get3A_23, %get3A_24] : memref<1x2048xf32, #tpu.memory_space<vmem>>, vector<1x2048xf32>
    %mul3A_26 = vector.broadcast %get3A_25 : vector<1x2048xf32> to vector<28x2048xf32>
    %mul3A_27 = arith.mulf %mul3A_26, %max3A_20 : vector<28x2048xf32>
    %swap3A_28 = arith.constant 0 : index
    %swap3A_29 = arith.constant 0 : index
    %swap3A_30 = vector.load %arg7[%swap3A_28, %swap3A_29] : memref<28x2048xf32, #tpu.memory_space<vmem>>, vector<28x2048xf32>
    tpu.vector_store %arg7[%swap3A_28, %swap3A_29], %mul3A_27 {strides = array<i32>} : memref<28x2048xf32, #tpu.memory_space<vmem>>, vector<28x2048xf32>,
    return
  }
  func.func @transform_0(%arg0: i32) -> (i32, i32) {
    %c0_i32 = arith.constant 0 : i32
    %c0_i32_0 = arith.constant 0 : i32
    return %c0_i32, %arg0 : i32, i32
  }
  func.func @transform_1(%arg0: i32) -> (i32, i32) {
    %c0_i32 = arith.constant 0 : i32
    %c0_i32_0 = arith.constant 0 : i32
    return %c0_i32, %arg0 : i32, i32
  }
  func.func @transform_2(%arg0: i32) -> (i32, i32) {
    %c0_i32 = arith.constant 0 : i32
    %c0_i32_0 = arith.constant 0 : i32
    return %c0_i32, %arg0 : i32, i32
  }
  func.func @transform_3(%arg0: i32) -> (i32, i32) {
    %c0_i32 = arith.constant 0 : i32
    %c0_i32_0 = arith.constant 0 : i32
    %c0_i32_1 = arith.constant 0 : i32
    return %c0_i32, %c0_i32_0 : i32, i32
  }
  func.func @transform_4(%arg0: i32) -> (i32, i32) {
    %c0_i32 = arith.constant 0 : i32
    %c0_i32_0 = arith.constant 0 : i32
    %c0_i32_1 = arith.constant 0 : i32
    return %c0_i32, %c0_i32_0 : i32, i32
  }
  func.func @transform_5(%arg0: i32) -> (i32, i32) {
    %c0_i32 = arith.constant 0 : i32
    %c0_i32_0 = arith.constant 0 : i32
    return %c0_i32, %arg0 : i32, i32
  }
  func.func @transform_6(%arg0: i32) -> (i32, i32) {
    %c0_i32 = arith.constant 0 : i32
    %c0_i32_0 = arith.constant 0 : i32
    return %c0_i32, %arg0 : i32, i32
  }
}

module attributes {stable_mosaic.version = 14 : i64} {
  func.func @_tc3_body(%arg0: i32, %arg1: memref<32x2048xf32, #tpu.memory_space<vmem>>, %arg2: memref<28x2048xf32, #tpu.memory_space<vmem>>, %arg3: memref<1x2048xf32, #tpu.memory_space<vmem>>, %arg4: memref<4x2048xf32, #tpu.memory_space<vmem>>, %arg5: memref<4x2048xf32, #tpu.memory_space<vmem>>, %arg6: memref<28x28xf32, #tpu.memory_space<vmem>>, %arg7: memref<28x4xf32, #tpu.memory_space<vmem>>, %arg8: memref<28x1xf32, #tpu.memory_space<vmem>>, %arg9: memref<1x28xf32, #tpu.memory_space<vmem>>, %arg10: memref<1x4xf32, #tpu.memory_space<vmem>>, %arg11: memref<1x2048xf32, #tpu.memory_space<vmem>>) attributes {dimension_semantics = [#tpu.dimension_semantics<arbitrary>], iteration_bounds = array<i64: 25>, scalar_prefetch = 0 : i64, scratch_operands = 0 : i64, tpu.core_type = #tpu.core_type<tc>, window_params = [{transform_indices = @transform_0, window_bounds = array<i64: 32, 2048>}, {transform_indices = @transform_1, window_bounds = array<i64: 28, 2048>}, {transform_indices = @transform_2, window_bounds = array<i64: 1, 2048>}, {transform_indices = @transform_3, window_bounds = array<i64: 4, 2048>}, {transform_indices = @transform_4, window_bounds = array<i64: 4, 2048>}, {pipeline_mode = #tpu.pipeline_mode<synchronous>, transform_indices = @transform_5, window_bounds = array<i64: 28, 28>}, {pipeline_mode = #tpu.pipeline_mode<synchronous>, transform_indices = @transform_6, window_bounds = array<i64: 28, 4>}, {pipeline_mode = #tpu.pipeline_mode<synchronous>, transform_indices = @transform_7, window_bounds = array<i64: 28, 1>}, {pipeline_mode = #tpu.pipeline_mode<synchronous>, transform_indices = @transform_8, window_bounds = array<i64: 1, 28>}, {pipeline_mode = #tpu.pipeline_mode<synchronous>, transform_indices = @transform_9, window_bounds = array<i64: 1, 4>}, {transform_indices = @transform_10, window_bounds = array<i64: 1, 2048>}]} {
    %get3A = arith.constant 0 : index
    %get3A_0 = arith.constant 0 : index
    %get3A_1 = vector.load %arg1[%get3A, %get3A_0] : memref<32x2048xf32, #tpu.memory_space<vmem>>, vector<32x2048xf32>
    %get3A_2 = arith.constant 0 : index
    %get3A_3 = arith.constant 0 : index
    %get3A_4 = vector.load %arg3[%get3A_2, %get3A_3] : memref<1x2048xf32, #tpu.memory_space<vmem>>, vector<1x2048xf32>
    %slice3A = vector.extract_strided_slice %get3A_1 {offsets = [0, 0], sizes = [4, 2048], strides = [1, 1]} : vector<32x2048xf32> to vector<4x2048xf32>
    %slice3A_5 = vector.extract_strided_slice %get3A_1 {offsets = [28, 0], sizes = [4, 2048], strides = [1, 1]} : vector<32x2048xf32> to vector<4x2048xf32>
    %add3A = arith.addf %slice3A, %slice3A_5 : vector<4x2048xf32>
    %slice3A_6 = vector.extract_strided_slice %get3A_1 {offsets = [4, 0], sizes = [24, 2048], strides = [1, 1]} : vector<32x2048xf32> to vector<24x2048xf32>
    %concatenate3A = tpu.concatenate %add3A, %slice3A_6 in 0 : vector<4x2048xf32>, vector<24x2048xf32> -> vector<28x2048xf32>
    %get3A_7 = arith.constant 0 : index
    %get3A_8 = arith.constant 0 : index
    %get3A_9 = vector.load %arg2[%get3A_7, %get3A_8] : memref<28x2048xf32, #tpu.memory_space<vmem>>, vector<28x2048xf32>
    %add3A_10 = arith.addf %concatenate3A, %get3A_9 : vector<28x2048xf32>
    %mul3A = vector.broadcast %get3A_4 : vector<1x2048xf32> to vector<28x2048xf32>
    %mul3A_11 = arith.mulf %mul3A, %add3A_10 : vector<28x2048xf32>
    %get3A_12 = arith.constant 0 : index
    %get3A_13 = arith.constant 0 : index
    %get3A_14 = vector.load %arg6[%get3A_12, %get3A_13] : memref<28x28xf32, #tpu.memory_space<vmem>>, vector<28x28xf32>
    %dot_general3A = arith.constant dense<0.000000e+00> : vector<28x2048xf32>
    %dot_general3A_15 = tpu.matmul %get3A_14, %mul3A_11, %dot_general3A {dimension_numbers = #tpu.dot_dimension_numbers<[1], [0], [0], [1], [0, 0, 1, 1], [], []>, transpose_lhs_hint = false} : vector<28x28xf32>, vector<28x2048xf32>, vector<28x2048xf32> -> vector<28x2048xf32>
    %get3A_16 = arith.constant 0 : index
    %get3A_17 = arith.constant 0 : index
    %get3A_18 = vector.load %arg7[%get3A_16, %get3A_17] : memref<28x4xf32, #tpu.memory_space<vmem>>, vector<28x4xf32>
    %get3A_19 = arith.constant 0 : index
    %get3A_20 = arith.constant 0 : index
    %get3A_21 = vector.load %arg4[%get3A_19, %get3A_20] : memref<4x2048xf32, #tpu.memory_space<vmem>>, vector<4x2048xf32>
    %dot_general3A_22 = arith.constant dense<0.000000e+00> : vector<28x2048xf32>
    %dot_general3A_23 = tpu.matmul %get3A_18, %get3A_21, %dot_general3A_22 {dimension_numbers = #tpu.dot_dimension_numbers<[1], [0], [0], [1], [0, 0, 1, 1], [], []>, transpose_lhs_hint = false} : vector<28x4xf32>, vector<4x2048xf32>, vector<28x2048xf32> -> vector<28x2048xf32>
    %add3A_24 = arith.addf %dot_general3A_15, %dot_general3A_23 : vector<28x2048xf32>
    %get3A_25 = arith.constant 0 : index
    %get3A_26 = arith.constant 0 : index
    %get3A_27 = vector.load %arg8[%get3A_25, %get3A_26] : memref<28x1xf32, #tpu.memory_space<vmem>>, vector<28x1xf32>
    %add3A_28 = vector.broadcast %get3A_27 : vector<28x1xf32> to vector<28x2048xf32>
    %add3A_29 = arith.addf %add3A_24, %add3A_28 : vector<28x2048xf32>
    %max3A = arith.constant 0.000000e+00 : f32
    %max3A_30 = vector.broadcast %max3A : f32 to vector<28x2048xf32>
    %max3A_31 = arith.maximumf %add3A_29, %max3A_30 : vector<28x2048xf32>
    %get3A_32 = arith.constant 0 : index
    %get3A_33 = arith.constant 0 : index
    %get3A_34 = vector.load %arg9[%get3A_32, %get3A_33] : memref<1x28xf32, #tpu.memory_space<vmem>>, vector<1x28xf32>
    %dot_general3A_35 = arith.constant dense<0.000000e+00> : vector<1x2048xf32>
    %dot_general3A_36 = tpu.matmul %get3A_34, %max3A_31, %dot_general3A_35 {dimension_numbers = #tpu.dot_dimension_numbers<[1], [0], [0], [1], [0, 0, 1, 1], [], []>, transpose_lhs_hint = false} : vector<1x28xf32>, vector<28x2048xf32>, vector<1x2048xf32> -> vector<1x2048xf32>
    %get3A_37 = arith.constant 0 : index
    %get3A_38 = arith.constant 0 : index
    %get3A_39 = vector.load %arg10[%get3A_37, %get3A_38] : memref<1x4xf32, #tpu.memory_space<vmem>>, vector<1x4xf32>
    %get3A_40 = arith.constant 0 : index
    %get3A_41 = arith.constant 0 : index
    %get3A_42 = vector.load %arg5[%get3A_40, %get3A_41] : memref<4x2048xf32, #tpu.memory_space<vmem>>, vector<4x2048xf32>
    %dot_general3A_43 = arith.constant dense<0.000000e+00> : vector<1x2048xf32>
    %dot_general3A_44 = tpu.matmul %get3A_39, %get3A_42, %dot_general3A_43 {dimension_numbers = #tpu.dot_dimension_numbers<[1], [0], [0], [1], [0, 0, 1, 1], [], []>, transpose_lhs_hint = false} : vector<1x4xf32>, vector<4x2048xf32>, vector<1x2048xf32> -> vector<1x2048xf32>
    %add3A_45 = arith.addf %dot_general3A_36, %dot_general3A_44 : vector<1x2048xf32>
    %get3A_46 = arith.constant 0 : index
    %get3A_47 = arith.constant 0 : index
    %get3A_48 = vector.load %arg3[%get3A_46, %get3A_47] : memref<1x2048xf32, #tpu.memory_space<vmem>>, vector<1x2048xf32>
    %mul3A_49 = arith.mulf %get3A_48, %add3A_45 : vector<1x2048xf32>
    %swap3A = arith.constant 0 : index
    %swap3A_50 = arith.constant 0 : index
    %swap3A_51 = vector.load %arg11[%swap3A, %swap3A_50] : memref<1x2048xf32, #tpu.memory_space<vmem>>, vector<1x2048xf32>
    tpu.vector_store %arg11[%swap3A, %swap3A_50], %mul3A_49 {strides = array<i32>} : memref<1x2048xf32, #tpu.memory_space<vmem>>, vector<1x2048xf32>,
    return
  }
  func.func @transform_0(%arg0: i32) -> (i32, i32) {
    %c0_i32 = arith.constant 0 : i32
    %c0_i32_0 = arith.constant 0 : i32
    return %c0_i32, %arg0 : i32, i32
  }
  func.func @transform_1(%arg0: i32) -> (i32, i32) {
    %c0_i32 = arith.constant 0 : i32
    %c0_i32_0 = arith.constant 0 : i32
    return %c0_i32, %arg0 : i32, i32
  }
  func.func @transform_2(%arg0: i32) -> (i32, i32) {
    %c0_i32 = arith.constant 0 : i32
    %c0_i32_0 = arith.constant 0 : i32
    return %c0_i32, %arg0 : i32, i32
  }
  func.func @transform_3(%arg0: i32) -> (i32, i32) {
    %c0_i32 = arith.constant 0 : i32
    %c0_i32_0 = arith.constant 0 : i32
    return %c0_i32, %arg0 : i32, i32
  }
  func.func @transform_4(%arg0: i32) -> (i32, i32) {
    %c0_i32 = arith.constant 0 : i32
    %c0_i32_0 = arith.constant 0 : i32
    return %c0_i32, %arg0 : i32, i32
  }
  func.func @transform_5(%arg0: i32) -> (i32, i32) {
    %c0_i32 = arith.constant 0 : i32
    %c0_i32_0 = arith.constant 0 : i32
    %c0_i32_1 = arith.constant 0 : i32
    return %c0_i32, %c0_i32_0 : i32, i32
  }
  func.func @transform_6(%arg0: i32) -> (i32, i32) {
    %c0_i32 = arith.constant 0 : i32
    %c0_i32_0 = arith.constant 0 : i32
    %c0_i32_1 = arith.constant 0 : i32
    return %c0_i32, %c0_i32_0 : i32, i32
  }
  func.func @transform_7(%arg0: i32) -> (i32, i32) {
    %c0_i32 = arith.constant 0 : i32
    %c0_i32_0 = arith.constant 0 : i32
    %c0_i32_1 = arith.constant 0 : i32
    return %c0_i32, %c0_i32_0 : i32, i32
  }
  func.func @transform_8(%arg0: i32) -> (i32, i32) {
    %c0_i32 = arith.constant 0 : i32
    %c0_i32_0 = arith.constant 0 : i32
    %c0_i32_1 = arith.constant 0 : i32
    return %c0_i32, %c0_i32_0 : i32, i32
  }
  func.func @transform_9(%arg0: i32) -> (i32, i32) {
    %c0_i32 = arith.constant 0 : i32
    %c0_i32_0 = arith.constant 0 : i32
    %c0_i32_1 = arith.constant 0 : i32
    return %c0_i32, %c0_i32_0 : i32, i32
  }
  func.func @transform_10(%arg0: i32) -> (i32, i32) {
    %c0_i32 = arith.constant 0 : i32
    %c0_i32_0 = arith.constant 0 : i32
    return %c0_i32, %arg0 : i32, i32
  }
}

module attributes {stable_mosaic.version = 14 : i64} {
  func.func @_tc4_body(%arg0: i32, %arg1: memref<32x2048xf32, #tpu.memory_space<vmem>>, %arg2: memref<2048xf32, #tpu.memory_space<vmem>>, %arg3: memref<2048xf32, #tpu.memory_space<vmem>>, %arg4: memref<1xf32, #tpu.memory_space<vmem>>, %arg5: memref<2048xf32, #tpu.memory_space<vmem>>) attributes {dimension_semantics = [#tpu.dimension_semantics<arbitrary>], iteration_bounds = array<i64: 25>, scalar_prefetch = 0 : i64, scratch_operands = 0 : i64, tpu.core_type = #tpu.core_type<tc>, window_params = [{transform_indices = @transform_0, window_bounds = array<i64: 32, 2048>}, {transform_indices = @transform_1, window_bounds = array<i64: 2048>}, {transform_indices = @transform_2, window_bounds = array<i64: 2048>}, {pipeline_mode = #tpu.pipeline_mode<synchronous>, transform_indices = @transform_3, window_bounds = array<i64: 1>}, {transform_indices = @transform_4, window_bounds = array<i64: 2048>}]} {
    %get3A = arith.constant 0 : index
    %get3A_0 = vector.load %arg3[%get3A] : memref<2048xf32, #tpu.memory_space<vmem>>, vector<2048xf32>
    %get3A_1 = arith.constant 0 : index
    %get3A_2 = arith.constant 0 : index
    %get3A_3 = vector.load %arg1[%get3A_1, %get3A_2] : memref<32x2048xf32, #tpu.memory_space<vmem>>, vector<32x2048xf32>
    %reduce_sum3A = arith.constant dense<0.000000e+00> : vector<2048xf32>
    %reduce_sum3A_4 = vector.multi_reduction <add>, %get3A_3, %reduce_sum3A [0] : vector<32x2048xf32> to vector<2048xf32>
    %get3A_5 = arith.constant 0 : index
    %get3A_6 = vector.load %arg2[%get3A_5] : memref<2048xf32, #tpu.memory_space<vmem>>, vector<2048xf32>
    %add3A = arith.addf %reduce_sum3A_4, %get3A_6 : vector<2048xf32>
    %mul3A = arith.mulf %get3A_0, %add3A : vector<2048xf32>
    %get3A_7 = arith.constant 0 : index
    %get3A_8 = vector.load %arg4[%get3A_7] : memref<1xf32, #tpu.memory_space<vmem>>, vector<1xf32>
    %get3A_9 = vector.extract %get3A_8[0] : f32 from vector<1xf32>
    %add3A_10 = vector.broadcast %get3A_9 : f32 to vector<2048xf32>
    %add3A_11 = arith.addf %mul3A, %add3A_10 : vector<2048xf32>
    %swap3A = arith.constant 0 : index
    %swap3A_12 = vector.load %arg5[%swap3A] : memref<2048xf32, #tpu.memory_space<vmem>>, vector<2048xf32>
    tpu.vector_store %arg5[%swap3A], %add3A_11 {strides = array<i32>} : memref<2048xf32, #tpu.memory_space<vmem>>, vector<2048xf32>,
    return
  }
  func.func @transform_0(%arg0: i32) -> (i32, i32) {
    %c0_i32 = arith.constant 0 : i32
    %c0_i32_0 = arith.constant 0 : i32
    return %c0_i32, %arg0 : i32, i32
  }
  func.func @transform_1(%arg0: i32) -> i32 {
    %c0_i32 = arith.constant 0 : i32
    return %arg0 : i32
  }
  func.func @transform_2(%arg0: i32) -> i32 {
    %c0_i32 = arith.constant 0 : i32
    return %arg0 : i32
  }
  func.func @transform_3(%arg0: i32) -> i32 {
    %c0_i32 = arith.constant 0 : i32
    %c0_i32_0 = arith.constant 0 : i32
    return %c0_i32 : i32
  }
  func.func @transform_4(%arg0: i32) -> i32 {
    %c0_i32 = arith.constant 0 : i32
    return %arg0 : i32
  }
}

</mosaic_0001>

<sc_bundles>
// kernel: kernel.10.cloned.1.call-start
scs
__scs_entry_jumppad:
0x0: {  	(pc) =	sbr.rel $0x88, $3  }
0x1: {  	(tag) =	ssettag $0x0;
	lr =	simm.s32 $0x1  }
0x2: {  	[smem:$0x3F99] =	sst lr;
	_ =	strace $0xD0000000  }
0x3: {  	_ = 	snop  }
0x4: {  	_ = 	snop  }
0x5: {  	_ = 	snop  }
0x6: {  	_ = 	snop  }
0x7: {  	_ = 	snop  }
__scs_overlays_trampoline_lowered:
0x8: {  	[smem:$0x3FA8] =	sst s0  }
0x9: {  	[smem:$0x3FA9] =	sst s1  }
0xa: {  	[smem:$0x3FAA] =	sst s2  }
0xb: {  	[smem:$0x3FAB] =	sst s3  }
0xc: {  	[smem:$0x3FAC] =	sst s4  }
0xd: {  	[smem:$0x3FAD] =	sst s5  }
0xe: {  	[smem:$0x3FAE] =	sst s6  }
0xf: {  	[smem:$0x3FAF] =	sst s7  }
0x10: {  	[smem:$0x3FB0] =	sst s8  }
0x11: {  	[smem:$0x3FB1] =	sst s9;
	s0 =	simm.s32 @!p0 $0x0  }
0x12: {  	s1 =	sld [smem:$0x3F97];
	s0 =	simm.s32 @p0 $0x1  }
0x13: {  	[smem:$0x3FB2] =	sst s0;
	s0 =	simm.s32 @!p1 $0x0  }
0x14: {  	s2 =	sld [smem:$0x3F96];
	s0 =	simm.s32 @p1 $0x1  }
0x15: {  	[smem:$0x3FB3] =	sst s0;
	s0 =	simm.s32 @!p2 $0x0  }
0x16: {  	s3 =	sld [smem:$0x3FDB];
	s0 =	simm.s32 @p2 $0x1  }
0x17: {  	s4 =	simm.s32 $0x1BF5;
	[smem:$0x3FB5] =	sst s0  }
0x18: {  	s0 =	sld [smem:$0x3F98];
	_ =	swait.ge [sflag:s4], $0x0  }
0x19: {  	s7 =	sld [smem:$0x3F99]  }
0x1a: {  	s8 =	sadd.s32 $0xFFFFE003, lr  }
0x1b: {  	s9 =	sadd.s32 $0xFFFFFEF7, lr;
	s5 =	simm.s32 $0xFFFFFFFF;
	p2 =	slt.u32 s8, $0xFFFFF086  }
0x1c: {  	p1 =	slt.u32 s9, $0xF7A;
	s5 =	simm.s32 @!p2 $0x0  }
0x1d: {  	s5 =	simm.s32 @p1 $0x1;
	p0 =	seq.s32 s7, s2  }
0x1e: {  	s7 =	smul.u32 @!p0 $0xF7A, s2;
	p2 =	seq.s32 @!p0 s5, $0x0  }
0x1f: {  	s9 =	smul.u32 $0xF7A, s1;
	s8 =	simm.s32 @!p0 $0x1BF5;
	p2 =	por !p2, p0  }
0x20: {  	[sflag:s8] =	ssyncset.s32 @!p0 $0xFFFFF086;
	s6 =	sadd.s32 @!p0 s3, s7;
	s7 =	simm.s32 @!p0 $0x108  }
0x21: {  	s3 =	sadd.s32 s3, s9;
	s6 =	sadd.s32 @!p0 $0x88, s6;
	s7 =	simm.s32 @p2 $0x1082  }
0x22: {  	[simem:s7], [sflag:s8] =	dma.local @!p0 [hbm:s6], $0xF7A  }
0x23: {  	s9 =	sor.u32 $0xD0000000, s2;
	s6 =	simm.s32 $0x108;
	_ =	swait.ge @!p0 [sflag:s8], $0x0  }
0x24: {  	s3 =	sadd.s32 $0x88, s3;
	s6 =	simm.s32 @!p1 $0x1082;
	[sflag:s4] =	ssyncset.s32 $0xFFFFF086  }
0x25: {  	[simem:s6], [sflag:s4] =	dma.local [hbm:s3], $0xF7A  }
0x26: {  	[smem:$0x3F99] =	sst s1;
	(tag) =	ssettag s2;
	_ =	strace s9  }
0x27: {  	s1 =	sld [smem:$0x3FA9]  }
0x28: {  	s2 =	sld [smem:$0x3FAA]  }
0x29: {  	s4 =	sld [smem:$0x3FAC]  }
0x2a: {  	p0 =	seq.s32 s5, $0x0;
	s5 =	sld [smem:$0x3FAD]  }
0x2b: {  	s6 =	sld [smem:$0x3FAE]  }
0x2c: {  	s7 =	sld [smem:$0x3FAF]  }
0x2d: {  	s3 =	simm.s32 $0x108;
	s8 =	sld [smem:$0x3FB0]  }
0x2e: {  	s3 =	simm.s32 @!p0 $0x1082;
	s9 =	sld [smem:$0x3FB1]  }
0x2f: {  	lr =	sadd.s32 s0, s3;
	s0 =	sld [smem:$0x3FA8]  }
0x30: {  	s3 =	sld [smem:$0x3FAB]  }
0x31: {  	[smem:$0x3FB4] =	sst s10  }
0x32: {  	s10 =	sld [smem:$0x3FB2];
	_ =	sdelay $0x3  }
0x33: {  	p0 =	seq.s32 s10, $0x1;
	s10 =	sld [smem:$0x3FB4];
	_ =	sdelay $0x3  }
0x34: {  	[smem:$0x3FB4] =	sst s10  }
0x35: {  	s10 =	sld [smem:$0x3FB3];
	_ =	sdelay $0x3  }
0x36: {  	p1 =	seq.s32 s10, $0x1;
	s10 =	sld [smem:$0x3FB4];
	_ =	sdelay $0x3  }
0x37: {  	[smem:$0x3FB4] =	sst s10  }
0x38: {  	s10 =	sld [smem:$0x3FB5]  }
0x39: {  	_ = 	snop;
	(pc) =	sbr.ind lr, $3  }
0x3a: {  	_ = 	snop  }
0x3b: {  	_ = 	snop  }
0x3c: {  	p2 =	seq.s32 s10, $0x1;
	s10 =	sld [smem:$0x3FB4]  }
0x3d: {  	_ =	shalt  }
0x3e: {  	_ =	shalt  }
0x3f: {  	_ =	shalt  }
0x40: {  	_ =	shalt  }
0x41: {  	_ =	shalt  }
0x42: {  	_ =	shalt  }
0x43: {  	_ =	shalt  }
0x44: {  	_ =	shalt  }
0x45: {  	_ =	shalt  }
0x46: {  	_ =	shalt  }
0x47: {  	_ =	shalt  }
0x48: {  	_ =	shalt  }
0x49: {  	_ =	shalt  }
0x4a: {  	_ =	shalt  }
0x4b: {  	_ =	shalt  }
0x4c: {  	_ =	shalt  }
0x4d: {  	_ =	shalt  }
0x4e: {  	_ =	shalt  }
0x4f: {  	_ =	shalt  }
0x50: {  	_ =	shalt  }
0x51: {  	_ =	shalt  }
0x52: {  	_ =	shalt  }
0x53: {  	_ =	shalt  }
0x54: {  	_ =	shalt  }
0x55: {  	_ =	shalt  }
0x56: {  	_ =	shalt  }
0x57: {  	_ =	shalt  }
0x58: {  	_ =	shalt  }
0x59: {  	_ =	shalt  }
0x5a: {  	_ =	shalt  }
0x5b: {  	_ =	shalt  }
0x5c: {  	_ =	shalt  }
0x5d: {  	_ =	shalt  }
0x5e: {  	_ =	shalt  }
0x5f: {  	_ =	shalt  }
0x60: {  	_ =	shalt  }
0x61: {  	_ =	shalt  }
0x62: {  	_ =	shalt  }
0x63: {  	_ =	shalt  }
0x64: {  	_ =	shalt  }
0x65: {  	_ =	shalt  }
0x66: {  	_ =	shalt  }
0x67: {  	_ =	shalt  }
0x68: {  	_ =	shalt  }
0x69: {  	_ =	shalt  }
0x6a: {  	_ =	shalt  }
0x6b: {  	_ =	shalt  }
0x6c: {  	_ =	shalt  }
0x6d: {  	_ =	shalt  }
0x6e: {  	_ =	shalt  }
0x6f: {  	_ =	shalt  }
0x70: {  	_ =	shalt  }
0x71: {  	_ =	shalt  }
0x72: {  	_ =	shalt  }
0x73: {  	_ =	shalt  }
0x74: {  	_ =	shalt  }
0x75: {  	_ =	shalt  }
0x76: {  	_ =	shalt  }
0x77: {  	_ =	shalt  }
0x78: {  	_ =	shalt  }
0x79: {  	_ =	shalt  }
0x7a: {  	_ =	shalt  }
0x7b: {  	_ =	shalt  }
0x7c: {  	_ =	shalt  }
0x7d: {  	_ =	shalt  }
0x7e: {  	_ =	shalt  }
0x7f: {  	_ =	shalt  }
0x80: {  	_ =	shalt  }
0x81: {  	_ =	shalt  }
0x82: {  	_ =	shalt  }
0x83: {  	_ =	shalt  }
0x84: {  	_ =	shalt  }
0x85: {  	_ =	shalt  }
0x86: {  	_ =	shalt  }
0x87: {  	_ =	shalt  }
.Lfunc_end0:
.L_simem_size_0:
called_computation_lowered:
.L_overlay_start_0:
0x88: {  	s2 =	sld [smem:$0x3FD9]  }
0x89: {  	s3 =	sld [smem:$0x3FFE];
	_ =	sdelay $0x1  }
0x8a: {  	s1 =	srdreg.scid  }
0x8b: {  	s0 =	sand.u32 $0x1, s1  }
0x8c: {  	s16 =	sshll.u32 s0, $0xA;
	s2 =	sadd.s32 s3, s2  }
0x8d: {  	s2 =	sadd.s32 s2, s16  }
0x8e: {  	[smem:$0x3FC0] =	sst s2  }
0x8f: {  	_ = 	snop  }
0x90: {  	(tm) =	ssettm $0x1  }
0x91: {  	s17 =	sld [smem:$0x3FFB];
	_ =	sdelay $0x3  }
0x92: {  	_ =	strace s17  }
0x93: {  	s2 =	sld [smem:$0x3FFC];
	_ =	sdelay $0x3  }
0x94: {  	_ =	strace s2  }
0x95: {  	s2 =	sld [smem:$0x3FFD];
	_ =	sdelay $0x3  }
0x96: {  	_ =	strace s2  }
0x97: {  	_ =	strace $0x8FFFFFFF  }
0x98: {  	s18 =	sld [smem:$0x3FDB];
	_ =	sdelay $0x1  }
0x99: {  	s19 =	simm.s32 $_scs_section_size  }
0x9a: {  	s4 =	simm.s32 $_size__tile_overlayer_lowered;
	s5 =	simm.s32 $_tile_overlayer_lowered  }
0x9b: {  	s22 =	simm.s32 $0x1BFF;
	s21 =	sshll.u32 s5, $0x1;
	s2 =	sadd.s32 s19, s18  }
0x9c: {  	s6 =	simm.s32 $0x0;
	s20 =	sshll.u32 s4, $0x1;
	s4 =	sadd.s32 s21, s2  }
0x9d: {  	[timem:s6], [sflag:s22] =	dma.local [hbm:s4], s20  }
0x9e: {  	_ =	swait.ge [sflag:s22], s20  }
0x9f: {  	s3 =	ssub.s32 $0x0, s20;
	[sflag:s22] =	ssyncset.done $0x0  }
0xa0: {  	[sflag:s22] =	ssyncadd.s32 s3;
	_ =	sdelay $0x1  }
0xa1: {  	s23 =	simm.s32 $0x1B8B  }
0xa2: {  	_ =	swait.ge [sflag:s23], $0x1  }
0xa3: {  	[sflag:s23] =	ssyncset.done $0x0  }
0xa4: {  	s25 =	simm.s32 $0x1B8E;
	s24 =	sld [smem:$0x3FFE];
	[sflag:s23] =	ssyncadd.s32 $0xFFFFFFFF  }
0xa5: {  	s26 =	simm.s32 $execute0_lowered;
	[smem:$0x3FD2] =	sst s25  }
0xa6: {  	s4 =	sshll.u32 s26, $0x1;
	_ =	strace $0x80000046;
	[dreg:$0x1] =	wrdreg $0xFFFFFFFF  }
0xa7: {  	s28 =	simm.s32 $_size_execute0_lowered;
	s2 =	sadd.s32 s2, s4;
	[dreg:$0x0] =	wrdreg $0x0  }
0xa8: {  	s4 =	sshll.u32 s28, $0x1;
	[dreg:$0x2] =	wrdreg s2  }
0xa9: {  	[dreg:$0x3] =	wrdreg s4  }
0xaa: {  	[dreg:$0x4] =	wrdreg $0xC0  }
0xab: {  	_ =	task [dreg:s6], $0x5FFFF  }
0xac: {  	[dreg:$0x1] =	wrdreg $0xFFFFFFFF  }
0xad: {  	[dreg:$0x0] =	wrdreg $0x60  }
0xae: {  	[dreg:$0x2] =	wrdreg s24  }
0xaf: {  	[dreg:$0x3] =	wrdreg $0x9  }
0xb0: {  	_ =	task.clear_ibuf [dreg:s6], $0x4FFFF;
	_ =	strace $0x90000046  }
0xb1: {  	s29 =	simm.s32 $0x9;
	_ =	strace $0x80000048  }
0xb2: {  	_ =	swait.ge [sflag:s29], $0x1  }
0xb3: {  	[sflag:s29] =	ssyncadd.s32 $0xFFFFFFFF  }
0xb4: {  	_ =	strace $0x90000048  }
0xb5: {  	_ =	sfence  }
0xb6: {  	s30 =	sld [smem:$0x0];
	_ =	sdelay $0x2  }
0xb7: {  	s31 =	sshll.u32 s1, $0xD;
	s1 =	sshrl.u32 s1, $0x2  }
0xb8: {  	s3 =	sand.u32 $0x4000, s31;
	s1 =	sadd.s32 s1, s30  }
0xb9: {  	s0 =	sor.u32 s3, s0;
	s1 =	sshll.u32 s1, $0x11  }
0xba: {  	s0 =	sor.u32 s1, s0  }
0xbb: {  	s0 =	sadd.s32 $0x8F2B, s0  }
0xbc: {  	[sflag:s0] =	ssyncadd.remote.s32 $0x1  }
0xbd: {  	_ =	sfence.sel $0xFFFF  }
0xbe: {  	[dreg:$0x0] =	wrdreg $0xFFFFFFFF;
	(pc) =	sbr.abs _section_cstart, $3  }
0xbf: {  	[dreg:$0x1] =	wrdreg $0xFFFFFFFF  }
0xc0: {  	_ =	task.clear_ibuf [dreg:s6], $0x2FFFF;
	_ =	strace $0x9FFFFFFF  }
0xc1: {  	(tm) =	ssettm $0x7FFFFFFF  }
tec
execute0_lowered:
.L_overlay_start_1:
0x0: {  	(tag) =	ssettag $0x1  }
0x1: {  	s4 =	rddreg [dreg:$0x0]  }
0x2: {  	s1 =	srdreg.scid;
	s0 =	rddreg [dreg:$0x1]  }
0x3: {  	s2 =	simm.s32 $0x0;
	s10 =	simm.s32 $0x0;
	s3 =	sand.u32 $0x1, s1  }
0x4: {  	s1 =	stileid.u32;
	[smem:$0x7FF] =	sst s2;
	s5 =	sshll.u32 s3, $0x4  }
0x5: {  	_ =	strace $0x80000047;
	s7 =	ssub.s32 $0x2, s3;
	s5 =	sor.u32 s1, s5  }
0x6: {  	s3 =	sadd.s32 $0x2000, s4;
	s8 =	sshrl.u32 s7, $0x1;
	s6 =	smul.u32 $0x1880, s5  }
0x7: {  	s9 =	smul.u32 $0x3200, s5;
	s7 =	ssub.s32 s7, s8;
	s8 =	simm.s32 $0xC400  }
0x8: {  	s7 =	smax.u32 s7, $0x1;
	s6 =	sadd.s32 s6, s4;
	s4 =	smul.u32 $0x320, s5  }
0x9: {  	v0 =	vimm.f32 $0.0e+00;
	v1 =	vimm.f32 $1.000000000e+00;
	s5 =	sadd.s32 s3, s9;
	s9 =	simm.s32 $0x3;
	s6 =	sadd.s32 $0x66000, s6  }
.LBB2_1:
0xa: {  	s11 =	simm.s32 $0x40;
	s12 =	simm.s32 $0x0  }
.LBB2_2:
0xb: {  	p0 =	sne.s32 s11, $0x30FC0;
	[tilespmem:s12+$0x0] =	vst v0;
	s12 =	smov.u32 s11;
	s11 =	sadd.s32 $0x40, s11  }
.Ltmp0:
0xc: {  	(pc) =	sbr.rel @p0 .LBB2_2-.Ltmp0, $2  }
0xd: {  	_ =	sdelay $0x2  }
0xe: {  	s12 =	sshra.s32 s12, $0x2  }
0xf: {  	[tilespmem:s12+$0x0] =	vst v0;
	s11 =	simm.s32 $0x0;
	p0 =	por $0x0, $0x0  }
0x10: {  	[tilespmem:s8], [sflag:$0x1] =	stream.linear.gather [hbm4b:s5+s11], $0x1400, $0x38;
	[tilespmem:$0xEC00] =	vst v63  }
.LBB2_5:
0x11: {  	s12 =	smov.u32 s11  }
0x12: {  	s13 =	sand.u32 $0x1, s11;
	s11 =	sadd.s32 $0x1, s11;
	p1 =	seq.s32 s12, $0x13  }
0x13: {  	s14 =	smul.u32 @!p1 $0x28, s11  }
0x14: {  	s16 =	simm.s32 $0x1;
	s12 =	sxor.u32 @!p1 $0x1, s13  }
0x15: {  	s16 =	simm.s32 @!p0 $0x0;
	s15 =	smul.u32 @!p1 $0x5000, s12;
	s14 =	sadd.s32 @!p1 s4, s14  }
0x16: {  	s30 =	sadd.s32 $0x1, s13;
	s17 =	simm.s32 @!p1 $0x0;
	s14 =	sshll.u32 @!p1 s14, $0x4  }
0x17: {  	s29 =	smul.u32 $0x5000, s16;
	s15 =	sshrl.u32 @!p1 s15, $0x2;
	s14 =	sand.u32 @!p1 $0x1FFFFF80, s14  }
0x18: {  	s12 =	sadd.s32 @!p1 $0x1, s12;
	s15 =	sadd.s32 @!p1 $0xC400, s15;
	s14 =	sadd.s32 @!p1 s3, s14  }
0x19: {  	[tilespmem:s15], [sflag:s12] =	stream.linear.gather @!p1 [hbm4b:s14+s17], $0x1400, $0x38;
	[tilespmem:$0xEC00] =	vst v63  }
0x1a: {  	_ =	swait.ge [sflag:s30], $0x1400  }
0x1b: {  	s12 =	sshrl.u32 s29, $0x2;
	[sflag:s30] =	ssyncset.done $0x0  }
0x1c: {  	s31 =	sadd.s32 $0xC600, s12;
	[sflag:s30] =	ssyncadd.s32 $0xFFFFEC00  }
0x1d: {  	v2 =	vld [tilespmem:s31+$0x180]  }
0x1e: {  	v3 =	vld [tilespmem:s31+$0xFFFFFE80]  }
0x1f: {  	v4 =	vld [tilespmem:s31+$0xFFFFFF00]  }
0x20: {  	v5 =	vld [tilespmem:s31+$0xFFFFFF80];
	_ =	sdelay $0x1  }
0x21: {  	v7 =	vld [tilespmem:s31+$0x80];
	v2 =	vshrl.u32 v2, $0x10  }
0x22: {  	v8 =	vld [tilespmem:s31+$0xFFFFFE00];
	v3 =	vshrl.u32 v3, $0x10  }
0x23: {  	v4 =	vshrl.u32 v4, $0x10  }
0x24: {  	v6 =	vld [tilespmem:s31+$0x0];
	v5 =	vshrl.u32 v5, $0x10  }
0x25: {  	v9 =	vld [tilespmem:s31+$0x100]  }
0x26: {  	v7 =	vshrl.u32 v7, $0x10;
	[tilespmem:v2+s2+$0x0] =	vst.idx.add.f32.msk $0xffff, v1  }
0x27: {  	v8 =	vshrl.u32 v8, $0x10;
	[tilespmem:v3+s2+$0x0] =	vst.idx.add.f32.msk $0xffff, v1  }
0x28: {  	[tilespmem:v4+s2+$0x0] =	vst.idx.add.f32.msk $0xffff, v1  }
0x29: {  	[tilespmem:v5+s2+$0x0] =	vst.idx.add.f32.msk $0xffff, v1  }
0x2a: {  	v2 =	vshrl.u32 v6, $0x10;
	v6 =	vld [tilespmem:s31+$0x190]  }
0x2b: {  	[tilespmem:v7+s2+$0x0] =	vst.idx.add.f32.msk $0xffff, v1;
	v3 =	vshrl.u32 v9, $0x10  }
0x2c: {  	[tilespmem:v8+s2+$0x0] =	vst.idx.add.f32.msk $0xffff, v1  }
0x2d: {  	v4 =	vld [tilespmem:s31+$0xFFFFFE10]  }
0x2e: {  	v5 =	vld [tilespmem:s31+$0xFFFFFE90]  }
0x2f: {  	[tilespmem:v2+s2+$0x0] =	vst.idx.add.f32.msk $0xffff, v1;
	v2 =	vshrl.u32 v6, $0x10  }
0x30: {  	[tilespmem:v3+s2+$0x0] =	vst.idx.add.f32.msk $0xffff, v1  }
0x31: {  	v3 =	vld [tilespmem:s31+$0xFFFFFF10]  }
0x32: {  	v6 =	vld [tilespmem:s31+$0xFFFFFF90]  }
0x33: {  	v4 =	vshrl.u32 v4, $0x10;
	v7 =	vld [tilespmem:s31+$0x10]  }
0x34: {  	v5 =	vshrl.u32 v5, $0x10;
	[tilespmem:v2+s2+$0x0] =	vst.idx.add.f32.msk $0xffff, v1  }
0x35: {  	v2 =	vld [tilespmem:s31+$0x1A0];
	_ =	sdelay $0x1  }
0x36: {  	v8 =	vld [tilespmem:s31+$0x90];
	v3 =	vshrl.u32 v3, $0x10  }
0x37: {  	[tilespmem:v4+s2+$0x0] =	vst.idx.add.f32.msk $0xffff, v1;
	v4 =	vshrl.u32 v6, $0x10  }
0x38: {  	[tilespmem:v5+s2+$0x0] =	vst.idx.add.f32.msk $0xffff, v1;
	v5 =	vshrl.u32 v7, $0x10  }
0x39: {  	v58 =	vld [tilespmem:s31+$0x110];
	v2 =	vshrl.u32 v2, $0x10  }
0x3a: {  	v6 =	vld [tilespmem:s31+$0xFFFFFE20]  }
0x3b: {  	v7 =	vshrl.u32 v8, $0x10;
	[tilespmem:v3+s2+$0x0] =	vst.idx.add.f32.msk $0xffff, v1  }
0x3c: {  	[tilespmem:v4+s2+$0x0] =	vst.idx.add.f32.msk $0xffff, v1  }
0x3d: {  	[tilespmem:v5+s2+$0x0] =	vst.idx.add.f32.msk $0xffff, v1  }
0x3e: {  	[tilespmem:v2+s2+$0x0] =	vst.idx.add.f32.msk $0xffff, v1  }
0x3f: {  	v2 =	vshrl.u32 v58, $0x10;
	v8 =	vld [tilespmem:s31+$0x1B0]  }
0x40: {  	[tilespmem:v7+s2+$0x0] =	vst.idx.add.f32.msk $0xffff, v1  }
0x41: {  	v4 =	vld [tilespmem:s31+$0xFFFFFF20];
	v6 =	vshrl.u32 v6, $0x10  }
0x42: {  	v5 =	vld [tilespmem:s31+$0xFFFFFFA0]  }
0x43: {  	v7 =	vld [tilespmem:s31+$0x20]  }
0x44: {  	[tilespmem:v2+s2+$0x0] =	vst.idx.add.f32.msk $0xffff, v1;
	v2 =	vshrl.u32 v8, $0x10  }
0x45: {  	v3 =	vld [tilespmem:s31+$0xFFFFFEA0]  }
0x46: {  	[tilespmem:v6+s2+$0x0] =	vst.idx.add.f32.msk $0xffff, v1  }
0x47: {  	v4 =	vshrl.u32 v4, $0x10;
	v8 =	vld [tilespmem:s31+$0xA0]  }
0x48: {  	v5 =	vshrl.u32 v5, $0x10;
	v59 =	vld [tilespmem:s31+$0x120]  }
0x49: {  	v6 =	vshrl.u32 v7, $0x10;
	[tilespmem:v2+s2+$0x0] =	vst.idx.add.f32.msk $0xffff, v1  }
0x4a: {  	v2 =	vshrl.u32 v3, $0x10;
	v3 =	vld [tilespmem:s31+$0x1C0]  }
0x4b: {  	v7 =	vld [tilespmem:s31+$0xFFFFFE30]  }
0x4c: {  	[tilespmem:v4+s2+$0x0] =	vst.idx.add.f32.msk $0xffff, v1  }
0x4d: {  	[tilespmem:v5+s2+$0x0] =	vst.idx.add.f32.msk $0xffff, v1;
	v4 =	vshrl.u32 v59, $0x10  }
0x4e: {  	[tilespmem:v6+s2+$0x0] =	vst.idx.add.f32.msk $0xffff, v1  }
0x4f: {  	[tilespmem:v2+s2+$0x0] =	vst.idx.add.f32.msk $0xffff, v1;
	v2 =	vshrl.u32 v3, $0x10;
	v3 =	vshrl.u32 v8, $0x10  }
0x50: {  	v6 =	vld [tilespmem:s31+$0xFFFFFFB0]  }
0x51: {  	v5 =	vld [tilespmem:s31+$0xFFFFFEB0]  }
0x52: {  	[tilespmem:v4+s2+$0x0] =	vst.idx.add.f32.msk $0xffff, v1  }
0x53: {  	v4 =	vld [tilespmem:s31+$0xFFFFFF30]  }
0x54: {  	[tilespmem:v3+s2+$0x0] =	vst.idx.add.f32.msk $0xffff, v1;
	v3 =	vshrl.u32 v7, $0x10  }
0x55: {  	[tilespmem:v2+s2+$0x0] =	vst.idx.add.f32.msk $0xffff, v1  }
0x56: {  	v5 =	vshrl.u32 v5, $0x10;
	v7 =	vld [tilespmem:s31+$0x30]  }
0x57: {  	v2 =	vld [tilespmem:s31+$0x1D0];
	_ =	sdelay $0x1  }
0x58: {  	[tilespmem:v3+s2+$0x0] =	vst.idx.add.f32.msk $0xffff, v1;
	v3 =	vshrl.u32 v4, $0x10  }
0x59: {  	v60 =	vld [tilespmem:s31+$0x130];
	v4 =	vshrl.u32 v6, $0x10  }
0x5a: {  	[tilespmem:v5+s2+$0x0] =	vst.idx.add.f32.msk $0xffff, v1;
	v5 =	vshrl.u32 v7, $0x10  }
0x5b: {  	v8 =	vld [tilespmem:s31+$0xB0];
	v2 =	vshrl.u32 v2, $0x10  }
0x5c: {  	v7 =	vld [tilespmem:s31+$0xFFFFFE40]  }
0x5d: {  	[tilespmem:v3+s2+$0x0] =	vst.idx.add.f32.msk $0xffff, v1  }
0x5e: {  	[tilespmem:v4+s2+$0x0] =	vst.idx.add.f32.msk $0xffff, v1;
	v3 =	vshrl.u32 v60, $0x10  }
0x5f: {  	[tilespmem:v5+s2+$0x0] =	vst.idx.add.f32.msk $0xffff, v1  }
0x60: {  	[tilespmem:v2+s2+$0x0] =	vst.idx.add.f32.msk $0xffff, v1;
	v2 =	vshrl.u32 v8, $0x10  }
0x61: {  	v4 =	vld [tilespmem:s31+$0xFFFFFF40]  }
0x62: {  	v6 =	vld [tilespmem:s31+$0x1E0]  }
0x63: {  	[tilespmem:v3+s2+$0x0] =	vst.idx.add.f32.msk $0xffff, v1  }
0x64: {  	v3 =	vld [tilespmem:s31+$0x40]  }
0x65: {  	v7 =	vshrl.u32 v7, $0x10;
	[tilespmem:v2+s2+$0x0] =	vst.idx.add.f32.msk $0xffff, v1  }
0x66: {  	v2 =	vld [tilespmem:s31+$0xFFFFFEC0]  }
0x67: {  	v5 =	vshrl.u32 v6, $0x10;
	v6 =	vld [tilespmem:s31+$0xFFFFFFC0]  }
0x68: {  	v4 =	vshrl.u32 v4, $0x10  }
0x69: {  	v61 =	vld [tilespmem:s31+$0x140]  }
0x6a: {  	[tilespmem:v7+s2+$0x0] =	vst.idx.add.f32.msk $0xffff, v1;
	v3 =	vshrl.u32 v3, $0x10  }
0x6b: {  	v8 =	vld [tilespmem:s31+$0xC0];
	v2 =	vshrl.u32 v2, $0x10  }
0x6c: {  	[tilespmem:v5+s2+$0x0] =	vst.idx.add.f32.msk $0xffff, v1;
	v5 =	vshrl.u32 v6, $0x10  }
0x6d: {  	[tilespmem:v4+s2+$0x0] =	vst.idx.add.f32.msk $0xffff, v1  }
0x6e: {  	v4 =	vshrl.u32 v61, $0x10;
	v6 =	vld [tilespmem:s31+$0xFFFFFE50]  }
0x6f: {  	[tilespmem:v3+s2+$0x0] =	vst.idx.add.f32.msk $0xffff, v1  }
0x70: {  	[tilespmem:v2+s2+$0x0] =	vst.idx.add.f32.msk $0xffff, v1  }
0x71: {  	[tilespmem:v5+s2+$0x0] =	vst.idx.add.f32.msk $0xffff, v1  }
0x72: {  	v2 =	vshrl.u32 v8, $0x10;
	v5 =	vld [tilespmem:s31+$0xFFFFFED0]  }
0x73: {  	[tilespmem:v4+s2+$0x0] =	vst.idx.add.f32.msk $0xffff, v1  }
0x74: {  	v8 =	vld [tilespmem:s31+$0x150]  }
0x75: {  	v3 =	vshrl.u32 v6, $0x10;
	v6 =	vld [tilespmem:s31+$0x50]  }
0x76: {  	v4 =	vld [tilespmem:s31+$0xFFFFFFD0]  }
0x77: {  	[tilespmem:v2+s2+$0x0] =	vst.idx.add.f32.msk $0xffff, v1;
	v5 =	vshrl.u32 v5, $0x10  }
0x78: {  	v2 =	vld [tilespmem:s31+$0xFFFFFF50]  }
0x79: {  	v7 =	vld [tilespmem:s31+$0xD0];
	v8 =	vshrl.u32 v8, $0x10  }
0x7a: {  	v62 =	vld [tilespmem:s31+$0x1F0]  }
0x7b: {  	[tilespmem:v3+s2+$0x0] =	vst.idx.add.f32.msk $0xffff, v1;
	v3 =	vshrl.u32 v4, $0x10  }
0x7c: {  	v4 =	vshrl.u32 v6, $0x10;
	[tilespmem:v5+s2+$0x0] =	vst.idx.add.f32.msk $0xffff, v1  }
0x7d: {  	v2 =	vshrl.u32 v2, $0x10;
	v5 =	vld [tilespmem:s31+$0xFFFFFE60]  }
0x7e: {  	v6 =	vshrl.u32 v7, $0x10;
	[tilespmem:v8+s2+$0x0] =	vst.idx.add.f32.msk $0xffff, v1  }
0x7f: {  	v7 =	vld [tilespmem:s31+$0xFFFFFEE0]  }
0x80: {  	[tilespmem:v3+s2+$0x0] =	vst.idx.add.f32.msk $0xffff, v1  }
0x81: {  	[tilespmem:v4+s2+$0x0] =	vst.idx.add.f32.msk $0xffff, v1  }
0x82: {  	[tilespmem:v2+s2+$0x0] =	vst.idx.add.f32.msk $0xffff, v1  }
0x83: {  	[tilespmem:v6+s2+$0x0] =	vst.idx.add.f32.msk $0xffff, v1  }
0x84: {  	v2 =	vshrl.u32 v62, $0x10;
	v3 =	vld [tilespmem:s31+$0xFFFFFF60]  }
0x85: {  	v4 =	vshrl.u32 v5, $0x10;
	v5 =	vld [tilespmem:s31+$0xFFFFFFE0]  }
0x86: {  	v6 =	vshrl.u32 v7, $0x10;
	v7 =	vld [tilespmem:s31+$0x60]  }
0x87: {  	v8 =	vld [tilespmem:s31+$0xE0]  }
0x88: {  	v63 =	vld [tilespmem:s31+$0x160]  }
0x89: {  	[tilespmem:v2+s2+$0x0] =	vst.idx.add.f32.msk $0xffff, v1;
	v2 =	vshrl.u32 v3, $0x10  }
0x8a: {  	[tilespmem:v4+s2+$0x0] =	vst.idx.add.f32.msk $0xffff, v1;
	v3 =	vshrl.u32 v5, $0x10  }
0x8b: {  	[tilespmem:v6+s2+$0x0] =	vst.idx.add.f32.msk $0xffff, v1;
	v4 =	vshrl.u32 v7, $0x10  }
0x8c: {  	v5 =	vld [tilespmem:s31+$0xFFFFFE70];
	v6 =	vshrl.u32 v8, $0x10  }
0x8d: {  	v8 =	vshrl.u32 v63, $0x10;
	v7 =	vld [tilespmem:s31+$0xFFFFFEF0]  }
0x8e: {  	[tilespmem:v2+s2+$0x0] =	vst.idx.add.f32.msk $0xffff, v1  }
0x8f: {  	[tilespmem:v3+s2+$0x0] =	vst.idx.add.f32.msk $0xffff, v1  }
0x90: {  	[tilespmem:v4+s2+$0x0] =	vst.idx.add.f32.msk $0xffff, v1  }
0x91: {  	[tilespmem:v6+s2+$0x0] =	vst.idx.add.f32.msk $0xffff, v1  }
0x92: {  	[tilespmem:v8+s2+$0x0] =	vst.idx.add.f32.msk $0xffff, v1  }
0x93: {  	v4 =	vshrl.u32 v5, $0x10;
	v5 =	vld [tilespmem:s31+$0xFFFFFF70]  }
0x94: {  	v8 =	vld [tilespmem:s31+$0xFFFFFFF0];
	v7 =	vshrl.u32 v7, $0x10  }
0x95: {  	v6 =	vld [tilespmem:s31+$0x70]  }
0x96: {  	v3 =	vld [tilespmem:s31+$0xF0]  }
0x97: {  	v2 =	vld [tilespmem:s31+$0x170]  }
0x98: {  	[tilespmem:v4+s2+$0x0] =	vst.idx.add.f32.msk $0xffff, v1  }
0x99: {  	s12 =	simm.s32 $0x0;
	s13 =	sadd.s32 $0x400, s31;
	v4 =	vshrl.u32 v5, $0x10;
	v5 =	vshrl.u32 v8, $0x10;
	[tilespmem:v7+s2+$0x0] =	vst.idx.add.f32.msk $0xffff, v1  }
.LBB2_6:
0x9a: {  	v7 =	vld [tilespmem:s13+$0x180];
	s12 =	sadd.s32 $0x8, s12;
	v6 =	vshrl.u32 v6, $0x10  }
0x9b: {  	v8 =	vld [tilespmem:s13+$0xFFFFFE80];
	p1 =	slt.u32 s12, $0x20;
	v3 =	vshrl.u32 v3, $0x10  }
0x9c: {  	v9 =	vld [tilespmem:s13+$0xFFFFFF00];
	v2 =	vshrl.u32 v2, $0x10  }
0x9d: {  	v10 =	vld [tilespmem:s13+$0xFFFFFF80]  }
0x9e: {  	v11 =	vld [tilespmem:s13+$0x0]  }
0x9f: {  	v12 =	vld [tilespmem:s13+$0x80];
	v7 =	vshrl.u32 v7, $0x10  }
0xa0: {  	v8 =	vshrl.u32 v8, $0x10;
	v13 =	vld [tilespmem:s13+$0x100]  }
0xa1: {  	v14 =	vld [tilespmem:s13+$0xFFFFFE00];
	v9 =	vshrl.u32 v9, $0x10  }
0xa2: {  	v10 =	vshrl.u32 v10, $0x10;
	[tilespmem:v4+s2+$0x0] =	vst.idx.add.f32.msk $0xffff, v1  }
0xa3: {  	v4 =	vshrl.u32 v11, $0x10;
	[tilespmem:v5+s2+$0x0] =	vst.idx.add.f32.msk $0xffff, v1  }
0xa4: {  	v5 =	vshrl.u32 v12, $0x10;
	[tilespmem:v7+s2+$0x0] =	vst.idx.add.f32.msk $0xffff, v1  }
0xa5: {  	v7 =	vshrl.u32 v13, $0x10;
	v11 =	vld [tilespmem:s13+$0x190]  }
0xa6: {  	v12 =	vshrl.u32 v14, $0x10;
	[tilespmem:v8+s2+$0x0] =	vst.idx.add.f32.msk $0xffff, v1  }
0xa7: {  	[tilespmem:v9+s2+$0x0] =	vst.idx.add.f32.msk $0xffff, v1  }
0xa8: {  	[tilespmem:v10+s2+$0x0] =	vst.idx.add.f32.msk $0xffff, v1  }
0xa9: {  	[tilespmem:v4+s2+$0x0] =	vst.idx.add.f32.msk $0xffff, v1  }
0xaa: {  	[tilespmem:v5+s2+$0x0] =	vst.idx.add.f32.msk $0xffff, v1;
	v4 =	vshrl.u32 v11, $0x10  }
0xab: {  	[tilespmem:v12+s2+$0x0] =	vst.idx.add.f32.msk $0xffff, v1  }
0xac: {  	[tilespmem:v7+s2+$0x0] =	vst.idx.add.f32.msk $0xffff, v1  }
0xad: {  	v5 =	vld [tilespmem:s13+$0xFFFFFE10]  }
0xae: {  	v7 =	vld [tilespmem:s13+$0xFFFFFE90]  }
0xaf: {  	[tilespmem:v4+s2+$0x0] =	vst.idx.add.f32.msk $0xffff, v1  }
0xb0: {  	v4 =	vld [tilespmem:s13+$0x1A0]  }
0xb1: {  	v8 =	vld [tilespmem:s13+$0xFFFFFF10]  }
0xb2: {  	v5 =	vshrl.u32 v5, $0x10;
	v9 =	vld [tilespmem:s13+$0xFFFFFF90]  }
0xb3: {  	v7 =	vshrl.u32 v7, $0x10;
	v10 =	vld [tilespmem:s13+$0x10]  }
0xb4: {  	v11 =	vld [tilespmem:s13+$0x90]  }
0xb5: {  	v12 =	vld [tilespmem:s13+$0x110];
	v4 =	vshrl.u32 v4, $0x10  }
0xb6: {  	v8 =	vshrl.u32 v8, $0x10;
	[tilespmem:v6+s2+$0x0] =	vst.idx.add.f32.msk $0xffff, v1  }
0xb7: {  	[tilespmem:v5+s2+$0x0] =	vst.idx.add.f32.msk $0xffff, v1;
	v5 =	vshrl.u32 v9, $0x10  }
0xb8: {  	[tilespmem:v7+s2+$0x0] =	vst.idx.add.f32.msk $0xffff, v1;
	v6 =	vshrl.u32 v10, $0x10  }
0xb9: {  	v7 =	vld [tilespmem:s13+$0xFFFFFE20];
	v9 =	vshrl.u32 v11, $0x10  }
0xba: {  	v10 =	vshrl.u32 v12, $0x10;
	[tilespmem:v4+s2+$0x0] =	vst.idx.add.f32.msk $0xffff, v1  }
0xbb: {  	v4 =	vld [tilespmem:s13+$0x1B0]  }
0xbc: {  	[tilespmem:v8+s2+$0x0] =	vst.idx.add.f32.msk $0xffff, v1  }
0xbd: {  	[tilespmem:v5+s2+$0x0] =	vst.idx.add.f32.msk $0xffff, v1  }
0xbe: {  	v5 =	vshrl.u32 v7, $0x10;
	[tilespmem:v6+s2+$0x0] =	vst.idx.add.f32.msk $0xffff, v1  }
0xbf: {  	[tilespmem:v9+s2+$0x0] =	vst.idx.add.f32.msk $0xffff, v1  }
0xc0: {  	[tilespmem:v10+s2+$0x0] =	vst.idx.add.f32.msk $0xffff, v1;
	v4 =	vshrl.u32 v4, $0x10  }
0xc1: {  	v6 =	vld [tilespmem:s13+$0xFFFFFEA0]  }
0xc2: {  	v7 =	vld [tilespmem:s13+$0xFFFFFF20]  }
0xc3: {  	v8 =	vld [tilespmem:s13+$0xFFFFFFA0]  }
0xc4: {  	v9 =	vld [tilespmem:s13+$0x20]  }
0xc5: {  	[tilespmem:v4+s2+$0x0] =	vst.idx.add.f32.msk $0xffff, v1  }
0xc6: {  	v4 =	vshrl.u32 v6, $0x10;
	v6 =	vld [tilespmem:s13+$0x1C0]  }
0xc7: {  	v7 =	vshrl.u32 v7, $0x10;
	v10 =	vld [tilespmem:s13+$0xA0]  }
0xc8: {  	v8 =	vshrl.u32 v8, $0x10;
	v11 =	vld [tilespmem:s13+$0x120]  }
0xc9: {  	[tilespmem:v5+s2+$0x0] =	vst.idx.add.f32.msk $0xffff, v1;
	v5 =	vshrl.u32 v9, $0x10  }
0xca: {  	v9 =	vld [tilespmem:s13+$0xFFFFFE30]  }
0xcb: {  	[tilespmem:v4+s2+$0x0] =	vst.idx.add.f32.msk $0xffff, v1;
	v4 =	vshrl.u32 v6, $0x10  }
0xcc: {  	[tilespmem:v7+s2+$0x0] =	vst.idx.add.f32.msk $0xffff, v1;
	v6 =	vshrl.u32 v10, $0x10  }
0xcd: {  	[tilespmem:v8+s2+$0x0] =	vst.idx.add.f32.msk $0xffff, v1;
	v7 =	vshrl.u32 v11, $0x10  }
0xce: {  	[tilespmem:v5+s2+$0x0] =	vst.idx.add.f32.msk $0xffff, v1  }
0xcf: {  	v5 =	vshrl.u32 v9, $0x10;
	v8 =	vld [tilespmem:s13+$0xFFFFFEB0]  }
0xd0: {  	[tilespmem:v4+s2+$0x0] =	vst.idx.add.f32.msk $0xffff, v1  }
0xd1: {  	v4 =	vld [tilespmem:s13+$0x1D0]  }
0xd2: {  	[tilespmem:v6+s2+$0x0] =	vst.idx.add.f32.msk $0xffff, v1  }
0xd3: {  	[tilespmem:v7+s2+$0x0] =	vst.idx.add.f32.msk $0xffff, v1  }
0xd4: {  	v6 =	vshrl.u32 v8, $0x10;
	v7 =	vld [tilespmem:s13+$0xFFFFFF30]  }
0xd5: {  	v8 =	vld [tilespmem:s13+$0xFFFFFFB0]  }
0xd6: {  	v9 =	vld [tilespmem:s13+$0x30];
	v4 =	vshrl.u32 v4, $0x10  }
0xd7: {  	v10 =	vld [tilespmem:s13+$0xB0]  }
0xd8: {  	v11 =	vld [tilespmem:s13+$0x130]  }
0xd9: {  	[tilespmem:v5+s2+$0x0] =	vst.idx.add.f32.msk $0xffff, v1;
	v5 =	vshrl.u32 v7, $0x10  }
0xda: {  	[tilespmem:v6+s2+$0x0] =	vst.idx.add.f32.msk $0xffff, v1;
	v6 =	vshrl.u32 v8, $0x10  }
0xdb: {  	v7 =	vshrl.u32 v9, $0x10;
	[tilespmem:v4+s2+$0x0] =	vst.idx.add.f32.msk $0xffff, v1  }
0xdc: {  	v4 =	vshrl.u32 v10, $0x10;
	v8 =	vld [tilespmem:s13+$0x1E0]  }
0xdd: {  	v9 =	vld [tilespmem:s13+$0xFFFFFE40];
	v10 =	vshrl.u32 v11, $0x10  }
0xde: {  	[tilespmem:v5+s2+$0x0] =	vst.idx.add.f32.msk $0xffff, v1  }
0xdf: {  	[tilespmem:v6+s2+$0x0] =	vst.idx.add.f32.msk $0xffff, v1  }
0xe0: {  	[tilespmem:v7+s2+$0x0] =	vst.idx.add.f32.msk $0xffff, v1  }
0xe1: {  	[tilespmem:v4+s2+$0x0] =	vst.idx.add.f32.msk $0xffff, v1;
	v4 =	vshrl.u32 v8, $0x10  }
0xe2: {  	v5 =	vshrl.u32 v9, $0x10;
	[tilespmem:v10+s2+$0x0] =	vst.idx.add.f32.msk $0xffff, v1  }
0xe3: {  	v6 =	vld [tilespmem:s13+$0xFFFFFEC0]  }
0xe4: {  	v7 =	vld [tilespmem:s13+$0xFFFFFF40]  }
0xe5: {  	v8 =	vld [tilespmem:s13+$0xFFFFFFC0]  }
0xe6: {  	[tilespmem:v4+s2+$0x0] =	vst.idx.add.f32.msk $0xffff, v1  }
0xe7: {  	v4 =	vld [tilespmem:s13+$0x1F0]  }
0xe8: {  	v6 =	vshrl.u32 v6, $0x10;
	v9 =	vld [tilespmem:s13+$0x40]  }
0xe9: {  	v7 =	vshrl.u32 v7, $0x10;
	v10 =	vld [tilespmem:s13+$0xC0]  }
0xea: {  	v8 =	vshrl.u32 v8, $0x10;
	v11 =	vld [tilespmem:s13+$0x140]  }
0xeb: {  	[tilespmem:v5+s2+$0x0] =	vst.idx.add.f32.msk $0xffff, v1  }
0xec: {  	v5 =	vld [tilespmem:s13+$0xFFFFFE50];
	v4 =	vshrl.u32 v4, $0x10  }
0xed: {  	[tilespmem:v6+s2+$0x0] =	vst.idx.add.f32.msk $0xffff, v1;
	v6 =	vshrl.u32 v9, $0x10  }
0xee: {  	[tilespmem:v7+s2+$0x0] =	vst.idx.add.f32.msk $0xffff, v1;
	v7 =	vshrl.u32 v10, $0x10  }
0xef: {  	[tilespmem:v8+s2+$0x0] =	vst.idx.add.f32.msk $0xffff, v1;
	v8 =	vshrl.u32 v11, $0x10  }
0xf0: {  	v9 =	vld [tilespmem:s13+$0xFFFFFED0]  }
0xf1: {  	v5 =	vshrl.u32 v5, $0x10;
	[tilespmem:v4+s2+$0x0] =	vst.idx.add.f32.msk $0xffff, v1  }
0xf2: {  	[tilespmem:v6+s2+$0x0] =	vst.idx.add.f32.msk $0xffff, v1  }
0xf3: {  	[tilespmem:v7+s2+$0x0] =	vst.idx.add.f32.msk $0xffff, v1  }
0xf4: {  	[tilespmem:v8+s2+$0x0] =	vst.idx.add.f32.msk $0xffff, v1  }
0xf5: {  	v4 =	vshrl.u32 v9, $0x10;
	v6 =	vld [tilespmem:s13+$0xFFFFFF50]  }
0xf6: {  	v7 =	vld [tilespmem:s13+$0xFFFFFFD0]  }
0xf7: {  	v8 =	vld [tilespmem:s13+$0x50]  }
0xf8: {  	v9 =	vld [tilespmem:s13+$0xD0]  }
0xf9: {  	v10 =	vld [tilespmem:s13+$0x150]  }
0xfa: {  	[tilespmem:v5+s2+$0x0] =	vst.idx.add.f32.msk $0xffff, v1;
	v5 =	vshrl.u32 v6, $0x10  }
0xfb: {  	[tilespmem:v4+s2+$0x0] =	vst.idx.add.f32.msk $0xffff, v1;
	v4 =	vshrl.u32 v7, $0x10  }
0xfc: {  	v6 =	vld [tilespmem:s13+$0xFFFFFE60];
	v7 =	vshrl.u32 v8, $0x10  }
0xfd: {  	v8 =	vld [tilespmem:s13+$0xFFFFFEE0];
	v9 =	vshrl.u32 v9, $0x10  }
0xfe: {  	v10 =	vshrl.u32 v10, $0x10;
	[tilespmem:v3+s2+$0x0] =	vst.idx.add.f32.msk $0xffff, v1  }
0xff: {  	[tilespmem:v5+s2+$0x0] =	vst.idx.add.f32.msk $0xffff, v1  }
0x100: {  	[tilespmem:v4+s2+$0x0] =	vst.idx.add.f32.msk $0xffff, v1  }
0x101: {  	v3 =	vshrl.u32 v6, $0x10;
	[tilespmem:v7+s2+$0x0] =	vst.idx.add.f32.msk $0xffff, v1  }
0x102: {  	v4 =	vshrl.u32 v8, $0x10;
	[tilespmem:v9+s2+$0x0] =	vst.idx.add.f32.msk $0xffff, v1  }
0x103: {  	[tilespmem:v10+s2+$0x0] =	vst.idx.add.f32.msk $0xffff, v1  }
0x104: {  	v5 =	vld [tilespmem:s13+$0xFFFFFF60]  }
0x105: {  	v6 =	vld [tilespmem:s13+$0xFFFFFFE0]  }
0x106: {  	v7 =	vld [tilespmem:s13+$0x60]  }
0x107: {  	v8 =	vld [tilespmem:s13+$0xE0]  }
0x108: {  	v9 =	vld [tilespmem:s13+$0x160]  }
0x109: {  	[tilespmem:v3+s2+$0x0] =	vst.idx.add.f32.msk $0xffff, v1;
	v3 =	vshrl.u32 v5, $0x10  }
0x10a: {  	[tilespmem:v4+s2+$0x0] =	vst.idx.add.f32.msk $0xffff, v1;
	v4 =	vshrl.u32 v6, $0x10  }
0x10b: {  	v5 =	vld [tilespmem:s13+$0xFFFFFE70];
	v6 =	vshrl.u32 v7, $0x10  }
0x10c: {  	v7 =	vld [tilespmem:s13+$0xFFFFFEF0];
	v8 =	vshrl.u32 v8, $0x10  }
0x10d: {  	v9 =	vshrl.u32 v9, $0x10;
	[tilespmem:v2+s2+$0x0] =	vst.idx.add.f32.msk $0xffff, v1  }
0x10e: {  	[tilespmem:v3+s2+$0x0] =	vst.idx.add.f32.msk $0xffff, v1  }
0x10f: {  	[tilespmem:v4+s2+$0x0] =	vst.idx.add.f32.msk $0xffff, v1  }
0x110: {  	v4 =	vshrl.u32 v5, $0x10;
	[tilespmem:v6+s2+$0x0] =	vst.idx.add.f32.msk $0xffff, v1  }
0x111: {  	v5 =	vshrl.u32 v7, $0x10;
	[tilespmem:v8+s2+$0x0] =	vst.idx.add.f32.msk $0xffff, v1  }
0x112: {  	[tilespmem:v9+s2+$0x0] =	vst.idx.add.f32.msk $0xffff, v1  }
0x113: {  	v7 =	vld [tilespmem:s13+$0xFFFFFF70]  }
0x114: {  	v8 =	vld [tilespmem:s13+$0xFFFFFFF0]  }
.Ltmp1:
0x115: {  	v6 =	vld [tilespmem:s13+$0x70];
	(pc) =	sbr.rel @p1 .LBB2_6-.Ltmp1, $4  }
0x116: {  	v3 =	vld [tilespmem:s13+$0xF0]  }
0x117: {  	v2 =	vld [tilespmem:s13+$0x170]  }
0x118: {  	[tilespmem:v4+s2+$0x0] =	vst.idx.add.f32.msk $0xffff, v1;
	v4 =	vshrl.u32 v7, $0x10  }
0x119: {  	s13 =	sadd.s32 $0x400, s13;
	[tilespmem:v5+s2+$0x0] =	vst.idx.add.f32.msk $0xffff, v1;
	v5 =	vshrl.u32 v8, $0x10  }
0x11a: {  	_ = 	snop  }
0x11b: {  	v6 =	vshrl.u32 v6, $0x10  }
0x11c: {  	v3 =	vshrl.u32 v3, $0x10  }
0x11d: {  	v2 =	vshrl.u32 v2, $0x10  }
0x11e: {  	[tilespmem:v4+s2+$0x0] =	vst.idx.add.f32.msk $0xffff, v1  }
0x11f: {  	[tilespmem:v5+s2+$0x0] =	vst.idx.add.f32.msk $0xffff, v1  }
0x120: {  	[tilespmem:v6+s2+$0x0] =	vst.idx.add.f32.msk $0xffff, v1  }
0x121: {  	[tilespmem:v3+s2+$0x0] =	vst.idx.add.f32.msk $0xffff, v1  }
0x122: {  	[tilespmem:v2+s2+$0x0] =	vst.idx.add.f32.msk $0xffff, v1  }
0x123: {  	p1 =	seq.s32 s11, $0x14  }
.Ltmp2:
0x124: {  	_ = 	snop;
	(pc) =	sbr.rel @!p1 .LBB2_5-.Ltmp2, $2  }
0x125: {  	_ =	sdelay $0x2  }
0x126: {  	p0 =	por !p0, !p0  }
0x127: {  	s10 =	sadd.s32 $0x1, s10  }
0x128: {  	p0 =	sne.s32 s10, s7  }
.Ltmp3:
0x129: {  	_ = 	snop;
	(pc) =	sbr.rel @p0 .LBB2_1-.Ltmp3, $4  }
0x12a: {  	[hbm4b:s6+s2] =	stream.linear.scatter [tilespmem:s2], [sflag:$0x3], $0xC400, $0x38;
	[tilespmem:$0xEC00] =	vst v63  }
0x12b: {  	_ =	swait.ge [sflag:s9], $0xC400  }
0x12c: {  	[sflag:s9] =	ssyncset.done $0x0  }
0x12d: {  	[sflag:s9] =	ssyncadd.s32 $0xFFFF3C00  }
0x12e: {  	_ =	sfence.sel $0x180000  }
0x12f: {  	[bflag:$0x0] =	sbarrier.arrive $0xFFFF  }
0x130: {  	p0 =	sne.s32 s1, $0x0;
	_ =	strace $0x90000047  }
0x131: {  	s0 =	sadd.s32 @!p0 $0x100000, s0;
	[bflag:$0x2] =	sbarrier.arrive $0xFFFF  }
0x132: {  	[sflag:s0] =	ssyncadd.tile.s32 @!p0 $0x1;
	_ =	shalt  }
.Lfunc_end2:
_tile_overlayer_lowered:
.L_overlay_start_2:
0x133: {  	(tag) =	ssettag $0x2  }
0x134: {  	s0 =	rddreg [dreg:$0x0];
	s2 =	stileid.u32  }
0x135: {  	s1 =	rddreg [dreg:$0x1];
	p0 =	sne.s32 s2, $0x0  }
0x136: {  	s3 =	rddreg [dreg:$0x2];
	[bflag:$0x3] =	sbarrier.arrive $0xFFFF;
	s2 =	simm.s32 @!p0 $0x1C03  }
0x137: {  	[timem:s3], [sflag:s2] =	dma.local @!p0 [hbm:s0], s1  }
0x138: {  	s0 =	simm.s32 @!p0 $0x3  }
0x139: {  	_ =	swait.ge @!p0 [sflag:s0], s1  }
0x13a: {  	s1 =	ssub.s32 @!p0 $0x0, s1;
	[sflag:s0] =	ssyncset.done @!p0 $0x0  }
0x13b: {  	[sflag:s0] =	ssyncadd.s32 @!p0 s1  }
0x13c: {  	[bflag:$0x3] =	sbarrier.arrive $0xFFFF  }
0x13d: {  	_ =	shalt  }

// kernel: kernel.13.cloned.1.call-start
scs
__scs_entry_jumppad:
0x0: {  	(pc) =	sbr.rel $0x88, $3  }
0x1: {  	(tag) =	ssettag $0x0;
	lr =	simm.s32 $0x1  }
0x2: {  	[smem:$0x3F99] =	sst lr;
	_ =	strace $0xD0000000  }
0x3: {  	_ = 	snop  }
0x4: {  	_ = 	snop  }
0x5: {  	_ = 	snop  }
0x6: {  	_ = 	snop  }
0x7: {  	_ = 	snop  }
__scs_overlays_trampoline_lowered:
0x8: {  	[smem:$0x3FA8] =	sst s0  }
0x9: {  	[smem:$0x3FA9] =	sst s1  }
0xa: {  	[smem:$0x3FAA] =	sst s2  }
0xb: {  	[smem:$0x3FAB] =	sst s3  }
0xc: {  	[smem:$0x3FAC] =	sst s4  }
0xd: {  	[smem:$0x3FAD] =	sst s5  }
0xe: {  	[smem:$0x3FAE] =	sst s6  }
0xf: {  	[smem:$0x3FAF] =	sst s7  }
0x10: {  	[smem:$0x3FB0] =	sst s8  }
0x11: {  	[smem:$0x3FB1] =	sst s9;
	s0 =	simm.s32 @!p0 $0x0  }
0x12: {  	s1 =	sld [smem:$0x3F97];
	s0 =	simm.s32 @p0 $0x1  }
0x13: {  	[smem:$0x3FB2] =	sst s0;
	s0 =	simm.s32 @!p1 $0x0  }
0x14: {  	s2 =	sld [smem:$0x3F96];
	s0 =	simm.s32 @p1 $0x1  }
0x15: {  	[smem:$0x3FB3] =	sst s0;
	s0 =	simm.s32 @!p2 $0x0  }
0x16: {  	s3 =	sld [smem:$0x3FDB];
	s0 =	simm.s32 @p2 $0x1  }
0x17: {  	s4 =	simm.s32 $0x1BF5;
	[smem:$0x3FB5] =	sst s0  }
0x18: {  	s0 =	sld [smem:$0x3F98];
	_ =	swait.ge [sflag:s4], $0x0  }
0x19: {  	s7 =	sld [smem:$0x3F99]  }
0x1a: {  	s8 =	sadd.s32 $0xFFFFE003, lr  }
0x1b: {  	s9 =	sadd.s32 $0xFFFFFEF7, lr;
	s5 =	simm.s32 $0xFFFFFFFF;
	p2 =	slt.u32 s8, $0xFFFFF086  }
0x1c: {  	p1 =	slt.u32 s9, $0xF7A;
	s5 =	simm.s32 @!p2 $0x0  }
0x1d: {  	s5 =	simm.s32 @p1 $0x1;
	p0 =	seq.s32 s7, s2  }
0x1e: {  	s7 =	smul.u32 @!p0 $0xF7A, s2;
	p2 =	seq.s32 @!p0 s5, $0x0  }
0x1f: {  	s9 =	smul.u32 $0xF7A, s1;
	s8 =	simm.s32 @!p0 $0x1BF5;
	p2 =	por !p2, p0  }
0x20: {  	[sflag:s8] =	ssyncset.s32 @!p0 $0xFFFFF086;
	s6 =	sadd.s32 @!p0 s3, s7;
	s7 =	simm.s32 @!p0 $0x108  }
0x21: {  	s3 =	sadd.s32 s3, s9;
	s6 =	sadd.s32 @!p0 $0x88, s6;
	s7 =	simm.s32 @p2 $0x1082  }
0x22: {  	[simem:s7], [sflag:s8] =	dma.local @!p0 [hbm:s6], $0xF7A  }
0x23: {  	s9 =	sor.u32 $0xD0000000, s2;
	s6 =	simm.s32 $0x108;
	_ =	swait.ge @!p0 [sflag:s8], $0x0  }
0x24: {  	s3 =	sadd.s32 $0x88, s3;
	s6 =	simm.s32 @!p1 $0x1082;
	[sflag:s4] =	ssyncset.s32 $0xFFFFF086  }
0x25: {  	[simem:s6], [sflag:s4] =	dma.local [hbm:s3], $0xF7A  }
0x26: {  	[smem:$0x3F99] =	sst s1;
	(tag) =	ssettag s2;
	_ =	strace s9  }
0x27: {  	s1 =	sld [smem:$0x3FA9]  }
0x28: {  	s2 =	sld [smem:$0x3FAA]  }
0x29: {  	s4 =	sld [smem:$0x3FAC]  }
0x2a: {  	p0 =	seq.s32 s5, $0x0;
	s5 =	sld [smem:$0x3FAD]  }
0x2b: {  	s6 =	sld [smem:$0x3FAE]  }
0x2c: {  	s7 =	sld [smem:$0x3FAF]  }
0x2d: {  	s3 =	simm.s32 $0x108;
	s8 =	sld [smem:$0x3FB0]  }
0x2e: {  	s3 =	simm.s32 @!p0 $0x1082;
	s9 =	sld [smem:$0x3FB1]  }
0x2f: {  	lr =	sadd.s32 s0, s3;
	s0 =	sld [smem:$0x3FA8]  }
0x30: {  	s3 =	sld [smem:$0x3FAB]  }
0x31: {  	[smem:$0x3FB4] =	sst s10  }
0x32: {  	s10 =	sld [smem:$0x3FB2];
	_ =	sdelay $0x3  }
0x33: {  	p0 =	seq.s32 s10, $0x1;
	s10 =	sld [smem:$0x3FB4];
	_ =	sdelay $0x3  }
0x34: {  	[smem:$0x3FB4] =	sst s10  }
0x35: {  	s10 =	sld [smem:$0x3FB3];
	_ =	sdelay $0x3  }
0x36: {  	p1 =	seq.s32 s10, $0x1;
	s10 =	sld [smem:$0x3FB4];
	_ =	sdelay $0x3  }
0x37: {  	[smem:$0x3FB4] =	sst s10  }
0x38: {  	s10 =	sld [smem:$0x3FB5]  }
0x39: {  	_ = 	snop;
	(pc) =	sbr.ind lr, $3  }
0x3a: {  	_ = 	snop  }
0x3b: {  	_ = 	snop  }
0x3c: {  	p2 =	seq.s32 s10, $0x1;
	s10 =	sld [smem:$0x3FB4]  }
0x3d: {  	_ =	shalt  }
0x3e: {  	_ =	shalt  }
0x3f: {  	_ =	shalt  }
0x40: {  	_ =	shalt  }
0x41: {  	_ =	shalt  }
0x42: {  	_ =	shalt  }
0x43: {  	_ =	shalt  }
0x44: {  	_ =	shalt  }
0x45: {  	_ =	shalt  }
0x46: {  	_ =	shalt  }
0x47: {  	_ =	shalt  }
0x48: {  	_ =	shalt  }
0x49: {  	_ =	shalt  }
0x4a: {  	_ =	shalt  }
0x4b: {  	_ =	shalt  }
0x4c: {  	_ =	shalt  }
0x4d: {  	_ =	shalt  }
0x4e: {  	_ =	shalt  }
0x4f: {  	_ =	shalt  }
0x50: {  	_ =	shalt  }
0x51: {  	_ =	shalt  }
0x52: {  	_ =	shalt  }
0x53: {  	_ =	shalt  }
0x54: {  	_ =	shalt  }
0x55: {  	_ =	shalt  }
0x56: {  	_ =	shalt  }
0x57: {  	_ =	shalt  }
0x58: {  	_ =	shalt  }
0x59: {  	_ =	shalt  }
0x5a: {  	_ =	shalt  }
0x5b: {  	_ =	shalt  }
0x5c: {  	_ =	shalt  }
0x5d: {  	_ =	shalt  }
0x5e: {  	_ =	shalt  }
0x5f: {  	_ =	shalt  }
0x60: {  	_ =	shalt  }
0x61: {  	_ =	shalt  }
0x62: {  	_ =	shalt  }
0x63: {  	_ =	shalt  }
0x64: {  	_ =	shalt  }
0x65: {  	_ =	shalt  }
0x66: {  	_ =	shalt  }
0x67: {  	_ =	shalt  }
0x68: {  	_ =	shalt  }
0x69: {  	_ =	shalt  }
0x6a: {  	_ =	shalt  }
0x6b: {  	_ =	shalt  }
0x6c: {  	_ =	shalt  }
0x6d: {  	_ =	shalt  }
0x6e: {  	_ =	shalt  }
0x6f: {  	_ =	shalt  }
0x70: {  	_ =	shalt  }
0x71: {  	_ =	shalt  }
0x72: {  	_ =	shalt  }
0x73: {  	_ =	shalt  }
0x74: {  	_ =	shalt  }
0x75: {  	_ =	shalt  }
0x76: {  	_ =	shalt  }
0x77: {  	_ =	shalt  }
0x78: {  	_ =	shalt  }
0x79: {  	_ =	shalt  }
0x7a: {  	_ =	shalt  }
0x7b: {  	_ =	shalt  }
0x7c: {  	_ =	shalt  }
0x7d: {  	_ =	shalt  }
0x7e: {  	_ =	shalt  }
0x7f: {  	_ =	shalt  }
0x80: {  	_ =	shalt  }
0x81: {  	_ =	shalt  }
0x82: {  	_ =	shalt  }
0x83: {  	_ =	shalt  }
0x84: {  	_ =	shalt  }
0x85: {  	_ =	shalt  }
0x86: {  	_ =	shalt  }
0x87: {  	_ =	shalt  }
.Lfunc_end0:
.L_simem_size_0:
called_computation.1_lowered:
.L_overlay_start_0:
0x88: {  	s2 =	sld [smem:$0x3FD9]  }
0x89: {  	s3 =	sld [smem:$0x3FFE];
	_ =	sdelay $0x1  }
0x8a: {  	s1 =	srdreg.scid  }
0x8b: {  	s0 =	sand.u32 $0x1, s1  }
0x8c: {  	s16 =	sshll.u32 s0, $0xA;
	s2 =	sadd.s32 s3, s2  }
0x8d: {  	s2 =	sadd.s32 s2, s16  }
0x8e: {  	[smem:$0x3FC0] =	sst s2  }
0x8f: {  	_ = 	snop  }
0x90: {  	(tm) =	ssettm $0x1  }
0x91: {  	s17 =	sld [smem:$0x3FFB];
	_ =	sdelay $0x3  }
0x92: {  	_ =	strace s17  }
0x93: {  	s2 =	sld [smem:$0x3FFC];
	_ =	sdelay $0x3  }
0x94: {  	_ =	strace s2  }
0x95: {  	s2 =	sld [smem:$0x3FFD];
	_ =	sdelay $0x3  }
0x96: {  	_ =	strace s2  }
0x97: {  	_ =	strace $0x8FFFFFFF  }
0x98: {  	s18 =	sld [smem:$0x3FDB];
	_ =	sdelay $0x1  }
0x99: {  	s19 =	simm.s32 $_scs_section_size  }
0x9a: {  	s4 =	simm.s32 $_size__tile_overlayer_lowered;
	s5 =	simm.s32 $_tile_overlayer_lowered  }
0x9b: {  	s22 =	simm.s32 $0x1BFF;
	s21 =	sshll.u32 s5, $0x1;
	s2 =	sadd.s32 s19, s18  }
0x9c: {  	s6 =	simm.s32 $0x0;
	s20 =	sshll.u32 s4, $0x1;
	s4 =	sadd.s32 s21, s2  }
0x9d: {  	[timem:s6], [sflag:s22] =	dma.local [hbm:s4], s20  }
0x9e: {  	_ =	swait.ge [sflag:s22], s20  }
0x9f: {  	s3 =	ssub.s32 $0x0, s20;
	[sflag:s22] =	ssyncset.done $0x0  }
0xa0: {  	[sflag:s22] =	ssyncadd.s32 s3;
	_ =	sdelay $0x1  }
0xa1: {  	s23 =	simm.s32 $0x1B8B  }
0xa2: {  	_ =	swait.ge [sflag:s23], $0x1  }
0xa3: {  	[sflag:s23] =	ssyncset.done $0x0  }
0xa4: {  	s25 =	simm.s32 $0x1B8E;
	s24 =	sld [smem:$0x3FFE];
	[sflag:s23] =	ssyncadd.s32 $0xFFFFFFFF  }
0xa5: {  	s26 =	simm.s32 $execute0_lowered;
	[smem:$0x3FD2] =	sst s25  }
0xa6: {  	s4 =	sshll.u32 s26, $0x1;
	_ =	strace $0x80000049;
	[dreg:$0x1] =	wrdreg $0xFFFFFFFF  }
0xa7: {  	s28 =	simm.s32 $_size_execute0_lowered;
	s2 =	sadd.s32 s2, s4;
	[dreg:$0x0] =	wrdreg $0x0  }
0xa8: {  	s4 =	sshll.u32 s28, $0x1;
	[dreg:$0x2] =	wrdreg s2  }
0xa9: {  	[dreg:$0x3] =	wrdreg s4  }
0xaa: {  	[dreg:$0x4] =	wrdreg $0xC0  }
0xab: {  	_ =	task [dreg:s6], $0x5FFFF  }
0xac: {  	[dreg:$0x1] =	wrdreg $0xFFFFFFFF  }
0xad: {  	[dreg:$0x0] =	wrdreg $0x60  }
0xae: {  	[dreg:$0x2] =	wrdreg s24  }
0xaf: {  	[dreg:$0x3] =	wrdreg $0x9  }
0xb0: {  	_ =	task.clear_ibuf [dreg:s6], $0x4FFFF;
	_ =	strace $0x90000049  }
0xb1: {  	s29 =	simm.s32 $0x9;
	_ =	strace $0x8000004B  }
0xb2: {  	_ =	swait.ge [sflag:s29], $0x1  }
0xb3: {  	[sflag:s29] =	ssyncadd.s32 $0xFFFFFFFF  }
0xb4: {  	_ =	strace $0x9000004B  }
0xb5: {  	_ =	sfence  }
0xb6: {  	s30 =	sld [smem:$0x0];
	_ =	sdelay $0x2  }
0xb7: {  	s31 =	sshll.u32 s1, $0xD;
	s1 =	sshrl.u32 s1, $0x2  }
0xb8: {  	s3 =	sand.u32 $0x4000, s31;
	s1 =	sadd.s32 s1, s30  }
0xb9: {  	s0 =	sor.u32 s3, s0;
	s1 =	sshll.u32 s1, $0x11  }
0xba: {  	s0 =	sor.u32 s1, s0  }
0xbb: {  	s0 =	sadd.s32 $0x8F2B, s0  }
0xbc: {  	[sflag:s0] =	ssyncadd.remote.s32 $0x1  }
0xbd: {  	_ =	sfence.sel $0xFFFF  }
0xbe: {  	[dreg:$0x0] =	wrdreg $0xFFFFFFFF;
	(pc) =	sbr.abs _section_cstart, $3  }
0xbf: {  	[dreg:$0x1] =	wrdreg $0xFFFFFFFF  }
0xc0: {  	_ =	task.clear_ibuf [dreg:s6], $0x2FFFF;
	_ =	strace $0x9FFFFFFF  }
0xc1: {  	(tm) =	ssettm $0x7FFFFFFF  }
tec
execute0_lowered:
.L_overlay_start_1:
0x0: {  	(tag) =	ssettag $0x1  }
0x1: {  	s0 =	srdreg.scid  }
0x2: {  	s3 =	sand.u32 $0x1, s0  }
0x3: {  	s5 =	simm.s32 $0x1;
	s0 =	stileid.u32;
	s1 =	sshll.u32 s3, $0x4  }
0x4: {  	s6 =	rddreg [dreg:$0x0];
	s28 =	sand.u32 $0x7, s0;
	s4 =	sor.u32 s0, s1  }
0x5: {  	s2 =	simm.s32 $0x0;
	p1 =	sne.s32 s28, $0x0;
	p0 =	seq.s32 s4, $0x0  }
0x6: {  	s11 =	simm.s32 $0x18800;
	s12 =	simm.s32 $0x0;
	p0 =	por !p1, !p0  }
0x7: {  	[smem:$0x7FF] =	sst s2;
	s30 =	ssub.s32 $0x2, s3;
	p0 =	por !p0, !p0  }
0x8: {  	s3 =	sadd.s32 $0x2000, s6;
	s7 =	sshrl.u32 s4, $0x3;
	s5 =	simm.s32 @!p0 $0x0  }
0x9: {  	s1 =	rddreg [dreg:$0x1];
	s8 =	smul.u32 $0x1880, s4;
	s5 =	ssub.s32 s7, s5  }
0xa: {  	s10 =	sshrl.u32 s30, $0x1;
	s7 =	smul.u32 $0xC350, s5;
	s5 =	sshll.u32 s5, $0x3  }
0xb: {  	_ =	strace $0x8000004A;
	s10 =	ssub.s32 s30, s10;
	s4 =	ssub.s32 s4, s5  }
0xc: {  	s8 =	sadd.s32 s8, s6;
	s29 =	sshrl.u32 s7, $0x3;
	s9 =	smul.u32 $0x64000, s4  }
0xd: {  	s4 =	smul.u32 $0xC80, s4;
	s7 =	sadd.s32 $0x6C200, s8;
	s8 =	smax.u32 s10, $0x1  }
0xe: {  	s10 =	simm.s32 $0x3;
	s5 =	sadd.s32 s29, s6;
	s31 =	sshrl.u32 s9, $0x3  }
0xf: {  	v0 =	vimm.f32 $0.0e+00;
	s5 =	sadd.s32 $0x66000, s5;
	s9 =	simm.s32 $0xC400;
	s6 =	sadd.s32 s3, s31  }
.LBB2_1:
0x10: {  	s13 =	simm.s32 $0x40;
	s14 =	simm.s32 $0x0  }
.LBB2_2:
0x11: {  	p0 =	sne.s32 s13, $0x30FC0;
	[tilespmem:s14+$0x0] =	vst v0;
	s14 =	smov.u32 s13;
	s13 =	sadd.s32 $0x40, s13  }
.Ltmp0:
0x12: {  	(pc) =	sbr.rel @p0 .LBB2_2-.Ltmp0, $2  }
0x13: {  	_ =	sdelay $0x2  }
0x14: {  	s14 =	sshra.s32 s14, $0x2  }
0x15: {  	[tilespmem:s14+$0x0] =	vst v0;
	s13 =	simm.s32 $0x0  }
0x16: {  	[tilespmem:s9], [sflag:$0x3] =	stream.linear.gather [hbm4b:s5+s13], $0xC350, $0x38;
	[tilespmem:$0x1B000] =	vst v63  }
0x17: {  	_ =	swait.ge [sflag:s10], $0xC350  }
0x18: {  	[sflag:s10] =	ssyncset.done $0x0  }
0x19: {  	p0 =	por $0x0, $0x0;
	[sflag:s10] =	ssyncadd.s32 $0xFFFF3CB0  }
0x1a: {  	[tilespmem:s11], [sflag:$0x1] =	stream.linear.gather [hbm4b:s6+s13], $0x1400, $0x38;
	[tilespmem:$0x1B000] =	vst v63  }
.LBB2_5:
0x1b: {  	s14 =	smov.u32 s13  }
0x1c: {  	s15 =	sand.u32 $0x1, s13;
	s13 =	sadd.s32 $0x1, s13;
	p1 =	seq.s32 s14, $0x4F  }
0x1d: {  	s16 =	smul.u32 @!p1 $0x28, s13  }
0x1e: {  	s18 =	simm.s32 $0x1;
	s14 =	sxor.u32 @!p1 $0x1, s15  }
0x1f: {  	s18 =	simm.s32 @!p0 $0x0;
	s17 =	smul.u32 @!p1 $0x5000, s14;
	s16 =	sadd.s32 @!p1 s4, s16  }
0x20: {  	s19 =	simm.s32 @!p1 $0x0;
	s31 =	smul.u32 $0x5000, s18;
	s16 =	sshll.u32 @!p1 s16, $0x4  }
0x21: {  	s15 =	sadd.s32 $0x1, s15;
	s17 =	sshrl.u32 @!p1 s17, $0x2;
	s16 =	sand.u32 @!p1 $0x1FFFFF80, s16  }
0x22: {  	s14 =	sadd.s32 @!p1 $0x1, s14;
	s17 =	sadd.s32 @!p1 $0x18800, s17;
	s16 =	sadd.s32 @!p1 s3, s16  }
0x23: {  	[tilespmem:s17], [sflag:s14] =	stream.linear.gather @!p1 [hbm4b:s16+s19], $0x1400, $0x38;
	[tilespmem:$0x1B000] =	vst v63  }
0x24: {  	_ =	swait.ge [sflag:s15], $0x1400  }
0x25: {  	s14 =	sshrl.u32 s31, $0x2;
	[sflag:s15] =	ssyncset.done $0x0  }
0x26: {  	s14 =	sadd.s32 $0x18A00, s14;
	[sflag:s15] =	ssyncadd.s32 $0xFFFFEC00  }
0x27: {  	v1 =	vld [tilespmem:s14+$0x180]  }
0x28: {  	v2 =	vld [tilespmem:s14+$0xFFFFFE80]  }
0x29: {  	v3 =	vld [tilespmem:s14+$0xFFFFFF00]  }
0x2a: {  	v4 =	vld [tilespmem:s14+$0xFFFFFF80]  }
0x2b: {  	v5 =	vld [tilespmem:s14+$0x0]  }
0x2c: {  	v6 =	vld [tilespmem:s14+$0x80];
	v7 =	vand.u32 $0xFFFF, v1  }
0x2d: {  	v12 =	vld [tilespmem:s14+$0x100];
	v8 =	vand.u32 $0xFFFF, v2  }
0x2e: {  	v9 =	vand.u32 $0xFFFF, v3  }
0x2f: {  	v10 =	vld [tilespmem:s14+$0xFFFFFE00];
	v11 =	vand.u32 $0xFFFF, v4  }
0x30: {  	v13 =	vand.u32 $0xFFFF, v5  }
0x31: {  	v14 =	vand.u32 $0xFFFF, v6;
	v7 =	vld.idx.msk [tilespmem:v7+s9+$0x0], $0xffff  }
0x32: {  	v16 =	vand.u32 $0xFFFF, v12;
	v8 =	vld.idx.msk [tilespmem:v8+s9+$0x0], $0xffff  }
0x33: {  	v1 =	vshrl.u32 v1, $0x10;
	v9 =	vld.idx.msk [tilespmem:v9+s9+$0x0], $0xffff  }
0x34: {  	v15 =	vand.u32 $0xFFFF, v10;
	v11 =	vld.idx.msk [tilespmem:v11+s9+$0x0], $0xffff  }
0x35: {  	v13 =	vld.idx.msk [tilespmem:v13+s9+$0x0], $0xffff  }
0x36: {  	v2 =	vshrl.u32 v2, $0x10;
	v14 =	vld.idx.msk [tilespmem:v14+s9+$0x0], $0xffff  }
0x37: {  	v3 =	vshrl.u32 v3, $0x10;
	v35 =	vld.idx.msk [tilespmem:v16+s9+$0x0], $0xffff  }
0x38: {  	v5 =	vshrl.u32 v5, $0x10;
	[tilespmem:v1+s2+$0x0] =	vst.idx.add.f32.msk $0xffff, v7  }
0x39: {  	v6 =	vshrl.u32 v6, $0x10;
	v7 =	vld.idx.msk [tilespmem:v15+s9+$0x0], $0xffff  }
0x3a: {  	v1 =	vshrl.u32 v4, $0x10;
	v4 =	vld [tilespmem:s14+$0x190]  }
0x3b: {  	[tilespmem:v2+s2+$0x0] =	vst.idx.add.f32.msk $0xffff, v8  }
0x3c: {  	[tilespmem:v3+s2+$0x0] =	vst.idx.add.f32.msk $0xffff, v9  }
0x3d: {  	v10 =	vshrl.u32 v10, $0x10;
	[tilespmem:v5+s2+$0x0] =	vst.idx.add.f32.msk $0xffff, v13  }
0x3e: {  	[tilespmem:v6+s2+$0x0] =	vst.idx.add.f32.msk $0xffff, v14  }
0x3f: {  	[tilespmem:v1+s2+$0x0] =	vst.idx.add.f32.msk $0xffff, v11;
	v1 =	vand.u32 $0xFFFF, v4  }
0x40: {  	v5 =	vld [tilespmem:s14+$0xFFFFFF10]  }
0x41: {  	v9 =	vld [tilespmem:s14+$0x90]  }
0x42: {  	v2 =	vshrl.u32 v12, $0x10;
	[tilespmem:v10+s2+$0x0] =	vst.idx.add.f32.msk $0xffff, v7  }
0x43: {  	v7 =	vld [tilespmem:s14+$0x10]  }
0x44: {  	v3 =	vshrl.u32 v4, $0x10;
	v1 =	vld.idx.msk [tilespmem:v1+s9+$0x0], $0xffff  }
0x45: {  	v4 =	vld [tilespmem:s14+$0xFFFFFE90]  }
0x46: {  	v6 =	vld [tilespmem:s14+$0xFFFFFF90]  }
0x47: {  	[tilespmem:v2+s2+$0x0] =	vst.idx.add.f32.msk $0xffff, v35;
	v10 =	vand.u32 $0xFFFF, v5  }
0x48: {  	v2 =	vld [tilespmem:s14+$0xFFFFFE10];
	v39 =	vand.u32 $0xFFFF, v9  }
0x49: {  	v37 =	vand.u32 $0xFFFF, v7;
	[tilespmem:v3+s2+$0x0] =	vst.idx.add.f32.msk $0xffff, v1  }
0x4a: {  	v8 =	vand.u32 $0xFFFF, v4;
	v3 =	vld [tilespmem:s14+$0x1A0]  }
0x4b: {  	v11 =	vld [tilespmem:s14+$0x110];
	v36 =	vand.u32 $0xFFFF, v6  }
0x4c: {  	v5 =	vshrl.u32 v5, $0x10;
	v10 =	vld.idx.msk [tilespmem:v10+s9+$0x0], $0xffff  }
0x4d: {  	v15 =	vld.idx.msk [tilespmem:v39+s9+$0x0], $0xffff  }
0x4e: {  	v13 =	vld.idx.msk [tilespmem:v37+s9+$0x0], $0xffff;
	v1 =	vand.u32 $0xFFFF, v2  }
0x4f: {  	v8 =	vld.idx.msk [tilespmem:v8+s9+$0x0], $0xffff;
	v38 =	vand.u32 $0xFFFF, v3  }
0x50: {  	v4 =	vshrl.u32 v4, $0x10;
	v12 =	vld.idx.msk [tilespmem:v36+s9+$0x0], $0xffff  }
0x51: {  	v6 =	vshrl.u32 v6, $0x10;
	[tilespmem:v5+s2+$0x0] =	vst.idx.add.f32.msk $0xffff, v10  }
0x52: {  	v5 =	vld [tilespmem:s14+$0xFFFFFF20]  }
0x53: {  	v2 =	vshrl.u32 v2, $0x10;
	v1 =	vld.idx.msk [tilespmem:v1+s9+$0x0], $0xffff  }
0x54: {  	v3 =	vshrl.u32 v3, $0x10;
	v14 =	vld.idx.msk [tilespmem:v38+s9+$0x0], $0xffff  }
0x55: {  	[tilespmem:v4+s2+$0x0] =	vst.idx.add.f32.msk $0xffff, v8  }
0x56: {  	v40 =	vand.u32 $0xFFFF, v11;
	[tilespmem:v6+s2+$0x0] =	vst.idx.add.f32.msk $0xffff, v12  }
0x57: {  	v6 =	vld [tilespmem:s14+$0xFFFFFFA0];
	v41 =	vand.u32 $0xFFFF, v5  }
0x58: {  	[tilespmem:v2+s2+$0x0] =	vst.idx.add.f32.msk $0xffff, v1;
	v1 =	vshrl.u32 v7, $0x10  }
0x59: {  	v2 =	vshrl.u32 v9, $0x10;
	[tilespmem:v3+s2+$0x0] =	vst.idx.add.f32.msk $0xffff, v14  }
0x5a: {  	v4 =	vld [tilespmem:s14+$0x1B0]  }
0x5b: {  	v16 =	vld.idx.msk [tilespmem:v40+s9+$0x0], $0xffff;
	v3 =	vshrl.u32 v11, $0x10  }
0x5c: {  	v12 =	vld.idx.msk [tilespmem:v41+s9+$0x0], $0xffff  }
0x5d: {  	[tilespmem:v1+s2+$0x0] =	vst.idx.add.f32.msk $0xffff, v13  }
0x5e: {  	v42 =	vand.u32 $0xFFFF, v6;
	[tilespmem:v2+s2+$0x0] =	vst.idx.add.f32.msk $0xffff, v15  }
0x5f: {  	v2 =	vld [tilespmem:s14+$0xFFFFFE20];
	v1 =	vand.u32 $0xFFFF, v4  }
0x60: {  	[tilespmem:v3+s2+$0x0] =	vst.idx.add.f32.msk $0xffff, v16  }
0x61: {  	v3 =	vld [tilespmem:s14+$0xFFFFFEA0]  }
0x62: {  	v5 =	vshrl.u32 v5, $0x10;
	v7 =	vld [tilespmem:s14+$0x20]  }
0x63: {  	v6 =	vshrl.u32 v6, $0x10;
	v13 =	vld.idx.msk [tilespmem:v42+s9+$0x0], $0xffff  }
0x64: {  	v4 =	vshrl.u32 v4, $0x10;
	v1 =	vld.idx.msk [tilespmem:v1+s9+$0x0], $0xffff  }
0x65: {  	v11 =	vld [tilespmem:s14+$0x120]  }
0x66: {  	v9 =	vld [tilespmem:s14+$0xA0];
	v10 =	vand.u32 $0xFFFF, v3  }
0x67: {  	[tilespmem:v5+s2+$0x0] =	vst.idx.add.f32.msk $0xffff, v12  }
0x68: {  	v8 =	vand.u32 $0xFFFF, v2;
	[tilespmem:v6+s2+$0x0] =	vst.idx.add.f32.msk $0xffff, v13  }
0x69: {  	[tilespmem:v4+s2+$0x0] =	vst.idx.add.f32.msk $0xffff, v1;
	v1 =	vand.u32 $0xFFFF, v7  }
0x6a: {  	v44 =	vand.u32 $0xFFFF, v11;
	v4 =	vld [tilespmem:s14+$0x1C0]  }
0x6b: {  	v3 =	vshrl.u32 v3, $0x10;
	v10 =	vld.idx.msk [tilespmem:v10+s9+$0x0], $0xffff  }
0x6c: {  	v6 =	vld [tilespmem:s14+$0xFFFFFF30]  }
0x6d: {  	v2 =	vshrl.u32 v2, $0x10;
	v8 =	vld.idx.msk [tilespmem:v8+s9+$0x0], $0xffff  }
0x6e: {  	v7 =	vshrl.u32 v7, $0x10;
	v1 =	vld.idx.msk [tilespmem:v1+s9+$0x0], $0xffff  }
0x6f: {  	v15 =	vld.idx.msk [tilespmem:v44+s9+$0x0], $0xffff;
	v45 =	vand.u32 $0xFFFF, v4  }
0x70: {  	[tilespmem:v3+s2+$0x0] =	vst.idx.add.f32.msk $0xffff, v10  }
0x71: {  	v5 =	vld [tilespmem:s14+$0xFFFFFEB0];
	v3 =	vshrl.u32 v4, $0x10;
	v4 =	vshrl.u32 v11, $0x10  }
0x72: {  	v43 =	vand.u32 $0xFFFF, v9;
	[tilespmem:v2+s2+$0x0] =	vst.idx.add.f32.msk $0xffff, v8  }
0x73: {  	[tilespmem:v7+s2+$0x0] =	vst.idx.add.f32.msk $0xffff, v1  }
0x74: {  	v2 =	vld.idx.msk [tilespmem:v45+s9+$0x0], $0xffff  }
0x75: {  	v1 =	vld [tilespmem:s14+$0xFFFFFE30]  }
0x76: {  	[tilespmem:v4+s2+$0x0] =	vst.idx.add.f32.msk $0xffff, v15;
	v4 =	vand.u32 $0xFFFF, v5  }
0x77: {  	v14 =	vld.idx.msk [tilespmem:v43+s9+$0x0], $0xffff  }
0x78: {  	v46 =	vld [tilespmem:s14+$0x130]  }
0x79: {  	v11 =	vand.u32 $0xFFFF, v6;
	[tilespmem:v3+s2+$0x0] =	vst.idx.add.f32.msk $0xffff, v2  }
0x7a: {  	v8 =	vand.u32 $0xFFFF, v1;
	v2 =	vshrl.u32 v9, $0x10;
	v9 =	vld [tilespmem:s14+$0x30]  }
0x7b: {  	v4 =	vld.idx.msk [tilespmem:v4+s9+$0x0], $0xffff  }
0x7c: {  	v5 =	vshrl.u32 v5, $0x10;
	v3 =	vld [tilespmem:s14+$0x1D0]  }
0x7d: {  	v7 =	vld [tilespmem:s14+$0xFFFFFFB0]  }
0x7e: {  	v11 =	vld.idx.msk [tilespmem:v11+s9+$0x0], $0xffff;
	v50 =	vand.u32 $0xFFFF, v46  }
0x7f: {  	v8 =	vld.idx.msk [tilespmem:v8+s9+$0x0], $0xffff  }
0x80: {  	[tilespmem:v2+s2+$0x0] =	vst.idx.add.f32.msk $0xffff, v14;
	v48 =	vand.u32 $0xFFFF, v9  }
0x81: {  	[tilespmem:v5+s2+$0x0] =	vst.idx.add.f32.msk $0xffff, v4;
	v2 =	vand.u32 $0xFFFF, v3  }
0x82: {  	v47 =	vand.u32 $0xFFFF, v7;
	v10 =	vld [tilespmem:s14+$0xB0]  }
0x83: {  	v1 =	vshrl.u32 v1, $0x10;
	v51 =	vld.idx.msk [tilespmem:v50+s9+$0x0], $0xffff  }
0x84: {  	v4 =	vshrl.u32 v46, $0x10;
	v5 =	vld [tilespmem:s14+$0xFFFFFEC0]  }
0x85: {  	v9 =	vshrl.u32 v9, $0x10;
	v14 =	vld.idx.msk [tilespmem:v48+s9+$0x0], $0xffff  }
0x86: {  	v3 =	vshrl.u32 v3, $0x10;
	v2 =	vld.idx.msk [tilespmem:v2+s9+$0x0], $0xffff  }
0x87: {  	v13 =	vld.idx.msk [tilespmem:v47+s9+$0x0], $0xffff;
	v49 =	vand.u32 $0xFFFF, v10  }
0x88: {  	[tilespmem:v1+s2+$0x0] =	vst.idx.add.f32.msk $0xffff, v8  }
0x89: {  	[tilespmem:v4+s2+$0x0] =	vst.idx.add.f32.msk $0xffff, v51  }
0x8a: {  	v4 =	vand.u32 $0xFFFF, v5;
	[tilespmem:v9+s2+$0x0] =	vst.idx.add.f32.msk $0xffff, v14  }
0x8b: {  	[tilespmem:v3+s2+$0x0] =	vst.idx.add.f32.msk $0xffff, v2;
	v2 =	vshrl.u32 v6, $0x10  }
0x8c: {  	v6 =	vshrl.u32 v7, $0x10;
	v7 =	vld.idx.msk [tilespmem:v49+s9+$0x0], $0xffff  }
0x8d: {  	v8 =	vld [tilespmem:s14+$0x40]  }
0x8e: {  	v10 =	vshrl.u32 v10, $0x10;
	v3 =	vld [tilespmem:s14+$0x1E0]  }
0x8f: {  	v4 =	vld.idx.msk [tilespmem:v4+s9+$0x0], $0xffff  }
0x90: {  	[tilespmem:v2+s2+$0x0] =	vst.idx.add.f32.msk $0xffff, v11  }
0x91: {  	v2 =	vld [tilespmem:s14+$0xFFFFFE40]  }
0x92: {  	[tilespmem:v6+s2+$0x0] =	vst.idx.add.f32.msk $0xffff, v13;
	v53 =	vand.u32 $0xFFFF, v8  }
0x93: {  	[tilespmem:v10+s2+$0x0] =	vst.idx.add.f32.msk $0xffff, v7;
	v1 =	vand.u32 $0xFFFF, v3  }
0x94: {  	v6 =	vld [tilespmem:s14+$0xFFFFFF40]  }
0x95: {  	v5 =	vshrl.u32 v5, $0x10;
	v10 =	vld [tilespmem:s14+$0xC0]  }
0x96: {  	v52 =	vld [tilespmem:s14+$0x140];
	v9 =	vand.u32 $0xFFFF, v2  }
0x97: {  	v8 =	vshrl.u32 v8, $0x10;
	v13 =	vld.idx.msk [tilespmem:v53+s9+$0x0], $0xffff  }
0x98: {  	v3 =	vshrl.u32 v3, $0x10;
	v1 =	vld.idx.msk [tilespmem:v1+s9+$0x0], $0xffff  }
0x99: {  	v7 =	vld [tilespmem:s14+$0xFFFFFFC0];
	v11 =	vand.u32 $0xFFFF, v6  }
0x9a: {  	[tilespmem:v5+s2+$0x0] =	vst.idx.add.f32.msk $0xffff, v4;
	v54 =	vand.u32 $0xFFFF, v10  }
0x9b: {  	v9 =	vld.idx.msk [tilespmem:v9+s9+$0x0], $0xffff  }
0x9c: {  	v2 =	vshrl.u32 v2, $0x10;
	[tilespmem:v8+s2+$0x0] =	vst.idx.add.f32.msk $0xffff, v13  }
0x9d: {  	v55 =	vand.u32 $0xFFFF, v52;
	[tilespmem:v3+s2+$0x0] =	vst.idx.add.f32.msk $0xffff, v1  }
0x9e: {  	v1 =	vand.u32 $0xFFFF, v7;
	v11 =	vld.idx.msk [tilespmem:v11+s9+$0x0], $0xffff  }
0x9f: {  	v6 =	vshrl.u32 v6, $0x10;
	v14 =	vld.idx.msk [tilespmem:v54+s9+$0x0], $0xffff  }
0xa0: {  	v3 =	vld [tilespmem:s14+$0x1F0]  }
0xa1: {  	[tilespmem:v2+s2+$0x0] =	vst.idx.add.f32.msk $0xffff, v9;
	v2 =	vshrl.u32 v10, $0x10  }
0xa2: {  	v9 =	vld.idx.msk [tilespmem:v55+s9+$0x0], $0xffff;
	v10 =	vshrl.u32 v52, $0x10  }
0xa3: {  	v1 =	vld.idx.msk [tilespmem:v1+s9+$0x0], $0xffff  }
0xa4: {  	v7 =	vshrl.u32 v7, $0x10;
	[tilespmem:v6+s2+$0x0] =	vst.idx.add.f32.msk $0xffff, v11  }
0xa5: {  	v4 =	vld [tilespmem:s14+$0xFFFFFF50]  }
0xa6: {  	[tilespmem:v2+s2+$0x0] =	vst.idx.add.f32.msk $0xffff, v14  }
0xa7: {  	[tilespmem:v10+s2+$0x0] =	vst.idx.add.f32.msk $0xffff, v9  }
0xa8: {  	v2 =	vld [tilespmem:s14+$0xFFFFFED0]  }
0xa9: {  	[tilespmem:v7+s2+$0x0] =	vst.idx.add.f32.msk $0xffff, v1  }
0xaa: {  	v1 =	vld [tilespmem:s14+$0xFFFFFE50]  }
0xab: {  	v7 =	vld [tilespmem:s14+$0x50]  }
0xac: {  	v6 =	vand.u32 $0xFFFF, v3;
	v9 =	vld [tilespmem:s14+$0xD0]  }
0xad: {  	v11 =	vld [tilespmem:s14+$0x150];
	v56 =	vand.u32 $0xFFFF, v4  }
0xae: {  	v5 =	vld [tilespmem:s14+$0xFFFFFFD0];
	v10 =	vand.u32 $0xFFFF, v2  }
0xaf: {  	v8 =	vand.u32 $0xFFFF, v1  }
0xb0: {  	v58 =	vand.u32 $0xFFFF, v7  }
0xb1: {  	v6 =	vld.idx.msk [tilespmem:v6+s9+$0x0], $0xffff;
	v59 =	vand.u32 $0xFFFF, v9  }
0xb2: {  	v60 =	vand.u32 $0xFFFF, v11;
	v12 =	vld.idx.msk [tilespmem:v56+s9+$0x0], $0xffff  }
0xb3: {  	v57 =	vand.u32 $0xFFFF, v5;
	v10 =	vld.idx.msk [tilespmem:v10+s9+$0x0], $0xffff  }
0xb4: {  	v4 =	vshrl.u32 v4, $0x10;
	v8 =	vld.idx.msk [tilespmem:v8+s9+$0x0], $0xffff  }
0xb5: {  	v14 =	vld.idx.msk [tilespmem:v58+s9+$0x0], $0xffff  }
0xb6: {  	v2 =	vshrl.u32 v2, $0x10;
	v15 =	vld.idx.msk [tilespmem:v59+s9+$0x0], $0xffff  }
0xb7: {  	v1 =	vshrl.u32 v1, $0x10;
	v16 =	vld.idx.msk [tilespmem:v60+s9+$0x0], $0xffff  }
0xb8: {  	v7 =	vshrl.u32 v7, $0x10;
	v13 =	vld.idx.msk [tilespmem:v57+s9+$0x0], $0xffff  }
0xb9: {  	[tilespmem:v4+s2+$0x0] =	vst.idx.add.f32.msk $0xffff, v12  }
0xba: {  	v5 =	vshrl.u32 v5, $0x10;
	v4 =	vld [tilespmem:s14+$0xFFFFFF60]  }
0xbb: {  	[tilespmem:v2+s2+$0x0] =	vst.idx.add.f32.msk $0xffff, v10  }
0xbc: {  	[tilespmem:v1+s2+$0x0] =	vst.idx.add.f32.msk $0xffff, v8  }
0xbd: {  	v1 =	vshrl.u32 v11, $0x10;
	[tilespmem:v7+s2+$0x0] =	vst.idx.add.f32.msk $0xffff, v14  }
0xbe: {  	v2 =	vld [tilespmem:s14+$0xFFFFFEE0]  }
0xbf: {  	v3 =	vshrl.u32 v3, $0x10;
	[tilespmem:v5+s2+$0x0] =	vst.idx.add.f32.msk $0xffff, v13  }
0xc0: {  	v7 =	vld [tilespmem:s14+$0x60]  }
0xc1: {  	v9 =	vshrl.u32 v9, $0x10;
	v5 =	vld [tilespmem:s14+$0xFFFFFFE0]  }
0xc2: {  	v61 =	vand.u32 $0xFFFF, v4;
	[tilespmem:v1+s2+$0x0] =	vst.idx.add.f32.msk $0xffff, v16  }
0xc3: {  	v1 =	vld [tilespmem:s14+$0xFFFFFE60]  }
0xc4: {  	[tilespmem:v3+s2+$0x0] =	vst.idx.add.f32.msk $0xffff, v6;
	v10 =	vand.u32 $0xFFFF, v2  }
0xc5: {  	v11 =	vld [tilespmem:s14+$0x160];
	v3 =	vand.u32 $0xFFFF, v7  }
0xc6: {  	[tilespmem:v9+s2+$0x0] =	vst.idx.add.f32.msk $0xffff, v15;
	v62 =	vand.u32 $0xFFFF, v5  }
0xc7: {  	v4 =	vshrl.u32 v4, $0x10;
	v12 =	vld.idx.msk [tilespmem:v61+s9+$0x0], $0xffff  }
0xc8: {  	v9 =	vld [tilespmem:s14+$0xE0];
	v8 =	vand.u32 $0xFFFF, v1  }
0xc9: {  	v2 =	vshrl.u32 v2, $0x10;
	v10 =	vld.idx.msk [tilespmem:v10+s9+$0x0], $0xffff  }
0xca: {  	v63 =	vand.u32 $0xFFFF, v11;
	v3 =	vld.idx.msk [tilespmem:v3+s9+$0x0], $0xffff  }
0xcb: {  	v7 =	vshrl.u32 v7, $0x10;
	v13 =	vld.idx.msk [tilespmem:v62+s9+$0x0], $0xffff  }
0xcc: {  	v5 =	vshrl.u32 v5, $0x10;
	[tilespmem:v4+s2+$0x0] =	vst.idx.add.f32.msk $0xffff, v12  }
0xcd: {  	v6 =	vld.idx.msk [tilespmem:v8+s9+$0x0], $0xffff  }
0xce: {  	v1 =	vshrl.u32 v1, $0x10;
	[tilespmem:v2+s2+$0x0] =	vst.idx.add.f32.msk $0xffff, v10  }
0xcf: {  	v14 =	vld.idx.msk [tilespmem:v63+s9+$0x0], $0xffff  }
0xd0: {  	v8 =	vand.u32 $0xFFFF, v9;
	[tilespmem:v7+s2+$0x0] =	vst.idx.add.f32.msk $0xffff, v3  }
0xd1: {  	[tilespmem:v5+s2+$0x0] =	vst.idx.add.f32.msk $0xffff, v13  }
0xd2: {  	v5 =	vld [tilespmem:s14+$0xFFFFFEF0]  }
0xd3: {  	[tilespmem:v1+s2+$0x0] =	vst.idx.add.f32.msk $0xffff, v6;
	v1 =	vshrl.u32 v11, $0x10  }
0xd4: {  	v2 =	vld [tilespmem:s14+$0x70]  }
0xd5: {  	v9 =	vshrl.u32 v9, $0x10;
	v8 =	vld.idx.msk [tilespmem:v8+s9+$0x0], $0xffff  }
0xd6: {  	v3 =	vld [tilespmem:s14+$0xFFFFFE70]  }
0xd7: {  	v6 =	vld [tilespmem:s14+$0xFFFFFF70]  }
0xd8: {  	[tilespmem:v1+s2+$0x0] =	vst.idx.add.f32.msk $0xffff, v14  }
0xd9: {  	v1 =	vld [tilespmem:s14+$0xFFFFFFF0]  }
0xda: {  	[tilespmem:v9+s2+$0x0] =	vst.idx.add.f32.msk $0xffff, v8  }
0xdb: {  	s16 =	sadd.s32 $0x400, s14;
	s15 =	simm.s32 $0x0;
	v7 =	vshrl.u32 v3, $0x10;
	v3 =	vand.u32 $0xFFFF, v3;
	v8 =	vld [tilespmem:s14+$0xF0]  }
.LBB2_6:
0xdc: {  	v9 =	vld [tilespmem:s16+$0x180];
	s15 =	sadd.s32 $0x8, s15;
	v4 =	vshrl.u32 v5, $0x10;
	v11 =	vand.u32 $0xFFFF, v5  }
0xdd: {  	v13 =	vld [tilespmem:s16+$0xFFFFFE80];
	p1 =	slt.u32 s15, $0x20;
	v5 =	vshrl.u32 v6, $0x10;
	v16 =	vand.u32 $0xFFFF, v6  }
0xde: {  	v14 =	vld [tilespmem:s16+$0xFFFFFF00];
	v6 =	vshrl.u32 v1, $0x10;
	v10 =	vand.u32 $0xFFFF, v1  }
0xdf: {  	v17 =	vld [tilespmem:s16+$0xFFFFFF80];
	v1 =	vshrl.u32 v2, $0x10;
	v15 =	vand.u32 $0xFFFF, v2  }
0xe0: {  	v18 =	vld [tilespmem:s16+$0x0];
	v2 =	vshrl.u32 v8, $0x10;
	v12 =	vand.u32 $0xFFFF, v8  }
0xe1: {  	v19 =	vld [tilespmem:s16+$0x80];
	v20 =	vand.u32 $0xFFFF, v9  }
0xe2: {  	v21 =	vshrl.u32 v13, $0x10;
	v13 =	vand.u32 $0xFFFF, v13;
	v22 =	vld [tilespmem:s16+$0x100]  }
0xe3: {  	v23 =	vld [tilespmem:s16+$0xFFFFFE00];
	v24 =	vshrl.u32 v14, $0x10;
	v14 =	vand.u32 $0xFFFF, v14  }
0xe4: {  	v25 =	vshrl.u32 v17, $0x10;
	v17 =	vand.u32 $0xFFFF, v17;
	v26 =	vld [tilespmem:s14+$0x170];
	s14 =	smov.u32 s16  }
0xe5: {  	v27 =	vshrl.u32 v18, $0x10;
	v18 =	vand.u32 $0xFFFF, v18;
	v8 =	vld.idx.msk [tilespmem:v3+s9+$0x0], $0xffff  }
0xe6: {  	v28 =	vshrl.u32 v19, $0x10;
	v19 =	vand.u32 $0xFFFF, v19;
	v20 =	vld.idx.msk [tilespmem:v20+s9+$0x0], $0xffff  }
0xe7: {  	v9 =	vshrl.u32 v9, $0x10;
	v13 =	vld.idx.msk [tilespmem:v13+s9+$0x0], $0xffff;
	v29 =	vshrl.u32 v22, $0x10;
	v22 =	vand.u32 $0xFFFF, v22  }
0xe8: {  	v30 =	vshrl.u32 v23, $0x10;
	v23 =	vand.u32 $0xFFFF, v23;
	v31 =	vld.idx.msk [tilespmem:v14+s9+$0x0], $0xffff  }
0xe9: {  	v17 =	vld.idx.msk [tilespmem:v17+s9+$0x0], $0xffff;
	v3 =	vshrl.u32 v26, $0x10;
	v14 =	vand.u32 $0xFFFF, v26  }
0xea: {  	v18 =	vld.idx.msk [tilespmem:v18+s9+$0x0], $0xffff  }
0xeb: {  	v19 =	vld.idx.msk [tilespmem:v19+s9+$0x0], $0xffff  }
0xec: {  	[tilespmem:v9+s2+$0x0] =	vst.idx.add.f32.msk $0xffff, v20  }
0xed: {  	v9 =	vld [tilespmem:s16+$0x190]  }
0xee: {  	v20 =	vld.idx.msk [tilespmem:v23+s9+$0x0], $0xffff  }
0xef: {  	v22 =	vld.idx.msk [tilespmem:v22+s9+$0x0], $0xffff  }
0xf0: {  	[tilespmem:v21+s2+$0x0] =	vst.idx.add.f32.msk $0xffff, v13  }
0xf1: {  	[tilespmem:v24+s2+$0x0] =	vst.idx.add.f32.msk $0xffff, v31  }
0xf2: {  	[tilespmem:v25+s2+$0x0] =	vst.idx.add.f32.msk $0xffff, v17;
	v13 =	vand.u32 $0xFFFF, v9  }
0xf3: {  	[tilespmem:v27+s2+$0x0] =	vst.idx.add.f32.msk $0xffff, v18  }
0xf4: {  	[tilespmem:v30+s2+$0x0] =	vst.idx.add.f32.msk $0xffff, v20  }
0xf5: {  	[tilespmem:v28+s2+$0x0] =	vst.idx.add.f32.msk $0xffff, v19  }
0xf6: {  	[tilespmem:v29+s2+$0x0] =	vst.idx.add.f32.msk $0xffff, v22  }
0xf7: {  	v13 =	vld.idx.msk [tilespmem:v13+s9+$0x0], $0xffff  }
0xf8: {  	v9 =	vshrl.u32 v9, $0x10;
	v17 =	vld [tilespmem:s16+$0xFFFFFE10]  }
0xf9: {  	v18 =	vld [tilespmem:s16+$0xFFFFFE90]  }
0xfa: {  	v19 =	vld [tilespmem:s16+$0xFFFFFF10]  }
0xfb: {  	v20 =	vld [tilespmem:s16+$0xFFFFFF90]  }
0xfc: {  	v21 =	vld [tilespmem:s16+$0x10]  }
0xfd: {  	v22 =	vshrl.u32 v17, $0x10;
	v17 =	vand.u32 $0xFFFF, v17;
	[tilespmem:v9+s2+$0x0] =	vst.idx.add.f32.msk $0xffff, v13  }
0xfe: {  	v13 =	vshrl.u32 v18, $0x10;
	v18 =	vand.u32 $0xFFFF, v18;
	v23 =	vld [tilespmem:s16+$0x1A0]  }
0xff: {  	v24 =	vshrl.u32 v19, $0x10;
	v19 =	vand.u32 $0xFFFF, v19;
	v25 =	vld [tilespmem:s16+$0x90]  }
0x100: {  	v26 =	vshrl.u32 v20, $0x10;
	v20 =	vand.u32 $0xFFFF, v20;
	v27 =	vld [tilespmem:s16+$0x110]  }
0x101: {  	v28 =	vshrl.u32 v21, $0x10;
	v21 =	vand.u32 $0xFFFF, v21;
	v9 =	vld.idx.msk [tilespmem:v11+s9+$0x0], $0xffff  }
0x102: {  	v17 =	vld.idx.msk [tilespmem:v17+s9+$0x0], $0xffff  }
0x103: {  	v18 =	vld.idx.msk [tilespmem:v18+s9+$0x0], $0xffff;
	v29 =	vand.u32 $0xFFFF, v23  }
0x104: {  	v19 =	vld.idx.msk [tilespmem:v19+s9+$0x0], $0xffff;
	v30 =	vshrl.u32 v25, $0x10;
	v25 =	vand.u32 $0xFFFF, v25  }
0x105: {  	v20 =	vld.idx.msk [tilespmem:v20+s9+$0x0], $0xffff;
	v31 =	vshrl.u32 v27, $0x10;
	v27 =	vand.u32 $0xFFFF, v27  }
0x106: {  	v21 =	vld.idx.msk [tilespmem:v21+s9+$0x0], $0xffff  }
0x107: {  	v11 =	vld.idx.msk [tilespmem:v16+s9+$0x0], $0xffff  }
0x108: {  	v16 =	vld.idx.msk [tilespmem:v29+s9+$0x0], $0xffff  }
0x109: {  	v23 =	vshrl.u32 v23, $0x10;
	v25 =	vld.idx.msk [tilespmem:v25+s9+$0x0], $0xffff  }
0x10a: {  	v27 =	vld.idx.msk [tilespmem:v27+s9+$0x0], $0xffff  }
0x10b: {  	[tilespmem:v22+s2+$0x0] =	vst.idx.add.f32.msk $0xffff, v17  }
0x10c: {  	[tilespmem:v13+s2+$0x0] =	vst.idx.add.f32.msk $0xffff, v18  }
0x10d: {  	[tilespmem:v24+s2+$0x0] =	vst.idx.add.f32.msk $0xffff, v19  }
0x10e: {  	[tilespmem:v23+s2+$0x0] =	vst.idx.add.f32.msk $0xffff, v16  }
0x10f: {  	v13 =	vld [tilespmem:s16+$0x1B0]  }
0x110: {  	[tilespmem:v26+s2+$0x0] =	vst.idx.add.f32.msk $0xffff, v20  }
0x111: {  	[tilespmem:v28+s2+$0x0] =	vst.idx.add.f32.msk $0xffff, v21  }
0x112: {  	[tilespmem:v30+s2+$0x0] =	vst.idx.add.f32.msk $0xffff, v25  }
0x113: {  	[tilespmem:v31+s2+$0x0] =	vst.idx.add.f32.msk $0xffff, v27  }
0x114: {  	v16 =	vld [tilespmem:s16+$0xFFFFFE20];
	v17 =	vand.u32 $0xFFFF, v13  }
0x115: {  	v18 =	vld [tilespmem:s16+$0xFFFFFEA0]  }
0x116: {  	v19 =	vld [tilespmem:s16+$0xFFFFFF20]  }
0x117: {  	v20 =	vld [tilespmem:s16+$0xFFFFFFA0]  }
0x118: {  	v21 =	vld [tilespmem:s16+$0x20]  }
0x119: {  	v22 =	vshrl.u32 v16, $0x10;
	v16 =	vand.u32 $0xFFFF, v16;
	v17 =	vld.idx.msk [tilespmem:v17+s9+$0x0], $0xffff  }
0x11a: {  	v25 =	vshrl.u32 v13, $0x10;
	v23 =	vshrl.u32 v18, $0x10;
	v18 =	vand.u32 $0xFFFF, v18;
	v24 =	vld [tilespmem:s16+$0xA0]  }
0x11b: {  	v26 =	vshrl.u32 v19, $0x10;
	v19 =	vand.u32 $0xFFFF, v19;
	v27 =	vld [tilespmem:s16+$0x120]  }
0x11c: {  	v28 =	vshrl.u32 v20, $0x10;
	v20 =	vand.u32 $0xFFFF, v20;
	v13 =	vld.idx.msk [tilespmem:v10+s9+$0x0], $0xffff  }
0x11d: {  	v29 =	vshrl.u32 v21, $0x10;
	v21 =	vand.u32 $0xFFFF, v21;
	v10 =	vld.idx.msk [tilespmem:v15+s9+$0x0], $0xffff  }
0x11e: {  	v15 =	vld.idx.msk [tilespmem:v16+s9+$0x0], $0xffff  }
0x11f: {  	v16 =	vshrl.u32 v24, $0x10;
	v24 =	vand.u32 $0xFFFF, v24;
	[tilespmem:v25+s2+$0x0] =	vst.idx.add.f32.msk $0xffff, v17  }
0x120: {  	v17 =	vshrl.u32 v27, $0x10;
	v25 =	vand.u32 $0xFFFF, v27;
	v27 =	vld [tilespmem:s16+$0x1C0]  }
0x121: {  	v18 =	vld.idx.msk [tilespmem:v18+s9+$0x0], $0xffff  }
0x122: {  	v19 =	vld.idx.msk [tilespmem:v19+s9+$0x0], $0xffff  }
0x123: {  	v20 =	vld.idx.msk [tilespmem:v20+s9+$0x0], $0xffff  }
0x124: {  	v21 =	vld.idx.msk [tilespmem:v21+s9+$0x0], $0xffff  }
0x125: {  	v24 =	vld.idx.msk [tilespmem:v24+s9+$0x0], $0xffff;
	v30 =	vand.u32 $0xFFFF, v27  }
0x126: {  	v25 =	vld.idx.msk [tilespmem:v25+s9+$0x0], $0xffff  }
0x127: {  	[tilespmem:v22+s2+$0x0] =	vst.idx.add.f32.msk $0xffff, v15  }
0x128: {  	[tilespmem:v23+s2+$0x0] =	vst.idx.add.f32.msk $0xffff, v18  }
0x129: {  	[tilespmem:v26+s2+$0x0] =	vst.idx.add.f32.msk $0xffff, v19  }
0x12a: {  	v15 =	vld.idx.msk [tilespmem:v30+s9+$0x0], $0xffff  }
0x12b: {  	v18 =	vshrl.u32 v27, $0x10;
	[tilespmem:v28+s2+$0x0] =	vst.idx.add.f32.msk $0xffff, v20  }
0x12c: {  	[tilespmem:v29+s2+$0x0] =	vst.idx.add.f32.msk $0xffff, v21  }
0x12d: {  	[tilespmem:v16+s2+$0x0] =	vst.idx.add.f32.msk $0xffff, v24  }
0x12e: {  	[tilespmem:v17+s2+$0x0] =	vst.idx.add.f32.msk $0xffff, v25  }
0x12f: {  	v16 =	vld [tilespmem:s16+$0xFFFFFE30]  }
0x130: {  	[tilespmem:v18+s2+$0x0] =	vst.idx.add.f32.msk $0xffff, v15  }
0x131: {  	v15 =	vld [tilespmem:s16+$0x1D0]  }
0x132: {  	v17 =	vld [tilespmem:s16+$0xFFFFFEB0]  }
0x133: {  	v18 =	vld [tilespmem:s16+$0xFFFFFF30]  }
0x134: {  	v19 =	vshrl.u32 v16, $0x10;
	v16 =	vand.u32 $0xFFFF, v16;
	v20 =	vld [tilespmem:s16+$0xFFFFFFB0]  }
0x135: {  	v21 =	vld [tilespmem:s16+$0x30]  }
0x136: {  	v22 =	vld [tilespmem:s16+$0xB0];
	v23 =	vand.u32 $0xFFFF, v15  }
0x137: {  	v24 =	vshrl.u32 v17, $0x10;
	v17 =	vand.u32 $0xFFFF, v17;
	v25 =	vld [tilespmem:s16+$0x130]  }
0x138: {  	v26 =	vshrl.u32 v18, $0x10;
	v18 =	vand.u32 $0xFFFF, v18;
	v12 =	vld.idx.msk [tilespmem:v12+s9+$0x0], $0xffff  }
0x139: {  	v16 =	vld.idx.msk [tilespmem:v16+s9+$0x0], $0xffff;
	v27 =	vshrl.u32 v20, $0x10;
	v20 =	vand.u32 $0xFFFF, v20  }
0x13a: {  	v28 =	vshrl.u32 v21, $0x10;
	v21 =	vand.u32 $0xFFFF, v21;
	v14 =	vld.idx.msk [tilespmem:v14+s9+$0x0], $0xffff  }
0x13b: {  	v29 =	vshrl.u32 v22, $0x10;
	v22 =	vand.u32 $0xFFFF, v22;
	v23 =	vld.idx.msk [tilespmem:v23+s9+$0x0], $0xffff  }
0x13c: {  	v15 =	vshrl.u32 v15, $0x10;
	v17 =	vld.idx.msk [tilespmem:v17+s9+$0x0], $0xffff;
	v30 =	vshrl.u32 v25, $0x10;
	v25 =	vand.u32 $0xFFFF, v25  }
0x13d: {  	v18 =	vld.idx.msk [tilespmem:v18+s9+$0x0], $0xffff  }
0x13e: {  	v20 =	vld.idx.msk [tilespmem:v20+s9+$0x0], $0xffff  }
0x13f: {  	v21 =	vld.idx.msk [tilespmem:v21+s9+$0x0], $0xffff  }
0x140: {  	v22 =	vld.idx.msk [tilespmem:v22+s9+$0x0], $0xffff  }
0x141: {  	[tilespmem:v15+s2+$0x0] =	vst.idx.add.f32.msk $0xffff, v23  }
0x142: {  	v15 =	vld [tilespmem:s16+$0x1E0]  }
0x143: {  	v23 =	vld.idx.msk [tilespmem:v25+s9+$0x0], $0xffff  }
0x144: {  	[tilespmem:v19+s2+$0x0] =	vst.idx.add.f32.msk $0xffff, v16  }
0x145: {  	[tilespmem:v24+s2+$0x0] =	vst.idx.add.f32.msk $0xffff, v17  }
0x146: {  	[tilespmem:v26+s2+$0x0] =	vst.idx.add.f32.msk $0xffff, v18  }
0x147: {  	[tilespmem:v27+s2+$0x0] =	vst.idx.add.f32.msk $0xffff, v20;
	v16 =	vand.u32 $0xFFFF, v15  }
0x148: {  	[tilespmem:v28+s2+$0x0] =	vst.idx.add.f32.msk $0xffff, v21  }
0x149: {  	[tilespmem:v29+s2+$0x0] =	vst.idx.add.f32.msk $0xffff, v22  }
0x14a: {  	[tilespmem:v30+s2+$0x0] =	vst.idx.add.f32.msk $0xffff, v23  }
0x14b: {  	v17 =	vld [tilespmem:s16+$0xFFFFFE40]  }
0x14c: {  	v16 =	vld.idx.msk [tilespmem:v16+s9+$0x0], $0xffff  }
0x14d: {  	v15 =	vshrl.u32 v15, $0x10;
	v18 =	vld [tilespmem:s16+$0xFFFFFEC0]  }
0x14e: {  	v19 =	vld [tilespmem:s16+$0xFFFFFF40]  }
0x14f: {  	v20 =	vld [tilespmem:s16+$0xFFFFFFC0]  }
0x150: {  	v21 =	vshrl.u32 v17, $0x10;
	v17 =	vand.u32 $0xFFFF, v17;
	v22 =	vld [tilespmem:s16+$0x40]  }
0x151: {  	v23 =	vld [tilespmem:s16+$0xC0]  }
0x152: {  	v24 =	vshrl.u32 v18, $0x10;
	v18 =	vand.u32 $0xFFFF, v18;
	[tilespmem:v15+s2+$0x0] =	vst.idx.add.f32.msk $0xffff, v16  }
0x153: {  	v15 =	vshrl.u32 v19, $0x10;
	v16 =	vand.u32 $0xFFFF, v19;
	v19 =	vld [tilespmem:s16+$0x1F0]  }
0x154: {  	v25 =	vshrl.u32 v20, $0x10;
	v20 =	vand.u32 $0xFFFF, v20;
	v26 =	vld [tilespmem:s16+$0x140]  }
0x155: {  	v17 =	vld.idx.msk [tilespmem:v17+s9+$0x0], $0xffff;
	v27 =	vshrl.u32 v22, $0x10;
	v22 =	vand.u32 $0xFFFF, v22  }
0x156: {  	v28 =	vshrl.u32 v23, $0x10;
	v23 =	vand.u32 $0xFFFF, v23;
	[tilespmem:v7+s2+$0x0] =	vst.idx.add.f32.msk $0xffff, v8  }
0x157: {  	v7 =	vld.idx.msk [tilespmem:v18+s9+$0x0], $0xffff  }
0x158: {  	v8 =	vld.idx.msk [tilespmem:v16+s9+$0x0], $0xffff;
	v16 =	vand.u32 $0xFFFF, v19  }
0x159: {  	v18 =	vld.idx.msk [tilespmem:v20+s9+$0x0], $0xffff;
	v20 =	vshrl.u32 v26, $0x10;
	v26 =	vand.u32 $0xFFFF, v26  }
0x15a: {  	v22 =	vld.idx.msk [tilespmem:v22+s9+$0x0], $0xffff  }
0x15b: {  	v23 =	vld.idx.msk [tilespmem:v23+s9+$0x0], $0xffff  }
0x15c: {  	[tilespmem:v21+s2+$0x0] =	vst.idx.add.f32.msk $0xffff, v17  }
0x15d: {  	v16 =	vld.idx.msk [tilespmem:v16+s9+$0x0], $0xffff  }
0x15e: {  	v19 =	vshrl.u32 v19, $0x10;
	v17 =	vld.idx.msk [tilespmem:v26+s9+$0x0], $0xffff  }
0x15f: {  	[tilespmem:v24+s2+$0x0] =	vst.idx.add.f32.msk $0xffff, v7  }
0x160: {  	[tilespmem:v15+s2+$0x0] =	vst.idx.add.f32.msk $0xffff, v8  }
0x161: {  	[tilespmem:v25+s2+$0x0] =	vst.idx.add.f32.msk $0xffff, v18  }
0x162: {  	[tilespmem:v27+s2+$0x0] =	vst.idx.add.f32.msk $0xffff, v22  }
0x163: {  	[tilespmem:v19+s2+$0x0] =	vst.idx.add.f32.msk $0xffff, v16  }
0x164: {  	[tilespmem:v28+s2+$0x0] =	vst.idx.add.f32.msk $0xffff, v23  }
0x165: {  	[tilespmem:v20+s2+$0x0] =	vst.idx.add.f32.msk $0xffff, v17  }
0x166: {  	v7 =	vld [tilespmem:s16+$0xFFFFFE50]  }
0x167: {  	v8 =	vld [tilespmem:s16+$0xFFFFFED0]  }
0x168: {  	v15 =	vld [tilespmem:s16+$0xFFFFFF50]  }
0x169: {  	v16 =	vld [tilespmem:s16+$0xFFFFFFD0]  }
0x16a: {  	v17 =	vld [tilespmem:s16+$0x50]  }
0x16b: {  	v18 =	vshrl.u32 v7, $0x10;
	v7 =	vand.u32 $0xFFFF, v7;
	v19 =	vld [tilespmem:s16+$0xD0]  }
0x16c: {  	v20 =	vshrl.u32 v8, $0x10;
	v8 =	vand.u32 $0xFFFF, v8;
	v21 =	vld [tilespmem:s16+$0x150]  }
0x16d: {  	v22 =	vshrl.u32 v15, $0x10;
	v15 =	vand.u32 $0xFFFF, v15;
	[tilespmem:v4+s2+$0x0] =	vst.idx.add.f32.msk $0xffff, v9  }
0x16e: {  	v4 =	vshrl.u32 v16, $0x10;
	v9 =	vand.u32 $0xFFFF, v16;
	[tilespmem:v5+s2+$0x0] =	vst.idx.add.f32.msk $0xffff, v11  }
0x16f: {  	v5 =	vshrl.u32 v17, $0x10;
	v11 =	vand.u32 $0xFFFF, v17;
	[tilespmem:v6+s2+$0x0] =	vst.idx.add.f32.msk $0xffff, v13  }
0x170: {  	v6 =	vld.idx.msk [tilespmem:v7+s9+$0x0], $0xffff;
	v7 =	vshrl.u32 v19, $0x10;
	v13 =	vand.u32 $0xFFFF, v19  }
0x171: {  	v8 =	vld.idx.msk [tilespmem:v8+s9+$0x0], $0xffff;
	v16 =	vshrl.u32 v21, $0x10;
	v17 =	vand.u32 $0xFFFF, v21  }
0x172: {  	v15 =	vld.idx.msk [tilespmem:v15+s9+$0x0], $0xffff  }
0x173: {  	v9 =	vld.idx.msk [tilespmem:v9+s9+$0x0], $0xffff  }
0x174: {  	v11 =	vld.idx.msk [tilespmem:v11+s9+$0x0], $0xffff  }
0x175: {  	v13 =	vld.idx.msk [tilespmem:v13+s9+$0x0], $0xffff  }
0x176: {  	v17 =	vld.idx.msk [tilespmem:v17+s9+$0x0], $0xffff  }
0x177: {  	[tilespmem:v18+s2+$0x0] =	vst.idx.add.f32.msk $0xffff, v6  }
0x178: {  	[tilespmem:v20+s2+$0x0] =	vst.idx.add.f32.msk $0xffff, v8  }
0x179: {  	[tilespmem:v22+s2+$0x0] =	vst.idx.add.f32.msk $0xffff, v15  }
0x17a: {  	[tilespmem:v4+s2+$0x0] =	vst.idx.add.f32.msk $0xffff, v9  }
0x17b: {  	[tilespmem:v5+s2+$0x0] =	vst.idx.add.f32.msk $0xffff, v11  }
0x17c: {  	[tilespmem:v7+s2+$0x0] =	vst.idx.add.f32.msk $0xffff, v13  }
0x17d: {  	[tilespmem:v16+s2+$0x0] =	vst.idx.add.f32.msk $0xffff, v17  }
0x17e: {  	v4 =	vld [tilespmem:s16+$0xFFFFFE60]  }
0x17f: {  	v5 =	vld [tilespmem:s16+$0xFFFFFEE0]  }
0x180: {  	v6 =	vld [tilespmem:s16+$0xFFFFFF60]  }
0x181: {  	v7 =	vld [tilespmem:s16+$0xFFFFFFE0]  }
0x182: {  	v8 =	vld [tilespmem:s16+$0x60]  }
0x183: {  	v9 =	vshrl.u32 v4, $0x10;
	v4 =	vand.u32 $0xFFFF, v4;
	v11 =	vld [tilespmem:s16+$0xE0]  }
0x184: {  	v13 =	vshrl.u32 v5, $0x10;
	v5 =	vand.u32 $0xFFFF, v5;
	v15 =	vld [tilespmem:s16+$0x160]  }
0x185: {  	v16 =	vshrl.u32 v6, $0x10;
	v6 =	vand.u32 $0xFFFF, v6;
	[tilespmem:v1+s2+$0x0] =	vst.idx.add.f32.msk $0xffff, v10  }
0x186: {  	v1 =	vshrl.u32 v7, $0x10;
	v7 =	vand.u32 $0xFFFF, v7;
	[tilespmem:v2+s2+$0x0] =	vst.idx.add.f32.msk $0xffff, v12  }
0x187: {  	v2 =	vshrl.u32 v8, $0x10;
	v8 =	vand.u32 $0xFFFF, v8;
	[tilespmem:v3+s2+$0x0] =	vst.idx.add.f32.msk $0xffff, v14  }
0x188: {  	v3 =	vld.idx.msk [tilespmem:v4+s9+$0x0], $0xffff;
	v4 =	vshrl.u32 v11, $0x10;
	v10 =	vand.u32 $0xFFFF, v11  }
0x189: {  	v5 =	vld.idx.msk [tilespmem:v5+s9+$0x0], $0xffff;
	v11 =	vshrl.u32 v15, $0x10;
	v12 =	vand.u32 $0xFFFF, v15  }
0x18a: {  	v6 =	vld.idx.msk [tilespmem:v6+s9+$0x0], $0xffff  }
0x18b: {  	v7 =	vld.idx.msk [tilespmem:v7+s9+$0x0], $0xffff  }
0x18c: {  	v8 =	vld.idx.msk [tilespmem:v8+s9+$0x0], $0xffff  }
0x18d: {  	v10 =	vld.idx.msk [tilespmem:v10+s9+$0x0], $0xffff  }
0x18e: {  	v12 =	vld.idx.msk [tilespmem:v12+s9+$0x0], $0xffff  }
0x18f: {  	[tilespmem:v9+s2+$0x0] =	vst.idx.add.f32.msk $0xffff, v3  }
0x190: {  	[tilespmem:v13+s2+$0x0] =	vst.idx.add.f32.msk $0xffff, v5  }
0x191: {  	[tilespmem:v16+s2+$0x0] =	vst.idx.add.f32.msk $0xffff, v6  }
0x192: {  	[tilespmem:v1+s2+$0x0] =	vst.idx.add.f32.msk $0xffff, v7  }
0x193: {  	[tilespmem:v2+s2+$0x0] =	vst.idx.add.f32.msk $0xffff, v8  }
0x194: {  	[tilespmem:v4+s2+$0x0] =	vst.idx.add.f32.msk $0xffff, v10  }
0x195: {  	[tilespmem:v11+s2+$0x0] =	vst.idx.add.f32.msk $0xffff, v12  }
0x196: {  	v3 =	vld [tilespmem:s16+$0xFFFFFE70]  }
.Ltmp1:
0x197: {  	v5 =	vld [tilespmem:s16+$0xFFFFFEF0];
	(pc) =	sbr.rel @p1 .LBB2_6-.Ltmp1, $4  }
0x198: {  	v6 =	vld [tilespmem:s16+$0xFFFFFF70]  }
0x199: {  	v1 =	vld [tilespmem:s16+$0xFFFFFFF0]  }
0x19a: {  	v2 =	vld [tilespmem:s16+$0x70]  }
0x19b: {  	s16 =	sadd.s32 $0x400, s16;
	v7 =	vshrl.u32 v3, $0x10;
	v3 =	vand.u32 $0xFFFF, v3;
	v8 =	vld [tilespmem:s14+$0xF0]  }
0x19c: {  	_ =	sdelay $0x2  }
0x19d: {  	v4 =	vand.u32 $0xFFFF, v5;
	v9 =	vld [tilespmem:s14+$0x170]  }
0x19e: {  	v3 =	vld.idx.msk [tilespmem:v3+s9+$0x0], $0xffff  }
0x19f: {  	v10 =	vand.u32 $0xFFFF, v6  }
0x1a0: {  	v11 =	vand.u32 $0xFFFF, v1  }
0x1a1: {  	v12 =	vand.u32 $0xFFFF, v2  }
0x1a2: {  	v13 =	vand.u32 $0xFFFF, v8;
	v4 =	vld.idx.msk [tilespmem:v4+s9+$0x0], $0xffff  }
0x1a3: {  	v14 =	vand.u32 $0xFFFF, v9;
	[tilespmem:v7+s2+$0x0] =	vst.idx.add.f32.msk $0xffff, v3  }
0x1a4: {  	v61 =	vshrl.u32 v5, $0x10;
	v10 =	vld.idx.msk [tilespmem:v10+s9+$0x0], $0xffff  }
0x1a5: {  	v62 =	vshrl.u32 v6, $0x10;
	v11 =	vld.idx.msk [tilespmem:v11+s9+$0x0], $0xffff  }
0x1a6: {  	v1 =	vshrl.u32 v1, $0x10;
	v12 =	vld.idx.msk [tilespmem:v12+s9+$0x0], $0xffff  }
0x1a7: {  	v2 =	vshrl.u32 v2, $0x10;
	v13 =	vld.idx.msk [tilespmem:v13+s9+$0x0], $0xffff  }
0x1a8: {  	v63 =	vshrl.u32 v8, $0x10;
	v14 =	vld.idx.msk [tilespmem:v14+s9+$0x0], $0xffff  }
0x1a9: {  	v3 =	vshrl.u32 v9, $0x10;
	[tilespmem:v61+s2+$0x0] =	vst.idx.add.f32.msk $0xffff, v4  }
0x1aa: {  	[tilespmem:v62+s2+$0x0] =	vst.idx.add.f32.msk $0xffff, v10  }
0x1ab: {  	[tilespmem:v1+s2+$0x0] =	vst.idx.add.f32.msk $0xffff, v11  }
0x1ac: {  	[tilespmem:v2+s2+$0x0] =	vst.idx.add.f32.msk $0xffff, v12  }
0x1ad: {  	[tilespmem:v63+s2+$0x0] =	vst.idx.add.f32.msk $0xffff, v13  }
0x1ae: {  	[tilespmem:v3+s2+$0x0] =	vst.idx.add.f32.msk $0xffff, v14  }
0x1af: {  	p1 =	seq.s32 s13, $0x50  }
.Ltmp2:
0x1b0: {  	_ = 	snop;
	(pc) =	sbr.rel @!p1 .LBB2_5-.Ltmp2, $2  }
0x1b1: {  	_ =	sdelay $0x2  }
0x1b2: {  	p0 =	por !p0, !p0  }
0x1b3: {  	s12 =	sadd.s32 $0x1, s12  }
0x1b4: {  	p0 =	sne.s32 s12, s8  }
.Ltmp3:
0x1b5: {  	_ = 	snop;
	(pc) =	sbr.rel @p0 .LBB2_1-.Ltmp3, $4  }
0x1b6: {  	[hbm4b:s7+s2] =	stream.linear.scatter [tilespmem:s2], [sflag:$0x3], $0xC400, $0x38;
	[tilespmem:$0x1B000] =	vst v63  }
0x1b7: {  	_ =	swait.ge [sflag:s10], $0xC400  }
0x1b8: {  	[sflag:s10] =	ssyncset.done $0x0  }
0x1b9: {  	[sflag:s10] =	ssyncadd.s32 $0xFFFF3C00  }
0x1ba: {  	_ =	sfence.sel $0x180000  }
0x1bb: {  	[bflag:$0x0] =	sbarrier.arrive $0xFFFF  }
0x1bc: {  	p0 =	sne.s32 s0, $0x0;
	_ =	strace $0x9000004A  }
0x1bd: {  	s0 =	sadd.s32 @!p0 $0x100000, s1;
	[bflag:$0x2] =	sbarrier.arrive $0xFFFF  }
0x1be: {  	[sflag:s0] =	ssyncadd.tile.s32 @!p0 $0x1;
	_ =	shalt  }
.Lfunc_end2:
_tile_overlayer_lowered:
.L_overlay_start_2:
0x1bf: {  	(tag) =	ssettag $0x2  }
0x1c0: {  	s0 =	rddreg [dreg:$0x0];
	s2 =	stileid.u32  }
0x1c1: {  	s1 =	rddreg [dreg:$0x1];
	p0 =	sne.s32 s2, $0x0  }
0x1c2: {  	s3 =	rddreg [dreg:$0x2];
	[bflag:$0x3] =	sbarrier.arrive $0xFFFF;
	s2 =	simm.s32 @!p0 $0x1C03  }
0x1c3: {  	[timem:s3], [sflag:s2] =	dma.local @!p0 [hbm:s0], s1  }
0x1c4: {  	s0 =	simm.s32 @!p0 $0x3  }
0x1c5: {  	_ =	swait.ge @!p0 [sflag:s0], s1  }
0x1c6: {  	s1 =	ssub.s32 @!p0 $0x0, s1;
	[sflag:s0] =	ssyncset.done @!p0 $0x0  }
0x1c7: {  	[sflag:s0] =	ssyncadd.s32 @!p0 s1  }
0x1c8: {  	[bflag:$0x3] =	sbarrier.arrive $0xFFFF  }
0x1c9: {  	_ =	shalt  }

// kernel: kernel.16.cloned.1.call-start
scs
__scs_entry_jumppad:
0x0: {  	(pc) =	sbr.rel $0x88, $3  }
0x1: {  	(tag) =	ssettag $0x0;
	lr =	simm.s32 $0x1  }
0x2: {  	[smem:$0x3F99] =	sst lr;
	_ =	strace $0xD0000000  }
0x3: {  	_ = 	snop  }
0x4: {  	_ = 	snop  }
0x5: {  	_ = 	snop  }
0x6: {  	_ = 	snop  }
0x7: {  	_ = 	snop  }
__scs_overlays_trampoline_lowered:
0x8: {  	[smem:$0x3FA8] =	sst s0  }
0x9: {  	[smem:$0x3FA9] =	sst s1  }
0xa: {  	[smem:$0x3FAA] =	sst s2  }
0xb: {  	[smem:$0x3FAB] =	sst s3  }
0xc: {  	[smem:$0x3FAC] =	sst s4  }
0xd: {  	[smem:$0x3FAD] =	sst s5  }
0xe: {  	[smem:$0x3FAE] =	sst s6  }
0xf: {  	[smem:$0x3FAF] =	sst s7  }
0x10: {  	[smem:$0x3FB0] =	sst s8  }
0x11: {  	[smem:$0x3FB1] =	sst s9;
	s0 =	simm.s32 @!p0 $0x0  }
0x12: {  	s1 =	sld [smem:$0x3F97];
	s0 =	simm.s32 @p0 $0x1  }
0x13: {  	[smem:$0x3FB2] =	sst s0;
	s0 =	simm.s32 @!p1 $0x0  }
0x14: {  	s2 =	sld [smem:$0x3F96];
	s0 =	simm.s32 @p1 $0x1  }
0x15: {  	[smem:$0x3FB3] =	sst s0;
	s0 =	simm.s32 @!p2 $0x0  }
0x16: {  	s3 =	sld [smem:$0x3FDB];
	s0 =	simm.s32 @p2 $0x1  }
0x17: {  	s4 =	simm.s32 $0x1BF5;
	[smem:$0x3FB5] =	sst s0  }
0x18: {  	s0 =	sld [smem:$0x3F98];
	_ =	swait.ge [sflag:s4], $0x0  }
0x19: {  	s7 =	sld [smem:$0x3F99]  }
0x1a: {  	s8 =	sadd.s32 $0xFFFFE003, lr  }
0x1b: {  	s9 =	sadd.s32 $0xFFFFFEF7, lr;
	s5 =	simm.s32 $0xFFFFFFFF;
	p2 =	slt.u32 s8, $0xFFFFF086  }
0x1c: {  	p1 =	slt.u32 s9, $0xF7A;
	s5 =	simm.s32 @!p2 $0x0  }
0x1d: {  	s5 =	simm.s32 @p1 $0x1;
	p0 =	seq.s32 s7, s2  }
0x1e: {  	s7 =	smul.u32 @!p0 $0xF7A, s2;
	p2 =	seq.s32 @!p0 s5, $0x0  }
0x1f: {  	s9 =	smul.u32 $0xF7A, s1;
	s8 =	simm.s32 @!p0 $0x1BF5;
	p2 =	por !p2, p0  }
0x20: {  	[sflag:s8] =	ssyncset.s32 @!p0 $0xFFFFF086;
	s6 =	sadd.s32 @!p0 s3, s7;
	s7 =	simm.s32 @!p0 $0x108  }
0x21: {  	s3 =	sadd.s32 s3, s9;
	s6 =	sadd.s32 @!p0 $0x88, s6;
	s7 =	simm.s32 @p2 $0x1082  }
0x22: {  	[simem:s7], [sflag:s8] =	dma.local @!p0 [hbm:s6], $0xF7A  }
0x23: {  	s9 =	sor.u32 $0xD0000000, s2;
	s6 =	simm.s32 $0x108;
	_ =	swait.ge @!p0 [sflag:s8], $0x0  }
0x24: {  	s3 =	sadd.s32 $0x88, s3;
	s6 =	simm.s32 @!p1 $0x1082;
	[sflag:s4] =	ssyncset.s32 $0xFFFFF086  }
0x25: {  	[simem:s6], [sflag:s4] =	dma.local [hbm:s3], $0xF7A  }
0x26: {  	[smem:$0x3F99] =	sst s1;
	(tag) =	ssettag s2;
	_ =	strace s9  }
0x27: {  	s1 =	sld [smem:$0x3FA9]  }
0x28: {  	s2 =	sld [smem:$0x3FAA]  }
0x29: {  	s4 =	sld [smem:$0x3FAC]  }
0x2a: {  	p0 =	seq.s32 s5, $0x0;
	s5 =	sld [smem:$0x3FAD]  }
0x2b: {  	s6 =	sld [smem:$0x3FAE]  }
0x2c: {  	s7 =	sld [smem:$0x3FAF]  }
0x2d: {  	s3 =	simm.s32 $0x108;
	s8 =	sld [smem:$0x3FB0]  }
0x2e: {  	s3 =	simm.s32 @!p0 $0x1082;
	s9 =	sld [smem:$0x3FB1]  }
0x2f: {  	lr =	sadd.s32 s0, s3;
	s0 =	sld [smem:$0x3FA8]  }
0x30: {  	s3 =	sld [smem:$0x3FAB]  }
0x31: {  	[smem:$0x3FB4] =	sst s10  }
0x32: {  	s10 =	sld [smem:$0x3FB2];
	_ =	sdelay $0x3  }
0x33: {  	p0 =	seq.s32 s10, $0x1;
	s10 =	sld [smem:$0x3FB4];
	_ =	sdelay $0x3  }
0x34: {  	[smem:$0x3FB4] =	sst s10  }
0x35: {  	s10 =	sld [smem:$0x3FB3];
	_ =	sdelay $0x3  }
0x36: {  	p1 =	seq.s32 s10, $0x1;
	s10 =	sld [smem:$0x3FB4];
	_ =	sdelay $0x3  }
0x37: {  	[smem:$0x3FB4] =	sst s10  }
0x38: {  	s10 =	sld [smem:$0x3FB5]  }
0x39: {  	_ = 	snop;
	(pc) =	sbr.ind lr, $3  }
0x3a: {  	_ = 	snop  }
0x3b: {  	_ = 	snop  }
0x3c: {  	p2 =	seq.s32 s10, $0x1;
	s10 =	sld [smem:$0x3FB4]  }
0x3d: {  	_ =	shalt  }
0x3e: {  	_ =	shalt  }
0x3f: {  	_ =	shalt  }
0x40: {  	_ =	shalt  }
0x41: {  	_ =	shalt  }
0x42: {  	_ =	shalt  }
0x43: {  	_ =	shalt  }
0x44: {  	_ =	shalt  }
0x45: {  	_ =	shalt  }
0x46: {  	_ =	shalt  }
0x47: {  	_ =	shalt  }
0x48: {  	_ =	shalt  }
0x49: {  	_ =	shalt  }
0x4a: {  	_ =	shalt  }
0x4b: {  	_ =	shalt  }
0x4c: {  	_ =	shalt  }
0x4d: {  	_ =	shalt  }
0x4e: {  	_ =	shalt  }
0x4f: {  	_ =	shalt  }
0x50: {  	_ =	shalt  }
0x51: {  	_ =	shalt  }
0x52: {  	_ =	shalt  }
0x53: {  	_ =	shalt  }
0x54: {  	_ =	shalt  }
0x55: {  	_ =	shalt  }
0x56: {  	_ =	shalt  }
0x57: {  	_ =	shalt  }
0x58: {  	_ =	shalt  }
0x59: {  	_ =	shalt  }
0x5a: {  	_ =	shalt  }
0x5b: {  	_ =	shalt  }
0x5c: {  	_ =	shalt  }
0x5d: {  	_ =	shalt  }
0x5e: {  	_ =	shalt  }
0x5f: {  	_ =	shalt  }
0x60: {  	_ =	shalt  }
0x61: {  	_ =	shalt  }
0x62: {  	_ =	shalt  }
0x63: {  	_ =	shalt  }
0x64: {  	_ =	shalt  }
0x65: {  	_ =	shalt  }
0x66: {  	_ =	shalt  }
0x67: {  	_ =	shalt  }
0x68: {  	_ =	shalt  }
0x69: {  	_ =	shalt  }
0x6a: {  	_ =	shalt  }
0x6b: {  	_ =	shalt  }
0x6c: {  	_ =	shalt  }
0x6d: {  	_ =	shalt  }
0x6e: {  	_ =	shalt  }
0x6f: {  	_ =	shalt  }
0x70: {  	_ =	shalt  }
0x71: {  	_ =	shalt  }
0x72: {  	_ =	shalt  }
0x73: {  	_ =	shalt  }
0x74: {  	_ =	shalt  }
0x75: {  	_ =	shalt  }
0x76: {  	_ =	shalt  }
0x77: {  	_ =	shalt  }
0x78: {  	_ =	shalt  }
0x79: {  	_ =	shalt  }
0x7a: {  	_ =	shalt  }
0x7b: {  	_ =	shalt  }
0x7c: {  	_ =	shalt  }
0x7d: {  	_ =	shalt  }
0x7e: {  	_ =	shalt  }
0x7f: {  	_ =	shalt  }
0x80: {  	_ =	shalt  }
0x81: {  	_ =	shalt  }
0x82: {  	_ =	shalt  }
0x83: {  	_ =	shalt  }
0x84: {  	_ =	shalt  }
0x85: {  	_ =	shalt  }
0x86: {  	_ =	shalt  }
0x87: {  	_ =	shalt  }
.Lfunc_end0:
.L_simem_size_0:
called_computation.2_lowered:
.L_overlay_start_0:
0x88: {  	s2 =	sld [smem:$0x3FD9]  }
0x89: {  	s3 =	sld [smem:$0x3FFE];
	_ =	sdelay $0x1  }
0x8a: {  	s1 =	srdreg.scid  }
0x8b: {  	s0 =	sand.u32 $0x1, s1  }
0x8c: {  	s16 =	sshll.u32 s0, $0xA;
	s2 =	sadd.s32 s3, s2  }
0x8d: {  	s2 =	sadd.s32 s2, s16  }
0x8e: {  	[smem:$0x3FC0] =	sst s2  }
0x8f: {  	_ = 	snop  }
0x90: {  	(tm) =	ssettm $0x1  }
0x91: {  	s17 =	sld [smem:$0x3FFB];
	_ =	sdelay $0x3  }
0x92: {  	_ =	strace s17  }
0x93: {  	s2 =	sld [smem:$0x3FFC];
	_ =	sdelay $0x3  }
0x94: {  	_ =	strace s2  }
0x95: {  	s2 =	sld [smem:$0x3FFD];
	_ =	sdelay $0x3  }
0x96: {  	_ =	strace s2  }
0x97: {  	_ =	strace $0x8FFFFFFF  }
0x98: {  	s18 =	sld [smem:$0x3FDB];
	_ =	sdelay $0x1  }
0x99: {  	s19 =	simm.s32 $_scs_section_size  }
0x9a: {  	s4 =	simm.s32 $_size__tile_overlayer_lowered;
	s5 =	simm.s32 $_tile_overlayer_lowered  }
0x9b: {  	s22 =	simm.s32 $0x1BFF;
	s21 =	sshll.u32 s5, $0x1;
	s2 =	sadd.s32 s19, s18  }
0x9c: {  	s6 =	simm.s32 $0x0;
	s20 =	sshll.u32 s4, $0x1;
	s4 =	sadd.s32 s21, s2  }
0x9d: {  	[timem:s6], [sflag:s22] =	dma.local [hbm:s4], s20  }
0x9e: {  	_ =	swait.ge [sflag:s22], s20  }
0x9f: {  	s3 =	ssub.s32 $0x0, s20;
	[sflag:s22] =	ssyncset.done $0x0  }
0xa0: {  	[sflag:s22] =	ssyncadd.s32 s3;
	_ =	sdelay $0x1  }
0xa1: {  	s23 =	simm.s32 $0x1B8B  }
0xa2: {  	_ =	swait.ge [sflag:s23], $0x1  }
0xa3: {  	[sflag:s23] =	ssyncset.done $0x0  }
0xa4: {  	s25 =	simm.s32 $0x1B8E;
	s24 =	sld [smem:$0x3FFE];
	[sflag:s23] =	ssyncadd.s32 $0xFFFFFFFF  }
0xa5: {  	s26 =	simm.s32 $execute0_lowered;
	[smem:$0x3FD2] =	sst s25  }
0xa6: {  	s4 =	sshll.u32 s26, $0x1;
	_ =	strace $0x8000004C;
	[dreg:$0x1] =	wrdreg $0xFFFFFFFF  }
0xa7: {  	s28 =	simm.s32 $_size_execute0_lowered;
	s2 =	sadd.s32 s2, s4;
	[dreg:$0x0] =	wrdreg $0x0  }
0xa8: {  	s4 =	sshll.u32 s28, $0x1;
	[dreg:$0x2] =	wrdreg s2  }
0xa9: {  	[dreg:$0x3] =	wrdreg s4  }
0xaa: {  	[dreg:$0x4] =	wrdreg $0xC0  }
0xab: {  	_ =	task [dreg:s6], $0x5FFFF  }
0xac: {  	[dreg:$0x1] =	wrdreg $0xFFFFFFFF  }
0xad: {  	[dreg:$0x0] =	wrdreg $0x60  }
0xae: {  	[dreg:$0x2] =	wrdreg s24  }
0xaf: {  	[dreg:$0x3] =	wrdreg $0x9  }
0xb0: {  	_ =	task.clear_ibuf [dreg:s6], $0x4FFFF;
	_ =	strace $0x9000004C  }
0xb1: {  	s29 =	simm.s32 $0x9;
	_ =	strace $0x8000004E  }
0xb2: {  	_ =	swait.ge [sflag:s29], $0x1  }
0xb3: {  	[sflag:s29] =	ssyncadd.s32 $0xFFFFFFFF  }
0xb4: {  	_ =	strace $0x9000004E  }
0xb5: {  	_ =	sfence  }
0xb6: {  	s30 =	sld [smem:$0x0];
	_ =	sdelay $0x2  }
0xb7: {  	s31 =	sshll.u32 s1, $0xD;
	s1 =	sshrl.u32 s1, $0x2  }
0xb8: {  	s3 =	sand.u32 $0x4000, s31;
	s1 =	sadd.s32 s1, s30  }
0xb9: {  	s0 =	sor.u32 s3, s0;
	s1 =	sshll.u32 s1, $0x11  }
0xba: {  	s0 =	sor.u32 s1, s0  }
0xbb: {  	s0 =	sadd.s32 $0x8F2B, s0  }
0xbc: {  	[sflag:s0] =	ssyncadd.remote.s32 $0x1  }
0xbd: {  	_ =	sfence.sel $0xFFFF  }
0xbe: {  	[dreg:$0x0] =	wrdreg $0xFFFFFFFF;
	(pc) =	sbr.abs _section_cstart, $3  }
0xbf: {  	[dreg:$0x1] =	wrdreg $0xFFFFFFFF  }
0xc0: {  	_ =	task.clear_ibuf [dreg:s6], $0x2FFFF;
	_ =	strace $0x9FFFFFFF  }
0xc1: {  	(tm) =	ssettm $0x7FFFFFFF  }
tec
execute0_lowered:
.L_overlay_start_1:
0x0: {  	(tag) =	ssettag $0x1  }
0x1: {  	s0 =	srdreg.scid  }
0x2: {  	s3 =	simm.s32 $0xFFFFFFE4;
	s6 =	rddreg [dreg:$0x0];
	s5 =	sand.u32 $0x1, s0  }
0x3: {  	s2 =	simm.s32 $0x3200;
	s0 =	stileid.u32;
	s1 =	sshll.u32 s5, $0x4  }
0x4: {  	s11 =	simm.s32 $0xC400;
	s12 =	simm.s32 $0x3;
	s4 =	sor.u32 s0, s1  }
0x5: {  	s13 =	simm.s32 $0x18800;
	s14 =	simm.s32 $0x0;
	p0 =	sgt.u32 s4, $0x1B  }
0x6: {  	s5 =	ssub.s32 $0x2, s5;
	s3 =	simm.s32 @!p0 $0x0;
	s2 =	simm.s32 @!p0 $0x0  }
0x7: {  	s1 =	rddreg [dreg:$0x1];
	s7 =	sadd.s32 s4, s3;
	s9 =	sadd.s32 $0x3200, s2  }
0x8: {  	s8 =	smul.u32 $0xC350, s7;
	p1 =	slt.s32 s7, $0x4;
	s7 =	smov.u32 s9  }
0x9: {  	s29 =	sshrl.u32 s5, $0x1;
	s10 =	smul.u32 $0x1880, s4;
	s7 =	simm.s32 @!p1 $0x6400  }
0xa: {  	s30 =	ssub.s32 s5, s29;
	s3 =	simm.s32 $0x0;
	s7 =	smov.u32 @p0 s9  }
0xb: {  	s4 =	sadd.s32 $0x2000, s6;
	s28 =	sadd.s32 s10, s6;
	s7 =	ssub.s32 s7, s2  }
0xc: {  	s31 =	sshll.u32 s2, $0x4;
	s8 =	sshrl.u32 s8, $0x3;
	s7 =	smul.u32 $0x6667, s7  }
0xd: {  	s10 =	smax.u32 s30, $0x1;
	[smem:$0x7FF] =	sst s3;
	s8 =	sadd.s32 s8, s6  }
0xe: {  	_ =	strace $0x8000004D;
	s5 =	sadd.s32 $0x66000, s8;
	s6 =	sshrl.u32 s7, $0x14  }
0xf: {  	v0 =	vimm.f32 $0.0e+00;
	s8 =	sadd.s32 $0x90C00, s28;
	s7 =	sadd.s32 s4, s31;
	s9 =	smax.u32 s6, $0x1  }
.LBB2_1:
0x10: {  	s15 =	simm.s32 $0x40;
	s16 =	simm.s32 $0x0  }
.LBB2_2:
0x11: {  	p0 =	sne.s32 s15, $0x30FC0;
	[tilespmem:s16+$0x0] =	vst v0;
	s16 =	smov.u32 s15;
	s15 =	sadd.s32 $0x40, s15  }
.Ltmp0:
0x12: {  	(pc) =	sbr.rel @p0 .LBB2_2-.Ltmp0, $2  }
0x13: {  	_ =	sdelay $0x2  }
0x14: {  	s16 =	sshra.s32 s16, $0x2  }
0x15: {  	[tilespmem:s16+$0x0] =	vst v0;
	s15 =	simm.s32 $0x0  }
0x16: {  	[tilespmem:s11], [sflag:$0x3] =	stream.linear.gather [hbm4b:s5+s15], $0xC350, $0x38;
	[tilespmem:$0x1B000] =	vst v63  }
0x17: {  	_ =	swait.ge [sflag:s12], $0xC350  }
0x18: {  	[sflag:s12] =	ssyncset.done $0x0  }
0x19: {  	p0 =	por $0x0, $0x0;
	[sflag:s12] =	ssyncadd.s32 $0xFFFF3CB0  }
0x1a: {  	[tilespmem:s13], [sflag:$0x1] =	stream.linear.gather [hbm4b:s7+s15], $0x1400, $0x38;
	[tilespmem:$0x1B000] =	vst v63  }
.LBB2_5:
0x1b: {  	s16 =	sand.u32 $0x1, s15;
	s15 =	sadd.s32 $0x1, s15  }
0x1c: {  	p1 =	sge.u32 s15, s6  }
0x1d: {  	s18 =	smul.u32 @!p1 $0x28, s15  }
0x1e: {  	s20 =	simm.s32 $0x1;
	s17 =	sxor.u32 @!p1 $0x1, s16  }
0x1f: {  	s20 =	simm.s32 @!p0 $0x0;
	s19 =	smul.u32 @!p1 $0x5000, s17;
	s18 =	sadd.s32 @!p1 s2, s18  }
0x20: {  	s30 =	sadd.s32 $0x1, s16;
	s21 =	simm.s32 @!p1 $0x0;
	s18 =	sshll.u32 @!p1 s18, $0x4  }
0x21: {  	s29 =	smul.u32 $0x5000, s20;
	s19 =	sshrl.u32 @!p1 s19, $0x2;
	s18 =	sand.u32 @!p1 $0x1FFFFF80, s18  }
0x22: {  	s17 =	sadd.s32 @!p1 $0x1, s17;
	s19 =	sadd.s32 @!p1 $0x18800, s19;
	s18 =	sadd.s32 @!p1 s4, s18  }
0x23: {  	[tilespmem:s19], [sflag:s17] =	stream.linear.gather @!p1 [hbm4b:s18+s21], $0x1400, $0x38;
	[tilespmem:$0x1B000] =	vst v63  }
0x24: {  	_ =	swait.ge [sflag:s30], $0x1400  }
0x25: {  	s31 =	sshrl.u32 s29, $0x2;
	[sflag:s30] =	ssyncset.done $0x0  }
0x26: {  	s16 =	sadd.s32 $0x18A00, s31;
	[sflag:s30] =	ssyncadd.s32 $0xFFFFEC00  }
0x27: {  	v1 =	vld [tilespmem:s16+$0x180]  }
0x28: {  	v2 =	vld [tilespmem:s16+$0xFFFFFE80]  }
0x29: {  	v3 =	vld [tilespmem:s16+$0xFFFFFF00]  }
0x2a: {  	v4 =	vld [tilespmem:s16+$0xFFFFFF80]  }
0x2b: {  	v5 =	vld [tilespmem:s16+$0x0]  }
0x2c: {  	v6 =	vld [tilespmem:s16+$0x80];
	v7 =	vand.u32 $0xFFFF, v1  }
0x2d: {  	v12 =	vld [tilespmem:s16+$0x100];
	v8 =	vand.u32 $0xFFFF, v2  }
0x2e: {  	v9 =	vand.u32 $0xFFFF, v3  }
0x2f: {  	v10 =	vld [tilespmem:s16+$0xFFFFFE00];
	v11 =	vand.u32 $0xFFFF, v4  }
0x30: {  	v13 =	vand.u32 $0xFFFF, v5  }
0x31: {  	v14 =	vand.u32 $0xFFFF, v6;
	v7 =	vld.idx.msk [tilespmem:v7+s11+$0x0], $0xffff  }
0x32: {  	v16 =	vand.u32 $0xFFFF, v12;
	v8 =	vld.idx.msk [tilespmem:v8+s11+$0x0], $0xffff  }
0x33: {  	v1 =	vshrl.u32 v1, $0x10;
	v9 =	vld.idx.msk [tilespmem:v9+s11+$0x0], $0xffff  }
0x34: {  	v15 =	vand.u32 $0xFFFF, v10;
	v11 =	vld.idx.msk [tilespmem:v11+s11+$0x0], $0xffff  }
0x35: {  	v13 =	vld.idx.msk [tilespmem:v13+s11+$0x0], $0xffff  }
0x36: {  	v2 =	vshrl.u32 v2, $0x10;
	v14 =	vld.idx.msk [tilespmem:v14+s11+$0x0], $0xffff  }
0x37: {  	v3 =	vshrl.u32 v3, $0x10;
	v35 =	vld.idx.msk [tilespmem:v16+s11+$0x0], $0xffff  }
0x38: {  	v5 =	vshrl.u32 v5, $0x10;
	[tilespmem:v1+s3+$0x0] =	vst.idx.add.f32.msk $0xffff, v7  }
0x39: {  	v6 =	vshrl.u32 v6, $0x10;
	v7 =	vld.idx.msk [tilespmem:v15+s11+$0x0], $0xffff  }
0x3a: {  	v1 =	vshrl.u32 v4, $0x10;
	v4 =	vld [tilespmem:s16+$0x190]  }
0x3b: {  	[tilespmem:v2+s3+$0x0] =	vst.idx.add.f32.msk $0xffff, v8  }
0x3c: {  	[tilespmem:v3+s3+$0x0] =	vst.idx.add.f32.msk $0xffff, v9  }
0x3d: {  	v10 =	vshrl.u32 v10, $0x10;
	[tilespmem:v5+s3+$0x0] =	vst.idx.add.f32.msk $0xffff, v13  }
0x3e: {  	[tilespmem:v6+s3+$0x0] =	vst.idx.add.f32.msk $0xffff, v14  }
0x3f: {  	[tilespmem:v1+s3+$0x0] =	vst.idx.add.f32.msk $0xffff, v11;
	v1 =	vand.u32 $0xFFFF, v4  }
0x40: {  	v5 =	vld [tilespmem:s16+$0xFFFFFF10]  }
0x41: {  	v9 =	vld [tilespmem:s16+$0x90]  }
0x42: {  	v2 =	vshrl.u32 v12, $0x10;
	[tilespmem:v10+s3+$0x0] =	vst.idx.add.f32.msk $0xffff, v7  }
0x43: {  	v7 =	vld [tilespmem:s16+$0x10]  }
0x44: {  	v3 =	vshrl.u32 v4, $0x10;
	v1 =	vld.idx.msk [tilespmem:v1+s11+$0x0], $0xffff  }
0x45: {  	v4 =	vld [tilespmem:s16+$0xFFFFFE90]  }
0x46: {  	v6 =	vld [tilespmem:s16+$0xFFFFFF90]  }
0x47: {  	[tilespmem:v2+s3+$0x0] =	vst.idx.add.f32.msk $0xffff, v35;
	v10 =	vand.u32 $0xFFFF, v5  }
0x48: {  	v2 =	vld [tilespmem:s16+$0xFFFFFE10];
	v39 =	vand.u32 $0xFFFF, v9  }
0x49: {  	v37 =	vand.u32 $0xFFFF, v7;
	[tilespmem:v3+s3+$0x0] =	vst.idx.add.f32.msk $0xffff, v1  }
0x4a: {  	v8 =	vand.u32 $0xFFFF, v4;
	v3 =	vld [tilespmem:s16+$0x1A0]  }
0x4b: {  	v11 =	vld [tilespmem:s16+$0x110];
	v36 =	vand.u32 $0xFFFF, v6  }
0x4c: {  	v5 =	vshrl.u32 v5, $0x10;
	v10 =	vld.idx.msk [tilespmem:v10+s11+$0x0], $0xffff  }
0x4d: {  	v15 =	vld.idx.msk [tilespmem:v39+s11+$0x0], $0xffff  }
0x4e: {  	v13 =	vld.idx.msk [tilespmem:v37+s11+$0x0], $0xffff;
	v1 =	vand.u32 $0xFFFF, v2  }
0x4f: {  	v8 =	vld.idx.msk [tilespmem:v8+s11+$0x0], $0xffff;
	v38 =	vand.u32 $0xFFFF, v3  }
0x50: {  	v4 =	vshrl.u32 v4, $0x10;
	v12 =	vld.idx.msk [tilespmem:v36+s11+$0x0], $0xffff  }
0x51: {  	v6 =	vshrl.u32 v6, $0x10;
	[tilespmem:v5+s3+$0x0] =	vst.idx.add.f32.msk $0xffff, v10  }
0x52: {  	v5 =	vld [tilespmem:s16+$0xFFFFFF20]  }
0x53: {  	v2 =	vshrl.u32 v2, $0x10;
	v1 =	vld.idx.msk [tilespmem:v1+s11+$0x0], $0xffff  }
0x54: {  	v3 =	vshrl.u32 v3, $0x10;
	v14 =	vld.idx.msk [tilespmem:v38+s11+$0x0], $0xffff  }
0x55: {  	[tilespmem:v4+s3+$0x0] =	vst.idx.add.f32.msk $0xffff, v8  }
0x56: {  	v40 =	vand.u32 $0xFFFF, v11;
	[tilespmem:v6+s3+$0x0] =	vst.idx.add.f32.msk $0xffff, v12  }
0x57: {  	v6 =	vld [tilespmem:s16+$0xFFFFFFA0];
	v41 =	vand.u32 $0xFFFF, v5  }
0x58: {  	[tilespmem:v2+s3+$0x0] =	vst.idx.add.f32.msk $0xffff, v1;
	v1 =	vshrl.u32 v7, $0x10  }
0x59: {  	v2 =	vshrl.u32 v9, $0x10;
	[tilespmem:v3+s3+$0x0] =	vst.idx.add.f32.msk $0xffff, v14  }
0x5a: {  	v4 =	vld [tilespmem:s16+$0x1B0]  }
0x5b: {  	v16 =	vld.idx.msk [tilespmem:v40+s11+$0x0], $0xffff;
	v3 =	vshrl.u32 v11, $0x10  }
0x5c: {  	v12 =	vld.idx.msk [tilespmem:v41+s11+$0x0], $0xffff  }
0x5d: {  	[tilespmem:v1+s3+$0x0] =	vst.idx.add.f32.msk $0xffff, v13  }
0x5e: {  	v42 =	vand.u32 $0xFFFF, v6;
	[tilespmem:v2+s3+$0x0] =	vst.idx.add.f32.msk $0xffff, v15  }
0x5f: {  	v2 =	vld [tilespmem:s16+$0xFFFFFE20];
	v1 =	vand.u32 $0xFFFF, v4  }
0x60: {  	[tilespmem:v3+s3+$0x0] =	vst.idx.add.f32.msk $0xffff, v16  }
0x61: {  	v3 =	vld [tilespmem:s16+$0xFFFFFEA0]  }
0x62: {  	v5 =	vshrl.u32 v5, $0x10;
	v7 =	vld [tilespmem:s16+$0x20]  }
0x63: {  	v6 =	vshrl.u32 v6, $0x10;
	v13 =	vld.idx.msk [tilespmem:v42+s11+$0x0], $0xffff  }
0x64: {  	v4 =	vshrl.u32 v4, $0x10;
	v1 =	vld.idx.msk [tilespmem:v1+s11+$0x0], $0xffff  }
0x65: {  	v11 =	vld [tilespmem:s16+$0x120]  }
0x66: {  	v9 =	vld [tilespmem:s16+$0xA0];
	v10 =	vand.u32 $0xFFFF, v3  }
0x67: {  	[tilespmem:v5+s3+$0x0] =	vst.idx.add.f32.msk $0xffff, v12  }
0x68: {  	v8 =	vand.u32 $0xFFFF, v2;
	[tilespmem:v6+s3+$0x0] =	vst.idx.add.f32.msk $0xffff, v13  }
0x69: {  	[tilespmem:v4+s3+$0x0] =	vst.idx.add.f32.msk $0xffff, v1;
	v1 =	vand.u32 $0xFFFF, v7  }
0x6a: {  	v44 =	vand.u32 $0xFFFF, v11;
	v4 =	vld [tilespmem:s16+$0x1C0]  }
0x6b: {  	v3 =	vshrl.u32 v3, $0x10;
	v10 =	vld.idx.msk [tilespmem:v10+s11+$0x0], $0xffff  }
0x6c: {  	v6 =	vld [tilespmem:s16+$0xFFFFFF30]  }
0x6d: {  	v2 =	vshrl.u32 v2, $0x10;
	v8 =	vld.idx.msk [tilespmem:v8+s11+$0x0], $0xffff  }
0x6e: {  	v7 =	vshrl.u32 v7, $0x10;
	v1 =	vld.idx.msk [tilespmem:v1+s11+$0x0], $0xffff  }
0x6f: {  	v15 =	vld.idx.msk [tilespmem:v44+s11+$0x0], $0xffff;
	v45 =	vand.u32 $0xFFFF, v4  }
0x70: {  	[tilespmem:v3+s3+$0x0] =	vst.idx.add.f32.msk $0xffff, v10  }
0x71: {  	v5 =	vld [tilespmem:s16+$0xFFFFFEB0];
	v3 =	vshrl.u32 v4, $0x10;
	v4 =	vshrl.u32 v11, $0x10  }
0x72: {  	v43 =	vand.u32 $0xFFFF, v9;
	[tilespmem:v2+s3+$0x0] =	vst.idx.add.f32.msk $0xffff, v8  }
0x73: {  	[tilespmem:v7+s3+$0x0] =	vst.idx.add.f32.msk $0xffff, v1  }
0x74: {  	v2 =	vld.idx.msk [tilespmem:v45+s11+$0x0], $0xffff  }
0x75: {  	v1 =	vld [tilespmem:s16+$0xFFFFFE30]  }
0x76: {  	[tilespmem:v4+s3+$0x0] =	vst.idx.add.f32.msk $0xffff, v15;
	v4 =	vand.u32 $0xFFFF, v5  }
0x77: {  	v14 =	vld.idx.msk [tilespmem:v43+s11+$0x0], $0xffff  }
0x78: {  	v46 =	vld [tilespmem:s16+$0x130]  }
0x79: {  	v11 =	vand.u32 $0xFFFF, v6;
	[tilespmem:v3+s3+$0x0] =	vst.idx.add.f32.msk $0xffff, v2  }
0x7a: {  	v8 =	vand.u32 $0xFFFF, v1;
	v2 =	vshrl.u32 v9, $0x10;
	v9 =	vld [tilespmem:s16+$0x30]  }
0x7b: {  	v4 =	vld.idx.msk [tilespmem:v4+s11+$0x0], $0xffff  }
0x7c: {  	v5 =	vshrl.u32 v5, $0x10;
	v3 =	vld [tilespmem:s16+$0x1D0]  }
0x7d: {  	v7 =	vld [tilespmem:s16+$0xFFFFFFB0]  }
0x7e: {  	v11 =	vld.idx.msk [tilespmem:v11+s11+$0x0], $0xffff;
	v50 =	vand.u32 $0xFFFF, v46  }
0x7f: {  	v8 =	vld.idx.msk [tilespmem:v8+s11+$0x0], $0xffff  }
0x80: {  	[tilespmem:v2+s3+$0x0] =	vst.idx.add.f32.msk $0xffff, v14;
	v48 =	vand.u32 $0xFFFF, v9  }
0x81: {  	[tilespmem:v5+s3+$0x0] =	vst.idx.add.f32.msk $0xffff, v4;
	v2 =	vand.u32 $0xFFFF, v3  }
0x82: {  	v47 =	vand.u32 $0xFFFF, v7;
	v10 =	vld [tilespmem:s16+$0xB0]  }
0x83: {  	v1 =	vshrl.u32 v1, $0x10;
	v51 =	vld.idx.msk [tilespmem:v50+s11+$0x0], $0xffff  }
0x84: {  	v4 =	vshrl.u32 v46, $0x10;
	v5 =	vld [tilespmem:s16+$0xFFFFFEC0]  }
0x85: {  	v9 =	vshrl.u32 v9, $0x10;
	v14 =	vld.idx.msk [tilespmem:v48+s11+$0x0], $0xffff  }
0x86: {  	v3 =	vshrl.u32 v3, $0x10;
	v2 =	vld.idx.msk [tilespmem:v2+s11+$0x0], $0xffff  }
0x87: {  	v13 =	vld.idx.msk [tilespmem:v47+s11+$0x0], $0xffff;
	v49 =	vand.u32 $0xFFFF, v10  }
0x88: {  	[tilespmem:v1+s3+$0x0] =	vst.idx.add.f32.msk $0xffff, v8  }
0x89: {  	[tilespmem:v4+s3+$0x0] =	vst.idx.add.f32.msk $0xffff, v51  }
0x8a: {  	v4 =	vand.u32 $0xFFFF, v5;
	[tilespmem:v9+s3+$0x0] =	vst.idx.add.f32.msk $0xffff, v14  }
0x8b: {  	[tilespmem:v3+s3+$0x0] =	vst.idx.add.f32.msk $0xffff, v2;
	v2 =	vshrl.u32 v6, $0x10  }
0x8c: {  	v6 =	vshrl.u32 v7, $0x10;
	v7 =	vld.idx.msk [tilespmem:v49+s11+$0x0], $0xffff  }
0x8d: {  	v8 =	vld [tilespmem:s16+$0x40]  }
0x8e: {  	v10 =	vshrl.u32 v10, $0x10;
	v3 =	vld [tilespmem:s16+$0x1E0]  }
0x8f: {  	v4 =	vld.idx.msk [tilespmem:v4+s11+$0x0], $0xffff  }
0x90: {  	[tilespmem:v2+s3+$0x0] =	vst.idx.add.f32.msk $0xffff, v11  }
0x91: {  	v2 =	vld [tilespmem:s16+$0xFFFFFE40]  }
0x92: {  	[tilespmem:v6+s3+$0x0] =	vst.idx.add.f32.msk $0xffff, v13;
	v53 =	vand.u32 $0xFFFF, v8  }
0x93: {  	[tilespmem:v10+s3+$0x0] =	vst.idx.add.f32.msk $0xffff, v7;
	v1 =	vand.u32 $0xFFFF, v3  }
0x94: {  	v6 =	vld [tilespmem:s16+$0xFFFFFF40]  }
0x95: {  	v5 =	vshrl.u32 v5, $0x10;
	v10 =	vld [tilespmem:s16+$0xC0]  }
0x96: {  	v52 =	vld [tilespmem:s16+$0x140];
	v9 =	vand.u32 $0xFFFF, v2  }
0x97: {  	v8 =	vshrl.u32 v8, $0x10;
	v13 =	vld.idx.msk [tilespmem:v53+s11+$0x0], $0xffff  }
0x98: {  	v3 =	vshrl.u32 v3, $0x10;
	v1 =	vld.idx.msk [tilespmem:v1+s11+$0x0], $0xffff  }
0x99: {  	v7 =	vld [tilespmem:s16+$0xFFFFFFC0];
	v11 =	vand.u32 $0xFFFF, v6  }
0x9a: {  	[tilespmem:v5+s3+$0x0] =	vst.idx.add.f32.msk $0xffff, v4;
	v54 =	vand.u32 $0xFFFF, v10  }
0x9b: {  	v9 =	vld.idx.msk [tilespmem:v9+s11+$0x0], $0xffff  }
0x9c: {  	v2 =	vshrl.u32 v2, $0x10;
	[tilespmem:v8+s3+$0x0] =	vst.idx.add.f32.msk $0xffff, v13  }
0x9d: {  	v55 =	vand.u32 $0xFFFF, v52;
	[tilespmem:v3+s3+$0x0] =	vst.idx.add.f32.msk $0xffff, v1  }
0x9e: {  	v1 =	vand.u32 $0xFFFF, v7;
	v11 =	vld.idx.msk [tilespmem:v11+s11+$0x0], $0xffff  }
0x9f: {  	v6 =	vshrl.u32 v6, $0x10;
	v14 =	vld.idx.msk [tilespmem:v54+s11+$0x0], $0xffff  }
0xa0: {  	v3 =	vld [tilespmem:s16+$0x1F0]  }
0xa1: {  	[tilespmem:v2+s3+$0x0] =	vst.idx.add.f32.msk $0xffff, v9;
	v2 =	vshrl.u32 v10, $0x10  }
0xa2: {  	v9 =	vld.idx.msk [tilespmem:v55+s11+$0x0], $0xffff;
	v10 =	vshrl.u32 v52, $0x10  }
0xa3: {  	v1 =	vld.idx.msk [tilespmem:v1+s11+$0x0], $0xffff  }
0xa4: {  	v7 =	vshrl.u32 v7, $0x10;
	[tilespmem:v6+s3+$0x0] =	vst.idx.add.f32.msk $0xffff, v11  }
0xa5: {  	v4 =	vld [tilespmem:s16+$0xFFFFFF50]  }
0xa6: {  	[tilespmem:v2+s3+$0x0] =	vst.idx.add.f32.msk $0xffff, v14  }
0xa7: {  	[tilespmem:v10+s3+$0x0] =	vst.idx.add.f32.msk $0xffff, v9  }
0xa8: {  	v2 =	vld [tilespmem:s16+$0xFFFFFED0]  }
0xa9: {  	[tilespmem:v7+s3+$0x0] =	vst.idx.add.f32.msk $0xffff, v1  }
0xaa: {  	v1 =	vld [tilespmem:s16+$0xFFFFFE50]  }
0xab: {  	v7 =	vld [tilespmem:s16+$0x50]  }
0xac: {  	v6 =	vand.u32 $0xFFFF, v3;
	v9 =	vld [tilespmem:s16+$0xD0]  }
0xad: {  	v11 =	vld [tilespmem:s16+$0x150];
	v56 =	vand.u32 $0xFFFF, v4  }
0xae: {  	v5 =	vld [tilespmem:s16+$0xFFFFFFD0];
	v10 =	vand.u32 $0xFFFF, v2  }
0xaf: {  	v8 =	vand.u32 $0xFFFF, v1  }
0xb0: {  	v58 =	vand.u32 $0xFFFF, v7  }
0xb1: {  	v6 =	vld.idx.msk [tilespmem:v6+s11+$0x0], $0xffff;
	v59 =	vand.u32 $0xFFFF, v9  }
0xb2: {  	v60 =	vand.u32 $0xFFFF, v11;
	v12 =	vld.idx.msk [tilespmem:v56+s11+$0x0], $0xffff  }
0xb3: {  	v57 =	vand.u32 $0xFFFF, v5;
	v10 =	vld.idx.msk [tilespmem:v10+s11+$0x0], $0xffff  }
0xb4: {  	v4 =	vshrl.u32 v4, $0x10;
	v8 =	vld.idx.msk [tilespmem:v8+s11+$0x0], $0xffff  }
0xb5: {  	v14 =	vld.idx.msk [tilespmem:v58+s11+$0x0], $0xffff  }
0xb6: {  	v2 =	vshrl.u32 v2, $0x10;
	v15 =	vld.idx.msk [tilespmem:v59+s11+$0x0], $0xffff  }
0xb7: {  	v1 =	vshrl.u32 v1, $0x10;
	v16 =	vld.idx.msk [tilespmem:v60+s11+$0x0], $0xffff  }
0xb8: {  	v7 =	vshrl.u32 v7, $0x10;
	v13 =	vld.idx.msk [tilespmem:v57+s11+$0x0], $0xffff  }
0xb9: {  	[tilespmem:v4+s3+$0x0] =	vst.idx.add.f32.msk $0xffff, v12  }
0xba: {  	v5 =	vshrl.u32 v5, $0x10;
	v4 =	vld [tilespmem:s16+$0xFFFFFF60]  }
0xbb: {  	[tilespmem:v2+s3+$0x0] =	vst.idx.add.f32.msk $0xffff, v10  }
0xbc: {  	[tilespmem:v1+s3+$0x0] =	vst.idx.add.f32.msk $0xffff, v8  }
0xbd: {  	v1 =	vshrl.u32 v11, $0x10;
	[tilespmem:v7+s3+$0x0] =	vst.idx.add.f32.msk $0xffff, v14  }
0xbe: {  	v2 =	vld [tilespmem:s16+$0xFFFFFEE0]  }
0xbf: {  	v3 =	vshrl.u32 v3, $0x10;
	[tilespmem:v5+s3+$0x0] =	vst.idx.add.f32.msk $0xffff, v13  }
0xc0: {  	v7 =	vld [tilespmem:s16+$0x60]  }
0xc1: {  	v9 =	vshrl.u32 v9, $0x10;
	v5 =	vld [tilespmem:s16+$0xFFFFFFE0]  }
0xc2: {  	v61 =	vand.u32 $0xFFFF, v4;
	[tilespmem:v1+s3+$0x0] =	vst.idx.add.f32.msk $0xffff, v16  }
0xc3: {  	v1 =	vld [tilespmem:s16+$0xFFFFFE60]  }
0xc4: {  	[tilespmem:v3+s3+$0x0] =	vst.idx.add.f32.msk $0xffff, v6;
	v10 =	vand.u32 $0xFFFF, v2  }
0xc5: {  	v11 =	vld [tilespmem:s16+$0x160];
	v3 =	vand.u32 $0xFFFF, v7  }
0xc6: {  	[tilespmem:v9+s3+$0x0] =	vst.idx.add.f32.msk $0xffff, v15;
	v62 =	vand.u32 $0xFFFF, v5  }
0xc7: {  	v4 =	vshrl.u32 v4, $0x10;
	v12 =	vld.idx.msk [tilespmem:v61+s11+$0x0], $0xffff  }
0xc8: {  	v9 =	vld [tilespmem:s16+$0xE0];
	v8 =	vand.u32 $0xFFFF, v1  }
0xc9: {  	v2 =	vshrl.u32 v2, $0x10;
	v10 =	vld.idx.msk [tilespmem:v10+s11+$0x0], $0xffff  }
0xca: {  	v63 =	vand.u32 $0xFFFF, v11;
	v3 =	vld.idx.msk [tilespmem:v3+s11+$0x0], $0xffff  }
0xcb: {  	v7 =	vshrl.u32 v7, $0x10;
	v13 =	vld.idx.msk [tilespmem:v62+s11+$0x0], $0xffff  }
0xcc: {  	v5 =	vshrl.u32 v5, $0x10;
	[tilespmem:v4+s3+$0x0] =	vst.idx.add.f32.msk $0xffff, v12  }
0xcd: {  	v6 =	vld.idx.msk [tilespmem:v8+s11+$0x0], $0xffff  }
0xce: {  	v1 =	vshrl.u32 v1, $0x10;
	[tilespmem:v2+s3+$0x0] =	vst.idx.add.f32.msk $0xffff, v10  }
0xcf: {  	v14 =	vld.idx.msk [tilespmem:v63+s11+$0x0], $0xffff  }
0xd0: {  	v8 =	vand.u32 $0xFFFF, v9;
	[tilespmem:v7+s3+$0x0] =	vst.idx.add.f32.msk $0xffff, v3  }
0xd1: {  	[tilespmem:v5+s3+$0x0] =	vst.idx.add.f32.msk $0xffff, v13  }
0xd2: {  	v5 =	vld [tilespmem:s16+$0xFFFFFEF0]  }
0xd3: {  	[tilespmem:v1+s3+$0x0] =	vst.idx.add.f32.msk $0xffff, v6;
	v1 =	vshrl.u32 v11, $0x10  }
0xd4: {  	v2 =	vld [tilespmem:s16+$0x70]  }
0xd5: {  	v9 =	vshrl.u32 v9, $0x10;
	v8 =	vld.idx.msk [tilespmem:v8+s11+$0x0], $0xffff  }
0xd6: {  	v3 =	vld [tilespmem:s16+$0xFFFFFE70]  }
0xd7: {  	v6 =	vld [tilespmem:s16+$0xFFFFFF70]  }
0xd8: {  	[tilespmem:v1+s3+$0x0] =	vst.idx.add.f32.msk $0xffff, v14  }
0xd9: {  	v1 =	vld [tilespmem:s16+$0xFFFFFFF0]  }
0xda: {  	[tilespmem:v9+s3+$0x0] =	vst.idx.add.f32.msk $0xffff, v8  }
0xdb: {  	s17 =	simm.s32 $0x0;
	s18 =	sadd.s32 $0x400, s16;
	v7 =	vshrl.u32 v3, $0x10;
	v3 =	vand.u32 $0xFFFF, v3;
	v8 =	vld [tilespmem:s16+$0xF0]  }
.LBB2_6:
0xdc: {  	v9 =	vld [tilespmem:s18+$0x180];
	s17 =	sadd.s32 $0x8, s17;
	v4 =	vshrl.u32 v5, $0x10;
	v11 =	vand.u32 $0xFFFF, v5  }
0xdd: {  	v13 =	vld [tilespmem:s18+$0xFFFFFE80];
	p1 =	slt.u32 s17, $0x20;
	v5 =	vshrl.u32 v6, $0x10;
	v16 =	vand.u32 $0xFFFF, v6  }
0xde: {  	v14 =	vld [tilespmem:s18+$0xFFFFFF00];
	v6 =	vshrl.u32 v1, $0x10;
	v10 =	vand.u32 $0xFFFF, v1  }
0xdf: {  	v17 =	vld [tilespmem:s18+$0xFFFFFF80];
	v1 =	vshrl.u32 v2, $0x10;
	v15 =	vand.u32 $0xFFFF, v2  }
0xe0: {  	v18 =	vld [tilespmem:s18+$0x0];
	v2 =	vshrl.u32 v8, $0x10;
	v12 =	vand.u32 $0xFFFF, v8  }
0xe1: {  	v19 =	vld [tilespmem:s18+$0x80];
	v20 =	vand.u32 $0xFFFF, v9  }
0xe2: {  	v21 =	vshrl.u32 v13, $0x10;
	v13 =	vand.u32 $0xFFFF, v13;
	v22 =	vld [tilespmem:s18+$0x100]  }
0xe3: {  	v23 =	vld [tilespmem:s18+$0xFFFFFE00];
	v24 =	vshrl.u32 v14, $0x10;
	v14 =	vand.u32 $0xFFFF, v14  }
0xe4: {  	v25 =	vshrl.u32 v17, $0x10;
	v17 =	vand.u32 $0xFFFF, v17;
	v26 =	vld [tilespmem:s16+$0x170];
	s16 =	smov.u32 s18  }
0xe5: {  	v27 =	vshrl.u32 v18, $0x10;
	v18 =	vand.u32 $0xFFFF, v18;
	v8 =	vld.idx.msk [tilespmem:v3+s11+$0x0], $0xffff  }
0xe6: {  	v28 =	vshrl.u32 v19, $0x10;
	v19 =	vand.u32 $0xFFFF, v19;
	v20 =	vld.idx.msk [tilespmem:v20+s11+$0x0], $0xffff  }
0xe7: {  	v9 =	vshrl.u32 v9, $0x10;
	v13 =	vld.idx.msk [tilespmem:v13+s11+$0x0], $0xffff;
	v29 =	vshrl.u32 v22, $0x10;
	v22 =	vand.u32 $0xFFFF, v22  }
0xe8: {  	v30 =	vshrl.u32 v23, $0x10;
	v23 =	vand.u32 $0xFFFF, v23;
	v31 =	vld.idx.msk [tilespmem:v14+s11+$0x0], $0xffff  }
0xe9: {  	v17 =	vld.idx.msk [tilespmem:v17+s11+$0x0], $0xffff;
	v3 =	vshrl.u32 v26, $0x10;
	v14 =	vand.u32 $0xFFFF, v26  }
0xea: {  	v18 =	vld.idx.msk [tilespmem:v18+s11+$0x0], $0xffff  }
0xeb: {  	v19 =	vld.idx.msk [tilespmem:v19+s11+$0x0], $0xffff  }
0xec: {  	[tilespmem:v9+s3+$0x0] =	vst.idx.add.f32.msk $0xffff, v20  }
0xed: {  	v9 =	vld [tilespmem:s18+$0x190]  }
0xee: {  	v20 =	vld.idx.msk [tilespmem:v23+s11+$0x0], $0xffff  }
0xef: {  	v22 =	vld.idx.msk [tilespmem:v22+s11+$0x0], $0xffff  }
0xf0: {  	[tilespmem:v21+s3+$0x0] =	vst.idx.add.f32.msk $0xffff, v13  }
0xf1: {  	[tilespmem:v24+s3+$0x0] =	vst.idx.add.f32.msk $0xffff, v31  }
0xf2: {  	[tilespmem:v25+s3+$0x0] =	vst.idx.add.f32.msk $0xffff, v17;
	v13 =	vand.u32 $0xFFFF, v9  }
0xf3: {  	[tilespmem:v27+s3+$0x0] =	vst.idx.add.f32.msk $0xffff, v18  }
0xf4: {  	[tilespmem:v30+s3+$0x0] =	vst.idx.add.f32.msk $0xffff, v20  }
0xf5: {  	[tilespmem:v28+s3+$0x0] =	vst.idx.add.f32.msk $0xffff, v19  }
0xf6: {  	[tilespmem:v29+s3+$0x0] =	vst.idx.add.f32.msk $0xffff, v22  }
0xf7: {  	v13 =	vld.idx.msk [tilespmem:v13+s11+$0x0], $0xffff  }
0xf8: {  	v9 =	vshrl.u32 v9, $0x10;
	v17 =	vld [tilespmem:s18+$0xFFFFFE10]  }
0xf9: {  	v18 =	vld [tilespmem:s18+$0xFFFFFE90]  }
0xfa: {  	v19 =	vld [tilespmem:s18+$0xFFFFFF10]  }
0xfb: {  	v20 =	vld [tilespmem:s18+$0xFFFFFF90]  }
0xfc: {  	v21 =	vld [tilespmem:s18+$0x10]  }
0xfd: {  	v22 =	vshrl.u32 v17, $0x10;
	v17 =	vand.u32 $0xFFFF, v17;
	[tilespmem:v9+s3+$0x0] =	vst.idx.add.f32.msk $0xffff, v13  }
0xfe: {  	v13 =	vshrl.u32 v18, $0x10;
	v18 =	vand.u32 $0xFFFF, v18;
	v23 =	vld [tilespmem:s18+$0x1A0]  }
0xff: {  	v24 =	vshrl.u32 v19, $0x10;
	v19 =	vand.u32 $0xFFFF, v19;
	v25 =	vld [tilespmem:s18+$0x90]  }
0x100: {  	v26 =	vshrl.u32 v20, $0x10;
	v20 =	vand.u32 $0xFFFF, v20;
	v27 =	vld [tilespmem:s18+$0x110]  }
0x101: {  	v28 =	vshrl.u32 v21, $0x10;
	v21 =	vand.u32 $0xFFFF, v21;
	v9 =	vld.idx.msk [tilespmem:v11+s11+$0x0], $0xffff  }
0x102: {  	v17 =	vld.idx.msk [tilespmem:v17+s11+$0x0], $0xffff  }
0x103: {  	v18 =	vld.idx.msk [tilespmem:v18+s11+$0x0], $0xffff;
	v29 =	vand.u32 $0xFFFF, v23  }
0x104: {  	v19 =	vld.idx.msk [tilespmem:v19+s11+$0x0], $0xffff;
	v30 =	vshrl.u32 v25, $0x10;
	v25 =	vand.u32 $0xFFFF, v25  }
0x105: {  	v20 =	vld.idx.msk [tilespmem:v20+s11+$0x0], $0xffff;
	v31 =	vshrl.u32 v27, $0x10;
	v27 =	vand.u32 $0xFFFF, v27  }
0x106: {  	v21 =	vld.idx.msk [tilespmem:v21+s11+$0x0], $0xffff  }
0x107: {  	v11 =	vld.idx.msk [tilespmem:v16+s11+$0x0], $0xffff  }
0x108: {  	v16 =	vld.idx.msk [tilespmem:v29+s11+$0x0], $0xffff  }
0x109: {  	v23 =	vshrl.u32 v23, $0x10;
	v25 =	vld.idx.msk [tilespmem:v25+s11+$0x0], $0xffff  }
0x10a: {  	v27 =	vld.idx.msk [tilespmem:v27+s11+$0x0], $0xffff  }
0x10b: {  	[tilespmem:v22+s3+$0x0] =	vst.idx.add.f32.msk $0xffff, v17  }
0x10c: {  	[tilespmem:v13+s3+$0x0] =	vst.idx.add.f32.msk $0xffff, v18  }
0x10d: {  	[tilespmem:v24+s3+$0x0] =	vst.idx.add.f32.msk $0xffff, v19  }
0x10e: {  	[tilespmem:v23+s3+$0x0] =	vst.idx.add.f32.msk $0xffff, v16  }
0x10f: {  	v13 =	vld [tilespmem:s18+$0x1B0]  }
0x110: {  	[tilespmem:v26+s3+$0x0] =	vst.idx.add.f32.msk $0xffff, v20  }
0x111: {  	[tilespmem:v28+s3+$0x0] =	vst.idx.add.f32.msk $0xffff, v21  }
0x112: {  	[tilespmem:v30+s3+$0x0] =	vst.idx.add.f32.msk $0xffff, v25  }
0x113: {  	[tilespmem:v31+s3+$0x0] =	vst.idx.add.f32.msk $0xffff, v27  }
0x114: {  	v16 =	vld [tilespmem:s18+$0xFFFFFE20];
	v17 =	vand.u32 $0xFFFF, v13  }
0x115: {  	v18 =	vld [tilespmem:s18+$0xFFFFFEA0]  }
0x116: {  	v19 =	vld [tilespmem:s18+$0xFFFFFF20]  }
0x117: {  	v20 =	vld [tilespmem:s18+$0xFFFFFFA0]  }
0x118: {  	v21 =	vld [tilespmem:s18+$0x20]  }
0x119: {  	v22 =	vshrl.u32 v16, $0x10;
	v16 =	vand.u32 $0xFFFF, v16;
	v17 =	vld.idx.msk [tilespmem:v17+s11+$0x0], $0xffff  }
0x11a: {  	v25 =	vshrl.u32 v13, $0x10;
	v23 =	vshrl.u32 v18, $0x10;
	v18 =	vand.u32 $0xFFFF, v18;
	v24 =	vld [tilespmem:s18+$0xA0]  }
0x11b: {  	v26 =	vshrl.u32 v19, $0x10;
	v19 =	vand.u32 $0xFFFF, v19;
	v27 =	vld [tilespmem:s18+$0x120]  }
0x11c: {  	v28 =	vshrl.u32 v20, $0x10;
	v20 =	vand.u32 $0xFFFF, v20;
	v13 =	vld.idx.msk [tilespmem:v10+s11+$0x0], $0xffff  }
0x11d: {  	v29 =	vshrl.u32 v21, $0x10;
	v21 =	vand.u32 $0xFFFF, v21;
	v10 =	vld.idx.msk [tilespmem:v15+s11+$0x0], $0xffff  }
0x11e: {  	v15 =	vld.idx.msk [tilespmem:v16+s11+$0x0], $0xffff  }
0x11f: {  	v16 =	vshrl.u32 v24, $0x10;
	v24 =	vand.u32 $0xFFFF, v24;
	[tilespmem:v25+s3+$0x0] =	vst.idx.add.f32.msk $0xffff, v17  }
0x120: {  	v17 =	vshrl.u32 v27, $0x10;
	v25 =	vand.u32 $0xFFFF, v27;
	v27 =	vld [tilespmem:s18+$0x1C0]  }
0x121: {  	v18 =	vld.idx.msk [tilespmem:v18+s11+$0x0], $0xffff  }
0x122: {  	v19 =	vld.idx.msk [tilespmem:v19+s11+$0x0], $0xffff  }
0x123: {  	v20 =	vld.idx.msk [tilespmem:v20+s11+$0x0], $0xffff  }
0x124: {  	v21 =	vld.idx.msk [tilespmem:v21+s11+$0x0], $0xffff  }
0x125: {  	v24 =	vld.idx.msk [tilespmem:v24+s11+$0x0], $0xffff;
	v30 =	vand.u32 $0xFFFF, v27  }
0x126: {  	v25 =	vld.idx.msk [tilespmem:v25+s11+$0x0], $0xffff  }
0x127: {  	[tilespmem:v22+s3+$0x0] =	vst.idx.add.f32.msk $0xffff, v15  }
0x128: {  	[tilespmem:v23+s3+$0x0] =	vst.idx.add.f32.msk $0xffff, v18  }
0x129: {  	[tilespmem:v26+s3+$0x0] =	vst.idx.add.f32.msk $0xffff, v19  }
0x12a: {  	v15 =	vld.idx.msk [tilespmem:v30+s11+$0x0], $0xffff  }
0x12b: {  	v18 =	vshrl.u32 v27, $0x10;
	[tilespmem:v28+s3+$0x0] =	vst.idx.add.f32.msk $0xffff, v20  }
0x12c: {  	[tilespmem:v29+s3+$0x0] =	vst.idx.add.f32.msk $0xffff, v21  }
0x12d: {  	[tilespmem:v16+s3+$0x0] =	vst.idx.add.f32.msk $0xffff, v24  }
0x12e: {  	[tilespmem:v17+s3+$0x0] =	vst.idx.add.f32.msk $0xffff, v25  }
0x12f: {  	v16 =	vld [tilespmem:s18+$0xFFFFFE30]  }
0x130: {  	[tilespmem:v18+s3+$0x0] =	vst.idx.add.f32.msk $0xffff, v15  }
0x131: {  	v15 =	vld [tilespmem:s18+$0x1D0]  }
0x132: {  	v17 =	vld [tilespmem:s18+$0xFFFFFEB0]  }
0x133: {  	v18 =	vld [tilespmem:s18+$0xFFFFFF30]  }
0x134: {  	v19 =	vshrl.u32 v16, $0x10;
	v16 =	vand.u32 $0xFFFF, v16;
	v20 =	vld [tilespmem:s18+$0xFFFFFFB0]  }
0x135: {  	v21 =	vld [tilespmem:s18+$0x30]  }
0x136: {  	v22 =	vld [tilespmem:s18+$0xB0];
	v23 =	vand.u32 $0xFFFF, v15  }
0x137: {  	v24 =	vshrl.u32 v17, $0x10;
	v17 =	vand.u32 $0xFFFF, v17;
	v25 =	vld [tilespmem:s18+$0x130]  }
0x138: {  	v26 =	vshrl.u32 v18, $0x10;
	v18 =	vand.u32 $0xFFFF, v18;
	v12 =	vld.idx.msk [tilespmem:v12+s11+$0x0], $0xffff  }
0x139: {  	v16 =	vld.idx.msk [tilespmem:v16+s11+$0x0], $0xffff;
	v27 =	vshrl.u32 v20, $0x10;
	v20 =	vand.u32 $0xFFFF, v20  }
0x13a: {  	v28 =	vshrl.u32 v21, $0x10;
	v21 =	vand.u32 $0xFFFF, v21;
	v14 =	vld.idx.msk [tilespmem:v14+s11+$0x0], $0xffff  }
0x13b: {  	v29 =	vshrl.u32 v22, $0x10;
	v22 =	vand.u32 $0xFFFF, v22;
	v23 =	vld.idx.msk [tilespmem:v23+s11+$0x0], $0xffff  }
0x13c: {  	v15 =	vshrl.u32 v15, $0x10;
	v17 =	vld.idx.msk [tilespmem:v17+s11+$0x0], $0xffff;
	v30 =	vshrl.u32 v25, $0x10;
	v25 =	vand.u32 $0xFFFF, v25  }
0x13d: {  	v18 =	vld.idx.msk [tilespmem:v18+s11+$0x0], $0xffff  }
0x13e: {  	v20 =	vld.idx.msk [tilespmem:v20+s11+$0x0], $0xffff  }
0x13f: {  	v21 =	vld.idx.msk [tilespmem:v21+s11+$0x0], $0xffff  }
0x140: {  	v22 =	vld.idx.msk [tilespmem:v22+s11+$0x0], $0xffff  }
0x141: {  	[tilespmem:v15+s3+$0x0] =	vst.idx.add.f32.msk $0xffff, v23  }
0x142: {  	v15 =	vld [tilespmem:s18+$0x1E0]  }
0x143: {  	v23 =	vld.idx.msk [tilespmem:v25+s11+$0x0], $0xffff  }
0x144: {  	[tilespmem:v19+s3+$0x0] =	vst.idx.add.f32.msk $0xffff, v16  }
0x145: {  	[tilespmem:v24+s3+$0x0] =	vst.idx.add.f32.msk $0xffff, v17  }
0x146: {  	[tilespmem:v26+s3+$0x0] =	vst.idx.add.f32.msk $0xffff, v18  }
0x147: {  	[tilespmem:v27+s3+$0x0] =	vst.idx.add.f32.msk $0xffff, v20;
	v16 =	vand.u32 $0xFFFF, v15  }
0x148: {  	[tilespmem:v28+s3+$0x0] =	vst.idx.add.f32.msk $0xffff, v21  }
0x149: {  	[tilespmem:v29+s3+$0x0] =	vst.idx.add.f32.msk $0xffff, v22  }
0x14a: {  	[tilespmem:v30+s3+$0x0] =	vst.idx.add.f32.msk $0xffff, v23  }
0x14b: {  	v17 =	vld [tilespmem:s18+$0xFFFFFE40]  }
0x14c: {  	v16 =	vld.idx.msk [tilespmem:v16+s11+$0x0], $0xffff  }
0x14d: {  	v15 =	vshrl.u32 v15, $0x10;
	v18 =	vld [tilespmem:s18+$0xFFFFFEC0]  }
0x14e: {  	v19 =	vld [tilespmem:s18+$0xFFFFFF40]  }
0x14f: {  	v20 =	vld [tilespmem:s18+$0xFFFFFFC0]  }
0x150: {  	v21 =	vshrl.u32 v17, $0x10;
	v17 =	vand.u32 $0xFFFF, v17;
	v22 =	vld [tilespmem:s18+$0x40]  }
0x151: {  	v23 =	vld [tilespmem:s18+$0xC0]  }
0x152: {  	v24 =	vshrl.u32 v18, $0x10;
	v18 =	vand.u32 $0xFFFF, v18;
	[tilespmem:v15+s3+$0x0] =	vst.idx.add.f32.msk $0xffff, v16  }
0x153: {  	v15 =	vshrl.u32 v19, $0x10;
	v16 =	vand.u32 $0xFFFF, v19;
	v19 =	vld [tilespmem:s18+$0x1F0]  }
0x154: {  	v25 =	vshrl.u32 v20, $0x10;
	v20 =	vand.u32 $0xFFFF, v20;
	v26 =	vld [tilespmem:s18+$0x140]  }
0x155: {  	v17 =	vld.idx.msk [tilespmem:v17+s11+$0x0], $0xffff;
	v27 =	vshrl.u32 v22, $0x10;
	v22 =	vand.u32 $0xFFFF, v22  }
0x156: {  	v28 =	vshrl.u32 v23, $0x10;
	v23 =	vand.u32 $0xFFFF, v23;
	[tilespmem:v7+s3+$0x0] =	vst.idx.add.f32.msk $0xffff, v8  }
0x157: {  	v7 =	vld.idx.msk [tilespmem:v18+s11+$0x0], $0xffff  }
0x158: {  	v8 =	vld.idx.msk [tilespmem:v16+s11+$0x0], $0xffff;
	v16 =	vand.u32 $0xFFFF, v19  }
0x159: {  	v18 =	vld.idx.msk [tilespmem:v20+s11+$0x0], $0xffff;
	v20 =	vshrl.u32 v26, $0x10;
	v26 =	vand.u32 $0xFFFF, v26  }
0x15a: {  	v22 =	vld.idx.msk [tilespmem:v22+s11+$0x0], $0xffff  }
0x15b: {  	v23 =	vld.idx.msk [tilespmem:v23+s11+$0x0], $0xffff  }
0x15c: {  	[tilespmem:v21+s3+$0x0] =	vst.idx.add.f32.msk $0xffff, v17  }
0x15d: {  	v16 =	vld.idx.msk [tilespmem:v16+s11+$0x0], $0xffff  }
0x15e: {  	v19 =	vshrl.u32 v19, $0x10;
	v17 =	vld.idx.msk [tilespmem:v26+s11+$0x0], $0xffff  }
0x15f: {  	[tilespmem:v24+s3+$0x0] =	vst.idx.add.f32.msk $0xffff, v7  }
0x160: {  	[tilespmem:v15+s3+$0x0] =	vst.idx.add.f32.msk $0xffff, v8  }
0x161: {  	[tilespmem:v25+s3+$0x0] =	vst.idx.add.f32.msk $0xffff, v18  }
0x162: {  	[tilespmem:v27+s3+$0x0] =	vst.idx.add.f32.msk $0xffff, v22  }
0x163: {  	[tilespmem:v19+s3+$0x0] =	vst.idx.add.f32.msk $0xffff, v16  }
0x164: {  	[tilespmem:v28+s3+$0x0] =	vst.idx.add.f32.msk $0xffff, v23  }
0x165: {  	[tilespmem:v20+s3+$0x0] =	vst.idx.add.f32.msk $0xffff, v17  }
0x166: {  	v7 =	vld [tilespmem:s18+$0xFFFFFE50]  }
0x167: {  	v8 =	vld [tilespmem:s18+$0xFFFFFED0]  }
0x168: {  	v15 =	vld [tilespmem:s18+$0xFFFFFF50]  }
0x169: {  	v16 =	vld [tilespmem:s18+$0xFFFFFFD0]  }
0x16a: {  	v17 =	vld [tilespmem:s18+$0x50]  }
0x16b: {  	v18 =	vshrl.u32 v7, $0x10;
	v7 =	vand.u32 $0xFFFF, v7;
	v19 =	vld [tilespmem:s18+$0xD0]  }
0x16c: {  	v20 =	vshrl.u32 v8, $0x10;
	v8 =	vand.u32 $0xFFFF, v8;
	v21 =	vld [tilespmem:s18+$0x150]  }
0x16d: {  	v22 =	vshrl.u32 v15, $0x10;
	v15 =	vand.u32 $0xFFFF, v15;
	[tilespmem:v4+s3+$0x0] =	vst.idx.add.f32.msk $0xffff, v9  }
0x16e: {  	v4 =	vshrl.u32 v16, $0x10;
	v9 =	vand.u32 $0xFFFF, v16;
	[tilespmem:v5+s3+$0x0] =	vst.idx.add.f32.msk $0xffff, v11  }
0x16f: {  	v5 =	vshrl.u32 v17, $0x10;
	v11 =	vand.u32 $0xFFFF, v17;
	[tilespmem:v6+s3+$0x0] =	vst.idx.add.f32.msk $0xffff, v13  }
0x170: {  	v6 =	vld.idx.msk [tilespmem:v7+s11+$0x0], $0xffff;
	v7 =	vshrl.u32 v19, $0x10;
	v13 =	vand.u32 $0xFFFF, v19  }
0x171: {  	v8 =	vld.idx.msk [tilespmem:v8+s11+$0x0], $0xffff;
	v16 =	vshrl.u32 v21, $0x10;
	v17 =	vand.u32 $0xFFFF, v21  }
0x172: {  	v15 =	vld.idx.msk [tilespmem:v15+s11+$0x0], $0xffff  }
0x173: {  	v9 =	vld.idx.msk [tilespmem:v9+s11+$0x0], $0xffff  }
0x174: {  	v11 =	vld.idx.msk [tilespmem:v11+s11+$0x0], $0xffff  }
0x175: {  	v13 =	vld.idx.msk [tilespmem:v13+s11+$0x0], $0xffff  }
0x176: {  	v17 =	vld.idx.msk [tilespmem:v17+s11+$0x0], $0xffff  }
0x177: {  	[tilespmem:v18+s3+$0x0] =	vst.idx.add.f32.msk $0xffff, v6  }
0x178: {  	[tilespmem:v20+s3+$0x0] =	vst.idx.add.f32.msk $0xffff, v8  }
0x179: {  	[tilespmem:v22+s3+$0x0] =	vst.idx.add.f32.msk $0xffff, v15  }
0x17a: {  	[tilespmem:v4+s3+$0x0] =	vst.idx.add.f32.msk $0xffff, v9  }
0x17b: {  	[tilespmem:v5+s3+$0x0] =	vst.idx.add.f32.msk $0xffff, v11  }
0x17c: {  	[tilespmem:v7+s3+$0x0] =	vst.idx.add.f32.msk $0xffff, v13  }
0x17d: {  	[tilespmem:v16+s3+$0x0] =	vst.idx.add.f32.msk $0xffff, v17  }
0x17e: {  	v4 =	vld [tilespmem:s18+$0xFFFFFE60]  }
0x17f: {  	v5 =	vld [tilespmem:s18+$0xFFFFFEE0]  }
0x180: {  	v6 =	vld [tilespmem:s18+$0xFFFFFF60]  }
0x181: {  	v7 =	vld [tilespmem:s18+$0xFFFFFFE0]  }
0x182: {  	v8 =	vld [tilespmem:s18+$0x60]  }
0x183: {  	v9 =	vshrl.u32 v4, $0x10;
	v4 =	vand.u32 $0xFFFF, v4;
	v11 =	vld [tilespmem:s18+$0xE0]  }
0x184: {  	v13 =	vshrl.u32 v5, $0x10;
	v5 =	vand.u32 $0xFFFF, v5;
	v15 =	vld [tilespmem:s18+$0x160]  }
0x185: {  	v16 =	vshrl.u32 v6, $0x10;
	v6 =	vand.u32 $0xFFFF, v6;
	[tilespmem:v1+s3+$0x0] =	vst.idx.add.f32.msk $0xffff, v10  }
0x186: {  	v1 =	vshrl.u32 v7, $0x10;
	v7 =	vand.u32 $0xFFFF, v7;
	[tilespmem:v2+s3+$0x0] =	vst.idx.add.f32.msk $0xffff, v12  }
0x187: {  	v2 =	vshrl.u32 v8, $0x10;
	v8 =	vand.u32 $0xFFFF, v8;
	[tilespmem:v3+s3+$0x0] =	vst.idx.add.f32.msk $0xffff, v14  }
0x188: {  	v3 =	vld.idx.msk [tilespmem:v4+s11+$0x0], $0xffff;
	v4 =	vshrl.u32 v11, $0x10;
	v10 =	vand.u32 $0xFFFF, v11  }
0x189: {  	v5 =	vld.idx.msk [tilespmem:v5+s11+$0x0], $0xffff;
	v11 =	vshrl.u32 v15, $0x10;
	v12 =	vand.u32 $0xFFFF, v15  }
0x18a: {  	v6 =	vld.idx.msk [tilespmem:v6+s11+$0x0], $0xffff  }
0x18b: {  	v7 =	vld.idx.msk [tilespmem:v7+s11+$0x0], $0xffff  }
0x18c: {  	v8 =	vld.idx.msk [tilespmem:v8+s11+$0x0], $0xffff  }
0x18d: {  	v10 =	vld.idx.msk [tilespmem:v10+s11+$0x0], $0xffff  }
0x18e: {  	v12 =	vld.idx.msk [tilespmem:v12+s11+$0x0], $0xffff  }
0x18f: {  	[tilespmem:v9+s3+$0x0] =	vst.idx.add.f32.msk $0xffff, v3  }
0x190: {  	[tilespmem:v13+s3+$0x0] =	vst.idx.add.f32.msk $0xffff, v5  }
0x191: {  	[tilespmem:v16+s3+$0x0] =	vst.idx.add.f32.msk $0xffff, v6  }
0x192: {  	[tilespmem:v1+s3+$0x0] =	vst.idx.add.f32.msk $0xffff, v7  }
0x193: {  	[tilespmem:v2+s3+$0x0] =	vst.idx.add.f32.msk $0xffff, v8  }
0x194: {  	[tilespmem:v4+s3+$0x0] =	vst.idx.add.f32.msk $0xffff, v10  }
0x195: {  	[tilespmem:v11+s3+$0x0] =	vst.idx.add.f32.msk $0xffff, v12  }
0x196: {  	v3 =	vld [tilespmem:s18+$0xFFFFFE70]  }
.Ltmp1:
0x197: {  	v5 =	vld [tilespmem:s18+$0xFFFFFEF0];
	(pc) =	sbr.rel @p1 .LBB2_6-.Ltmp1, $4  }
0x198: {  	v6 =	vld [tilespmem:s18+$0xFFFFFF70]  }
0x199: {  	v1 =	vld [tilespmem:s18+$0xFFFFFFF0]  }
0x19a: {  	v2 =	vld [tilespmem:s18+$0x70]  }
0x19b: {  	s18 =	sadd.s32 $0x400, s18;
	v7 =	vshrl.u32 v3, $0x10;
	v3 =	vand.u32 $0xFFFF, v3;
	v8 =	vld [tilespmem:s16+$0xF0]  }
0x19c: {  	_ =	sdelay $0x2  }
0x19d: {  	v4 =	vand.u32 $0xFFFF, v5;
	v9 =	vld [tilespmem:s16+$0x170]  }
0x19e: {  	v3 =	vld.idx.msk [tilespmem:v3+s11+$0x0], $0xffff  }
0x19f: {  	v10 =	vand.u32 $0xFFFF, v6  }
0x1a0: {  	v11 =	vand.u32 $0xFFFF, v1  }
0x1a1: {  	v12 =	vand.u32 $0xFFFF, v2  }
0x1a2: {  	v13 =	vand.u32 $0xFFFF, v8;
	v4 =	vld.idx.msk [tilespmem:v4+s11+$0x0], $0xffff  }
0x1a3: {  	v14 =	vand.u32 $0xFFFF, v9;
	[tilespmem:v7+s3+$0x0] =	vst.idx.add.f32.msk $0xffff, v3  }
0x1a4: {  	v61 =	vshrl.u32 v5, $0x10;
	v10 =	vld.idx.msk [tilespmem:v10+s11+$0x0], $0xffff  }
0x1a5: {  	v62 =	vshrl.u32 v6, $0x10;
	v11 =	vld.idx.msk [tilespmem:v11+s11+$0x0], $0xffff  }
0x1a6: {  	v1 =	vshrl.u32 v1, $0x10;
	v12 =	vld.idx.msk [tilespmem:v12+s11+$0x0], $0xffff  }
0x1a7: {  	v2 =	vshrl.u32 v2, $0x10;
	v13 =	vld.idx.msk [tilespmem:v13+s11+$0x0], $0xffff  }
0x1a8: {  	v63 =	vshrl.u32 v8, $0x10;
	v14 =	vld.idx.msk [tilespmem:v14+s11+$0x0], $0xffff  }
0x1a9: {  	v3 =	vshrl.u32 v9, $0x10;
	[tilespmem:v61+s3+$0x0] =	vst.idx.add.f32.msk $0xffff, v4  }
0x1aa: {  	[tilespmem:v62+s3+$0x0] =	vst.idx.add.f32.msk $0xffff, v10  }
0x1ab: {  	[tilespmem:v1+s3+$0x0] =	vst.idx.add.f32.msk $0xffff, v11  }
0x1ac: {  	[tilespmem:v2+s3+$0x0] =	vst.idx.add.f32.msk $0xffff, v12  }
0x1ad: {  	[tilespmem:v63+s3+$0x0] =	vst.idx.add.f32.msk $0xffff, v13  }
0x1ae: {  	[tilespmem:v3+s3+$0x0] =	vst.idx.add.f32.msk $0xffff, v14  }
0x1af: {  	p1 =	seq.s32 s15, s9  }
.Ltmp2:
0x1b0: {  	_ = 	snop;
	(pc) =	sbr.rel @!p1 .LBB2_5-.Ltmp2, $2  }
0x1b1: {  	_ =	sdelay $0x2  }
0x1b2: {  	p0 =	por !p0, !p0  }
0x1b3: {  	s14 =	sadd.s32 $0x1, s14  }
0x1b4: {  	p0 =	sne.s32 s14, s10  }
.Ltmp3:
0x1b5: {  	_ = 	snop;
	(pc) =	sbr.rel @p0 .LBB2_1-.Ltmp3, $4  }
0x1b6: {  	[hbm4b:s8+s3] =	stream.linear.scatter [tilespmem:s3], [sflag:$0x3], $0xC400, $0x38;
	[tilespmem:$0x1B000] =	vst v63  }
0x1b7: {  	_ =	swait.ge [sflag:s12], $0xC400  }
0x1b8: {  	[sflag:s12] =	ssyncset.done $0x0  }
0x1b9: {  	[sflag:s12] =	ssyncadd.s32 $0xFFFF3C00  }
0x1ba: {  	_ =	sfence.sel $0x180000  }
0x1bb: {  	[bflag:$0x0] =	sbarrier.arrive $0xFFFF  }
0x1bc: {  	p0 =	sne.s32 s0, $0x0;
	_ =	strace $0x9000004D  }
0x1bd: {  	s0 =	sadd.s32 @!p0 $0x100000, s1;
	[bflag:$0x2] =	sbarrier.arrive $0xFFFF  }
0x1be: {  	[sflag:s0] =	ssyncadd.tile.s32 @!p0 $0x1;
	_ =	shalt  }
.Lfunc_end2:
_tile_overlayer_lowered:
.L_overlay_start_2:
0x1bf: {  	(tag) =	ssettag $0x2  }
0x1c0: {  	s0 =	rddreg [dreg:$0x0];
	s2 =	stileid.u32  }
0x1c1: {  	s1 =	rddreg [dreg:$0x1];
	p0 =	sne.s32 s2, $0x0  }
0x1c2: {  	s3 =	rddreg [dreg:$0x2];
	[bflag:$0x3] =	sbarrier.arrive $0xFFFF;
	s2 =	simm.s32 @!p0 $0x1C03  }
0x1c3: {  	[timem:s3], [sflag:s2] =	dma.local @!p0 [hbm:s0], s1  }
0x1c4: {  	s0 =	simm.s32 @!p0 $0x3  }
0x1c5: {  	_ =	swait.ge @!p0 [sflag:s0], s1  }
0x1c6: {  	s1 =	ssub.s32 @!p0 $0x0, s1;
	[sflag:s0] =	ssyncset.done @!p0 $0x0  }
0x1c7: {  	[sflag:s0] =	ssyncadd.s32 @!p0 s1  }
0x1c8: {  	[bflag:$0x3] =	sbarrier.arrive $0xFFFF  }
0x1c9: {  	_ =	shalt  }

// kernel: kernel.19.cloned.1.call-start
scs
__scs_entry_jumppad:
0x0: {  	(pc) =	sbr.rel $0x88, $3  }
0x1: {  	(tag) =	ssettag $0x0;
	lr =	simm.s32 $0x1  }
0x2: {  	[smem:$0x3F99] =	sst lr;
	_ =	strace $0xD0000000  }
0x3: {  	_ = 	snop  }
0x4: {  	_ = 	snop  }
0x5: {  	_ = 	snop  }
0x6: {  	_ = 	snop  }
0x7: {  	_ = 	snop  }
__scs_overlays_trampoline_lowered:
0x8: {  	[smem:$0x3FA8] =	sst s0  }
0x9: {  	[smem:$0x3FA9] =	sst s1  }
0xa: {  	[smem:$0x3FAA] =	sst s2  }
0xb: {  	[smem:$0x3FAB] =	sst s3  }
0xc: {  	[smem:$0x3FAC] =	sst s4  }
0xd: {  	[smem:$0x3FAD] =	sst s5  }
0xe: {  	[smem:$0x3FAE] =	sst s6  }
0xf: {  	[smem:$0x3FAF] =	sst s7  }
0x10: {  	[smem:$0x3FB0] =	sst s8  }
0x11: {  	[smem:$0x3FB1] =	sst s9;
	s0 =	simm.s32 @!p0 $0x0  }
0x12: {  	s1 =	sld [smem:$0x3F97];
	s0 =	simm.s32 @p0 $0x1  }
0x13: {  	[smem:$0x3FB2] =	sst s0;
	s0 =	simm.s32 @!p1 $0x0  }
0x14: {  	s2 =	sld [smem:$0x3F96];
	s0 =	simm.s32 @p1 $0x1  }
0x15: {  	[smem:$0x3FB3] =	sst s0;
	s0 =	simm.s32 @!p2 $0x0  }
0x16: {  	s3 =	sld [smem:$0x3FDB];
	s0 =	simm.s32 @p2 $0x1  }
0x17: {  	s4 =	simm.s32 $0x1BF5;
	[smem:$0x3FB5] =	sst s0  }
0x18: {  	s0 =	sld [smem:$0x3F98];
	_ =	swait.ge [sflag:s4], $0x0  }
0x19: {  	s7 =	sld [smem:$0x3F99]  }
0x1a: {  	s8 =	sadd.s32 $0xFFFFE003, lr  }
0x1b: {  	s9 =	sadd.s32 $0xFFFFFEF7, lr;
	s5 =	simm.s32 $0xFFFFFFFF;
	p2 =	slt.u32 s8, $0xFFFFF086  }
0x1c: {  	p1 =	slt.u32 s9, $0xF7A;
	s5 =	simm.s32 @!p2 $0x0  }
0x1d: {  	s5 =	simm.s32 @p1 $0x1;
	p0 =	seq.s32 s7, s2  }
0x1e: {  	s7 =	smul.u32 @!p0 $0xF7A, s2;
	p2 =	seq.s32 @!p0 s5, $0x0  }
0x1f: {  	s9 =	smul.u32 $0xF7A, s1;
	s8 =	simm.s32 @!p0 $0x1BF5;
	p2 =	por !p2, p0  }
0x20: {  	[sflag:s8] =	ssyncset.s32 @!p0 $0xFFFFF086;
	s6 =	sadd.s32 @!p0 s3, s7;
	s7 =	simm.s32 @!p0 $0x108  }
0x21: {  	s3 =	sadd.s32 s3, s9;
	s6 =	sadd.s32 @!p0 $0x88, s6;
	s7 =	simm.s32 @p2 $0x1082  }
0x22: {  	[simem:s7], [sflag:s8] =	dma.local @!p0 [hbm:s6], $0xF7A  }
0x23: {  	s9 =	sor.u32 $0xD0000000, s2;
	s6 =	simm.s32 $0x108;
	_ =	swait.ge @!p0 [sflag:s8], $0x0  }
0x24: {  	s3 =	sadd.s32 $0x88, s3;
	s6 =	simm.s32 @!p1 $0x1082;
	[sflag:s4] =	ssyncset.s32 $0xFFFFF086  }
0x25: {  	[simem:s6], [sflag:s4] =	dma.local [hbm:s3], $0xF7A  }
0x26: {  	[smem:$0x3F99] =	sst s1;
	(tag) =	ssettag s2;
	_ =	strace s9  }
0x27: {  	s1 =	sld [smem:$0x3FA9]  }
0x28: {  	s2 =	sld [smem:$0x3FAA]  }
0x29: {  	s4 =	sld [smem:$0x3FAC]  }
0x2a: {  	p0 =	seq.s32 s5, $0x0;
	s5 =	sld [smem:$0x3FAD]  }
0x2b: {  	s6 =	sld [smem:$0x3FAE]  }
0x2c: {  	s7 =	sld [smem:$0x3FAF]  }
0x2d: {  	s3 =	simm.s32 $0x108;
	s8 =	sld [smem:$0x3FB0]  }
0x2e: {  	s3 =	simm.s32 @!p0 $0x1082;
	s9 =	sld [smem:$0x3FB1]  }
0x2f: {  	lr =	sadd.s32 s0, s3;
	s0 =	sld [smem:$0x3FA8]  }
0x30: {  	s3 =	sld [smem:$0x3FAB]  }
0x31: {  	[smem:$0x3FB4] =	sst s10  }
0x32: {  	s10 =	sld [smem:$0x3FB2];
	_ =	sdelay $0x3  }
0x33: {  	p0 =	seq.s32 s10, $0x1;
	s10 =	sld [smem:$0x3FB4];
	_ =	sdelay $0x3  }
0x34: {  	[smem:$0x3FB4] =	sst s10  }
0x35: {  	s10 =	sld [smem:$0x3FB3];
	_ =	sdelay $0x3  }
0x36: {  	p1 =	seq.s32 s10, $0x1;
	s10 =	sld [smem:$0x3FB4];
	_ =	sdelay $0x3  }
0x37: {  	[smem:$0x3FB4] =	sst s10  }
0x38: {  	s10 =	sld [smem:$0x3FB5]  }
0x39: {  	_ = 	snop;
	(pc) =	sbr.ind lr, $3  }
0x3a: {  	_ = 	snop  }
0x3b: {  	_ = 	snop  }
0x3c: {  	p2 =	seq.s32 s10, $0x1;
	s10 =	sld [smem:$0x3FB4]  }
0x3d: {  	_ =	shalt  }
0x3e: {  	_ =	shalt  }
0x3f: {  	_ =	shalt  }
0x40: {  	_ =	shalt  }
0x41: {  	_ =	shalt  }
0x42: {  	_ =	shalt  }
0x43: {  	_ =	shalt  }
0x44: {  	_ =	shalt  }
0x45: {  	_ =	shalt  }
0x46: {  	_ =	shalt  }
0x47: {  	_ =	shalt  }
0x48: {  	_ =	shalt  }
0x49: {  	_ =	shalt  }
0x4a: {  	_ =	shalt  }
0x4b: {  	_ =	shalt  }
0x4c: {  	_ =	shalt  }
0x4d: {  	_ =	shalt  }
0x4e: {  	_ =	shalt  }
0x4f: {  	_ =	shalt  }
0x50: {  	_ =	shalt  }
0x51: {  	_ =	shalt  }
0x52: {  	_ =	shalt  }
0x53: {  	_ =	shalt  }
0x54: {  	_ =	shalt  }
0x55: {  	_ =	shalt  }
0x56: {  	_ =	shalt  }
0x57: {  	_ =	shalt  }
0x58: {  	_ =	shalt  }
0x59: {  	_ =	shalt  }
0x5a: {  	_ =	shalt  }
0x5b: {  	_ =	shalt  }
0x5c: {  	_ =	shalt  }
0x5d: {  	_ =	shalt  }
0x5e: {  	_ =	shalt  }
0x5f: {  	_ =	shalt  }
0x60: {  	_ =	shalt  }
0x61: {  	_ =	shalt  }
0x62: {  	_ =	shalt  }
0x63: {  	_ =	shalt  }
0x64: {  	_ =	shalt  }
0x65: {  	_ =	shalt  }
0x66: {  	_ =	shalt  }
0x67: {  	_ =	shalt  }
0x68: {  	_ =	shalt  }
0x69: {  	_ =	shalt  }
0x6a: {  	_ =	shalt  }
0x6b: {  	_ =	shalt  }
0x6c: {  	_ =	shalt  }
0x6d: {  	_ =	shalt  }
0x6e: {  	_ =	shalt  }
0x6f: {  	_ =	shalt  }
0x70: {  	_ =	shalt  }
0x71: {  	_ =	shalt  }
0x72: {  	_ =	shalt  }
0x73: {  	_ =	shalt  }
0x74: {  	_ =	shalt  }
0x75: {  	_ =	shalt  }
0x76: {  	_ =	shalt  }
0x77: {  	_ =	shalt  }
0x78: {  	_ =	shalt  }
0x79: {  	_ =	shalt  }
0x7a: {  	_ =	shalt  }
0x7b: {  	_ =	shalt  }
0x7c: {  	_ =	shalt  }
0x7d: {  	_ =	shalt  }
0x7e: {  	_ =	shalt  }
0x7f: {  	_ =	shalt  }
0x80: {  	_ =	shalt  }
0x81: {  	_ =	shalt  }
0x82: {  	_ =	shalt  }
0x83: {  	_ =	shalt  }
0x84: {  	_ =	shalt  }
0x85: {  	_ =	shalt  }
0x86: {  	_ =	shalt  }
0x87: {  	_ =	shalt  }
.Lfunc_end0:
.L_simem_size_0:
called_computation.3_lowered:
.L_overlay_start_0:
0x88: {  	s2 =	sld [smem:$0x3FD9]  }
0x89: {  	s3 =	sld [smem:$0x3FFE];
	_ =	sdelay $0x1  }
0x8a: {  	s1 =	srdreg.scid  }
0x8b: {  	s0 =	sand.u32 $0x1, s1  }
0x8c: {  	s16 =	sshll.u32 s0, $0xA;
	s2 =	sadd.s32 s3, s2  }
0x8d: {  	s2 =	sadd.s32 s2, s16  }
0x8e: {  	[smem:$0x3FC0] =	sst s2  }
0x8f: {  	_ = 	snop  }
0x90: {  	(tm) =	ssettm $0x1  }
0x91: {  	s17 =	sld [smem:$0x3FFB];
	_ =	sdelay $0x3  }
0x92: {  	_ =	strace s17  }
0x93: {  	s2 =	sld [smem:$0x3FFC];
	_ =	sdelay $0x3  }
0x94: {  	_ =	strace s2  }
0x95: {  	s2 =	sld [smem:$0x3FFD];
	_ =	sdelay $0x3  }
0x96: {  	_ =	strace s2  }
0x97: {  	_ =	strace $0x8FFFFFFF  }
0x98: {  	s18 =	sld [smem:$0x3FDB];
	_ =	sdelay $0x1  }
0x99: {  	s19 =	simm.s32 $_scs_section_size  }
0x9a: {  	s4 =	simm.s32 $_size__tile_overlayer_lowered;
	s5 =	simm.s32 $_tile_overlayer_lowered  }
0x9b: {  	s22 =	simm.s32 $0x1BFF;
	s21 =	sshll.u32 s5, $0x1;
	s2 =	sadd.s32 s19, s18  }
0x9c: {  	s6 =	simm.s32 $0x0;
	s20 =	sshll.u32 s4, $0x1;
	s4 =	sadd.s32 s21, s2  }
0x9d: {  	[timem:s6], [sflag:s22] =	dma.local [hbm:s4], s20  }
0x9e: {  	_ =	swait.ge [sflag:s22], s20  }
0x9f: {  	s3 =	ssub.s32 $0x0, s20;
	[sflag:s22] =	ssyncset.done $0x0  }
0xa0: {  	[sflag:s22] =	ssyncadd.s32 s3;
	_ =	sdelay $0x1  }
0xa1: {  	s23 =	simm.s32 $0x1B8B  }
0xa2: {  	_ =	swait.ge [sflag:s23], $0x1  }
0xa3: {  	[sflag:s23] =	ssyncset.done $0x0  }
0xa4: {  	s25 =	simm.s32 $0x1B8E;
	s24 =	sld [smem:$0x3FFE];
	[sflag:s23] =	ssyncadd.s32 $0xFFFFFFFF  }
0xa5: {  	s26 =	simm.s32 $execute0_lowered;
	[smem:$0x3FD2] =	sst s25  }
0xa6: {  	s4 =	sshll.u32 s26, $0x1;
	_ =	strace $0x8000004F;
	[dreg:$0x1] =	wrdreg $0xFFFFFFFF  }
0xa7: {  	s28 =	simm.s32 $_size_execute0_lowered;
	s2 =	sadd.s32 s2, s4;
	[dreg:$0x0] =	wrdreg $0x0  }
0xa8: {  	s4 =	sshll.u32 s28, $0x1;
	[dreg:$0x2] =	wrdreg s2  }
0xa9: {  	[dreg:$0x3] =	wrdreg s4  }
0xaa: {  	[dreg:$0x4] =	wrdreg $0xC0  }
0xab: {  	_ =	task [dreg:s6], $0x5FFFF  }
0xac: {  	[dreg:$0x1] =	wrdreg $0xFFFFFFFF  }
0xad: {  	[dreg:$0x0] =	wrdreg $0x60  }
0xae: {  	[dreg:$0x2] =	wrdreg s24  }
0xaf: {  	[dreg:$0x3] =	wrdreg $0x9  }
0xb0: {  	_ =	task.clear_ibuf [dreg:s6], $0x4FFFF;
	_ =	strace $0x9000004F  }
0xb1: {  	s29 =	simm.s32 $0x9;
	_ =	strace $0x80000051  }
0xb2: {  	_ =	swait.ge [sflag:s29], $0x1  }
0xb3: {  	[sflag:s29] =	ssyncadd.s32 $0xFFFFFFFF  }
0xb4: {  	_ =	strace $0x90000051  }
0xb5: {  	_ =	sfence  }
0xb6: {  	s30 =	sld [smem:$0x0];
	_ =	sdelay $0x2  }
0xb7: {  	s31 =	sshll.u32 s1, $0xD;
	s1 =	sshrl.u32 s1, $0x2  }
0xb8: {  	s3 =	sand.u32 $0x4000, s31;
	s1 =	sadd.s32 s1, s30  }
0xb9: {  	s0 =	sor.u32 s3, s0;
	s1 =	sshll.u32 s1, $0x11  }
0xba: {  	s0 =	sor.u32 s1, s0  }
0xbb: {  	s0 =	sadd.s32 $0x8F2B, s0  }
0xbc: {  	[sflag:s0] =	ssyncadd.remote.s32 $0x1  }
0xbd: {  	_ =	sfence.sel $0xFFFF  }
0xbe: {  	[dreg:$0x0] =	wrdreg $0xFFFFFFFF;
	(pc) =	sbr.abs _section_cstart, $3  }
0xbf: {  	[dreg:$0x1] =	wrdreg $0xFFFFFFFF  }
0xc0: {  	_ =	task.clear_ibuf [dreg:s6], $0x2FFFF;
	_ =	strace $0x9FFFFFFF  }
0xc1: {  	(tm) =	ssettm $0x7FFFFFFF  }
tec
execute0_lowered:
.L_overlay_start_1:
0x0: {  	(tag) =	ssettag $0x1  }
0x1: {  	s5 =	rddreg [dreg:$0x0];
	s1 =	srdreg.scid  }
0x2: {  	s0 =	rddreg [dreg:$0x1];
	s2 =	simm.s32 $0x0;
	s10 =	simm.s32 $0x3  }
0x3: {  	s11 =	simm.s32 $0x18800;
	s12 =	simm.s32 $0x0;
	s4 =	sand.u32 $0x1, s1  }
0x4: {  	s1 =	stileid.u32;
	[smem:$0x7FF] =	sst s2;
	s3 =	sshll.u32 s4, $0x4  }
0x5: {  	_ =	strace $0x80000050;
	s8 =	ssub.s32 $0x2, s4;
	s6 =	sor.u32 s1, s3  }
0x6: {  	s4 =	sadd.s32 $0x2000, s5;
	s31 =	sshrl.u32 s8, $0x1;
	s7 =	smul.u32 $0x1880, s6  }
0x7: {  	s3 =	sadd.s32 $0x66000, s5;
	s9 =	smul.u32 $0x3200, s6;
	s8 =	ssub.s32 s8, s31  }
0x8: {  	s8 =	smax.u32 s8, $0x1;
	s7 =	sadd.s32 s7, s5;
	s5 =	smul.u32 $0x320, s6  }
0x9: {  	v0 =	vimm.f32 $0.0e+00;
	s6 =	sadd.s32 s4, s9;
	s9 =	simm.s32 $0xC400;
	s7 =	sadd.s32 $0x67A00, s7  }
.LBB2_1:
0xa: {  	s13 =	simm.s32 $0x40;
	s14 =	simm.s32 $0x0  }
.LBB2_2:
0xb: {  	p0 =	sne.s32 s13, $0x30FC0;
	[tilespmem:s14+$0x0] =	vst v0;
	s14 =	smov.u32 s13;
	s13 =	sadd.s32 $0x40, s13  }
.Ltmp0:
0xc: {  	(pc) =	sbr.rel @p0 .LBB2_2-.Ltmp0, $2  }
0xd: {  	_ =	sdelay $0x2  }
0xe: {  	s14 =	sshra.s32 s14, $0x2  }
0xf: {  	[tilespmem:s14+$0x0] =	vst v0;
	s13 =	simm.s32 $0x0  }
0x10: {  	[tilespmem:s9], [sflag:$0x3] =	stream.linear.gather [hbm4b:s3+s13], $0xC350, $0x38;
	[tilespmem:$0x1B000] =	vst v63  }
0x11: {  	_ =	swait.ge [sflag:s10], $0xC350  }
0x12: {  	[sflag:s10] =	ssyncset.done $0x0  }
0x13: {  	p0 =	por $0x0, $0x0;
	[sflag:s10] =	ssyncadd.s32 $0xFFFF3CB0  }
0x14: {  	[tilespmem:s11], [sflag:$0x1] =	stream.linear.gather [hbm4b:s6+s13], $0x1400, $0x38;
	[tilespmem:$0x1B000] =	vst v63  }
.LBB2_5:
0x15: {  	s14 =	smov.u32 s13  }
0x16: {  	s15 =	sand.u32 $0x1, s13;
	s13 =	sadd.s32 $0x1, s13;
	p1 =	seq.s32 s14, $0x13  }
0x17: {  	s16 =	smul.u32 @!p1 $0x28, s13  }
0x18: {  	s18 =	simm.s32 $0x1;
	s14 =	sxor.u32 @!p1 $0x1, s15  }
0x19: {  	s18 =	simm.s32 @!p0 $0x0;
	s17 =	smul.u32 @!p1 $0x5000, s14;
	s16 =	sadd.s32 @!p1 s5, s16  }
0x1a: {  	s19 =	simm.s32 @!p1 $0x0;
	s31 =	smul.u32 $0x5000, s18;
	s16 =	sshll.u32 @!p1 s16, $0x4  }
0x1b: {  	s15 =	sadd.s32 $0x1, s15;
	s17 =	sshrl.u32 @!p1 s17, $0x2;
	s16 =	sand.u32 @!p1 $0x1FFFFF80, s16  }
0x1c: {  	s14 =	sadd.s32 @!p1 $0x1, s14;
	s17 =	sadd.s32 @!p1 $0x18800, s17;
	s16 =	sadd.s32 @!p1 s4, s16  }
0x1d: {  	[tilespmem:s17], [sflag:s14] =	stream.linear.gather @!p1 [hbm4b:s16+s19], $0x1400, $0x38;
	[tilespmem:$0x1B000] =	vst v63  }
0x1e: {  	_ =	swait.ge [sflag:s15], $0x1400  }
0x1f: {  	s14 =	sshrl.u32 s31, $0x2;
	[sflag:s15] =	ssyncset.done $0x0  }
0x20: {  	s14 =	sadd.s32 $0x18A00, s14;
	[sflag:s15] =	ssyncadd.s32 $0xFFFFEC00  }
0x21: {  	v1 =	vld [tilespmem:s14+$0x180]  }
0x22: {  	v2 =	vld [tilespmem:s14+$0xFFFFFE80]  }
0x23: {  	v3 =	vld [tilespmem:s14+$0xFFFFFF00]  }
0x24: {  	v4 =	vld [tilespmem:s14+$0xFFFFFF80]  }
0x25: {  	v5 =	vld [tilespmem:s14+$0x0]  }
0x26: {  	v6 =	vld [tilespmem:s14+$0x80];
	v7 =	vand.u32 $0xFFFF, v1  }
0x27: {  	v12 =	vld [tilespmem:s14+$0x100];
	v8 =	vand.u32 $0xFFFF, v2  }
0x28: {  	v9 =	vand.u32 $0xFFFF, v3  }
0x29: {  	v10 =	vld [tilespmem:s14+$0xFFFFFE00];
	v11 =	vand.u32 $0xFFFF, v4  }
0x2a: {  	v13 =	vand.u32 $0xFFFF, v5  }
0x2b: {  	v14 =	vand.u32 $0xFFFF, v6;
	v7 =	vld.idx.msk [tilespmem:v7+s9+$0x0], $0xffff  }
0x2c: {  	v16 =	vand.u32 $0xFFFF, v12;
	v8 =	vld.idx.msk [tilespmem:v8+s9+$0x0], $0xffff  }
0x2d: {  	v1 =	vshrl.u32 v1, $0x10;
	v9 =	vld.idx.msk [tilespmem:v9+s9+$0x0], $0xffff  }
0x2e: {  	v15 =	vand.u32 $0xFFFF, v10;
	v11 =	vld.idx.msk [tilespmem:v11+s9+$0x0], $0xffff  }
0x2f: {  	v13 =	vld.idx.msk [tilespmem:v13+s9+$0x0], $0xffff  }
0x30: {  	v2 =	vshrl.u32 v2, $0x10;
	v14 =	vld.idx.msk [tilespmem:v14+s9+$0x0], $0xffff  }
0x31: {  	v3 =	vshrl.u32 v3, $0x10;
	v35 =	vld.idx.msk [tilespmem:v16+s9+$0x0], $0xffff  }
0x32: {  	v5 =	vshrl.u32 v5, $0x10;
	[tilespmem:v1+s2+$0x0] =	vst.idx.add.f32.msk $0xffff, v7  }
0x33: {  	v6 =	vshrl.u32 v6, $0x10;
	v7 =	vld.idx.msk [tilespmem:v15+s9+$0x0], $0xffff  }
0x34: {  	v1 =	vshrl.u32 v4, $0x10;
	v4 =	vld [tilespmem:s14+$0x190]  }
0x35: {  	[tilespmem:v2+s2+$0x0] =	vst.idx.add.f32.msk $0xffff, v8  }
0x36: {  	[tilespmem:v3+s2+$0x0] =	vst.idx.add.f32.msk $0xffff, v9  }
0x37: {  	v10 =	vshrl.u32 v10, $0x10;
	[tilespmem:v5+s2+$0x0] =	vst.idx.add.f32.msk $0xffff, v13  }
0x38: {  	[tilespmem:v6+s2+$0x0] =	vst.idx.add.f32.msk $0xffff, v14  }
0x39: {  	[tilespmem:v1+s2+$0x0] =	vst.idx.add.f32.msk $0xffff, v11;
	v1 =	vand.u32 $0xFFFF, v4  }
0x3a: {  	v5 =	vld [tilespmem:s14+$0xFFFFFF10]  }
0x3b: {  	v9 =	vld [tilespmem:s14+$0x90]  }
0x3c: {  	v2 =	vshrl.u32 v12, $0x10;
	[tilespmem:v10+s2+$0x0] =	vst.idx.add.f32.msk $0xffff, v7  }
0x3d: {  	v7 =	vld [tilespmem:s14+$0x10]  }
0x3e: {  	v3 =	vshrl.u32 v4, $0x10;
	v1 =	vld.idx.msk [tilespmem:v1+s9+$0x0], $0xffff  }
0x3f: {  	v4 =	vld [tilespmem:s14+$0xFFFFFE90]  }
0x40: {  	v6 =	vld [tilespmem:s14+$0xFFFFFF90]  }
0x41: {  	[tilespmem:v2+s2+$0x0] =	vst.idx.add.f32.msk $0xffff, v35;
	v10 =	vand.u32 $0xFFFF, v5  }
0x42: {  	v2 =	vld [tilespmem:s14+$0xFFFFFE10];
	v39 =	vand.u32 $0xFFFF, v9  }
0x43: {  	v37 =	vand.u32 $0xFFFF, v7;
	[tilespmem:v3+s2+$0x0] =	vst.idx.add.f32.msk $0xffff, v1  }
0x44: {  	v8 =	vand.u32 $0xFFFF, v4;
	v3 =	vld [tilespmem:s14+$0x1A0]  }
0x45: {  	v11 =	vld [tilespmem:s14+$0x110];
	v36 =	vand.u32 $0xFFFF, v6  }
0x46: {  	v5 =	vshrl.u32 v5, $0x10;
	v10 =	vld.idx.msk [tilespmem:v10+s9+$0x0], $0xffff  }
0x47: {  	v15 =	vld.idx.msk [tilespmem:v39+s9+$0x0], $0xffff  }
0x48: {  	v13 =	vld.idx.msk [tilespmem:v37+s9+$0x0], $0xffff;
	v1 =	vand.u32 $0xFFFF, v2  }
0x49: {  	v8 =	vld.idx.msk [tilespmem:v8+s9+$0x0], $0xffff;
	v38 =	vand.u32 $0xFFFF, v3  }
0x4a: {  	v4 =	vshrl.u32 v4, $0x10;
	v12 =	vld.idx.msk [tilespmem:v36+s9+$0x0], $0xffff  }
0x4b: {  	v6 =	vshrl.u32 v6, $0x10;
	[tilespmem:v5+s2+$0x0] =	vst.idx.add.f32.msk $0xffff, v10  }
0x4c: {  	v5 =	vld [tilespmem:s14+$0xFFFFFF20]  }
0x4d: {  	v2 =	vshrl.u32 v2, $0x10;
	v1 =	vld.idx.msk [tilespmem:v1+s9+$0x0], $0xffff  }
0x4e: {  	v3 =	vshrl.u32 v3, $0x10;
	v14 =	vld.idx.msk [tilespmem:v38+s9+$0x0], $0xffff  }
0x4f: {  	[tilespmem:v4+s2+$0x0] =	vst.idx.add.f32.msk $0xffff, v8  }
0x50: {  	v40 =	vand.u32 $0xFFFF, v11;
	[tilespmem:v6+s2+$0x0] =	vst.idx.add.f32.msk $0xffff, v12  }
0x51: {  	v6 =	vld [tilespmem:s14+$0xFFFFFFA0];
	v41 =	vand.u32 $0xFFFF, v5  }
0x52: {  	[tilespmem:v2+s2+$0x0] =	vst.idx.add.f32.msk $0xffff, v1;
	v1 =	vshrl.u32 v7, $0x10  }
0x53: {  	v2 =	vshrl.u32 v9, $0x10;
	[tilespmem:v3+s2+$0x0] =	vst.idx.add.f32.msk $0xffff, v14  }
0x54: {  	v4 =	vld [tilespmem:s14+$0x1B0]  }
0x55: {  	v16 =	vld.idx.msk [tilespmem:v40+s9+$0x0], $0xffff;
	v3 =	vshrl.u32 v11, $0x10  }
0x56: {  	v12 =	vld.idx.msk [tilespmem:v41+s9+$0x0], $0xffff  }
0x57: {  	[tilespmem:v1+s2+$0x0] =	vst.idx.add.f32.msk $0xffff, v13  }
0x58: {  	v42 =	vand.u32 $0xFFFF, v6;
	[tilespmem:v2+s2+$0x0] =	vst.idx.add.f32.msk $0xffff, v15  }
0x59: {  	v2 =	vld [tilespmem:s14+$0xFFFFFE20];
	v1 =	vand.u32 $0xFFFF, v4  }
0x5a: {  	[tilespmem:v3+s2+$0x0] =	vst.idx.add.f32.msk $0xffff, v16  }
0x5b: {  	v3 =	vld [tilespmem:s14+$0xFFFFFEA0]  }
0x5c: {  	v5 =	vshrl.u32 v5, $0x10;
	v7 =	vld [tilespmem:s14+$0x20]  }
0x5d: {  	v6 =	vshrl.u32 v6, $0x10;
	v13 =	vld.idx.msk [tilespmem:v42+s9+$0x0], $0xffff  }
0x5e: {  	v4 =	vshrl.u32 v4, $0x10;
	v1 =	vld.idx.msk [tilespmem:v1+s9+$0x0], $0xffff  }
0x5f: {  	v11 =	vld [tilespmem:s14+$0x120]  }
0x60: {  	v9 =	vld [tilespmem:s14+$0xA0];
	v10 =	vand.u32 $0xFFFF, v3  }
0x61: {  	[tilespmem:v5+s2+$0x0] =	vst.idx.add.f32.msk $0xffff, v12  }
0x62: {  	v8 =	vand.u32 $0xFFFF, v2;
	[tilespmem:v6+s2+$0x0] =	vst.idx.add.f32.msk $0xffff, v13  }
0x63: {  	[tilespmem:v4+s2+$0x0] =	vst.idx.add.f32.msk $0xffff, v1;
	v1 =	vand.u32 $0xFFFF, v7  }
0x64: {  	v44 =	vand.u32 $0xFFFF, v11;
	v4 =	vld [tilespmem:s14+$0x1C0]  }
0x65: {  	v3 =	vshrl.u32 v3, $0x10;
	v10 =	vld.idx.msk [tilespmem:v10+s9+$0x0], $0xffff  }
0x66: {  	v6 =	vld [tilespmem:s14+$0xFFFFFF30]  }
0x67: {  	v2 =	vshrl.u32 v2, $0x10;
	v8 =	vld.idx.msk [tilespmem:v8+s9+$0x0], $0xffff  }
0x68: {  	v7 =	vshrl.u32 v7, $0x10;
	v1 =	vld.idx.msk [tilespmem:v1+s9+$0x0], $0xffff  }
0x69: {  	v15 =	vld.idx.msk [tilespmem:v44+s9+$0x0], $0xffff;
	v45 =	vand.u32 $0xFFFF, v4  }
0x6a: {  	[tilespmem:v3+s2+$0x0] =	vst.idx.add.f32.msk $0xffff, v10  }
0x6b: {  	v5 =	vld [tilespmem:s14+$0xFFFFFEB0];
	v3 =	vshrl.u32 v4, $0x10;
	v4 =	vshrl.u32 v11, $0x10  }
0x6c: {  	v43 =	vand.u32 $0xFFFF, v9;
	[tilespmem:v2+s2+$0x0] =	vst.idx.add.f32.msk $0xffff, v8  }
0x6d: {  	[tilespmem:v7+s2+$0x0] =	vst.idx.add.f32.msk $0xffff, v1  }
0x6e: {  	v2 =	vld.idx.msk [tilespmem:v45+s9+$0x0], $0xffff  }
0x6f: {  	v1 =	vld [tilespmem:s14+$0xFFFFFE30]  }
0x70: {  	[tilespmem:v4+s2+$0x0] =	vst.idx.add.f32.msk $0xffff, v15;
	v4 =	vand.u32 $0xFFFF, v5  }
0x71: {  	v14 =	vld.idx.msk [tilespmem:v43+s9+$0x0], $0xffff  }
0x72: {  	v46 =	vld [tilespmem:s14+$0x130]  }
0x73: {  	v11 =	vand.u32 $0xFFFF, v6;
	[tilespmem:v3+s2+$0x0] =	vst.idx.add.f32.msk $0xffff, v2  }
0x74: {  	v8 =	vand.u32 $0xFFFF, v1;
	v2 =	vshrl.u32 v9, $0x10;
	v9 =	vld [tilespmem:s14+$0x30]  }
0x75: {  	v4 =	vld.idx.msk [tilespmem:v4+s9+$0x0], $0xffff  }
0x76: {  	v5 =	vshrl.u32 v5, $0x10;
	v3 =	vld [tilespmem:s14+$0x1D0]  }
0x77: {  	v7 =	vld [tilespmem:s14+$0xFFFFFFB0]  }
0x78: {  	v11 =	vld.idx.msk [tilespmem:v11+s9+$0x0], $0xffff;
	v50 =	vand.u32 $0xFFFF, v46  }
0x79: {  	v8 =	vld.idx.msk [tilespmem:v8+s9+$0x0], $0xffff  }
0x7a: {  	[tilespmem:v2+s2+$0x0] =	vst.idx.add.f32.msk $0xffff, v14;
	v48 =	vand.u32 $0xFFFF, v9  }
0x7b: {  	[tilespmem:v5+s2+$0x0] =	vst.idx.add.f32.msk $0xffff, v4;
	v2 =	vand.u32 $0xFFFF, v3  }
0x7c: {  	v47 =	vand.u32 $0xFFFF, v7;
	v10 =	vld [tilespmem:s14+$0xB0]  }
0x7d: {  	v1 =	vshrl.u32 v1, $0x10;
	v51 =	vld.idx.msk [tilespmem:v50+s9+$0x0], $0xffff  }
0x7e: {  	v4 =	vshrl.u32 v46, $0x10;
	v5 =	vld [tilespmem:s14+$0xFFFFFEC0]  }
0x7f: {  	v9 =	vshrl.u32 v9, $0x10;
	v14 =	vld.idx.msk [tilespmem:v48+s9+$0x0], $0xffff  }
0x80: {  	v3 =	vshrl.u32 v3, $0x10;
	v2 =	vld.idx.msk [tilespmem:v2+s9+$0x0], $0xffff  }
0x81: {  	v13 =	vld.idx.msk [tilespmem:v47+s9+$0x0], $0xffff;
	v49 =	vand.u32 $0xFFFF, v10  }
0x82: {  	[tilespmem:v1+s2+$0x0] =	vst.idx.add.f32.msk $0xffff, v8  }
0x83: {  	[tilespmem:v4+s2+$0x0] =	vst.idx.add.f32.msk $0xffff, v51  }
0x84: {  	v4 =	vand.u32 $0xFFFF, v5;
	[tilespmem:v9+s2+$0x0] =	vst.idx.add.f32.msk $0xffff, v14  }
0x85: {  	[tilespmem:v3+s2+$0x0] =	vst.idx.add.f32.msk $0xffff, v2;
	v2 =	vshrl.u32 v6, $0x10  }
0x86: {  	v6 =	vshrl.u32 v7, $0x10;
	v7 =	vld.idx.msk [tilespmem:v49+s9+$0x0], $0xffff  }
0x87: {  	v8 =	vld [tilespmem:s14+$0x40]  }
0x88: {  	v10 =	vshrl.u32 v10, $0x10;
	v3 =	vld [tilespmem:s14+$0x1E0]  }
0x89: {  	v4 =	vld.idx.msk [tilespmem:v4+s9+$0x0], $0xffff  }
0x8a: {  	[tilespmem:v2+s2+$0x0] =	vst.idx.add.f32.msk $0xffff, v11  }
0x8b: {  	v2 =	vld [tilespmem:s14+$0xFFFFFE40]  }
0x8c: {  	[tilespmem:v6+s2+$0x0] =	vst.idx.add.f32.msk $0xffff, v13;
	v53 =	vand.u32 $0xFFFF, v8  }
0x8d: {  	[tilespmem:v10+s2+$0x0] =	vst.idx.add.f32.msk $0xffff, v7;
	v1 =	vand.u32 $0xFFFF, v3  }
0x8e: {  	v6 =	vld [tilespmem:s14+$0xFFFFFF40]  }
0x8f: {  	v5 =	vshrl.u32 v5, $0x10;
	v10 =	vld [tilespmem:s14+$0xC0]  }
0x90: {  	v52 =	vld [tilespmem:s14+$0x140];
	v9 =	vand.u32 $0xFFFF, v2  }
0x91: {  	v8 =	vshrl.u32 v8, $0x10;
	v13 =	vld.idx.msk [tilespmem:v53+s9+$0x0], $0xffff  }
0x92: {  	v3 =	vshrl.u32 v3, $0x10;
	v1 =	vld.idx.msk [tilespmem:v1+s9+$0x0], $0xffff  }
0x93: {  	v7 =	vld [tilespmem:s14+$0xFFFFFFC0];
	v11 =	vand.u32 $0xFFFF, v6  }
0x94: {  	[tilespmem:v5+s2+$0x0] =	vst.idx.add.f32.msk $0xffff, v4;
	v54 =	vand.u32 $0xFFFF, v10  }
0x95: {  	v9 =	vld.idx.msk [tilespmem:v9+s9+$0x0], $0xffff  }
0x96: {  	v2 =	vshrl.u32 v2, $0x10;
	[tilespmem:v8+s2+$0x0] =	vst.idx.add.f32.msk $0xffff, v13  }
0x97: {  	v55 =	vand.u32 $0xFFFF, v52;
	[tilespmem:v3+s2+$0x0] =	vst.idx.add.f32.msk $0xffff, v1  }
0x98: {  	v1 =	vand.u32 $0xFFFF, v7;
	v11 =	vld.idx.msk [tilespmem:v11+s9+$0x0], $0xffff  }
0x99: {  	v6 =	vshrl.u32 v6, $0x10;
	v14 =	vld.idx.msk [tilespmem:v54+s9+$0x0], $0xffff  }
0x9a: {  	v3 =	vld [tilespmem:s14+$0x1F0]  }
0x9b: {  	[tilespmem:v2+s2+$0x0] =	vst.idx.add.f32.msk $0xffff, v9;
	v2 =	vshrl.u32 v10, $0x10  }
0x9c: {  	v9 =	vld.idx.msk [tilespmem:v55+s9+$0x0], $0xffff;
	v10 =	vshrl.u32 v52, $0x10  }
0x9d: {  	v1 =	vld.idx.msk [tilespmem:v1+s9+$0x0], $0xffff  }
0x9e: {  	v7 =	vshrl.u32 v7, $0x10;
	[tilespmem:v6+s2+$0x0] =	vst.idx.add.f32.msk $0xffff, v11  }
0x9f: {  	v4 =	vld [tilespmem:s14+$0xFFFFFF50]  }
0xa0: {  	[tilespmem:v2+s2+$0x0] =	vst.idx.add.f32.msk $0xffff, v14  }
0xa1: {  	[tilespmem:v10+s2+$0x0] =	vst.idx.add.f32.msk $0xffff, v9  }
0xa2: {  	v2 =	vld [tilespmem:s14+$0xFFFFFED0]  }
0xa3: {  	[tilespmem:v7+s2+$0x0] =	vst.idx.add.f32.msk $0xffff, v1  }
0xa4: {  	v1 =	vld [tilespmem:s14+$0xFFFFFE50]  }
0xa5: {  	v7 =	vld [tilespmem:s14+$0x50]  }
0xa6: {  	v6 =	vand.u32 $0xFFFF, v3;
	v9 =	vld [tilespmem:s14+$0xD0]  }
0xa7: {  	v11 =	vld [tilespmem:s14+$0x150];
	v56 =	vand.u32 $0xFFFF, v4  }
0xa8: {  	v5 =	vld [tilespmem:s14+$0xFFFFFFD0];
	v10 =	vand.u32 $0xFFFF, v2  }
0xa9: {  	v8 =	vand.u32 $0xFFFF, v1  }
0xaa: {  	v58 =	vand.u32 $0xFFFF, v7  }
0xab: {  	v6 =	vld.idx.msk [tilespmem:v6+s9+$0x0], $0xffff;
	v59 =	vand.u32 $0xFFFF, v9  }
0xac: {  	v60 =	vand.u32 $0xFFFF, v11;
	v12 =	vld.idx.msk [tilespmem:v56+s9+$0x0], $0xffff  }
0xad: {  	v57 =	vand.u32 $0xFFFF, v5;
	v10 =	vld.idx.msk [tilespmem:v10+s9+$0x0], $0xffff  }
0xae: {  	v4 =	vshrl.u32 v4, $0x10;
	v8 =	vld.idx.msk [tilespmem:v8+s9+$0x0], $0xffff  }
0xaf: {  	v14 =	vld.idx.msk [tilespmem:v58+s9+$0x0], $0xffff  }
0xb0: {  	v2 =	vshrl.u32 v2, $0x10;
	v15 =	vld.idx.msk [tilespmem:v59+s9+$0x0], $0xffff  }
0xb1: {  	v1 =	vshrl.u32 v1, $0x10;
	v16 =	vld.idx.msk [tilespmem:v60+s9+$0x0], $0xffff  }
0xb2: {  	v7 =	vshrl.u32 v7, $0x10;
	v13 =	vld.idx.msk [tilespmem:v57+s9+$0x0], $0xffff  }
0xb3: {  	[tilespmem:v4+s2+$0x0] =	vst.idx.add.f32.msk $0xffff, v12  }
0xb4: {  	v5 =	vshrl.u32 v5, $0x10;
	v4 =	vld [tilespmem:s14+$0xFFFFFF60]  }
0xb5: {  	[tilespmem:v2+s2+$0x0] =	vst.idx.add.f32.msk $0xffff, v10  }
0xb6: {  	[tilespmem:v1+s2+$0x0] =	vst.idx.add.f32.msk $0xffff, v8  }
0xb7: {  	v1 =	vshrl.u32 v11, $0x10;
	[tilespmem:v7+s2+$0x0] =	vst.idx.add.f32.msk $0xffff, v14  }
0xb8: {  	v2 =	vld [tilespmem:s14+$0xFFFFFEE0]  }
0xb9: {  	v3 =	vshrl.u32 v3, $0x10;
	[tilespmem:v5+s2+$0x0] =	vst.idx.add.f32.msk $0xffff, v13  }
0xba: {  	v7 =	vld [tilespmem:s14+$0x60]  }
0xbb: {  	v9 =	vshrl.u32 v9, $0x10;
	v5 =	vld [tilespmem:s14+$0xFFFFFFE0]  }
0xbc: {  	v61 =	vand.u32 $0xFFFF, v4;
	[tilespmem:v1+s2+$0x0] =	vst.idx.add.f32.msk $0xffff, v16  }
0xbd: {  	v1 =	vld [tilespmem:s14+$0xFFFFFE60]  }
0xbe: {  	[tilespmem:v3+s2+$0x0] =	vst.idx.add.f32.msk $0xffff, v6;
	v10 =	vand.u32 $0xFFFF, v2  }
0xbf: {  	v11 =	vld [tilespmem:s14+$0x160];
	v3 =	vand.u32 $0xFFFF, v7  }
0xc0: {  	[tilespmem:v9+s2+$0x0] =	vst.idx.add.f32.msk $0xffff, v15;
	v62 =	vand.u32 $0xFFFF, v5  }
0xc1: {  	v4 =	vshrl.u32 v4, $0x10;
	v12 =	vld.idx.msk [tilespmem:v61+s9+$0x0], $0xffff  }
0xc2: {  	v9 =	vld [tilespmem:s14+$0xE0];
	v8 =	vand.u32 $0xFFFF, v1  }
0xc3: {  	v2 =	vshrl.u32 v2, $0x10;
	v10 =	vld.idx.msk [tilespmem:v10+s9+$0x0], $0xffff  }
0xc4: {  	v63 =	vand.u32 $0xFFFF, v11;
	v3 =	vld.idx.msk [tilespmem:v3+s9+$0x0], $0xffff  }
0xc5: {  	v7 =	vshrl.u32 v7, $0x10;
	v13 =	vld.idx.msk [tilespmem:v62+s9+$0x0], $0xffff  }
0xc6: {  	v5 =	vshrl.u32 v5, $0x10;
	[tilespmem:v4+s2+$0x0] =	vst.idx.add.f32.msk $0xffff, v12  }
0xc7: {  	v6 =	vld.idx.msk [tilespmem:v8+s9+$0x0], $0xffff  }
0xc8: {  	v1 =	vshrl.u32 v1, $0x10;
	[tilespmem:v2+s2+$0x0] =	vst.idx.add.f32.msk $0xffff, v10  }
0xc9: {  	v14 =	vld.idx.msk [tilespmem:v63+s9+$0x0], $0xffff  }
0xca: {  	v8 =	vand.u32 $0xFFFF, v9;
	[tilespmem:v7+s2+$0x0] =	vst.idx.add.f32.msk $0xffff, v3  }
0xcb: {  	[tilespmem:v5+s2+$0x0] =	vst.idx.add.f32.msk $0xffff, v13  }
0xcc: {  	v5 =	vld [tilespmem:s14+$0xFFFFFEF0]  }
0xcd: {  	[tilespmem:v1+s2+$0x0] =	vst.idx.add.f32.msk $0xffff, v6;
	v1 =	vshrl.u32 v11, $0x10  }
0xce: {  	v2 =	vld [tilespmem:s14+$0x70]  }
0xcf: {  	v9 =	vshrl.u32 v9, $0x10;
	v8 =	vld.idx.msk [tilespmem:v8+s9+$0x0], $0xffff  }
0xd0: {  	v3 =	vld [tilespmem:s14+$0xFFFFFE70]  }
0xd1: {  	v6 =	vld [tilespmem:s14+$0xFFFFFF70]  }
0xd2: {  	[tilespmem:v1+s2+$0x0] =	vst.idx.add.f32.msk $0xffff, v14  }
0xd3: {  	v1 =	vld [tilespmem:s14+$0xFFFFFFF0]  }
0xd4: {  	[tilespmem:v9+s2+$0x0] =	vst.idx.add.f32.msk $0xffff, v8  }
0xd5: {  	s16 =	sadd.s32 $0x400, s14;
	s15 =	simm.s32 $0x0;
	v7 =	vshrl.u32 v3, $0x10;
	v3 =	vand.u32 $0xFFFF, v3;
	v8 =	vld [tilespmem:s14+$0xF0]  }
.LBB2_6:
0xd6: {  	v9 =	vld [tilespmem:s16+$0x180];
	s15 =	sadd.s32 $0x8, s15;
	v4 =	vshrl.u32 v5, $0x10;
	v11 =	vand.u32 $0xFFFF, v5  }
0xd7: {  	v13 =	vld [tilespmem:s16+$0xFFFFFE80];
	p1 =	slt.u32 s15, $0x20;
	v5 =	vshrl.u32 v6, $0x10;
	v16 =	vand.u32 $0xFFFF, v6  }
0xd8: {  	v14 =	vld [tilespmem:s16+$0xFFFFFF00];
	v6 =	vshrl.u32 v1, $0x10;
	v10 =	vand.u32 $0xFFFF, v1  }
0xd9: {  	v17 =	vld [tilespmem:s16+$0xFFFFFF80];
	v1 =	vshrl.u32 v2, $0x10;
	v15 =	vand.u32 $0xFFFF, v2  }
0xda: {  	v18 =	vld [tilespmem:s16+$0x0];
	v2 =	vshrl.u32 v8, $0x10;
	v12 =	vand.u32 $0xFFFF, v8  }
0xdb: {  	v19 =	vld [tilespmem:s16+$0x80];
	v20 =	vand.u32 $0xFFFF, v9  }
0xdc: {  	v21 =	vshrl.u32 v13, $0x10;
	v13 =	vand.u32 $0xFFFF, v13;
	v22 =	vld [tilespmem:s16+$0x100]  }
0xdd: {  	v23 =	vld [tilespmem:s16+$0xFFFFFE00];
	v24 =	vshrl.u32 v14, $0x10;
	v14 =	vand.u32 $0xFFFF, v14  }
0xde: {  	v25 =	vshrl.u32 v17, $0x10;
	v17 =	vand.u32 $0xFFFF, v17;
	v26 =	vld [tilespmem:s14+$0x170];
	s14 =	smov.u32 s16  }
0xdf: {  	v27 =	vshrl.u32 v18, $0x10;
	v18 =	vand.u32 $0xFFFF, v18;
	v8 =	vld.idx.msk [tilespmem:v3+s9+$0x0], $0xffff  }
0xe0: {  	v28 =	vshrl.u32 v19, $0x10;
	v19 =	vand.u32 $0xFFFF, v19;
	v20 =	vld.idx.msk [tilespmem:v20+s9+$0x0], $0xffff  }
0xe1: {  	v9 =	vshrl.u32 v9, $0x10;
	v13 =	vld.idx.msk [tilespmem:v13+s9+$0x0], $0xffff;
	v29 =	vshrl.u32 v22, $0x10;
	v22 =	vand.u32 $0xFFFF, v22  }
0xe2: {  	v30 =	vshrl.u32 v23, $0x10;
	v23 =	vand.u32 $0xFFFF, v23;
	v31 =	vld.idx.msk [tilespmem:v14+s9+$0x0], $0xffff  }
0xe3: {  	v17 =	vld.idx.msk [tilespmem:v17+s9+$0x0], $0xffff;
	v3 =	vshrl.u32 v26, $0x10;
	v14 =	vand.u32 $0xFFFF, v26  }
0xe4: {  	v18 =	vld.idx.msk [tilespmem:v18+s9+$0x0], $0xffff  }
0xe5: {  	v19 =	vld.idx.msk [tilespmem:v19+s9+$0x0], $0xffff  }
0xe6: {  	[tilespmem:v9+s2+$0x0] =	vst.idx.add.f32.msk $0xffff, v20  }
0xe7: {  	v9 =	vld [tilespmem:s16+$0x190]  }
0xe8: {  	v20 =	vld.idx.msk [tilespmem:v23+s9+$0x0], $0xffff  }
0xe9: {  	v22 =	vld.idx.msk [tilespmem:v22+s9+$0x0], $0xffff  }
0xea: {  	[tilespmem:v21+s2+$0x0] =	vst.idx.add.f32.msk $0xffff, v13  }
0xeb: {  	[tilespmem:v24+s2+$0x0] =	vst.idx.add.f32.msk $0xffff, v31  }
0xec: {  	[tilespmem:v25+s2+$0x0] =	vst.idx.add.f32.msk $0xffff, v17;
	v13 =	vand.u32 $0xFFFF, v9  }
0xed: {  	[tilespmem:v27+s2+$0x0] =	vst.idx.add.f32.msk $0xffff, v18  }
0xee: {  	[tilespmem:v30+s2+$0x0] =	vst.idx.add.f32.msk $0xffff, v20  }
0xef: {  	[tilespmem:v28+s2+$0x0] =	vst.idx.add.f32.msk $0xffff, v19  }
0xf0: {  	[tilespmem:v29+s2+$0x0] =	vst.idx.add.f32.msk $0xffff, v22  }
0xf1: {  	v13 =	vld.idx.msk [tilespmem:v13+s9+$0x0], $0xffff  }
0xf2: {  	v9 =	vshrl.u32 v9, $0x10;
	v17 =	vld [tilespmem:s16+$0xFFFFFE10]  }
0xf3: {  	v18 =	vld [tilespmem:s16+$0xFFFFFE90]  }
0xf4: {  	v19 =	vld [tilespmem:s16+$0xFFFFFF10]  }
0xf5: {  	v20 =	vld [tilespmem:s16+$0xFFFFFF90]  }
0xf6: {  	v21 =	vld [tilespmem:s16+$0x10]  }
0xf7: {  	v22 =	vshrl.u32 v17, $0x10;
	v17 =	vand.u32 $0xFFFF, v17;
	[tilespmem:v9+s2+$0x0] =	vst.idx.add.f32.msk $0xffff, v13  }
0xf8: {  	v13 =	vshrl.u32 v18, $0x10;
	v18 =	vand.u32 $0xFFFF, v18;
	v23 =	vld [tilespmem:s16+$0x1A0]  }
0xf9: {  	v24 =	vshrl.u32 v19, $0x10;
	v19 =	vand.u32 $0xFFFF, v19;
	v25 =	vld [tilespmem:s16+$0x90]  }
0xfa: {  	v26 =	vshrl.u32 v20, $0x10;
	v20 =	vand.u32 $0xFFFF, v20;
	v27 =	vld [tilespmem:s16+$0x110]  }
0xfb: {  	v28 =	vshrl.u32 v21, $0x10;
	v21 =	vand.u32 $0xFFFF, v21;
	v9 =	vld.idx.msk [tilespmem:v11+s9+$0x0], $0xffff  }
0xfc: {  	v17 =	vld.idx.msk [tilespmem:v17+s9+$0x0], $0xffff  }
0xfd: {  	v18 =	vld.idx.msk [tilespmem:v18+s9+$0x0], $0xffff;
	v29 =	vand.u32 $0xFFFF, v23  }
0xfe: {  	v19 =	vld.idx.msk [tilespmem:v19+s9+$0x0], $0xffff;
	v30 =	vshrl.u32 v25, $0x10;
	v25 =	vand.u32 $0xFFFF, v25  }
0xff: {  	v20 =	vld.idx.msk [tilespmem:v20+s9+$0x0], $0xffff;
	v31 =	vshrl.u32 v27, $0x10;
	v27 =	vand.u32 $0xFFFF, v27  }
0x100: {  	v21 =	vld.idx.msk [tilespmem:v21+s9+$0x0], $0xffff  }
0x101: {  	v11 =	vld.idx.msk [tilespmem:v16+s9+$0x0], $0xffff  }
0x102: {  	v16 =	vld.idx.msk [tilespmem:v29+s9+$0x0], $0xffff  }
0x103: {  	v23 =	vshrl.u32 v23, $0x10;
	v25 =	vld.idx.msk [tilespmem:v25+s9+$0x0], $0xffff  }
0x104: {  	v27 =	vld.idx.msk [tilespmem:v27+s9+$0x0], $0xffff  }
0x105: {  	[tilespmem:v22+s2+$0x0] =	vst.idx.add.f32.msk $0xffff, v17  }
0x106: {  	[tilespmem:v13+s2+$0x0] =	vst.idx.add.f32.msk $0xffff, v18  }
0x107: {  	[tilespmem:v24+s2+$0x0] =	vst.idx.add.f32.msk $0xffff, v19  }
0x108: {  	[tilespmem:v23+s2+$0x0] =	vst.idx.add.f32.msk $0xffff, v16  }
0x109: {  	v13 =	vld [tilespmem:s16+$0x1B0]  }
0x10a: {  	[tilespmem:v26+s2+$0x0] =	vst.idx.add.f32.msk $0xffff, v20  }
0x10b: {  	[tilespmem:v28+s2+$0x0] =	vst.idx.add.f32.msk $0xffff, v21  }
0x10c: {  	[tilespmem:v30+s2+$0x0] =	vst.idx.add.f32.msk $0xffff, v25  }
0x10d: {  	[tilespmem:v31+s2+$0x0] =	vst.idx.add.f32.msk $0xffff, v27  }
0x10e: {  	v16 =	vld [tilespmem:s16+$0xFFFFFE20];
	v17 =	vand.u32 $0xFFFF, v13  }
0x10f: {  	v18 =	vld [tilespmem:s16+$0xFFFFFEA0]  }
0x110: {  	v19 =	vld [tilespmem:s16+$0xFFFFFF20]  }
0x111: {  	v20 =	vld [tilespmem:s16+$0xFFFFFFA0]  }
0x112: {  	v21 =	vld [tilespmem:s16+$0x20]  }
0x113: {  	v22 =	vshrl.u32 v16, $0x10;
	v16 =	vand.u32 $0xFFFF, v16;
	v17 =	vld.idx.msk [tilespmem:v17+s9+$0x0], $0xffff  }
0x114: {  	v25 =	vshrl.u32 v13, $0x10;
	v23 =	vshrl.u32 v18, $0x10;
	v18 =	vand.u32 $0xFFFF, v18;
	v24 =	vld [tilespmem:s16+$0xA0]  }
0x115: {  	v26 =	vshrl.u32 v19, $0x10;
	v19 =	vand.u32 $0xFFFF, v19;
	v27 =	vld [tilespmem:s16+$0x120]  }
0x116: {  	v28 =	vshrl.u32 v20, $0x10;
	v20 =	vand.u32 $0xFFFF, v20;
	v13 =	vld.idx.msk [tilespmem:v10+s9+$0x0], $0xffff  }
0x117: {  	v29 =	vshrl.u32 v21, $0x10;
	v21 =	vand.u32 $0xFFFF, v21;
	v10 =	vld.idx.msk [tilespmem:v15+s9+$0x0], $0xffff  }
0x118: {  	v15 =	vld.idx.msk [tilespmem:v16+s9+$0x0], $0xffff  }
0x119: {  	v16 =	vshrl.u32 v24, $0x10;
	v24 =	vand.u32 $0xFFFF, v24;
	[tilespmem:v25+s2+$0x0] =	vst.idx.add.f32.msk $0xffff, v17  }
0x11a: {  	v17 =	vshrl.u32 v27, $0x10;
	v25 =	vand.u32 $0xFFFF, v27;
	v27 =	vld [tilespmem:s16+$0x1C0]  }
0x11b: {  	v18 =	vld.idx.msk [tilespmem:v18+s9+$0x0], $0xffff  }
0x11c: {  	v19 =	vld.idx.msk [tilespmem:v19+s9+$0x0], $0xffff  }
0x11d: {  	v20 =	vld.idx.msk [tilespmem:v20+s9+$0x0], $0xffff  }
0x11e: {  	v21 =	vld.idx.msk [tilespmem:v21+s9+$0x0], $0xffff  }
0x11f: {  	v24 =	vld.idx.msk [tilespmem:v24+s9+$0x0], $0xffff;
	v30 =	vand.u32 $0xFFFF, v27  }
0x120: {  	v25 =	vld.idx.msk [tilespmem:v25+s9+$0x0], $0xffff  }
0x121: {  	[tilespmem:v22+s2+$0x0] =	vst.idx.add.f32.msk $0xffff, v15  }
0x122: {  	[tilespmem:v23+s2+$0x0] =	vst.idx.add.f32.msk $0xffff, v18  }
0x123: {  	[tilespmem:v26+s2+$0x0] =	vst.idx.add.f32.msk $0xffff, v19  }
0x124: {  	v15 =	vld.idx.msk [tilespmem:v30+s9+$0x0], $0xffff  }
0x125: {  	v18 =	vshrl.u32 v27, $0x10;
	[tilespmem:v28+s2+$0x0] =	vst.idx.add.f32.msk $0xffff, v20  }
0x126: {  	[tilespmem:v29+s2+$0x0] =	vst.idx.add.f32.msk $0xffff, v21  }
0x127: {  	[tilespmem:v16+s2+$0x0] =	vst.idx.add.f32.msk $0xffff, v24  }
0x128: {  	[tilespmem:v17+s2+$0x0] =	vst.idx.add.f32.msk $0xffff, v25  }
0x129: {  	v16 =	vld [tilespmem:s16+$0xFFFFFE30]  }
0x12a: {  	[tilespmem:v18+s2+$0x0] =	vst.idx.add.f32.msk $0xffff, v15  }
0x12b: {  	v15 =	vld [tilespmem:s16+$0x1D0]  }
0x12c: {  	v17 =	vld [tilespmem:s16+$0xFFFFFEB0]  }
0x12d: {  	v18 =	vld [tilespmem:s16+$0xFFFFFF30]  }
0x12e: {  	v19 =	vshrl.u32 v16, $0x10;
	v16 =	vand.u32 $0xFFFF, v16;
	v20 =	vld [tilespmem:s16+$0xFFFFFFB0]  }
0x12f: {  	v21 =	vld [tilespmem:s16+$0x30]  }
0x130: {  	v22 =	vld [tilespmem:s16+$0xB0];
	v23 =	vand.u32 $0xFFFF, v15  }
0x131: {  	v24 =	vshrl.u32 v17, $0x10;
	v17 =	vand.u32 $0xFFFF, v17;
	v25 =	vld [tilespmem:s16+$0x130]  }
0x132: {  	v26 =	vshrl.u32 v18, $0x10;
	v18 =	vand.u32 $0xFFFF, v18;
	v12 =	vld.idx.msk [tilespmem:v12+s9+$0x0], $0xffff  }
0x133: {  	v16 =	vld.idx.msk [tilespmem:v16+s9+$0x0], $0xffff;
	v27 =	vshrl.u32 v20, $0x10;
	v20 =	vand.u32 $0xFFFF, v20  }
0x134: {  	v28 =	vshrl.u32 v21, $0x10;
	v21 =	vand.u32 $0xFFFF, v21;
	v14 =	vld.idx.msk [tilespmem:v14+s9+$0x0], $0xffff  }
0x135: {  	v29 =	vshrl.u32 v22, $0x10;
	v22 =	vand.u32 $0xFFFF, v22;
	v23 =	vld.idx.msk [tilespmem:v23+s9+$0x0], $0xffff  }
0x136: {  	v15 =	vshrl.u32 v15, $0x10;
	v17 =	vld.idx.msk [tilespmem:v17+s9+$0x0], $0xffff;
	v30 =	vshrl.u32 v25, $0x10;
	v25 =	vand.u32 $0xFFFF, v25  }
0x137: {  	v18 =	vld.idx.msk [tilespmem:v18+s9+$0x0], $0xffff  }
0x138: {  	v20 =	vld.idx.msk [tilespmem:v20+s9+$0x0], $0xffff  }
0x139: {  	v21 =	vld.idx.msk [tilespmem:v21+s9+$0x0], $0xffff  }
0x13a: {  	v22 =	vld.idx.msk [tilespmem:v22+s9+$0x0], $0xffff  }
0x13b: {  	[tilespmem:v15+s2+$0x0] =	vst.idx.add.f32.msk $0xffff, v23  }
0x13c: {  	v15 =	vld [tilespmem:s16+$0x1E0]  }
0x13d: {  	v23 =	vld.idx.msk [tilespmem:v25+s9+$0x0], $0xffff  }
0x13e: {  	[tilespmem:v19+s2+$0x0] =	vst.idx.add.f32.msk $0xffff, v16  }
0x13f: {  	[tilespmem:v24+s2+$0x0] =	vst.idx.add.f32.msk $0xffff, v17  }
0x140: {  	[tilespmem:v26+s2+$0x0] =	vst.idx.add.f32.msk $0xffff, v18  }
0x141: {  	[tilespmem:v27+s2+$0x0] =	vst.idx.add.f32.msk $0xffff, v20;
	v16 =	vand.u32 $0xFFFF, v15  }
0x142: {  	[tilespmem:v28+s2+$0x0] =	vst.idx.add.f32.msk $0xffff, v21  }
0x143: {  	[tilespmem:v29+s2+$0x0] =	vst.idx.add.f32.msk $0xffff, v22  }
0x144: {  	[tilespmem:v30+s2+$0x0] =	vst.idx.add.f32.msk $0xffff, v23  }
0x145: {  	v17 =	vld [tilespmem:s16+$0xFFFFFE40]  }
0x146: {  	v16 =	vld.idx.msk [tilespmem:v16+s9+$0x0], $0xffff  }
0x147: {  	v15 =	vshrl.u32 v15, $0x10;
	v18 =	vld [tilespmem:s16+$0xFFFFFEC0]  }
0x148: {  	v19 =	vld [tilespmem:s16+$0xFFFFFF40]  }
0x149: {  	v20 =	vld [tilespmem:s16+$0xFFFFFFC0]  }
0x14a: {  	v21 =	vshrl.u32 v17, $0x10;
	v17 =	vand.u32 $0xFFFF, v17;
	v22 =	vld [tilespmem:s16+$0x40]  }
0x14b: {  	v23 =	vld [tilespmem:s16+$0xC0]  }
0x14c: {  	v24 =	vshrl.u32 v18, $0x10;
	v18 =	vand.u32 $0xFFFF, v18;
	[tilespmem:v15+s2+$0x0] =	vst.idx.add.f32.msk $0xffff, v16  }
0x14d: {  	v15 =	vshrl.u32 v19, $0x10;
	v16 =	vand.u32 $0xFFFF, v19;
	v19 =	vld [tilespmem:s16+$0x1F0]  }
0x14e: {  	v25 =	vshrl.u32 v20, $0x10;
	v20 =	vand.u32 $0xFFFF, v20;
	v26 =	vld [tilespmem:s16+$0x140]  }
0x14f: {  	v17 =	vld.idx.msk [tilespmem:v17+s9+$0x0], $0xffff;
	v27 =	vshrl.u32 v22, $0x10;
	v22 =	vand.u32 $0xFFFF, v22  }
0x150: {  	v28 =	vshrl.u32 v23, $0x10;
	v23 =	vand.u32 $0xFFFF, v23;
	[tilespmem:v7+s2+$0x0] =	vst.idx.add.f32.msk $0xffff, v8  }
0x151: {  	v7 =	vld.idx.msk [tilespmem:v18+s9+$0x0], $0xffff  }
0x152: {  	v8 =	vld.idx.msk [tilespmem:v16+s9+$0x0], $0xffff;
	v16 =	vand.u32 $0xFFFF, v19  }
0x153: {  	v18 =	vld.idx.msk [tilespmem:v20+s9+$0x0], $0xffff;
	v20 =	vshrl.u32 v26, $0x10;
	v26 =	vand.u32 $0xFFFF, v26  }
0x154: {  	v22 =	vld.idx.msk [tilespmem:v22+s9+$0x0], $0xffff  }
0x155: {  	v23 =	vld.idx.msk [tilespmem:v23+s9+$0x0], $0xffff  }
0x156: {  	[tilespmem:v21+s2+$0x0] =	vst.idx.add.f32.msk $0xffff, v17  }
0x157: {  	v16 =	vld.idx.msk [tilespmem:v16+s9+$0x0], $0xffff  }
0x158: {  	v19 =	vshrl.u32 v19, $0x10;
	v17 =	vld.idx.msk [tilespmem:v26+s9+$0x0], $0xffff  }
0x159: {  	[tilespmem:v24+s2+$0x0] =	vst.idx.add.f32.msk $0xffff, v7  }
0x15a: {  	[tilespmem:v15+s2+$0x0] =	vst.idx.add.f32.msk $0xffff, v8  }
0x15b: {  	[tilespmem:v25+s2+$0x0] =	vst.idx.add.f32.msk $0xffff, v18  }
0x15c: {  	[tilespmem:v27+s2+$0x0] =	vst.idx.add.f32.msk $0xffff, v22  }
0x15d: {  	[tilespmem:v19+s2+$0x0] =	vst.idx.add.f32.msk $0xffff, v16  }
0x15e: {  	[tilespmem:v28+s2+$0x0] =	vst.idx.add.f32.msk $0xffff, v23  }
0x15f: {  	[tilespmem:v20+s2+$0x0] =	vst.idx.add.f32.msk $0xffff, v17  }
0x160: {  	v7 =	vld [tilespmem:s16+$0xFFFFFE50]  }
0x161: {  	v8 =	vld [tilespmem:s16+$0xFFFFFED0]  }
0x162: {  	v15 =	vld [tilespmem:s16+$0xFFFFFF50]  }
0x163: {  	v16 =	vld [tilespmem:s16+$0xFFFFFFD0]  }
0x164: {  	v17 =	vld [tilespmem:s16+$0x50]  }
0x165: {  	v18 =	vshrl.u32 v7, $0x10;
	v7 =	vand.u32 $0xFFFF, v7;
	v19 =	vld [tilespmem:s16+$0xD0]  }
0x166: {  	v20 =	vshrl.u32 v8, $0x10;
	v8 =	vand.u32 $0xFFFF, v8;
	v21 =	vld [tilespmem:s16+$0x150]  }
0x167: {  	v22 =	vshrl.u32 v15, $0x10;
	v15 =	vand.u32 $0xFFFF, v15;
	[tilespmem:v4+s2+$0x0] =	vst.idx.add.f32.msk $0xffff, v9  }
0x168: {  	v4 =	vshrl.u32 v16, $0x10;
	v9 =	vand.u32 $0xFFFF, v16;
	[tilespmem:v5+s2+$0x0] =	vst.idx.add.f32.msk $0xffff, v11  }
0x169: {  	v5 =	vshrl.u32 v17, $0x10;
	v11 =	vand.u32 $0xFFFF, v17;
	[tilespmem:v6+s2+$0x0] =	vst.idx.add.f32.msk $0xffff, v13  }
0x16a: {  	v6 =	vld.idx.msk [tilespmem:v7+s9+$0x0], $0xffff;
	v7 =	vshrl.u32 v19, $0x10;
	v13 =	vand.u32 $0xFFFF, v19  }
0x16b: {  	v8 =	vld.idx.msk [tilespmem:v8+s9+$0x0], $0xffff;
	v16 =	vshrl.u32 v21, $0x10;
	v17 =	vand.u32 $0xFFFF, v21  }
0x16c: {  	v15 =	vld.idx.msk [tilespmem:v15+s9+$0x0], $0xffff  }
0x16d: {  	v9 =	vld.idx.msk [tilespmem:v9+s9+$0x0], $0xffff  }
0x16e: {  	v11 =	vld.idx.msk [tilespmem:v11+s9+$0x0], $0xffff  }
0x16f: {  	v13 =	vld.idx.msk [tilespmem:v13+s9+$0x0], $0xffff  }
0x170: {  	v17 =	vld.idx.msk [tilespmem:v17+s9+$0x0], $0xffff  }
0x171: {  	[tilespmem:v18+s2+$0x0] =	vst.idx.add.f32.msk $0xffff, v6  }
0x172: {  	[tilespmem:v20+s2+$0x0] =	vst.idx.add.f32.msk $0xffff, v8  }
0x173: {  	[tilespmem:v22+s2+$0x0] =	vst.idx.add.f32.msk $0xffff, v15  }
0x174: {  	[tilespmem:v4+s2+$0x0] =	vst.idx.add.f32.msk $0xffff, v9  }
0x175: {  	[tilespmem:v5+s2+$0x0] =	vst.idx.add.f32.msk $0xffff, v11  }
0x176: {  	[tilespmem:v7+s2+$0x0] =	vst.idx.add.f32.msk $0xffff, v13  }
0x177: {  	[tilespmem:v16+s2+$0x0] =	vst.idx.add.f32.msk $0xffff, v17  }
0x178: {  	v4 =	vld [tilespmem:s16+$0xFFFFFE60]  }
0x179: {  	v5 =	vld [tilespmem:s16+$0xFFFFFEE0]  }
0x17a: {  	v6 =	vld [tilespmem:s16+$0xFFFFFF60]  }
0x17b: {  	v7 =	vld [tilespmem:s16+$0xFFFFFFE0]  }
0x17c: {  	v8 =	vld [tilespmem:s16+$0x60]  }
0x17d: {  	v9 =	vshrl.u32 v4, $0x10;
	v4 =	vand.u32 $0xFFFF, v4;
	v11 =	vld [tilespmem:s16+$0xE0]  }
0x17e: {  	v13 =	vshrl.u32 v5, $0x10;
	v5 =	vand.u32 $0xFFFF, v5;
	v15 =	vld [tilespmem:s16+$0x160]  }
0x17f: {  	v16 =	vshrl.u32 v6, $0x10;
	v6 =	vand.u32 $0xFFFF, v6;
	[tilespmem:v1+s2+$0x0] =	vst.idx.add.f32.msk $0xffff, v10  }
0x180: {  	v1 =	vshrl.u32 v7, $0x10;
	v7 =	vand.u32 $0xFFFF, v7;
	[tilespmem:v2+s2+$0x0] =	vst.idx.add.f32.msk $0xffff, v12  }
0x181: {  	v2 =	vshrl.u32 v8, $0x10;
	v8 =	vand.u32 $0xFFFF, v8;
	[tilespmem:v3+s2+$0x0] =	vst.idx.add.f32.msk $0xffff, v14  }
0x182: {  	v3 =	vld.idx.msk [tilespmem:v4+s9+$0x0], $0xffff;
	v4 =	vshrl.u32 v11, $0x10;
	v10 =	vand.u32 $0xFFFF, v11  }
0x183: {  	v5 =	vld.idx.msk [tilespmem:v5+s9+$0x0], $0xffff;
	v11 =	vshrl.u32 v15, $0x10;
	v12 =	vand.u32 $0xFFFF, v15  }
0x184: {  	v6 =	vld.idx.msk [tilespmem:v6+s9+$0x0], $0xffff  }
0x185: {  	v7 =	vld.idx.msk [tilespmem:v7+s9+$0x0], $0xffff  }
0x186: {  	v8 =	vld.idx.msk [tilespmem:v8+s9+$0x0], $0xffff  }
0x187: {  	v10 =	vld.idx.msk [tilespmem:v10+s9+$0x0], $0xffff  }
0x188: {  	v12 =	vld.idx.msk [tilespmem:v12+s9+$0x0], $0xffff  }
0x189: {  	[tilespmem:v9+s2+$0x0] =	vst.idx.add.f32.msk $0xffff, v3  }
0x18a: {  	[tilespmem:v13+s2+$0x0] =	vst.idx.add.f32.msk $0xffff, v5  }
0x18b: {  	[tilespmem:v16+s2+$0x0] =	vst.idx.add.f32.msk $0xffff, v6  }
0x18c: {  	[tilespmem:v1+s2+$0x0] =	vst.idx.add.f32.msk $0xffff, v7  }
0x18d: {  	[tilespmem:v2+s2+$0x0] =	vst.idx.add.f32.msk $0xffff, v8  }
0x18e: {  	[tilespmem:v4+s2+$0x0] =	vst.idx.add.f32.msk $0xffff, v10  }
0x18f: {  	[tilespmem:v11+s2+$0x0] =	vst.idx.add.f32.msk $0xffff, v12  }
0x190: {  	v3 =	vld [tilespmem:s16+$0xFFFFFE70]  }
.Ltmp1:
0x191: {  	v5 =	vld [tilespmem:s16+$0xFFFFFEF0];
	(pc) =	sbr.rel @p1 .LBB2_6-.Ltmp1, $4  }
0x192: {  	v6 =	vld [tilespmem:s16+$0xFFFFFF70]  }
0x193: {  	v1 =	vld [tilespmem:s16+$0xFFFFFFF0]  }
0x194: {  	v2 =	vld [tilespmem:s16+$0x70]  }
0x195: {  	s16 =	sadd.s32 $0x400, s16;
	v7 =	vshrl.u32 v3, $0x10;
	v3 =	vand.u32 $0xFFFF, v3;
	v8 =	vld [tilespmem:s14+$0xF0]  }
0x196: {  	_ =	sdelay $0x2  }
0x197: {  	v4 =	vand.u32 $0xFFFF, v5;
	v9 =	vld [tilespmem:s14+$0x170]  }
0x198: {  	v3 =	vld.idx.msk [tilespmem:v3+s9+$0x0], $0xffff  }
0x199: {  	v10 =	vand.u32 $0xFFFF, v6  }
0x19a: {  	v11 =	vand.u32 $0xFFFF, v1  }
0x19b: {  	v12 =	vand.u32 $0xFFFF, v2  }
0x19c: {  	v13 =	vand.u32 $0xFFFF, v8;
	v4 =	vld.idx.msk [tilespmem:v4+s9+$0x0], $0xffff  }
0x19d: {  	v14 =	vand.u32 $0xFFFF, v9;
	[tilespmem:v7+s2+$0x0] =	vst.idx.add.f32.msk $0xffff, v3  }
0x19e: {  	v61 =	vshrl.u32 v5, $0x10;
	v10 =	vld.idx.msk [tilespmem:v10+s9+$0x0], $0xffff  }
0x19f: {  	v62 =	vshrl.u32 v6, $0x10;
	v11 =	vld.idx.msk [tilespmem:v11+s9+$0x0], $0xffff  }
0x1a0: {  	v1 =	vshrl.u32 v1, $0x10;
	v12 =	vld.idx.msk [tilespmem:v12+s9+$0x0], $0xffff  }
0x1a1: {  	v2 =	vshrl.u32 v2, $0x10;
	v13 =	vld.idx.msk [tilespmem:v13+s9+$0x0], $0xffff  }
0x1a2: {  	v63 =	vshrl.u32 v8, $0x10;
	v14 =	vld.idx.msk [tilespmem:v14+s9+$0x0], $0xffff  }
0x1a3: {  	v3 =	vshrl.u32 v9, $0x10;
	[tilespmem:v61+s2+$0x0] =	vst.idx.add.f32.msk $0xffff, v4  }
0x1a4: {  	[tilespmem:v62+s2+$0x0] =	vst.idx.add.f32.msk $0xffff, v10  }
0x1a5: {  	[tilespmem:v1+s2+$0x0] =	vst.idx.add.f32.msk $0xffff, v11  }
0x1a6: {  	[tilespmem:v2+s2+$0x0] =	vst.idx.add.f32.msk $0xffff, v12  }
0x1a7: {  	[tilespmem:v63+s2+$0x0] =	vst.idx.add.f32.msk $0xffff, v13  }
0x1a8: {  	[tilespmem:v3+s2+$0x0] =	vst.idx.add.f32.msk $0xffff, v14  }
0x1a9: {  	p1 =	seq.s32 s13, $0x14  }
.Ltmp2:
0x1aa: {  	_ = 	snop;
	(pc) =	sbr.rel @!p1 .LBB2_5-.Ltmp2, $2  }
0x1ab: {  	_ =	sdelay $0x2  }
0x1ac: {  	p0 =	por !p0, !p0  }
0x1ad: {  	s12 =	sadd.s32 $0x1, s12  }
0x1ae: {  	p0 =	sne.s32 s12, s8  }
.Ltmp3:
0x1af: {  	_ = 	snop;
	(pc) =	sbr.rel @p0 .LBB2_1-.Ltmp3, $4  }
0x1b0: {  	[hbm4b:s7+s2] =	stream.linear.scatter [tilespmem:s2], [sflag:$0x3], $0xC400, $0x38;
	[tilespmem:$0x1B000] =	vst v63  }
0x1b1: {  	_ =	swait.ge [sflag:s10], $0xC400  }
0x1b2: {  	[sflag:s10] =	ssyncset.done $0x0  }
0x1b3: {  	[sflag:s10] =	ssyncadd.s32 $0xFFFF3C00  }
0x1b4: {  	_ =	sfence.sel $0x180000  }
0x1b5: {  	[bflag:$0x0] =	sbarrier.arrive $0xFFFF  }
0x1b6: {  	p0 =	sne.s32 s1, $0x0;
	_ =	strace $0x90000050  }
0x1b7: {  	s0 =	sadd.s32 @!p0 $0x100000, s0;
	[bflag:$0x2] =	sbarrier.arrive $0xFFFF  }
0x1b8: {  	[sflag:s0] =	ssyncadd.tile.s32 @!p0 $0x1;
	_ =	shalt  }
.Lfunc_end2:
_tile_overlayer_lowered:
.L_overlay_start_2:
0x1b9: {  	(tag) =	ssettag $0x2  }
0x1ba: {  	s0 =	rddreg [dreg:$0x0];
	s2 =	stileid.u32  }
0x1bb: {  	s1 =	rddreg [dreg:$0x1];
	p0 =	sne.s32 s2, $0x0  }
0x1bc: {  	s3 =	rddreg [dreg:$0x2];
	[bflag:$0x3] =	sbarrier.arrive $0xFFFF;
	s2 =	simm.s32 @!p0 $0x1C03  }
0x1bd: {  	[timem:s3], [sflag:s2] =	dma.local @!p0 [hbm:s0], s1  }
0x1be: {  	s0 =	simm.s32 @!p0 $0x3  }
0x1bf: {  	_ =	swait.ge @!p0 [sflag:s0], s1  }
0x1c0: {  	s1 =	ssub.s32 @!p0 $0x0, s1;
	[sflag:s0] =	ssyncset.done @!p0 $0x0  }
0x1c1: {  	[sflag:s0] =	ssyncadd.s32 @!p0 s1  }
0x1c2: {  	[bflag:$0x3] =	sbarrier.arrive $0xFFFF  }
0x1c3: {  	_ =	shalt  }

</sc_bundles>
